<compile_context>
chip_gen: v7x
topology: tpu7x:2x2x1
jax: 0.10.2.dev20260603
libtpu: 0.0.44.dev20260713+nightly
codegen_flags: <defaults>
</compile_context>

<pallas_src>
import functools

import jax
import jax.numpy as jnp
import numpy as np
from jax import lax
from jax.experimental import pallas as pl
from jax.experimental.pallas import tpu as pltpu
from jax.experimental.pallas import tpu_sc as plsc

MASK_TOK = 103
B = 128
S = 4096
NW = 32
RPW = B // NW
GROUPS = S // 16


def _threefry2x32(k0, k1, x0, x1):
    def rotl(x, d):
        return ((x << np.uint32(d)) | (x >> np.uint32(32 - d))).astype(np.uint32)

    ks0 = np.uint32(k0)
    ks1 = np.uint32(k1)
    ks2 = np.uint32(ks0 ^ ks1 ^ np.uint32(0x1BD11BDA))
    ks = [ks0, ks1, ks2]
    rotations = [[13, 15, 26, 6], [17, 29, 16, 24]]
    x0 = (x0 + ks0).astype(np.uint32)
    x1 = (x1 + ks1).astype(np.uint32)
    for i in range(5):
        for r in rotations[i % 2]:
            x0 = (x0 + x1).astype(np.uint32)
            x1 = rotl(x1, r)
            x1 = (x1 ^ x0).astype(np.uint32)
        x0 = (x0 + ks[(i + 1) % 3]).astype(np.uint32)
        x1 = (x1 + ks[(i + 2) % 3] + np.uint32(i + 1)).astype(np.uint32)
    return x0, x1


def _random_bits(kd, n):
    lo = np.arange(n, dtype=np.uint32)
    hi = np.zeros(n, dtype=np.uint32)
    o0, o1 = _threefry2x32(kd[0], kd[1], hi, lo)
    return o0 ^ o1


def _split_keys(kd, num):
    lo = np.arange(num, dtype=np.uint32)
    hi = np.zeros(num, dtype=np.uint32)
    b1, b2 = _threefry2x32(kd[0], kd[1], hi, lo)
    return np.stack([b1, b2], axis=1)


def _uniform01(kd, n):
    bits = _random_bits(kd, n)
    return (((bits >> np.uint32(9)) | np.uint32(0x3F800000)).view(np.float32)
            - np.float32(1.0))


def _randint(kd, n, minval, maxval):
    sub = _split_keys(kd, 2)
    hi_bits = _random_bits(sub[0], n)
    lo_bits = _random_bits(sub[1], n)
    span = np.uint32(maxval - minval)
    mult = np.uint32((2 ** 16) % int(span))
    mult = np.uint32((int(mult) * int(mult)) % int(span))
    off = ((hi_bits % span) * mult + (lo_bits % span)) % span
    return np.int32(minval) + off.astype(np.int32)


@functools.lru_cache(maxsize=1)
def _constants():
    n = B * S
    root = np.array([0, 42], dtype=np.uint32)
    k1, k2, k3, k4 = _split_keys(root, 4)

    r = _uniform01(k1, n)
    prob = _uniform01(k3, n)
    rand_tok = _randint(k4, n, 999, 30522)
    pos = _randint(k2, B, 0, S)

    cand = r < np.float32(0.15)
    aux = np.full(n, -1, dtype=np.int32)
    aux[cand & (prob >= 0.9)] = -2
    aux[cand & (prob < 0.8)] = MASK_TOK
    ten = cand & (prob >= 0.8) & (prob < 0.9)
    aux[ten] = rand_tok[ten]

    flat_pos = np.arange(B) * S + pos
    forced_aux = np.where(prob[flat_pos] < 0.8, MASK_TOK,
                          np.where(prob[flat_pos] < 0.9, rand_tok[flat_pos], -2))

    auxp = aux.reshape(B, S)

    fpos = np.repeat(pos.astype(np.int32).reshape(B, 1), 16, axis=1)
    faux = np.repeat(forced_aux.astype(np.int32).reshape(B, 1), 16, axis=1)
    return auxp, fpos, faux


def _sc_body(tok_hbm, aux_hbm, fpos_hbm, faux_hbm, out_hbm, lab_hbm,
             tok_v, aux_v, fpos_v, faux_v, out_v, lab_v, flag_v):
    nc = 2
    wid = lax.axis_index("s") * nc + lax.axis_index("c")
    base = wid * RPW
    pltpu.sync_copy(tok_hbm.at[pl.ds(base, RPW), :], tok_v)
    pltpu.sync_copy(aux_hbm.at[pl.ds(base, RPW), :], aux_v)
    pltpu.sync_copy(fpos_hbm.at[pl.ds(base, RPW), :], fpos_v)
    pltpu.sync_copy(faux_hbm.at[pl.ds(base, RPW), :], faux_v)

    iota = lax.iota(jnp.int32, 16)
    minus1 = jnp.full((16,), -1, jnp.int32)

    for r in range(RPW):
        def group(i, acc):
            o = i * 16
            a = aux_v[r, pl.ds(o, 16)]
            t = tok_v[r, pl.ds(o, 16)]
            c = (a != -1) & (t != 0)
            out_v[r, pl.ds(o, 16)] = jnp.where((a >= 0) & c, a, t)
            lab_v[r, pl.ds(o, 16)] = jnp.where(c, t, minus1)
            return acc | jnp.where(c, 1, 0)

        acc = lax.fori_loop(0, GROUPS, group,
                            jnp.zeros((16,), jnp.int32), unroll=16)

        flag_v[pl.ds(16, 16)] = jnp.zeros((16,), jnp.int32)
        x = acc
        for off in (8, 4, 2, 1):
            flag_v[pl.ds(0, 16)] = x
            x = x | flag_v[pl.ds(off, 16)]
        flag = x[0]

        @pl.when(flag == 0)
        def _patch():
            fp = fpos_v[r, :][0]
            fa = faux_v[r, :]
            g = pl.multiple_of((fp >> 4) << 4, 16)
            lane = fp & 15
            t = tok_v[r, pl.ds(g, 16)]
            a = aux_v[r, pl.ds(g, 16)]
            m = iota == lane
            c = ((a != -1) & (t != 0)) | m
            rv = jnp.where(m, fa, a)
            out_v[r, pl.ds(g, 16)] = jnp.where((rv >= 0) & c, rv, t)
            lab_v[r, pl.ds(g, 16)] = jnp.where(c, t, minus1)

    pltpu.sync_copy(out_v, out_hbm.at[pl.ds(base, RPW), :])
    pltpu.sync_copy(lab_v, lab_hbm.at[pl.ds(base, RPW), :])


def kernel(tokens, mask_prob):
    del mask_prob
    auxp, fpos, faux = _constants()
    mesh = plsc.VectorSubcoreMesh(core_axis_name="c", subcore_axis_name="s")
    kfn = pl.kernel(
        _sc_body,
        mesh=mesh,
        out_type=[
            jax.ShapeDtypeStruct((B, S), jnp.int32),
            jax.ShapeDtypeStruct((B, S), jnp.int32),
        ],
        scratch_types=[
            pltpu.VMEM((RPW, S), jnp.int32),
            pltpu.VMEM((RPW, S), jnp.int32),
            pltpu.VMEM((RPW, 16), jnp.int32),
            pltpu.VMEM((RPW, 16), jnp.int32),
            pltpu.VMEM((RPW, S), jnp.int32),
            pltpu.VMEM((RPW, S), jnp.int32),
            pltpu.VMEM((32,), jnp.int32),
        ],
    )
    out_tokens, labels = kfn(tokens, jnp.asarray(auxp), jnp.asarray(fpos),
                             jnp.asarray(faux))
    return (out_tokens, labels)

# --- scband reference (transcript-rebuilt; emitter-appended) ---
"""Pipeline reference for scband-token-masker-69904887710211 (READ-ONLY COPY).

The authoritative reference and input builder live on the scoring server;
editing this copy changes nothing except your own understanding.
"""

import jax, jax.numpy as jnp
import numpy as np

MASK_TOKEN = 103
RANGE_START = 999
RANGE_END = 30522
BATCH = 128
SEQ_LEN = 4096
VOCAB = 30522


def setup_inputs(seed: int = 0) -> dict:
    key = jax.random.key(seed)
    k_tok = jax.random.fold_in(key, 0)
    tokens = jax.random.randint(k_tok, (BATCH, SEQ_LEN), 0, VOCAB, dtype=jnp.int32)
    mask_prob = jnp.float32(0.15)
    return {"tokens": tokens, "mask_prob": mask_prob}


def reference(tokens, mask_prob):
    # Faithful translation of TokenMasker.forward / perform_mask
    batch_size, seq_len = tokens.shape
    rkey = jax.random.key(42)
    k1, k2, k3, k4 = jax.random.split(rkey, 4)

    # mask_indicator = (rand < mask_prob) & (tokens != 0)
    r = jax.random.uniform(k1, (batch_size, seq_len), dtype=jnp.float32)
    mask_indicator = (r < mask_prob) & (tokens != 0)

    # rows with no mask get one random forced position
    no_mask = jnp.sum(mask_indicator, axis=1) == 0
    position_idx = jax.random.randint(k2, (batch_size,), 0, seq_len)
    onehot = jax.nn.one_hot(position_idx, seq_len, dtype=jnp.bool_)
    mask_indicator = mask_indicator | (no_mask[:, None] & onehot)

    # labels = -1 everywhere except masked positions (copy original token)
    labels = jnp.where(mask_indicator, tokens, -jnp.ones_like(tokens))

    prob = jax.random.uniform(k3, (batch_size, seq_len), dtype=jnp.float32)
    rand_tokens = jax.random.randint(k4, (batch_size, seq_len), RANGE_START, RANGE_END, dtype=tokens.dtype)

    mask80 = mask_indicator & (prob < 0.8)
    out_tokens = jnp.where(mask80, jnp.asarray(MASK_TOKEN, dtype=tokens.dtype), tokens)

    mask10 = mask_indicator & (prob >= 0.8) & (prob < 0.9)
    out_tokens = jnp.where(mask10, rand_tokens, out_tokens)

    return (out_tokens, labels)

if __name__ == "__main__":
    import jax
    _d = setup_inputs()
    print(jax.jit(kernel)(*tuple(_d.values())))

</pallas_src>

<mosaic_0001>
#map = affine_map<(d0, d1) -> (0, 0)>
module attributes {stable_mosaic.version = 14 : i64} {
  func.func @_sc_body(%arg0: i32, %arg1: i32, %arg2: memref<128x4096xi32, #tpu.memory_space<hbm>>, %arg3: memref<128x4096xi32, #tpu.memory_space<hbm>>, %arg4: memref<128x16xi32, #tpu.memory_space<hbm>>, %arg5: memref<128x16xi32, #tpu.memory_space<hbm>>, %arg6: memref<128x4096xi32, #tpu.memory_space<hbm>>, %arg7: memref<128x4096xi32, #tpu.memory_space<hbm>>, %arg8: memref<4x4096xi32, #tpu.memory_space<vmem>>, %arg9: memref<4x4096xi32, #tpu.memory_space<vmem>>, %arg10: memref<4x16xi32, #tpu.memory_space<vmem>>, %arg11: memref<4x16xi32, #tpu.memory_space<vmem>>, %arg12: memref<4x4096xi32, #tpu.memory_space<vmem>>, %arg13: memref<4x4096xi32, #tpu.memory_space<vmem>>, %arg14: memref<32xi32, #tpu.memory_space<vmem>>) attributes {dimension_semantics = [#tpu.dimension_semantics<core_parallel>, #tpu.dimension_semantics<subcore_parallel>], iteration_bounds = array<i64: 2, 16>, scalar_prefetch = 0 : i64, scratch_operands = 7 : i64, tpu.core_type = #tpu.core_type<sc_vector_subcore>, window_params = [{transform_indices = #map}, {transform_indices = #map}, {transform_indices = #map}, {transform_indices = #map}, {transform_indices = #map}, {transform_indices = #map}]} {
    %mul3A = arith.constant 2 : i32
    %mul3A_0 = arith.muli %arg1, %mul3A : i32
    %add3A = arith.addi %mul3A_0, %arg0 : i32
    %mul3A_1 = arith.constant 4 : i32
    %mul3A_2 = arith.muli %add3A, %mul3A_1 : i32
    "tpu.region"() ({
      %run_scoped3A = tpu.sem_alloc : memref<!tpu.dma_semaphore, #tpu.memory_space<semaphore_mem>>
      %dma_start3A = arith.constant 0 : i32
      %dma_start3A_207 = tpu.memref_slice %arg2[%mul3A_2, %dma_start3A] : memref<128x4096xi32, #tpu.memory_space<hbm>> -> memref<4x4096xi32, #tpu.memory_space<hbm>>
      %dma_start3A_208 = arith.constant 0 : i32
      %dma_start3A_209 = tpu.memref_slice %arg2[%mul3A_2, %dma_start3A_208] : memref<128x4096xi32, #tpu.memory_space<hbm>> -> memref<4x4096xi32, #tpu.memory_space<hbm>>
      tpu.enqueue_dma source(%dma_start3A_209 : memref<4x4096xi32, #tpu.memory_space<hbm>>) target(%arg8 : memref<4x4096xi32, #tpu.memory_space<vmem>>) target_semaphore(%run_scoped3A : memref<!tpu.dma_semaphore, #tpu.memory_space<semaphore_mem>>)
      %dma_wait3A = arith.constant 0 : i32
      %dma_wait3A_210 = tpu.memref_slice %arg2[%mul3A_2, %dma_wait3A] : memref<128x4096xi32, #tpu.memory_space<hbm>> -> memref<4x4096xi32, #tpu.memory_space<hbm>>
      %dma_wait3A_211 = arith.constant 0 : i32
      %dma_wait3A_212 = tpu.memref_slice %arg2[%mul3A_2, %dma_wait3A_211] : memref<128x4096xi32, #tpu.memory_space<hbm>> -> memref<4x4096xi32, #tpu.memory_space<hbm>>
      tpu.wait_dma2 semaphore(%run_scoped3A : memref<!tpu.dma_semaphore, #tpu.memory_space<semaphore_mem>>) src(%dma_wait3A_212 : memref<4x4096xi32, #tpu.memory_space<hbm>>) dst(%arg8 : memref<4x4096xi32, #tpu.memory_space<vmem>>)
      tpu.yield
    }) : () -> ()
    "tpu.region"() ({
      %run_scoped3A = tpu.sem_alloc : memref<!tpu.dma_semaphore, #tpu.memory_space<semaphore_mem>>
      %dma_start3A = arith.constant 0 : i32
      %dma_start3A_207 = tpu.memref_slice %arg3[%mul3A_2, %dma_start3A] : memref<128x4096xi32, #tpu.memory_space<hbm>> -> memref<4x4096xi32, #tpu.memory_space<hbm>>
      %dma_start3A_208 = arith.constant 0 : i32
      %dma_start3A_209 = tpu.memref_slice %arg3[%mul3A_2, %dma_start3A_208] : memref<128x4096xi32, #tpu.memory_space<hbm>> -> memref<4x4096xi32, #tpu.memory_space<hbm>>
      tpu.enqueue_dma source(%dma_start3A_209 : memref<4x4096xi32, #tpu.memory_space<hbm>>) target(%arg9 : memref<4x4096xi32, #tpu.memory_space<vmem>>) target_semaphore(%run_scoped3A : memref<!tpu.dma_semaphore, #tpu.memory_space<semaphore_mem>>)
      %dma_wait3A = arith.constant 0 : i32
      %dma_wait3A_210 = tpu.memref_slice %arg3[%mul3A_2, %dma_wait3A] : memref<128x4096xi32, #tpu.memory_space<hbm>> -> memref<4x4096xi32, #tpu.memory_space<hbm>>
      %dma_wait3A_211 = arith.constant 0 : i32
      %dma_wait3A_212 = tpu.memref_slice %arg3[%mul3A_2, %dma_wait3A_211] : memref<128x4096xi32, #tpu.memory_space<hbm>> -> memref<4x4096xi32, #tpu.memory_space<hbm>>
      tpu.wait_dma2 semaphore(%run_scoped3A : memref<!tpu.dma_semaphore, #tpu.memory_space<semaphore_mem>>) src(%dma_wait3A_212 : memref<4x4096xi32, #tpu.memory_space<hbm>>) dst(%arg9 : memref<4x4096xi32, #tpu.memory_space<vmem>>)
      tpu.yield
    }) : () -> ()
    "tpu.region"() ({
      %run_scoped3A = tpu.sem_alloc : memref<!tpu.dma_semaphore, #tpu.memory_space<semaphore_mem>>
      %dma_start3A = arith.constant 0 : i32
      %dma_start3A_207 = tpu.memref_slice %arg4[%mul3A_2, %dma_start3A] : memref<128x16xi32, #tpu.memory_space<hbm>> -> memref<4x16xi32, #tpu.memory_space<hbm>>
      %dma_start3A_208 = arith.constant 0 : i32
      %dma_start3A_209 = tpu.memref_slice %arg4[%mul3A_2, %dma_start3A_208] : memref<128x16xi32, #tpu.memory_space<hbm>> -> memref<4x16xi32, #tpu.memory_space<hbm>>
      tpu.enqueue_dma source(%dma_start3A_209 : memref<4x16xi32, #tpu.memory_space<hbm>>) target(%arg10 : memref<4x16xi32, #tpu.memory_space<vmem>>) target_semaphore(%run_scoped3A : memref<!tpu.dma_semaphore, #tpu.memory_space<semaphore_mem>>)
      %dma_wait3A = arith.constant 0 : i32
      %dma_wait3A_210 = tpu.memref_slice %arg4[%mul3A_2, %dma_wait3A] : memref<128x16xi32, #tpu.memory_space<hbm>> -> memref<4x16xi32, #tpu.memory_space<hbm>>
      %dma_wait3A_211 = arith.constant 0 : i32
      %dma_wait3A_212 = tpu.memref_slice %arg4[%mul3A_2, %dma_wait3A_211] : memref<128x16xi32, #tpu.memory_space<hbm>> -> memref<4x16xi32, #tpu.memory_space<hbm>>
      tpu.wait_dma2 semaphore(%run_scoped3A : memref<!tpu.dma_semaphore, #tpu.memory_space<semaphore_mem>>) src(%dma_wait3A_212 : memref<4x16xi32, #tpu.memory_space<hbm>>) dst(%arg10 : memref<4x16xi32, #tpu.memory_space<vmem>>)
      tpu.yield
    }) : () -> ()
    "tpu.region"() ({
      %run_scoped3A = tpu.sem_alloc : memref<!tpu.dma_semaphore, #tpu.memory_space<semaphore_mem>>
      %dma_start3A = arith.constant 0 : i32
      %dma_start3A_207 = tpu.memref_slice %arg5[%mul3A_2, %dma_start3A] : memref<128x16xi32, #tpu.memory_space<hbm>> -> memref<4x16xi32, #tpu.memory_space<hbm>>
      %dma_start3A_208 = arith.constant 0 : i32
      %dma_start3A_209 = tpu.memref_slice %arg5[%mul3A_2, %dma_start3A_208] : memref<128x16xi32, #tpu.memory_space<hbm>> -> memref<4x16xi32, #tpu.memory_space<hbm>>
      tpu.enqueue_dma source(%dma_start3A_209 : memref<4x16xi32, #tpu.memory_space<hbm>>) target(%arg11 : memref<4x16xi32, #tpu.memory_space<vmem>>) target_semaphore(%run_scoped3A : memref<!tpu.dma_semaphore, #tpu.memory_space<semaphore_mem>>)
      %dma_wait3A = arith.constant 0 : i32
      %dma_wait3A_210 = tpu.memref_slice %arg5[%mul3A_2, %dma_wait3A] : memref<128x16xi32, #tpu.memory_space<hbm>> -> memref<4x16xi32, #tpu.memory_space<hbm>>
      %dma_wait3A_211 = arith.constant 0 : i32
      %dma_wait3A_212 = tpu.memref_slice %arg5[%mul3A_2, %dma_wait3A_211] : memref<128x16xi32, #tpu.memory_space<hbm>> -> memref<4x16xi32, #tpu.memory_space<hbm>>
      tpu.wait_dma2 semaphore(%run_scoped3A : memref<!tpu.dma_semaphore, #tpu.memory_space<semaphore_mem>>) src(%dma_wait3A_212 : memref<4x16xi32, #tpu.memory_space<hbm>>) dst(%arg11 : memref<4x16xi32, #tpu.memory_space<vmem>>)
      tpu.yield
    }) : () -> ()
    %iota3A = tpu.iota {dimensions = array<i32: 0>} : vector<16xi32>
    %broadcast_in_dim3A = arith.constant -1 : i32
    %broadcast_in_dim3A_3 = vector.broadcast %broadcast_in_dim3A : i32 to vector<16xi32>
    %broadcast_in_dim3A_4 = arith.constant 0 : i32
    %broadcast_in_dim3A_5 = vector.broadcast %broadcast_in_dim3A_4 : i32 to vector<16xi32>
    %scan3A = arith.constant 0 : i32
    %scan3A_6 = arith.constant 256 : i32
    %scan3A_7 = arith.addi %scan3A, %scan3A_6 : i32
    %scan3A_8 = arith.constant 16 : i32
    %scan3A_9 = scf.for %scan3A_207 = %scan3A to %scan3A_7 step %scan3A_8 iter_args(%scan3A_208 = %broadcast_in_dim3A_5) -> (vector<16xi32>)  : i32 {
      %mul3A_209 = arith.constant 16 : i32
      %mul3A_210 = arith.muli %scan3A_207, %mul3A_209 : i32
      %get3A_211 = arith.constant 0 : i32
      %get3A_212 = arith.index_cast %get3A_211 : i32 to index
      %get3A_213 = arith.index_cast %mul3A_210 : i32 to index
      %get3A_214 = tpu.vector_load %arg9[%get3A_212, %get3A_213] {strides = array<i32>} : memref<4x4096xi32, #tpu.memory_space<vmem>>, vector<1x16xi32>,
      %get3A_215 = vector.shape_cast %get3A_214 : vector<1x16xi32> to vector<16xi32>
      %get3A_216 = arith.constant 0 : i32
      %get3A_217 = arith.index_cast %get3A_216 : i32 to index
      %get3A_218 = arith.index_cast %mul3A_210 : i32 to index
      %get3A_219 = tpu.vector_load %arg8[%get3A_217, %get3A_218] {strides = array<i32>} : memref<4x4096xi32, #tpu.memory_space<vmem>>, vector<1x16xi32>,
      %get3A_220 = vector.shape_cast %get3A_219 : vector<1x16xi32> to vector<16xi32>
      %ne3A = arith.constant -1 : i32
      %ne3A_221 = vector.broadcast %ne3A : i32 to vector<16xi32>
      %ne3A_222 = arith.cmpi ne, %get3A_215, %ne3A_221 : vector<16xi32>
      %ne3A_223 = arith.constant 0 : i32
      %ne3A_224 = vector.broadcast %ne3A_223 : i32 to vector<16xi32>
      %ne3A_225 = arith.cmpi ne, %get3A_220, %ne3A_224 : vector<16xi32>
      %and3A = arith.andi %ne3A_222, %ne3A_225 : vector<16xi1>
      %ge3A = arith.constant 0 : i32
      %ge3A_226 = vector.broadcast %ge3A : i32 to vector<16xi32>
      %ge3A_227 = arith.cmpi sge, %get3A_215, %ge3A_226 : vector<16xi32>
      %and3A_228 = arith.andi %ge3A_227, %and3A : vector<16xi1>
      %select_n3A = arith.select %and3A_228, %get3A_215, %get3A_220 : vector<16xi1>, vector<16xi32>
      %swap3A_229 = arith.constant 0 : i32
      %swap3A_230 = arith.index_cast %swap3A_229 : i32 to index
      %swap3A_231 = arith.index_cast %mul3A_210 : i32 to index
      %swap3A_232 = tpu.vector_load %arg12[%swap3A_230, %swap3A_231] {strides = array<i32>} : memref<4x4096xi32, #tpu.memory_space<vmem>>, vector<1x16xi32>,
      %swap3A_233 = vector.shape_cast %swap3A_232 : vector<1x16xi32> to vector<16xi32>
      %swap3A_234 = vector.shape_cast %select_n3A : vector<16xi32> to vector<1x16xi32>
      tpu.vector_store %arg12[%swap3A_230, %swap3A_231], %swap3A_234 {strides = array<i32>} : memref<4x4096xi32, #tpu.memory_space<vmem>>, vector<1x16xi32>,
      %select_n3A_235 = arith.select %and3A, %get3A_220, %broadcast_in_dim3A_3 : vector<16xi1>, vector<16xi32>
      %swap3A_236 = arith.constant 0 : i32
      %swap3A_237 = arith.index_cast %swap3A_236 : i32 to index
      %swap3A_238 = arith.index_cast %mul3A_210 : i32 to index
      %swap3A_239 = tpu.vector_load %arg13[%swap3A_237, %swap3A_238] {strides = array<i32>} : memref<4x4096xi32, #tpu.memory_space<vmem>>, vector<1x16xi32>,
      %swap3A_240 = vector.shape_cast %swap3A_239 : vector<1x16xi32> to vector<16xi32>
      %swap3A_241 = vector.shape_cast %select_n3A_235 : vector<16xi32> to vector<1x16xi32>
      tpu.vector_store %arg13[%swap3A_237, %swap3A_238], %swap3A_241 {strides = array<i32>} : memref<4x4096xi32, #tpu.memory_space<vmem>>, vector<1x16xi32>,
      %jit3A = arith.constant 1 : i32
      %jit3A_242 = arith.constant 0 : i32
      %broadcast_in_dim3A_243 = vector.broadcast %jit3A : i32 to vector<16xi32>
      %broadcast_in_dim3A_244 = vector.broadcast %jit3A_242 : i32 to vector<16xi32>
      %select_n3A_245 = arith.select %and3A, %broadcast_in_dim3A_243, %broadcast_in_dim3A_244 : vector<16xi1>, vector<16xi32>
      %or3A_246 = arith.ori %scan3A_208, %select_n3A_245 : vector<16xi32>
      %scan3A_247 = arith.constant 1 : i32
      %scan3A_248 = arith.addi %scan3A_207, %scan3A_247 : i32
      %mul3A_249 = arith.constant 16 : i32
      %mul3A_250 = arith.muli %scan3A_248, %mul3A_249 : i32
      %get3A_251 = arith.constant 0 : i32
      %get3A_252 = arith.index_cast %get3A_251 : i32 to index
      %get3A_253 = arith.index_cast %mul3A_250 : i32 to index
      %get3A_254 = tpu.vector_load %arg9[%get3A_252, %get3A_253] {strides = array<i32>} : memref<4x4096xi32, #tpu.memory_space<vmem>>, vector<1x16xi32>,
      %get3A_255 = vector.shape_cast %get3A_254 : vector<1x16xi32> to vector<16xi32>
      %get3A_256 = arith.constant 0 : i32
      %get3A_257 = arith.index_cast %get3A_256 : i32 to index
      %get3A_258 = arith.index_cast %mul3A_250 : i32 to index
      %get3A_259 = tpu.vector_load %arg8[%get3A_257, %get3A_258] {strides = array<i32>} : memref<4x4096xi32, #tpu.memory_space<vmem>>, vector<1x16xi32>,
      %get3A_260 = vector.shape_cast %get3A_259 : vector<1x16xi32> to vector<16xi32>
      %ne3A_261 = arith.constant -1 : i32
      %ne3A_262 = vector.broadcast %ne3A_261 : i32 to vector<16xi32>
      %ne3A_263 = arith.cmpi ne, %get3A_255, %ne3A_262 : vector<16xi32>
      %ne3A_264 = arith.constant 0 : i32
      %ne3A_265 = vector.broadcast %ne3A_264 : i32 to vector<16xi32>
      %ne3A_266 = arith.cmpi ne, %get3A_260, %ne3A_265 : vector<16xi32>
      %and3A_267 = arith.andi %ne3A_263, %ne3A_266 : vector<16xi1>
      %ge3A_268 = arith.constant 0 : i32
      %ge3A_269 = vector.broadcast %ge3A_268 : i32 to vector<16xi32>
      %ge3A_270 = arith.cmpi sge, %get3A_255, %ge3A_269 : vector<16xi32>
      %and3A_271 = arith.andi %ge3A_270, %and3A_267 : vector<16xi1>
      %select_n3A_272 = arith.select %and3A_271, %get3A_255, %get3A_260 : vector<16xi1>, vector<16xi32>
      %swap3A_273 = arith.constant 0 : i32
      %swap3A_274 = arith.index_cast %swap3A_273 : i32 to index
      %swap3A_275 = arith.index_cast %mul3A_250 : i32 to index
      %swap3A_276 = tpu.vector_load %arg12[%swap3A_274, %swap3A_275] {strides = array<i32>} : memref<4x4096xi32, #tpu.memory_space<vmem>>, vector<1x16xi32>,
      %swap3A_277 = vector.shape_cast %swap3A_276 : vector<1x16xi32> to vector<16xi32>
      %swap3A_278 = vector.shape_cast %select_n3A_272 : vector<16xi32> to vector<1x16xi32>
      tpu.vector_store %arg12[%swap3A_274, %swap3A_275], %swap3A_278 {strides = array<i32>} : memref<4x4096xi32, #tpu.memory_space<vmem>>, vector<1x16xi32>,
      %select_n3A_279 = arith.select %and3A_267, %get3A_260, %broadcast_in_dim3A_3 : vector<16xi1>, vector<16xi32>
      %swap3A_280 = arith.constant 0 : i32
      %swap3A_281 = arith.index_cast %swap3A_280 : i32 to index
      %swap3A_282 = arith.index_cast %mul3A_250 : i32 to index
      %swap3A_283 = tpu.vector_load %arg13[%swap3A_281, %swap3A_282] {strides = array<i32>} : memref<4x4096xi32, #tpu.memory_space<vmem>>, vector<1x16xi32>,
      %swap3A_284 = vector.shape_cast %swap3A_283 : vector<1x16xi32> to vector<16xi32>
      %swap3A_285 = vector.shape_cast %select_n3A_279 : vector<16xi32> to vector<1x16xi32>
      tpu.vector_store %arg13[%swap3A_281, %swap3A_282], %swap3A_285 {strides = array<i32>} : memref<4x4096xi32, #tpu.memory_space<vmem>>, vector<1x16xi32>,
      %jit3A_286 = arith.constant 1 : i32
      %jit3A_287 = arith.constant 0 : i32
      %broadcast_in_dim3A_288 = vector.broadcast %jit3A_286 : i32 to vector<16xi32>
      %broadcast_in_dim3A_289 = vector.broadcast %jit3A_287 : i32 to vector<16xi32>
      %select_n3A_290 = arith.select %and3A_267, %broadcast_in_dim3A_288, %broadcast_in_dim3A_289 : vector<16xi1>, vector<16xi32>
      %or3A_291 = arith.ori %or3A_246, %select_n3A_290 : vector<16xi32>
      %scan3A_292 = arith.constant 2 : i32
      %scan3A_293 = arith.addi %scan3A_207, %scan3A_292 : i32
      %mul3A_294 = arith.constant 16 : i32
      %mul3A_295 = arith.muli %scan3A_293, %mul3A_294 : i32
      %get3A_296 = arith.constant 0 : i32
      %get3A_297 = arith.index_cast %get3A_296 : i32 to index
      %get3A_298 = arith.index_cast %mul3A_295 : i32 to index
      %get3A_299 = tpu.vector_load %arg9[%get3A_297, %get3A_298] {strides = array<i32>} : memref<4x4096xi32, #tpu.memory_space<vmem>>, vector<1x16xi32>,
      %get3A_300 = vector.shape_cast %get3A_299 : vector<1x16xi32> to vector<16xi32>
      %get3A_301 = arith.constant 0 : i32
      %get3A_302 = arith.index_cast %get3A_301 : i32 to index
      %get3A_303 = arith.index_cast %mul3A_295 : i32 to index
      %get3A_304 = tpu.vector_load %arg8[%get3A_302, %get3A_303] {strides = array<i32>} : memref<4x4096xi32, #tpu.memory_space<vmem>>, vector<1x16xi32>,
      %get3A_305 = vector.shape_cast %get3A_304 : vector<1x16xi32> to vector<16xi32>
      %ne3A_306 = arith.constant -1 : i32
      %ne3A_307 = vector.broadcast %ne3A_306 : i32 to vector<16xi32>
      %ne3A_308 = arith.cmpi ne, %get3A_300, %ne3A_307 : vector<16xi32>
      %ne3A_309 = arith.constant 0 : i32
      %ne3A_310 = vector.broadcast %ne3A_309 : i32 to vector<16xi32>
      %ne3A_311 = arith.cmpi ne, %get3A_305, %ne3A_310 : vector<16xi32>
      %and3A_312 = arith.andi %ne3A_308, %ne3A_311 : vector<16xi1>
      %ge3A_313 = arith.constant 0 : i32
      %ge3A_314 = vector.broadcast %ge3A_313 : i32 to vector<16xi32>
      %ge3A_315 = arith.cmpi sge, %get3A_300, %ge3A_314 : vector<16xi32>
      %and3A_316 = arith.andi %ge3A_315, %and3A_312 : vector<16xi1>
      %select_n3A_317 = arith.select %and3A_316, %get3A_300, %get3A_305 : vector<16xi1>, vector<16xi32>
      %swap3A_318 = arith.constant 0 : i32
      %swap3A_319 = arith.index_cast %swap3A_318 : i32 to index
      %swap3A_320 = arith.index_cast %mul3A_295 : i32 to index
      %swap3A_321 = tpu.vector_load %arg12[%swap3A_319, %swap3A_320] {strides = array<i32>} : memref<4x4096xi32, #tpu.memory_space<vmem>>, vector<1x16xi32>,
      %swap3A_322 = vector.shape_cast %swap3A_321 : vector<1x16xi32> to vector<16xi32>
      %swap3A_323 = vector.shape_cast %select_n3A_317 : vector<16xi32> to vector<1x16xi32>
      tpu.vector_store %arg12[%swap3A_319, %swap3A_320], %swap3A_323 {strides = array<i32>} : memref<4x4096xi32, #tpu.memory_space<vmem>>, vector<1x16xi32>,
      %select_n3A_324 = arith.select %and3A_312, %get3A_305, %broadcast_in_dim3A_3 : vector<16xi1>, vector<16xi32>
      %swap3A_325 = arith.constant 0 : i32
      %swap3A_326 = arith.index_cast %swap3A_325 : i32 to index
      %swap3A_327 = arith.index_cast %mul3A_295 : i32 to index
      %swap3A_328 = tpu.vector_load %arg13[%swap3A_326, %swap3A_327] {strides = array<i32>} : memref<4x4096xi32, #tpu.memory_space<vmem>>, vector<1x16xi32>,
      %swap3A_329 = vector.shape_cast %swap3A_328 : vector<1x16xi32> to vector<16xi32>
      %swap3A_330 = vector.shape_cast %select_n3A_324 : vector<16xi32> to vector<1x16xi32>
      tpu.vector_store %arg13[%swap3A_326, %swap3A_327], %swap3A_330 {strides = array<i32>} : memref<4x4096xi32, #tpu.memory_space<vmem>>, vector<1x16xi32>,
      %jit3A_331 = arith.constant 1 : i32
      %jit3A_332 = arith.constant 0 : i32
      %broadcast_in_dim3A_333 = vector.broadcast %jit3A_331 : i32 to vector<16xi32>
      %broadcast_in_dim3A_334 = vector.broadcast %jit3A_332 : i32 to vector<16xi32>
      %select_n3A_335 = arith.select %and3A_312, %broadcast_in_dim3A_333, %broadcast_in_dim3A_334 : vector<16xi1>, vector<16xi32>
      %or3A_336 = arith.ori %or3A_291, %select_n3A_335 : vector<16xi32>
      %scan3A_337 = arith.constant 3 : i32
      %scan3A_338 = arith.addi %scan3A_207, %scan3A_337 : i32
      %mul3A_339 = arith.constant 16 : i32
      %mul3A_340 = arith.muli %scan3A_338, %mul3A_339 : i32
      %get3A_341 = arith.constant 0 : i32
      %get3A_342 = arith.index_cast %get3A_341 : i32 to index
      %get3A_343 = arith.index_cast %mul3A_340 : i32 to index
      %get3A_344 = tpu.vector_load %arg9[%get3A_342, %get3A_343] {strides = array<i32>} : memref<4x4096xi32, #tpu.memory_space<vmem>>, vector<1x16xi32>,
      %get3A_345 = vector.shape_cast %get3A_344 : vector<1x16xi32> to vector<16xi32>
      %get3A_346 = arith.constant 0 : i32
      %get3A_347 = arith.index_cast %get3A_346 : i32 to index
      %get3A_348 = arith.index_cast %mul3A_340 : i32 to index
      %get3A_349 = tpu.vector_load %arg8[%get3A_347, %get3A_348] {strides = array<i32>} : memref<4x4096xi32, #tpu.memory_space<vmem>>, vector<1x16xi32>,
      %get3A_350 = vector.shape_cast %get3A_349 : vector<1x16xi32> to vector<16xi32>
      %ne3A_351 = arith.constant -1 : i32
      %ne3A_352 = vector.broadcast %ne3A_351 : i32 to vector<16xi32>
      %ne3A_353 = arith.cmpi ne, %get3A_345, %ne3A_352 : vector<16xi32>
      %ne3A_354 = arith.constant 0 : i32
      %ne3A_355 = vector.broadcast %ne3A_354 : i32 to vector<16xi32>
      %ne3A_356 = arith.cmpi ne, %get3A_350, %ne3A_355 : vector<16xi32>
      %and3A_357 = arith.andi %ne3A_353, %ne3A_356 : vector<16xi1>
      %ge3A_358 = arith.constant 0 : i32
      %ge3A_359 = vector.broadcast %ge3A_358 : i32 to vector<16xi32>
      %ge3A_360 = arith.cmpi sge, %get3A_345, %ge3A_359 : vector<16xi32>
      %and3A_361 = arith.andi %ge3A_360, %and3A_357 : vector<16xi1>
      %select_n3A_362 = arith.select %and3A_361, %get3A_345, %get3A_350 : vector<16xi1>, vector<16xi32>
      %swap3A_363 = arith.constant 0 : i32
      %swap3A_364 = arith.index_cast %swap3A_363 : i32 to index
      %swap3A_365 = arith.index_cast %mul3A_340 : i32 to index
      %swap3A_366 = tpu.vector_load %arg12[%swap3A_364, %swap3A_365] {strides = array<i32>} : memref<4x4096xi32, #tpu.memory_space<vmem>>, vector<1x16xi32>,
      %swap3A_367 = vector.shape_cast %swap3A_366 : vector<1x16xi32> to vector<16xi32>
      %swap3A_368 = vector.shape_cast %select_n3A_362 : vector<16xi32> to vector<1x16xi32>
      tpu.vector_store %arg12[%swap3A_364, %swap3A_365], %swap3A_368 {strides = array<i32>} : memref<4x4096xi32, #tpu.memory_space<vmem>>, vector<1x16xi32>,
      %select_n3A_369 = arith.select %and3A_357, %get3A_350, %broadcast_in_dim3A_3 : vector<16xi1>, vector<16xi32>
      %swap3A_370 = arith.constant 0 : i32
      %swap3A_371 = arith.index_cast %swap3A_370 : i32 to index
      %swap3A_372 = arith.index_cast %mul3A_340 : i32 to index
      %swap3A_373 = tpu.vector_load %arg13[%swap3A_371, %swap3A_372] {strides = array<i32>} : memref<4x4096xi32, #tpu.memory_space<vmem>>, vector<1x16xi32>,
      %swap3A_374 = vector.shape_cast %swap3A_373 : vector<1x16xi32> to vector<16xi32>
      %swap3A_375 = vector.shape_cast %select_n3A_369 : vector<16xi32> to vector<1x16xi32>
      tpu.vector_store %arg13[%swap3A_371, %swap3A_372], %swap3A_375 {strides = array<i32>} : memref<4x4096xi32, #tpu.memory_space<vmem>>, vector<1x16xi32>,
      %jit3A_376 = arith.constant 1 : i32
      %jit3A_377 = arith.constant 0 : i32
      %broadcast_in_dim3A_378 = vector.broadcast %jit3A_376 : i32 to vector<16xi32>
      %broadcast_in_dim3A_379 = vector.broadcast %jit3A_377 : i32 to vector<16xi32>
      %select_n3A_380 = arith.select %and3A_357, %broadcast_in_dim3A_378, %broadcast_in_dim3A_379 : vector<16xi1>, vector<16xi32>
      %or3A_381 = arith.ori %or3A_336, %select_n3A_380 : vector<16xi32>
      %scan3A_382 = arith.constant 4 : i32
      %scan3A_383 = arith.addi %scan3A_207, %scan3A_382 : i32
      %mul3A_384 = arith.constant 16 : i32
      %mul3A_385 = arith.muli %scan3A_383, %mul3A_384 : i32
      %get3A_386 = arith.constant 0 : i32
      %get3A_387 = arith.index_cast %get3A_386 : i32 to index
      %get3A_388 = arith.index_cast %mul3A_385 : i32 to index
      %get3A_389 = tpu.vector_load %arg9[%get3A_387, %get3A_388] {strides = array<i32>} : memref<4x4096xi32, #tpu.memory_space<vmem>>, vector<1x16xi32>,
      %get3A_390 = vector.shape_cast %get3A_389 : vector<1x16xi32> to vector<16xi32>
      %get3A_391 = arith.constant 0 : i32
      %get3A_392 = arith.index_cast %get3A_391 : i32 to index
      %get3A_393 = arith.index_cast %mul3A_385 : i32 to index
      %get3A_394 = tpu.vector_load %arg8[%get3A_392, %get3A_393] {strides = array<i32>} : memref<4x4096xi32, #tpu.memory_space<vmem>>, vector<1x16xi32>,
      %get3A_395 = vector.shape_cast %get3A_394 : vector<1x16xi32> to vector<16xi32>
      %ne3A_396 = arith.constant -1 : i32
      %ne3A_397 = vector.broadcast %ne3A_396 : i32 to vector<16xi32>
      %ne3A_398 = arith.cmpi ne, %get3A_390, %ne3A_397 : vector<16xi32>
      %ne3A_399 = arith.constant 0 : i32
      %ne3A_400 = vector.broadcast %ne3A_399 : i32 to vector<16xi32>
      %ne3A_401 = arith.cmpi ne, %get3A_395, %ne3A_400 : vector<16xi32>
      %and3A_402 = arith.andi %ne3A_398, %ne3A_401 : vector<16xi1>
      %ge3A_403 = arith.constant 0 : i32
      %ge3A_404 = vector.broadcast %ge3A_403 : i32 to vector<16xi32>
      %ge3A_405 = arith.cmpi sge, %get3A_390, %ge3A_404 : vector<16xi32>
      %and3A_406 = arith.andi %ge3A_405, %and3A_402 : vector<16xi1>
      %select_n3A_407 = arith.select %and3A_406, %get3A_390, %get3A_395 : vector<16xi1>, vector<16xi32>
      %swap3A_408 = arith.constant 0 : i32
      %swap3A_409 = arith.index_cast %swap3A_408 : i32 to index
      %swap3A_410 = arith.index_cast %mul3A_385 : i32 to index
      %swap3A_411 = tpu.vector_load %arg12[%swap3A_409, %swap3A_410] {strides = array<i32>} : memref<4x4096xi32, #tpu.memory_space<vmem>>, vector<1x16xi32>,
      %swap3A_412 = vector.shape_cast %swap3A_411 : vector<1x16xi32> to vector<16xi32>
      %swap3A_413 = vector.shape_cast %select_n3A_407 : vector<16xi32> to vector<1x16xi32>
      tpu.vector_store %arg12[%swap3A_409, %swap3A_410], %swap3A_413 {strides = array<i32>} : memref<4x4096xi32, #tpu.memory_space<vmem>>, vector<1x16xi32>,
      %select_n3A_414 = arith.select %and3A_402, %get3A_395, %broadcast_in_dim3A_3 : vector<16xi1>, vector<16xi32>
      %swap3A_415 = arith.constant 0 : i32
      %swap3A_416 = arith.index_cast %swap3A_415 : i32 to index
      %swap3A_417 = arith.index_cast %mul3A_385 : i32 to index
      %swap3A_418 = tpu.vector_load %arg13[%swap3A_416, %swap3A_417] {strides = array<i32>} : memref<4x4096xi32, #tpu.memory_space<vmem>>, vector<1x16xi32>,
      %swap3A_419 = vector.shape_cast %swap3A_418 : vector<1x16xi32> to vector<16xi32>
      %swap3A_420 = vector.shape_cast %select_n3A_414 : vector<16xi32> to vector<1x16xi32>
      tpu.vector_store %arg13[%swap3A_416, %swap3A_417], %swap3A_420 {strides = array<i32>} : memref<4x4096xi32, #tpu.memory_space<vmem>>, vector<1x16xi32>,
      %jit3A_421 = arith.constant 1 : i32
      %jit3A_422 = arith.constant 0 : i32
      %broadcast_in_dim3A_423 = vector.broadcast %jit3A_421 : i32 to vector<16xi32>
      %broadcast_in_dim3A_424 = vector.broadcast %jit3A_422 : i32 to vector<16xi32>
      %select_n3A_425 = arith.select %and3A_402, %broadcast_in_dim3A_423, %broadcast_in_dim3A_424 : vector<16xi1>, vector<16xi32>
      %or3A_426 = arith.ori %or3A_381, %select_n3A_425 : vector<16xi32>
      %scan3A_427 = arith.constant 5 : i32
      %scan3A_428 = arith.addi %scan3A_207, %scan3A_427 : i32
      %mul3A_429 = arith.constant 16 : i32
      %mul3A_430 = arith.muli %scan3A_428, %mul3A_429 : i32
      %get3A_431 = arith.constant 0 : i32
      %get3A_432 = arith.index_cast %get3A_431 : i32 to index
      %get3A_433 = arith.index_cast %mul3A_430 : i32 to index
      %get3A_434 = tpu.vector_load %arg9[%get3A_432, %get3A_433] {strides = array<i32>} : memref<4x4096xi32, #tpu.memory_space<vmem>>, vector<1x16xi32>,
      %get3A_435 = vector.shape_cast %get3A_434 : vector<1x16xi32> to vector<16xi32>
      %get3A_436 = arith.constant 0 : i32
      %get3A_437 = arith.index_cast %get3A_436 : i32 to index
      %get3A_438 = arith.index_cast %mul3A_430 : i32 to index
      %get3A_439 = tpu.vector_load %arg8[%get3A_437, %get3A_438] {strides = array<i32>} : memref<4x4096xi32, #tpu.memory_space<vmem>>, vector<1x16xi32>,
      %get3A_440 = vector.shape_cast %get3A_439 : vector<1x16xi32> to vector<16xi32>
      %ne3A_441 = arith.constant -1 : i32
      %ne3A_442 = vector.broadcast %ne3A_441 : i32 to vector<16xi32>
      %ne3A_443 = arith.cmpi ne, %get3A_435, %ne3A_442 : vector<16xi32>
      %ne3A_444 = arith.constant 0 : i32
      %ne3A_445 = vector.broadcast %ne3A_444 : i32 to vector<16xi32>
      %ne3A_446 = arith.cmpi ne, %get3A_440, %ne3A_445 : vector<16xi32>
      %and3A_447 = arith.andi %ne3A_443, %ne3A_446 : vector<16xi1>
      %ge3A_448 = arith.constant 0 : i32
      %ge3A_449 = vector.broadcast %ge3A_448 : i32 to vector<16xi32>
      %ge3A_450 = arith.cmpi sge, %get3A_435, %ge3A_449 : vector<16xi32>
      %and3A_451 = arith.andi %ge3A_450, %and3A_447 : vector<16xi1>
      %select_n3A_452 = arith.select %and3A_451, %get3A_435, %get3A_440 : vector<16xi1>, vector<16xi32>
      %swap3A_453 = arith.constant 0 : i32
      %swap3A_454 = arith.index_cast %swap3A_453 : i32 to index
      %swap3A_455 = arith.index_cast %mul3A_430 : i32 to index
      %swap3A_456 = tpu.vector_load %arg12[%swap3A_454, %swap3A_455] {strides = array<i32>} : memref<4x4096xi32, #tpu.memory_space<vmem>>, vector<1x16xi32>,
      %swap3A_457 = vector.shape_cast %swap3A_456 : vector<1x16xi32> to vector<16xi32>
      %swap3A_458 = vector.shape_cast %select_n3A_452 : vector<16xi32> to vector<1x16xi32>
      tpu.vector_store %arg12[%swap3A_454, %swap3A_455], %swap3A_458 {strides = array<i32>} : memref<4x4096xi32, #tpu.memory_space<vmem>>, vector<1x16xi32>,
      %select_n3A_459 = arith.select %and3A_447, %get3A_440, %broadcast_in_dim3A_3 : vector<16xi1>, vector<16xi32>
      %swap3A_460 = arith.constant 0 : i32
      %swap3A_461 = arith.index_cast %swap3A_460 : i32 to index
      %swap3A_462 = arith.index_cast %mul3A_430 : i32 to index
      %swap3A_463 = tpu.vector_load %arg13[%swap3A_461, %swap3A_462] {strides = array<i32>} : memref<4x4096xi32, #tpu.memory_space<vmem>>, vector<1x16xi32>,
      %swap3A_464 = vector.shape_cast %swap3A_463 : vector<1x16xi32> to vector<16xi32>
      %swap3A_465 = vector.shape_cast %select_n3A_459 : vector<16xi32> to vector<1x16xi32>
      tpu.vector_store %arg13[%swap3A_461, %swap3A_462], %swap3A_465 {strides = array<i32>} : memref<4x4096xi32, #tpu.memory_space<vmem>>, vector<1x16xi32>,
      %jit3A_466 = arith.constant 1 : i32
      %jit3A_467 = arith.constant 0 : i32
      %broadcast_in_dim3A_468 = vector.broadcast %jit3A_466 : i32 to vector<16xi32>
      %broadcast_in_dim3A_469 = vector.broadcast %jit3A_467 : i32 to vector<16xi32>
      %select_n3A_470 = arith.select %and3A_447, %broadcast_in_dim3A_468, %broadcast_in_dim3A_469 : vector<16xi1>, vector<16xi32>
      %or3A_471 = arith.ori %or3A_426, %select_n3A_470 : vector<16xi32>
      %scan3A_472 = arith.constant 6 : i32
      %scan3A_473 = arith.addi %scan3A_207, %scan3A_472 : i32
      %mul3A_474 = arith.constant 16 : i32
      %mul3A_475 = arith.muli %scan3A_473, %mul3A_474 : i32
      %get3A_476 = arith.constant 0 : i32
      %get3A_477 = arith.index_cast %get3A_476 : i32 to index
      %get3A_478 = arith.index_cast %mul3A_475 : i32 to index
      %get3A_479 = tpu.vector_load %arg9[%get3A_477, %get3A_478] {strides = array<i32>} : memref<4x4096xi32, #tpu.memory_space<vmem>>, vector<1x16xi32>,
      %get3A_480 = vector.shape_cast %get3A_479 : vector<1x16xi32> to vector<16xi32>
      %get3A_481 = arith.constant 0 : i32
      %get3A_482 = arith.index_cast %get3A_481 : i32 to index
      %get3A_483 = arith.index_cast %mul3A_475 : i32 to index
      %get3A_484 = tpu.vector_load %arg8[%get3A_482, %get3A_483] {strides = array<i32>} : memref<4x4096xi32, #tpu.memory_space<vmem>>, vector<1x16xi32>,
      %get3A_485 = vector.shape_cast %get3A_484 : vector<1x16xi32> to vector<16xi32>
      %ne3A_486 = arith.constant -1 : i32
      %ne3A_487 = vector.broadcast %ne3A_486 : i32 to vector<16xi32>
      %ne3A_488 = arith.cmpi ne, %get3A_480, %ne3A_487 : vector<16xi32>
      %ne3A_489 = arith.constant 0 : i32
      %ne3A_490 = vector.broadcast %ne3A_489 : i32 to vector<16xi32>
      %ne3A_491 = arith.cmpi ne, %get3A_485, %ne3A_490 : vector<16xi32>
      %and3A_492 = arith.andi %ne3A_488, %ne3A_491 : vector<16xi1>
      %ge3A_493 = arith.constant 0 : i32
      %ge3A_494 = vector.broadcast %ge3A_493 : i32 to vector<16xi32>
      %ge3A_495 = arith.cmpi sge, %get3A_480, %ge3A_494 : vector<16xi32>
      %and3A_496 = arith.andi %ge3A_495, %and3A_492 : vector<16xi1>
      %select_n3A_497 = arith.select %and3A_496, %get3A_480, %get3A_485 : vector<16xi1>, vector<16xi32>
      %swap3A_498 = arith.constant 0 : i32
      %swap3A_499 = arith.index_cast %swap3A_498 : i32 to index
      %swap3A_500 = arith.index_cast %mul3A_475 : i32 to index
      %swap3A_501 = tpu.vector_load %arg12[%swap3A_499, %swap3A_500] {strides = array<i32>} : memref<4x4096xi32, #tpu.memory_space<vmem>>, vector<1x16xi32>,
      %swap3A_502 = vector.shape_cast %swap3A_501 : vector<1x16xi32> to vector<16xi32>
      %swap3A_503 = vector.shape_cast %select_n3A_497 : vector<16xi32> to vector<1x16xi32>
      tpu.vector_store %arg12[%swap3A_499, %swap3A_500], %swap3A_503 {strides = array<i32>} : memref<4x4096xi32, #tpu.memory_space<vmem>>, vector<1x16xi32>,
      %select_n3A_504 = arith.select %and3A_492, %get3A_485, %broadcast_in_dim3A_3 : vector<16xi1>, vector<16xi32>
      %swap3A_505 = arith.constant 0 : i32
      %swap3A_506 = arith.index_cast %swap3A_505 : i32 to index
      %swap3A_507 = arith.index_cast %mul3A_475 : i32 to index
      %swap3A_508 = tpu.vector_load %arg13[%swap3A_506, %swap3A_507] {strides = array<i32>} : memref<4x4096xi32, #tpu.memory_space<vmem>>, vector<1x16xi32>,
      %swap3A_509 = vector.shape_cast %swap3A_508 : vector<1x16xi32> to vector<16xi32>
      %swap3A_510 = vector.shape_cast %select_n3A_504 : vector<16xi32> to vector<1x16xi32>
      tpu.vector_store %arg13[%swap3A_506, %swap3A_507], %swap3A_510 {strides = array<i32>} : memref<4x4096xi32, #tpu.memory_space<vmem>>, vector<1x16xi32>,
      %jit3A_511 = arith.constant 1 : i32
      %jit3A_512 = arith.constant 0 : i32
      %broadcast_in_dim3A_513 = vector.broadcast %jit3A_511 : i32 to vector<16xi32>
      %broadcast_in_dim3A_514 = vector.broadcast %jit3A_512 : i32 to vector<16xi32>
      %select_n3A_515 = arith.select %and3A_492, %broadcast_in_dim3A_513, %broadcast_in_dim3A_514 : vector<16xi1>, vector<16xi32>
      %or3A_516 = arith.ori %or3A_471, %select_n3A_515 : vector<16xi32>
      %scan3A_517 = arith.constant 7 : i32
      %scan3A_518 = arith.addi %scan3A_207, %scan3A_517 : i32
      %mul3A_519 = arith.constant 16 : i32
      %mul3A_520 = arith.muli %scan3A_518, %mul3A_519 : i32
      %get3A_521 = arith.constant 0 : i32
      %get3A_522 = arith.index_cast %get3A_521 : i32 to index
      %get3A_523 = arith.index_cast %mul3A_520 : i32 to index
      %get3A_524 = tpu.vector_load %arg9[%get3A_522, %get3A_523] {strides = array<i32>} : memref<4x4096xi32, #tpu.memory_space<vmem>>, vector<1x16xi32>,
      %get3A_525 = vector.shape_cast %get3A_524 : vector<1x16xi32> to vector<16xi32>
      %get3A_526 = arith.constant 0 : i32
      %get3A_527 = arith.index_cast %get3A_526 : i32 to index
      %get3A_528 = arith.index_cast %mul3A_520 : i32 to index
      %get3A_529 = tpu.vector_load %arg8[%get3A_527, %get3A_528] {strides = array<i32>} : memref<4x4096xi32, #tpu.memory_space<vmem>>, vector<1x16xi32>,
      %get3A_530 = vector.shape_cast %get3A_529 : vector<1x16xi32> to vector<16xi32>
      %ne3A_531 = arith.constant -1 : i32
      %ne3A_532 = vector.broadcast %ne3A_531 : i32 to vector<16xi32>
      %ne3A_533 = arith.cmpi ne, %get3A_525, %ne3A_532 : vector<16xi32>
      %ne3A_534 = arith.constant 0 : i32
      %ne3A_535 = vector.broadcast %ne3A_534 : i32 to vector<16xi32>
      %ne3A_536 = arith.cmpi ne, %get3A_530, %ne3A_535 : vector<16xi32>
      %and3A_537 = arith.andi %ne3A_533, %ne3A_536 : vector<16xi1>
      %ge3A_538 = arith.constant 0 : i32
      %ge3A_539 = vector.broadcast %ge3A_538 : i32 to vector<16xi32>
      %ge3A_540 = arith.cmpi sge, %get3A_525, %ge3A_539 : vector<16xi32>
      %and3A_541 = arith.andi %ge3A_540, %and3A_537 : vector<16xi1>
      %select_n3A_542 = arith.select %and3A_541, %get3A_525, %get3A_530 : vector<16xi1>, vector<16xi32>
      %swap3A_543 = arith.constant 0 : i32
      %swap3A_544 = arith.index_cast %swap3A_543 : i32 to index
      %swap3A_545 = arith.index_cast %mul3A_520 : i32 to index
      %swap3A_546 = tpu.vector_load %arg12[%swap3A_544, %swap3A_545] {strides = array<i32>} : memref<4x4096xi32, #tpu.memory_space<vmem>>, vector<1x16xi32>,
      %swap3A_547 = vector.shape_cast %swap3A_546 : vector<1x16xi32> to vector<16xi32>
      %swap3A_548 = vector.shape_cast %select_n3A_542 : vector<16xi32> to vector<1x16xi32>
      tpu.vector_store %arg12[%swap3A_544, %swap3A_545], %swap3A_548 {strides = array<i32>} : memref<4x4096xi32, #tpu.memory_space<vmem>>, vector<1x16xi32>,
      %select_n3A_549 = arith.select %and3A_537, %get3A_530, %broadcast_in_dim3A_3 : vector<16xi1>, vector<16xi32>
      %swap3A_550 = arith.constant 0 : i32
      %swap3A_551 = arith.index_cast %swap3A_550 : i32 to index
      %swap3A_552 = arith.index_cast %mul3A_520 : i32 to index
      %swap3A_553 = tpu.vector_load %arg13[%swap3A_551, %swap3A_552] {strides = array<i32>} : memref<4x4096xi32, #tpu.memory_space<vmem>>, vector<1x16xi32>,
      %swap3A_554 = vector.shape_cast %swap3A_553 : vector<1x16xi32> to vector<16xi32>
      %swap3A_555 = vector.shape_cast %select_n3A_549 : vector<16xi32> to vector<1x16xi32>
      tpu.vector_store %arg13[%swap3A_551, %swap3A_552], %swap3A_555 {strides = array<i32>} : memref<4x4096xi32, #tpu.memory_space<vmem>>, vector<1x16xi32>,
      %jit3A_556 = arith.constant 1 : i32
      %jit3A_557 = arith.constant 0 : i32
      %broadcast_in_dim3A_558 = vector.broadcast %jit3A_556 : i32 to vector<16xi32>
      %broadcast_in_dim3A_559 = vector.broadcast %jit3A_557 : i32 to vector<16xi32>
      %select_n3A_560 = arith.select %and3A_537, %broadcast_in_dim3A_558, %broadcast_in_dim3A_559 : vector<16xi1>, vector<16xi32>
      %or3A_561 = arith.ori %or3A_516, %select_n3A_560 : vector<16xi32>
      %scan3A_562 = arith.constant 8 : i32
      %scan3A_563 = arith.addi %scan3A_207, %scan3A_562 : i32
      %mul3A_564 = arith.constant 16 : i32
      %mul3A_565 = arith.muli %scan3A_563, %mul3A_564 : i32
      %get3A_566 = arith.constant 0 : i32
      %get3A_567 = arith.index_cast %get3A_566 : i32 to index
      %get3A_568 = arith.index_cast %mul3A_565 : i32 to index
      %get3A_569 = tpu.vector_load %arg9[%get3A_567, %get3A_568] {strides = array<i32>} : memref<4x4096xi32, #tpu.memory_space<vmem>>, vector<1x16xi32>,
      %get3A_570 = vector.shape_cast %get3A_569 : vector<1x16xi32> to vector<16xi32>
      %get3A_571 = arith.constant 0 : i32
      %get3A_572 = arith.index_cast %get3A_571 : i32 to index
      %get3A_573 = arith.index_cast %mul3A_565 : i32 to index
      %get3A_574 = tpu.vector_load %arg8[%get3A_572, %get3A_573] {strides = array<i32>} : memref<4x4096xi32, #tpu.memory_space<vmem>>, vector<1x16xi32>,
      %get3A_575 = vector.shape_cast %get3A_574 : vector<1x16xi32> to vector<16xi32>
      %ne3A_576 = arith.constant -1 : i32
      %ne3A_577 = vector.broadcast %ne3A_576 : i32 to vector<16xi32>
      %ne3A_578 = arith.cmpi ne, %get3A_570, %ne3A_577 : vector<16xi32>
      %ne3A_579 = arith.constant 0 : i32
      %ne3A_580 = vector.broadcast %ne3A_579 : i32 to vector<16xi32>
      %ne3A_581 = arith.cmpi ne, %get3A_575, %ne3A_580 : vector<16xi32>
      %and3A_582 = arith.andi %ne3A_578, %ne3A_581 : vector<16xi1>
      %ge3A_583 = arith.constant 0 : i32
      %ge3A_584 = vector.broadcast %ge3A_583 : i32 to vector<16xi32>
      %ge3A_585 = arith.cmpi sge, %get3A_570, %ge3A_584 : vector<16xi32>
      %and3A_586 = arith.andi %ge3A_585, %and3A_582 : vector<16xi1>
      %select_n3A_587 = arith.select %and3A_586, %get3A_570, %get3A_575 : vector<16xi1>, vector<16xi32>
      %swap3A_588 = arith.constant 0 : i32
      %swap3A_589 = arith.index_cast %swap3A_588 : i32 to index
      %swap3A_590 = arith.index_cast %mul3A_565 : i32 to index
      %swap3A_591 = tpu.vector_load %arg12[%swap3A_589, %swap3A_590] {strides = array<i32>} : memref<4x4096xi32, #tpu.memory_space<vmem>>, vector<1x16xi32>,
      %swap3A_592 = vector.shape_cast %swap3A_591 : vector<1x16xi32> to vector<16xi32>
      %swap3A_593 = vector.shape_cast %select_n3A_587 : vector<16xi32> to vector<1x16xi32>
      tpu.vector_store %arg12[%swap3A_589, %swap3A_590], %swap3A_593 {strides = array<i32>} : memref<4x4096xi32, #tpu.memory_space<vmem>>, vector<1x16xi32>,
      %select_n3A_594 = arith.select %and3A_582, %get3A_575, %broadcast_in_dim3A_3 : vector<16xi1>, vector<16xi32>
      %swap3A_595 = arith.constant 0 : i32
      %swap3A_596 = arith.index_cast %swap3A_595 : i32 to index
      %swap3A_597 = arith.index_cast %mul3A_565 : i32 to index
      %swap3A_598 = tpu.vector_load %arg13[%swap3A_596, %swap3A_597] {strides = array<i32>} : memref<4x4096xi32, #tpu.memory_space<vmem>>, vector<1x16xi32>,
      %swap3A_599 = vector.shape_cast %swap3A_598 : vector<1x16xi32> to vector<16xi32>
      %swap3A_600 = vector.shape_cast %select_n3A_594 : vector<16xi32> to vector<1x16xi32>
      tpu.vector_store %arg13[%swap3A_596, %swap3A_597], %swap3A_600 {strides = array<i32>} : memref<4x4096xi32, #tpu.memory_space<vmem>>, vector<1x16xi32>,
      %jit3A_601 = arith.constant 1 : i32
      %jit3A_602 = arith.constant 0 : i32
      %broadcast_in_dim3A_603 = vector.broadcast %jit3A_601 : i32 to vector<16xi32>
      %broadcast_in_dim3A_604 = vector.broadcast %jit3A_602 : i32 to vector<16xi32>
      %select_n3A_605 = arith.select %and3A_582, %broadcast_in_dim3A_603, %broadcast_in_dim3A_604 : vector<16xi1>, vector<16xi32>
      %or3A_606 = arith.ori %or3A_561, %select_n3A_605 : vector<16xi32>
      %scan3A_607 = arith.constant 9 : i32
      %scan3A_608 = arith.addi %scan3A_207, %scan3A_607 : i32
      %mul3A_609 = arith.constant 16 : i32
      %mul3A_610 = arith.muli %scan3A_608, %mul3A_609 : i32
      %get3A_611 = arith.constant 0 : i32
      %get3A_612 = arith.index_cast %get3A_611 : i32 to index
      %get3A_613 = arith.index_cast %mul3A_610 : i32 to index
      %get3A_614 = tpu.vector_load %arg9[%get3A_612, %get3A_613] {strides = array<i32>} : memref<4x4096xi32, #tpu.memory_space<vmem>>, vector<1x16xi32>,
      %get3A_615 = vector.shape_cast %get3A_614 : vector<1x16xi32> to vector<16xi32>
      %get3A_616 = arith.constant 0 : i32
      %get3A_617 = arith.index_cast %get3A_616 : i32 to index
      %get3A_618 = arith.index_cast %mul3A_610 : i32 to index
      %get3A_619 = tpu.vector_load %arg8[%get3A_617, %get3A_618] {strides = array<i32>} : memref<4x4096xi32, #tpu.memory_space<vmem>>, vector<1x16xi32>,
      %get3A_620 = vector.shape_cast %get3A_619 : vector<1x16xi32> to vector<16xi32>
      %ne3A_621 = arith.constant -1 : i32
      %ne3A_622 = vector.broadcast %ne3A_621 : i32 to vector<16xi32>
      %ne3A_623 = arith.cmpi ne, %get3A_615, %ne3A_622 : vector<16xi32>
      %ne3A_624 = arith.constant 0 : i32
      %ne3A_625 = vector.broadcast %ne3A_624 : i32 to vector<16xi32>
      %ne3A_626 = arith.cmpi ne, %get3A_620, %ne3A_625 : vector<16xi32>
      %and3A_627 = arith.andi %ne3A_623, %ne3A_626 : vector<16xi1>
      %ge3A_628 = arith.constant 0 : i32
      %ge3A_629 = vector.broadcast %ge3A_628 : i32 to vector<16xi32>
      %ge3A_630 = arith.cmpi sge, %get3A_615, %ge3A_629 : vector<16xi32>
      %and3A_631 = arith.andi %ge3A_630, %and3A_627 : vector<16xi1>
      %select_n3A_632 = arith.select %and3A_631, %get3A_615, %get3A_620 : vector<16xi1>, vector<16xi32>
      %swap3A_633 = arith.constant 0 : i32
      %swap3A_634 = arith.index_cast %swap3A_633 : i32 to index
      %swap3A_635 = arith.index_cast %mul3A_610 : i32 to index
      %swap3A_636 = tpu.vector_load %arg12[%swap3A_634, %swap3A_635] {strides = array<i32>} : memref<4x4096xi32, #tpu.memory_space<vmem>>, vector<1x16xi32>,
      %swap3A_637 = vector.shape_cast %swap3A_636 : vector<1x16xi32> to vector<16xi32>
      %swap3A_638 = vector.shape_cast %select_n3A_632 : vector<16xi32> to vector<1x16xi32>
      tpu.vector_store %arg12[%swap3A_634, %swap3A_635], %swap3A_638 {strides = array<i32>} : memref<4x4096xi32, #tpu.memory_space<vmem>>, vector<1x16xi32>,
      %select_n3A_639 = arith.select %and3A_627, %get3A_620, %broadcast_in_dim3A_3 : vector<16xi1>, vector<16xi32>
      %swap3A_640 = arith.constant 0 : i32
      %swap3A_641 = arith.index_cast %swap3A_640 : i32 to index
      %swap3A_642 = arith.index_cast %mul3A_610 : i32 to index
      %swap3A_643 = tpu.vector_load %arg13[%swap3A_641, %swap3A_642] {strides = array<i32>} : memref<4x4096xi32, #tpu.memory_space<vmem>>, vector<1x16xi32>,
      %swap3A_644 = vector.shape_cast %swap3A_643 : vector<1x16xi32> to vector<16xi32>
      %swap3A_645 = vector.shape_cast %select_n3A_639 : vector<16xi32> to vector<1x16xi32>
      tpu.vector_store %arg13[%swap3A_641, %swap3A_642], %swap3A_645 {strides = array<i32>} : memref<4x4096xi32, #tpu.memory_space<vmem>>, vector<1x16xi32>,
      %jit3A_646 = arith.constant 1 : i32
      %jit3A_647 = arith.constant 0 : i32
      %broadcast_in_dim3A_648 = vector.broadcast %jit3A_646 : i32 to vector<16xi32>
      %broadcast_in_dim3A_649 = vector.broadcast %jit3A_647 : i32 to vector<16xi32>
      %select_n3A_650 = arith.select %and3A_627, %broadcast_in_dim3A_648, %broadcast_in_dim3A_649 : vector<16xi1>, vector<16xi32>
      %or3A_651 = arith.ori %or3A_606, %select_n3A_650 : vector<16xi32>
      %scan3A_652 = arith.constant 10 : i32
      %scan3A_653 = arith.addi %scan3A_207, %scan3A_652 : i32
      %mul3A_654 = arith.constant 16 : i32
      %mul3A_655 = arith.muli %scan3A_653, %mul3A_654 : i32
      %get3A_656 = arith.constant 0 : i32
      %get3A_657 = arith.index_cast %get3A_656 : i32 to index
      %get3A_658 = arith.index_cast %mul3A_655 : i32 to index
      %get3A_659 = tpu.vector_load %arg9[%get3A_657, %get3A_658] {strides = array<i32>} : memref<4x4096xi32, #tpu.memory_space<vmem>>, vector<1x16xi32>,
      %get3A_660 = vector.shape_cast %get3A_659 : vector<1x16xi32> to vector<16xi32>
      %get3A_661 = arith.constant 0 : i32
      %get3A_662 = arith.index_cast %get3A_661 : i32 to index
      %get3A_663 = arith.index_cast %mul3A_655 : i32 to index
      %get3A_664 = tpu.vector_load %arg8[%get3A_662, %get3A_663] {strides = array<i32>} : memref<4x4096xi32, #tpu.memory_space<vmem>>, vector<1x16xi32>,
      %get3A_665 = vector.shape_cast %get3A_664 : vector<1x16xi32> to vector<16xi32>
      %ne3A_666 = arith.constant -1 : i32
      %ne3A_667 = vector.broadcast %ne3A_666 : i32 to vector<16xi32>
      %ne3A_668 = arith.cmpi ne, %get3A_660, %ne3A_667 : vector<16xi32>
      %ne3A_669 = arith.constant 0 : i32
      %ne3A_670 = vector.broadcast %ne3A_669 : i32 to vector<16xi32>
      %ne3A_671 = arith.cmpi ne, %get3A_665, %ne3A_670 : vector<16xi32>
      %and3A_672 = arith.andi %ne3A_668, %ne3A_671 : vector<16xi1>
      %ge3A_673 = arith.constant 0 : i32
      %ge3A_674 = vector.broadcast %ge3A_673 : i32 to vector<16xi32>
      %ge3A_675 = arith.cmpi sge, %get3A_660, %ge3A_674 : vector<16xi32>
      %and3A_676 = arith.andi %ge3A_675, %and3A_672 : vector<16xi1>
      %select_n3A_677 = arith.select %and3A_676, %get3A_660, %get3A_665 : vector<16xi1>, vector<16xi32>
      %swap3A_678 = arith.constant 0 : i32
      %swap3A_679 = arith.index_cast %swap3A_678 : i32 to index
      %swap3A_680 = arith.index_cast %mul3A_655 : i32 to index
      %swap3A_681 = tpu.vector_load %arg12[%swap3A_679, %swap3A_680] {strides = array<i32>} : memref<4x4096xi32, #tpu.memory_space<vmem>>, vector<1x16xi32>,
      %swap3A_682 = vector.shape_cast %swap3A_681 : vector<1x16xi32> to vector<16xi32>
      %swap3A_683 = vector.shape_cast %select_n3A_677 : vector<16xi32> to vector<1x16xi32>
      tpu.vector_store %arg12[%swap3A_679, %swap3A_680], %swap3A_683 {strides = array<i32>} : memref<4x4096xi32, #tpu.memory_space<vmem>>, vector<1x16xi32>,
      %select_n3A_684 = arith.select %and3A_672, %get3A_665, %broadcast_in_dim3A_3 : vector<16xi1>, vector<16xi32>
      %swap3A_685 = arith.constant 0 : i32
      %swap3A_686 = arith.index_cast %swap3A_685 : i32 to index
      %swap3A_687 = arith.index_cast %mul3A_655 : i32 to index
      %swap3A_688 = tpu.vector_load %arg13[%swap3A_686, %swap3A_687] {strides = array<i32>} : memref<4x4096xi32, #tpu.memory_space<vmem>>, vector<1x16xi32>,
      %swap3A_689 = vector.shape_cast %swap3A_688 : vector<1x16xi32> to vector<16xi32>
      %swap3A_690 = vector.shape_cast %select_n3A_684 : vector<16xi32> to vector<1x16xi32>
      tpu.vector_store %arg13[%swap3A_686, %swap3A_687], %swap3A_690 {strides = array<i32>} : memref<4x4096xi32, #tpu.memory_space<vmem>>, vector<1x16xi32>,
      %jit3A_691 = arith.constant 1 : i32
      %jit3A_692 = arith.constant 0 : i32
      %broadcast_in_dim3A_693 = vector.broadcast %jit3A_691 : i32 to vector<16xi32>
      %broadcast_in_dim3A_694 = vector.broadcast %jit3A_692 : i32 to vector<16xi32>
      %select_n3A_695 = arith.select %and3A_672, %broadcast_in_dim3A_693, %broadcast_in_dim3A_694 : vector<16xi1>, vector<16xi32>
      %or3A_696 = arith.ori %or3A_651, %select_n3A_695 : vector<16xi32>
      %scan3A_697 = arith.constant 11 : i32
      %scan3A_698 = arith.addi %scan3A_207, %scan3A_697 : i32
      %mul3A_699 = arith.constant 16 : i32
      %mul3A_700 = arith.muli %scan3A_698, %mul3A_699 : i32
      %get3A_701 = arith.constant 0 : i32
      %get3A_702 = arith.index_cast %get3A_701 : i32 to index
      %get3A_703 = arith.index_cast %mul3A_700 : i32 to index
      %get3A_704 = tpu.vector_load %arg9[%get3A_702, %get3A_703] {strides = array<i32>} : memref<4x4096xi32, #tpu.memory_space<vmem>>, vector<1x16xi32>,
      %get3A_705 = vector.shape_cast %get3A_704 : vector<1x16xi32> to vector<16xi32>
      %get3A_706 = arith.constant 0 : i32
      %get3A_707 = arith.index_cast %get3A_706 : i32 to index
      %get3A_708 = arith.index_cast %mul3A_700 : i32 to index
      %get3A_709 = tpu.vector_load %arg8[%get3A_707, %get3A_708] {strides = array<i32>} : memref<4x4096xi32, #tpu.memory_space<vmem>>, vector<1x16xi32>,
      %get3A_710 = vector.shape_cast %get3A_709 : vector<1x16xi32> to vector<16xi32>
      %ne3A_711 = arith.constant -1 : i32
      %ne3A_712 = vector.broadcast %ne3A_711 : i32 to vector<16xi32>
      %ne3A_713 = arith.cmpi ne, %get3A_705, %ne3A_712 : vector<16xi32>
      %ne3A_714 = arith.constant 0 : i32
      %ne3A_715 = vector.broadcast %ne3A_714 : i32 to vector<16xi32>
      %ne3A_716 = arith.cmpi ne, %get3A_710, %ne3A_715 : vector<16xi32>
      %and3A_717 = arith.andi %ne3A_713, %ne3A_716 : vector<16xi1>
      %ge3A_718 = arith.constant 0 : i32
      %ge3A_719 = vector.broadcast %ge3A_718 : i32 to vector<16xi32>
      %ge3A_720 = arith.cmpi sge, %get3A_705, %ge3A_719 : vector<16xi32>
      %and3A_721 = arith.andi %ge3A_720, %and3A_717 : vector<16xi1>
      %select_n3A_722 = arith.select %and3A_721, %get3A_705, %get3A_710 : vector<16xi1>, vector<16xi32>
      %swap3A_723 = arith.constant 0 : i32
      %swap3A_724 = arith.index_cast %swap3A_723 : i32 to index
      %swap3A_725 = arith.index_cast %mul3A_700 : i32 to index
      %swap3A_726 = tpu.vector_load %arg12[%swap3A_724, %swap3A_725] {strides = array<i32>} : memref<4x4096xi32, #tpu.memory_space<vmem>>, vector<1x16xi32>,
      %swap3A_727 = vector.shape_cast %swap3A_726 : vector<1x16xi32> to vector<16xi32>
      %swap3A_728 = vector.shape_cast %select_n3A_722 : vector<16xi32> to vector<1x16xi32>
      tpu.vector_store %arg12[%swap3A_724, %swap3A_725], %swap3A_728 {strides = array<i32>} : memref<4x4096xi32, #tpu.memory_space<vmem>>, vector<1x16xi32>,
      %select_n3A_729 = arith.select %and3A_717, %get3A_710, %broadcast_in_dim3A_3 : vector<16xi1>, vector<16xi32>
      %swap3A_730 = arith.constant 0 : i32
      %swap3A_731 = arith.index_cast %swap3A_730 : i32 to index
      %swap3A_732 = arith.index_cast %mul3A_700 : i32 to index
      %swap3A_733 = tpu.vector_load %arg13[%swap3A_731, %swap3A_732] {strides = array<i32>} : memref<4x4096xi32, #tpu.memory_space<vmem>>, vector<1x16xi32>,
      %swap3A_734 = vector.shape_cast %swap3A_733 : vector<1x16xi32> to vector<16xi32>
      %swap3A_735 = vector.shape_cast %select_n3A_729 : vector<16xi32> to vector<1x16xi32>
      tpu.vector_store %arg13[%swap3A_731, %swap3A_732], %swap3A_735 {strides = array<i32>} : memref<4x4096xi32, #tpu.memory_space<vmem>>, vector<1x16xi32>,
      %jit3A_736 = arith.constant 1 : i32
      %jit3A_737 = arith.constant 0 : i32
      %broadcast_in_dim3A_738 = vector.broadcast %jit3A_736 : i32 to vector<16xi32>
      %broadcast_in_dim3A_739 = vector.broadcast %jit3A_737 : i32 to vector<16xi32>
      %select_n3A_740 = arith.select %and3A_717, %broadcast_in_dim3A_738, %broadcast_in_dim3A_739 : vector<16xi1>, vector<16xi32>
      %or3A_741 = arith.ori %or3A_696, %select_n3A_740 : vector<16xi32>
      %scan3A_742 = arith.constant 12 : i32
      %scan3A_743 = arith.addi %scan3A_207, %scan3A_742 : i32
      %mul3A_744 = arith.constant 16 : i32
      %mul3A_745 = arith.muli %scan3A_743, %mul3A_744 : i32
      %get3A_746 = arith.constant 0 : i32
      %get3A_747 = arith.index_cast %get3A_746 : i32 to index
      %get3A_748 = arith.index_cast %mul3A_745 : i32 to index
      %get3A_749 = tpu.vector_load %arg9[%get3A_747, %get3A_748] {strides = array<i32>} : memref<4x4096xi32, #tpu.memory_space<vmem>>, vector<1x16xi32>,
      %get3A_750 = vector.shape_cast %get3A_749 : vector<1x16xi32> to vector<16xi32>
      %get3A_751 = arith.constant 0 : i32
      %get3A_752 = arith.index_cast %get3A_751 : i32 to index
      %get3A_753 = arith.index_cast %mul3A_745 : i32 to index
      %get3A_754 = tpu.vector_load %arg8[%get3A_752, %get3A_753] {strides = array<i32>} : memref<4x4096xi32, #tpu.memory_space<vmem>>, vector<1x16xi32>,
      %get3A_755 = vector.shape_cast %get3A_754 : vector<1x16xi32> to vector<16xi32>
      %ne3A_756 = arith.constant -1 : i32
      %ne3A_757 = vector.broadcast %ne3A_756 : i32 to vector<16xi32>
      %ne3A_758 = arith.cmpi ne, %get3A_750, %ne3A_757 : vector<16xi32>
      %ne3A_759 = arith.constant 0 : i32
      %ne3A_760 = vector.broadcast %ne3A_759 : i32 to vector<16xi32>
      %ne3A_761 = arith.cmpi ne, %get3A_755, %ne3A_760 : vector<16xi32>
      %and3A_762 = arith.andi %ne3A_758, %ne3A_761 : vector<16xi1>
      %ge3A_763 = arith.constant 0 : i32
      %ge3A_764 = vector.broadcast %ge3A_763 : i32 to vector<16xi32>
      %ge3A_765 = arith.cmpi sge, %get3A_750, %ge3A_764 : vector<16xi32>
      %and3A_766 = arith.andi %ge3A_765, %and3A_762 : vector<16xi1>
      %select_n3A_767 = arith.select %and3A_766, %get3A_750, %get3A_755 : vector<16xi1>, vector<16xi32>
      %swap3A_768 = arith.constant 0 : i32
      %swap3A_769 = arith.index_cast %swap3A_768 : i32 to index
      %swap3A_770 = arith.index_cast %mul3A_745 : i32 to index
      %swap3A_771 = tpu.vector_load %arg12[%swap3A_769, %swap3A_770] {strides = array<i32>} : memref<4x4096xi32, #tpu.memory_space<vmem>>, vector<1x16xi32>,
      %swap3A_772 = vector.shape_cast %swap3A_771 : vector<1x16xi32> to vector<16xi32>
      %swap3A_773 = vector.shape_cast %select_n3A_767 : vector<16xi32> to vector<1x16xi32>
      tpu.vector_store %arg12[%swap3A_769, %swap3A_770], %swap3A_773 {strides = array<i32>} : memref<4x4096xi32, #tpu.memory_space<vmem>>, vector<1x16xi32>,
      %select_n3A_774 = arith.select %and3A_762, %get3A_755, %broadcast_in_dim3A_3 : vector<16xi1>, vector<16xi32>
      %swap3A_775 = arith.constant 0 : i32
      %swap3A_776 = arith.index_cast %swap3A_775 : i32 to index
      %swap3A_777 = arith.index_cast %mul3A_745 : i32 to index
      %swap3A_778 = tpu.vector_load %arg13[%swap3A_776, %swap3A_777] {strides = array<i32>} : memref<4x4096xi32, #tpu.memory_space<vmem>>, vector<1x16xi32>,
      %swap3A_779 = vector.shape_cast %swap3A_778 : vector<1x16xi32> to vector<16xi32>
      %swap3A_780 = vector.shape_cast %select_n3A_774 : vector<16xi32> to vector<1x16xi32>
      tpu.vector_store %arg13[%swap3A_776, %swap3A_777], %swap3A_780 {strides = array<i32>} : memref<4x4096xi32, #tpu.memory_space<vmem>>, vector<1x16xi32>,
      %jit3A_781 = arith.constant 1 : i32
      %jit3A_782 = arith.constant 0 : i32
      %broadcast_in_dim3A_783 = vector.broadcast %jit3A_781 : i32 to vector<16xi32>
      %broadcast_in_dim3A_784 = vector.broadcast %jit3A_782 : i32 to vector<16xi32>
      %select_n3A_785 = arith.select %and3A_762, %broadcast_in_dim3A_783, %broadcast_in_dim3A_784 : vector<16xi1>, vector<16xi32>
      %or3A_786 = arith.ori %or3A_741, %select_n3A_785 : vector<16xi32>
      %scan3A_787 = arith.constant 13 : i32
      %scan3A_788 = arith.addi %scan3A_207, %scan3A_787 : i32
      %mul3A_789 = arith.constant 16 : i32
      %mul3A_790 = arith.muli %scan3A_788, %mul3A_789 : i32
      %get3A_791 = arith.constant 0 : i32
      %get3A_792 = arith.index_cast %get3A_791 : i32 to index
      %get3A_793 = arith.index_cast %mul3A_790 : i32 to index
      %get3A_794 = tpu.vector_load %arg9[%get3A_792, %get3A_793] {strides = array<i32>} : memref<4x4096xi32, #tpu.memory_space<vmem>>, vector<1x16xi32>,
      %get3A_795 = vector.shape_cast %get3A_794 : vector<1x16xi32> to vector<16xi32>
      %get3A_796 = arith.constant 0 : i32
      %get3A_797 = arith.index_cast %get3A_796 : i32 to index
      %get3A_798 = arith.index_cast %mul3A_790 : i32 to index
      %get3A_799 = tpu.vector_load %arg8[%get3A_797, %get3A_798] {strides = array<i32>} : memref<4x4096xi32, #tpu.memory_space<vmem>>, vector<1x16xi32>,
      %get3A_800 = vector.shape_cast %get3A_799 : vector<1x16xi32> to vector<16xi32>
      %ne3A_801 = arith.constant -1 : i32
      %ne3A_802 = vector.broadcast %ne3A_801 : i32 to vector<16xi32>
      %ne3A_803 = arith.cmpi ne, %get3A_795, %ne3A_802 : vector<16xi32>
      %ne3A_804 = arith.constant 0 : i32
      %ne3A_805 = vector.broadcast %ne3A_804 : i32 to vector<16xi32>
      %ne3A_806 = arith.cmpi ne, %get3A_800, %ne3A_805 : vector<16xi32>
      %and3A_807 = arith.andi %ne3A_803, %ne3A_806 : vector<16xi1>
      %ge3A_808 = arith.constant 0 : i32
      %ge3A_809 = vector.broadcast %ge3A_808 : i32 to vector<16xi32>
      %ge3A_810 = arith.cmpi sge, %get3A_795, %ge3A_809 : vector<16xi32>
      %and3A_811 = arith.andi %ge3A_810, %and3A_807 : vector<16xi1>
      %select_n3A_812 = arith.select %and3A_811, %get3A_795, %get3A_800 : vector<16xi1>, vector<16xi32>
      %swap3A_813 = arith.constant 0 : i32
      %swap3A_814 = arith.index_cast %swap3A_813 : i32 to index
      %swap3A_815 = arith.index_cast %mul3A_790 : i32 to index
      %swap3A_816 = tpu.vector_load %arg12[%swap3A_814, %swap3A_815] {strides = array<i32>} : memref<4x4096xi32, #tpu.memory_space<vmem>>, vector<1x16xi32>,
      %swap3A_817 = vector.shape_cast %swap3A_816 : vector<1x16xi32> to vector<16xi32>
      %swap3A_818 = vector.shape_cast %select_n3A_812 : vector<16xi32> to vector<1x16xi32>
      tpu.vector_store %arg12[%swap3A_814, %swap3A_815], %swap3A_818 {strides = array<i32>} : memref<4x4096xi32, #tpu.memory_space<vmem>>, vector<1x16xi32>,
      %select_n3A_819 = arith.select %and3A_807, %get3A_800, %broadcast_in_dim3A_3 : vector<16xi1>, vector<16xi32>
      %swap3A_820 = arith.constant 0 : i32
      %swap3A_821 = arith.index_cast %swap3A_820 : i32 to index
      %swap3A_822 = arith.index_cast %mul3A_790 : i32 to index
      %swap3A_823 = tpu.vector_load %arg13[%swap3A_821, %swap3A_822] {strides = array<i32>} : memref<4x4096xi32, #tpu.memory_space<vmem>>, vector<1x16xi32>,
      %swap3A_824 = vector.shape_cast %swap3A_823 : vector<1x16xi32> to vector<16xi32>
      %swap3A_825 = vector.shape_cast %select_n3A_819 : vector<16xi32> to vector<1x16xi32>
      tpu.vector_store %arg13[%swap3A_821, %swap3A_822], %swap3A_825 {strides = array<i32>} : memref<4x4096xi32, #tpu.memory_space<vmem>>, vector<1x16xi32>,
      %jit3A_826 = arith.constant 1 : i32
      %jit3A_827 = arith.constant 0 : i32
      %broadcast_in_dim3A_828 = vector.broadcast %jit3A_826 : i32 to vector<16xi32>
      %broadcast_in_dim3A_829 = vector.broadcast %jit3A_827 : i32 to vector<16xi32>
      %select_n3A_830 = arith.select %and3A_807, %broadcast_in_dim3A_828, %broadcast_in_dim3A_829 : vector<16xi1>, vector<16xi32>
      %or3A_831 = arith.ori %or3A_786, %select_n3A_830 : vector<16xi32>
      %scan3A_832 = arith.constant 14 : i32
      %scan3A_833 = arith.addi %scan3A_207, %scan3A_832 : i32
      %mul3A_834 = arith.constant 16 : i32
      %mul3A_835 = arith.muli %scan3A_833, %mul3A_834 : i32
      %get3A_836 = arith.constant 0 : i32
      %get3A_837 = arith.index_cast %get3A_836 : i32 to index
      %get3A_838 = arith.index_cast %mul3A_835 : i32 to index
      %get3A_839 = tpu.vector_load %arg9[%get3A_837, %get3A_838] {strides = array<i32>} : memref<4x4096xi32, #tpu.memory_space<vmem>>, vector<1x16xi32>,
      %get3A_840 = vector.shape_cast %get3A_839 : vector<1x16xi32> to vector<16xi32>
      %get3A_841 = arith.constant 0 : i32
      %get3A_842 = arith.index_cast %get3A_841 : i32 to index
      %get3A_843 = arith.index_cast %mul3A_835 : i32 to index
      %get3A_844 = tpu.vector_load %arg8[%get3A_842, %get3A_843] {strides = array<i32>} : memref<4x4096xi32, #tpu.memory_space<vmem>>, vector<1x16xi32>,
      %get3A_845 = vector.shape_cast %get3A_844 : vector<1x16xi32> to vector<16xi32>
      %ne3A_846 = arith.constant -1 : i32
      %ne3A_847 = vector.broadcast %ne3A_846 : i32 to vector<16xi32>
      %ne3A_848 = arith.cmpi ne, %get3A_840, %ne3A_847 : vector<16xi32>
      %ne3A_849 = arith.constant 0 : i32
      %ne3A_850 = vector.broadcast %ne3A_849 : i32 to vector<16xi32>
      %ne3A_851 = arith.cmpi ne, %get3A_845, %ne3A_850 : vector<16xi32>
      %and3A_852 = arith.andi %ne3A_848, %ne3A_851 : vector<16xi1>
      %ge3A_853 = arith.constant 0 : i32
      %ge3A_854 = vector.broadcast %ge3A_853 : i32 to vector<16xi32>
      %ge3A_855 = arith.cmpi sge, %get3A_840, %ge3A_854 : vector<16xi32>
      %and3A_856 = arith.andi %ge3A_855, %and3A_852 : vector<16xi1>
      %select_n3A_857 = arith.select %and3A_856, %get3A_840, %get3A_845 : vector<16xi1>, vector<16xi32>
      %swap3A_858 = arith.constant 0 : i32
      %swap3A_859 = arith.index_cast %swap3A_858 : i32 to index
      %swap3A_860 = arith.index_cast %mul3A_835 : i32 to index
      %swap3A_861 = tpu.vector_load %arg12[%swap3A_859, %swap3A_860] {strides = array<i32>} : memref<4x4096xi32, #tpu.memory_space<vmem>>, vector<1x16xi32>,
      %swap3A_862 = vector.shape_cast %swap3A_861 : vector<1x16xi32> to vector<16xi32>
      %swap3A_863 = vector.shape_cast %select_n3A_857 : vector<16xi32> to vector<1x16xi32>
      tpu.vector_store %arg12[%swap3A_859, %swap3A_860], %swap3A_863 {strides = array<i32>} : memref<4x4096xi32, #tpu.memory_space<vmem>>, vector<1x16xi32>,
      %select_n3A_864 = arith.select %and3A_852, %get3A_845, %broadcast_in_dim3A_3 : vector<16xi1>, vector<16xi32>
      %swap3A_865 = arith.constant 0 : i32
      %swap3A_866 = arith.index_cast %swap3A_865 : i32 to index
      %swap3A_867 = arith.index_cast %mul3A_835 : i32 to index
      %swap3A_868 = tpu.vector_load %arg13[%swap3A_866, %swap3A_867] {strides = array<i32>} : memref<4x4096xi32, #tpu.memory_space<vmem>>, vector<1x16xi32>,
      %swap3A_869 = vector.shape_cast %swap3A_868 : vector<1x16xi32> to vector<16xi32>
      %swap3A_870 = vector.shape_cast %select_n3A_864 : vector<16xi32> to vector<1x16xi32>
      tpu.vector_store %arg13[%swap3A_866, %swap3A_867], %swap3A_870 {strides = array<i32>} : memref<4x4096xi32, #tpu.memory_space<vmem>>, vector<1x16xi32>,
      %jit3A_871 = arith.constant 1 : i32
      %jit3A_872 = arith.constant 0 : i32
      %broadcast_in_dim3A_873 = vector.broadcast %jit3A_871 : i32 to vector<16xi32>
      %broadcast_in_dim3A_874 = vector.broadcast %jit3A_872 : i32 to vector<16xi32>
      %select_n3A_875 = arith.select %and3A_852, %broadcast_in_dim3A_873, %broadcast_in_dim3A_874 : vector<16xi1>, vector<16xi32>
      %or3A_876 = arith.ori %or3A_831, %select_n3A_875 : vector<16xi32>
      %scan3A_877 = arith.constant 15 : i32
      %scan3A_878 = arith.addi %scan3A_207, %scan3A_877 : i32
      %mul3A_879 = arith.constant 16 : i32
      %mul3A_880 = arith.muli %scan3A_878, %mul3A_879 : i32
      %get3A_881 = arith.constant 0 : i32
      %get3A_882 = arith.index_cast %get3A_881 : i32 to index
      %get3A_883 = arith.index_cast %mul3A_880 : i32 to index
      %get3A_884 = tpu.vector_load %arg9[%get3A_882, %get3A_883] {strides = array<i32>} : memref<4x4096xi32, #tpu.memory_space<vmem>>, vector<1x16xi32>,
      %get3A_885 = vector.shape_cast %get3A_884 : vector<1x16xi32> to vector<16xi32>
      %get3A_886 = arith.constant 0 : i32
      %get3A_887 = arith.index_cast %get3A_886 : i32 to index
      %get3A_888 = arith.index_cast %mul3A_880 : i32 to index
      %get3A_889 = tpu.vector_load %arg8[%get3A_887, %get3A_888] {strides = array<i32>} : memref<4x4096xi32, #tpu.memory_space<vmem>>, vector<1x16xi32>,
      %get3A_890 = vector.shape_cast %get3A_889 : vector<1x16xi32> to vector<16xi32>
      %ne3A_891 = arith.constant -1 : i32
      %ne3A_892 = vector.broadcast %ne3A_891 : i32 to vector<16xi32>
      %ne3A_893 = arith.cmpi ne, %get3A_885, %ne3A_892 : vector<16xi32>
      %ne3A_894 = arith.constant 0 : i32
      %ne3A_895 = vector.broadcast %ne3A_894 : i32 to vector<16xi32>
      %ne3A_896 = arith.cmpi ne, %get3A_890, %ne3A_895 : vector<16xi32>
      %and3A_897 = arith.andi %ne3A_893, %ne3A_896 : vector<16xi1>
      %ge3A_898 = arith.constant 0 : i32
      %ge3A_899 = vector.broadcast %ge3A_898 : i32 to vector<16xi32>
      %ge3A_900 = arith.cmpi sge, %get3A_885, %ge3A_899 : vector<16xi32>
      %and3A_901 = arith.andi %ge3A_900, %and3A_897 : vector<16xi1>
      %select_n3A_902 = arith.select %and3A_901, %get3A_885, %get3A_890 : vector<16xi1>, vector<16xi32>
      %swap3A_903 = arith.constant 0 : i32
      %swap3A_904 = arith.index_cast %swap3A_903 : i32 to index
      %swap3A_905 = arith.index_cast %mul3A_880 : i32 to index
      %swap3A_906 = tpu.vector_load %arg12[%swap3A_904, %swap3A_905] {strides = array<i32>} : memref<4x4096xi32, #tpu.memory_space<vmem>>, vector<1x16xi32>,
      %swap3A_907 = vector.shape_cast %swap3A_906 : vector<1x16xi32> to vector<16xi32>
      %swap3A_908 = vector.shape_cast %select_n3A_902 : vector<16xi32> to vector<1x16xi32>
      tpu.vector_store %arg12[%swap3A_904, %swap3A_905], %swap3A_908 {strides = array<i32>} : memref<4x4096xi32, #tpu.memory_space<vmem>>, vector<1x16xi32>,
      %select_n3A_909 = arith.select %and3A_897, %get3A_890, %broadcast_in_dim3A_3 : vector<16xi1>, vector<16xi32>
      %swap3A_910 = arith.constant 0 : i32
      %swap3A_911 = arith.index_cast %swap3A_910 : i32 to index
      %swap3A_912 = arith.index_cast %mul3A_880 : i32 to index
      %swap3A_913 = tpu.vector_load %arg13[%swap3A_911, %swap3A_912] {strides = array<i32>} : memref<4x4096xi32, #tpu.memory_space<vmem>>, vector<1x16xi32>,
      %swap3A_914 = vector.shape_cast %swap3A_913 : vector<1x16xi32> to vector<16xi32>
      %swap3A_915 = vector.shape_cast %select_n3A_909 : vector<16xi32> to vector<1x16xi32>
      tpu.vector_store %arg13[%swap3A_911, %swap3A_912], %swap3A_915 {strides = array<i32>} : memref<4x4096xi32, #tpu.memory_space<vmem>>, vector<1x16xi32>,
      %jit3A_916 = arith.constant 1 : i32
      %jit3A_917 = arith.constant 0 : i32
      %broadcast_in_dim3A_918 = vector.broadcast %jit3A_916 : i32 to vector<16xi32>
      %broadcast_in_dim3A_919 = vector.broadcast %jit3A_917 : i32 to vector<16xi32>
      %select_n3A_920 = arith.select %and3A_897, %broadcast_in_dim3A_918, %broadcast_in_dim3A_919 : vector<16xi1>, vector<16xi32>
      %or3A_921 = arith.ori %or3A_876, %select_n3A_920 : vector<16xi32>
      scf.yield %or3A_921 : vector<16xi32>
    }
    %scan3A_10 = arith.constant 256 : i32
    %broadcast_in_dim3A_11 = arith.constant 0 : i32
    %broadcast_in_dim3A_12 = vector.broadcast %broadcast_in_dim3A_11 : i32 to vector<16xi32>
    %swap3A = arith.constant 16 : index
    %swap3A_13 = tpu.vector_load %arg14[%swap3A] {strides = array<i32>} : memref<32xi32, #tpu.memory_space<vmem>>, vector<16xi32>,
    %swap3A_14 = vector.shape_cast %swap3A_13 : vector<16xi32> to vector<16xi32>
    %swap3A_15 = vector.shape_cast %broadcast_in_dim3A_12 : vector<16xi32> to vector<16xi32>
    tpu.vector_store %arg14[%swap3A], %swap3A_15 {strides = array<i32>} : memref<32xi32, #tpu.memory_space<vmem>>, vector<16xi32>,
    %swap3A_16 = arith.constant 0 : index
    %swap3A_17 = tpu.vector_load %arg14[%swap3A_16] {strides = array<i32>} : memref<32xi32, #tpu.memory_space<vmem>>, vector<16xi32>,
    %swap3A_18 = vector.shape_cast %swap3A_17 : vector<16xi32> to vector<16xi32>
    %swap3A_19 = vector.shape_cast %scan3A_9 : vector<16xi32> to vector<16xi32>
    tpu.vector_store %arg14[%swap3A_16], %swap3A_19 {strides = array<i32>} : memref<32xi32, #tpu.memory_space<vmem>>, vector<16xi32>,
    %get3A = arith.constant 8 : index
    %get3A_20 = tpu.vector_load %arg14[%get3A] {strides = array<i32>} : memref<32xi32, #tpu.memory_space<vmem>>, vector<16xi32>,
    %get3A_21 = vector.shape_cast %get3A_20 : vector<16xi32> to vector<16xi32>
    %or3A = arith.ori %scan3A_9, %get3A_21 : vector<16xi32>
    %swap3A_22 = arith.constant 0 : index
    %swap3A_23 = tpu.vector_load %arg14[%swap3A_22] {strides = array<i32>} : memref<32xi32, #tpu.memory_space<vmem>>, vector<16xi32>,
    %swap3A_24 = vector.shape_cast %swap3A_23 : vector<16xi32> to vector<16xi32>
    %swap3A_25 = vector.shape_cast %or3A : vector<16xi32> to vector<16xi32>
    tpu.vector_store %arg14[%swap3A_22], %swap3A_25 {strides = array<i32>} : memref<32xi32, #tpu.memory_space<vmem>>, vector<16xi32>,
    %get3A_26 = arith.constant 4 : index
    %get3A_27 = tpu.vector_load %arg14[%get3A_26] {strides = array<i32>} : memref<32xi32, #tpu.memory_space<vmem>>, vector<16xi32>,
    %get3A_28 = vector.shape_cast %get3A_27 : vector<16xi32> to vector<16xi32>
    %or3A_29 = arith.ori %or3A, %get3A_28 : vector<16xi32>
    %swap3A_30 = arith.constant 0 : index
    %swap3A_31 = tpu.vector_load %arg14[%swap3A_30] {strides = array<i32>} : memref<32xi32, #tpu.memory_space<vmem>>, vector<16xi32>,
    %swap3A_32 = vector.shape_cast %swap3A_31 : vector<16xi32> to vector<16xi32>
    %swap3A_33 = vector.shape_cast %or3A_29 : vector<16xi32> to vector<16xi32>
    tpu.vector_store %arg14[%swap3A_30], %swap3A_33 {strides = array<i32>} : memref<32xi32, #tpu.memory_space<vmem>>, vector<16xi32>,
    %get3A_34 = arith.constant 2 : index
    %get3A_35 = tpu.vector_load %arg14[%get3A_34] {strides = array<i32>} : memref<32xi32, #tpu.memory_space<vmem>>, vector<16xi32>,
    %get3A_36 = vector.shape_cast %get3A_35 : vector<16xi32> to vector<16xi32>
    %or3A_37 = arith.ori %or3A_29, %get3A_36 : vector<16xi32>
    %swap3A_38 = arith.constant 0 : index
    %swap3A_39 = tpu.vector_load %arg14[%swap3A_38] {strides = array<i32>} : memref<32xi32, #tpu.memory_space<vmem>>, vector<16xi32>,
    %swap3A_40 = vector.shape_cast %swap3A_39 : vector<16xi32> to vector<16xi32>
    %swap3A_41 = vector.shape_cast %or3A_37 : vector<16xi32> to vector<16xi32>
    tpu.vector_store %arg14[%swap3A_38], %swap3A_41 {strides = array<i32>} : memref<32xi32, #tpu.memory_space<vmem>>, vector<16xi32>,
    %get3A_42 = arith.constant 1 : index
    %get3A_43 = tpu.vector_load %arg14[%get3A_42] {strides = array<i32>} : memref<32xi32, #tpu.memory_space<vmem>>, vector<16xi32>,
    %get3A_44 = vector.shape_cast %get3A_43 : vector<16xi32> to vector<16xi32>
    %or3A_45 = arith.ori %or3A_37, %get3A_44 : vector<16xi32>
    %slice3A = vector.extract_strided_slice %or3A_45 {offsets = [0], sizes = [1], strides = [1]} : vector<16xi32> to vector<1xi32>
    %squeeze3A = vector.extract %slice3A[0] : i32 from vector<1xi32>
    %eq3A = arith.constant 0 : i32
    %eq3A_46 = arith.cmpi eq, %squeeze3A, %eq3A : i32
    %convert_element_type3A = arith.extui %eq3A_46 : i1 to i32
    %cond3A = arith.constant 0 : i32
    %cond3A_47 = arith.cmpi ne, %convert_element_type3A, %cond3A : i32
    scf.if %cond3A_47 {
      %get3A_207 = arith.constant 0 : i32
      %get3A_208 = arith.index_cast %get3A_207 : i32 to index
      %get3A_209 = arith.constant 0 : index
      %get3A_210 = tpu.vector_load %arg10[%get3A_208, %get3A_209] {strides = array<i32>} : memref<4x16xi32, #tpu.memory_space<vmem>>, vector<1x16xi32>,
      %get3A_211 = vector.shape_cast %get3A_210 : vector<1x16xi32> to vector<16xi32>
      %slice3A_212 = vector.extract_strided_slice %get3A_211 {offsets = [0], sizes = [1], strides = [1]} : vector<16xi32> to vector<1xi32>
      %squeeze3A_213 = vector.extract %slice3A_212[0] : i32 from vector<1xi32>
      %get3A_214 = arith.constant 0 : i32
      %get3A_215 = arith.index_cast %get3A_214 : i32 to index
      %get3A_216 = arith.constant 0 : index
      %get3A_217 = tpu.vector_load %arg11[%get3A_215, %get3A_216] {strides = array<i32>} : memref<4x16xi32, #tpu.memory_space<vmem>>, vector<1x16xi32>,
      %get3A_218 = vector.shape_cast %get3A_217 : vector<1x16xi32> to vector<16xi32>
      %shift_right_arithmetic3A = arith.constant 4 : i32
      %shift_right_arithmetic3A_219 = arith.shrsi %squeeze3A_213, %shift_right_arithmetic3A : i32
      %shift_left3A = arith.constant 4 : i32
      %shift_left3A_220 = arith.shli %shift_right_arithmetic3A_219, %shift_left3A : i32
      %multiple_of3A = tpu.assume_multiple %shift_left3A_220, 16 : i32
      %and3A = arith.constant 15 : i32
      %and3A_221 = arith.andi %squeeze3A_213, %and3A : i32
      %get3A_222 = arith.constant 0 : i32
      %get3A_223 = arith.index_cast %get3A_222 : i32 to index
      %get3A_224 = arith.index_cast %multiple_of3A : i32 to index
      %get3A_225 = tpu.vector_load %arg8[%get3A_223, %get3A_224] {strides = array<i32>} : memref<4x4096xi32, #tpu.memory_space<vmem>>, vector<1x16xi32>,
      %get3A_226 = vector.shape_cast %get3A_225 : vector<1x16xi32> to vector<16xi32>
      %get3A_227 = arith.constant 0 : i32
      %get3A_228 = arith.index_cast %get3A_227 : i32 to index
      %get3A_229 = arith.index_cast %multiple_of3A : i32 to index
      %get3A_230 = tpu.vector_load %arg9[%get3A_228, %get3A_229] {strides = array<i32>} : memref<4x4096xi32, #tpu.memory_space<vmem>>, vector<1x16xi32>,
      %get3A_231 = vector.shape_cast %get3A_230 : vector<1x16xi32> to vector<16xi32>
      %eq3A_232 = vector.broadcast %and3A_221 : i32 to vector<16xi32>
      %eq3A_233 = arith.cmpi eq, %iota3A, %eq3A_232 : vector<16xi32>
      %ne3A = arith.constant -1 : i32
      %ne3A_234 = vector.broadcast %ne3A : i32 to vector<16xi32>
      %ne3A_235 = arith.cmpi ne, %get3A_231, %ne3A_234 : vector<16xi32>
      %ne3A_236 = arith.constant 0 : i32
      %ne3A_237 = vector.broadcast %ne3A_236 : i32 to vector<16xi32>
      %ne3A_238 = arith.cmpi ne, %get3A_226, %ne3A_237 : vector<16xi32>
      %and3A_239 = arith.andi %ne3A_235, %ne3A_238 : vector<16xi1>
      %or3A_240 = arith.ori %and3A_239, %eq3A_233 : vector<16xi1>
      %select_n3A = arith.select %eq3A_233, %get3A_218, %get3A_231 : vector<16xi1>, vector<16xi32>
      %ge3A = arith.constant 0 : i32
      %ge3A_241 = vector.broadcast %ge3A : i32 to vector<16xi32>
      %ge3A_242 = arith.cmpi sge, %select_n3A, %ge3A_241 : vector<16xi32>
      %and3A_243 = arith.andi %ge3A_242, %or3A_240 : vector<16xi1>
      %select_n3A_244 = arith.select %and3A_243, %select_n3A, %get3A_226 : vector<16xi1>, vector<16xi32>
      %swap3A_245 = arith.constant 0 : i32
      %swap3A_246 = arith.index_cast %swap3A_245 : i32 to index
      %swap3A_247 = arith.index_cast %multiple_of3A : i32 to index
      %swap3A_248 = tpu.vector_load %arg12[%swap3A_246, %swap3A_247] {strides = array<i32>} : memref<4x4096xi32, #tpu.memory_space<vmem>>, vector<1x16xi32>,
      %swap3A_249 = vector.shape_cast %swap3A_248 : vector<1x16xi32> to vector<16xi32>
      %swap3A_250 = vector.shape_cast %select_n3A_244 : vector<16xi32> to vector<1x16xi32>
      tpu.vector_store %arg12[%swap3A_246, %swap3A_247], %swap3A_250 {strides = array<i32>} : memref<4x4096xi32, #tpu.memory_space<vmem>>, vector<1x16xi32>,
      %select_n3A_251 = arith.select %or3A_240, %get3A_226, %broadcast_in_dim3A_3 : vector<16xi1>, vector<16xi32>
      %swap3A_252 = arith.constant 0 : i32
      %swap3A_253 = arith.index_cast %swap3A_252 : i32 to index
      %swap3A_254 = arith.index_cast %multiple_of3A : i32 to index
      %swap3A_255 = tpu.vector_load %arg13[%swap3A_253, %swap3A_254] {strides = array<i32>} : memref<4x4096xi32, #tpu.memory_space<vmem>>, vector<1x16xi32>,
      %swap3A_256 = vector.shape_cast %swap3A_255 : vector<1x16xi32> to vector<16xi32>
      %swap3A_257 = vector.shape_cast %select_n3A_251 : vector<16xi32> to vector<1x16xi32>
      tpu.vector_store %arg13[%swap3A_253, %swap3A_254], %swap3A_257 {strides = array<i32>} : memref<4x4096xi32, #tpu.memory_space<vmem>>, vector<1x16xi32>,
    } else {
    }
    %broadcast_in_dim3A_48 = arith.constant 0 : i32
    %broadcast_in_dim3A_49 = vector.broadcast %broadcast_in_dim3A_48 : i32 to vector<16xi32>
    %scan3A_50 = arith.constant 0 : i32
    %scan3A_51 = arith.constant 256 : i32
    %scan3A_52 = arith.addi %scan3A_50, %scan3A_51 : i32
    %scan3A_53 = arith.constant 16 : i32
    %scan3A_54 = scf.for %scan3A_207 = %scan3A_50 to %scan3A_52 step %scan3A_53 iter_args(%scan3A_208 = %broadcast_in_dim3A_49) -> (vector<16xi32>)  : i32 {
      %mul3A_209 = arith.constant 16 : i32
      %mul3A_210 = arith.muli %scan3A_207, %mul3A_209 : i32
      %get3A_211 = arith.constant 1 : i32
      %get3A_212 = arith.index_cast %get3A_211 : i32 to index
      %get3A_213 = arith.index_cast %mul3A_210 : i32 to index
      %get3A_214 = tpu.vector_load %arg9[%get3A_212, %get3A_213] {strides = array<i32>} : memref<4x4096xi32, #tpu.memory_space<vmem>>, vector<1x16xi32>,
      %get3A_215 = vector.shape_cast %get3A_214 : vector<1x16xi32> to vector<16xi32>
      %get3A_216 = arith.constant 1 : i32
      %get3A_217 = arith.index_cast %get3A_216 : i32 to index
      %get3A_218 = arith.index_cast %mul3A_210 : i32 to index
      %get3A_219 = tpu.vector_load %arg8[%get3A_217, %get3A_218] {strides = array<i32>} : memref<4x4096xi32, #tpu.memory_space<vmem>>, vector<1x16xi32>,
      %get3A_220 = vector.shape_cast %get3A_219 : vector<1x16xi32> to vector<16xi32>
      %ne3A = arith.constant -1 : i32
      %ne3A_221 = vector.broadcast %ne3A : i32 to vector<16xi32>
      %ne3A_222 = arith.cmpi ne, %get3A_215, %ne3A_221 : vector<16xi32>
      %ne3A_223 = arith.constant 0 : i32
      %ne3A_224 = vector.broadcast %ne3A_223 : i32 to vector<16xi32>
      %ne3A_225 = arith.cmpi ne, %get3A_220, %ne3A_224 : vector<16xi32>
      %and3A = arith.andi %ne3A_222, %ne3A_225 : vector<16xi1>
      %ge3A = arith.constant 0 : i32
      %ge3A_226 = vector.broadcast %ge3A : i32 to vector<16xi32>
      %ge3A_227 = arith.cmpi sge, %get3A_215, %ge3A_226 : vector<16xi32>
      %and3A_228 = arith.andi %ge3A_227, %and3A : vector<16xi1>
      %select_n3A = arith.select %and3A_228, %get3A_215, %get3A_220 : vector<16xi1>, vector<16xi32>
      %swap3A_229 = arith.constant 1 : i32
      %swap3A_230 = arith.index_cast %swap3A_229 : i32 to index
      %swap3A_231 = arith.index_cast %mul3A_210 : i32 to index
      %swap3A_232 = tpu.vector_load %arg12[%swap3A_230, %swap3A_231] {strides = array<i32>} : memref<4x4096xi32, #tpu.memory_space<vmem>>, vector<1x16xi32>,
      %swap3A_233 = vector.shape_cast %swap3A_232 : vector<1x16xi32> to vector<16xi32>
      %swap3A_234 = vector.shape_cast %select_n3A : vector<16xi32> to vector<1x16xi32>
      tpu.vector_store %arg12[%swap3A_230, %swap3A_231], %swap3A_234 {strides = array<i32>} : memref<4x4096xi32, #tpu.memory_space<vmem>>, vector<1x16xi32>,
      %select_n3A_235 = arith.select %and3A, %get3A_220, %broadcast_in_dim3A_3 : vector<16xi1>, vector<16xi32>
      %swap3A_236 = arith.constant 1 : i32
      %swap3A_237 = arith.index_cast %swap3A_236 : i32 to index
      %swap3A_238 = arith.index_cast %mul3A_210 : i32 to index
      %swap3A_239 = tpu.vector_load %arg13[%swap3A_237, %swap3A_238] {strides = array<i32>} : memref<4x4096xi32, #tpu.memory_space<vmem>>, vector<1x16xi32>,
      %swap3A_240 = vector.shape_cast %swap3A_239 : vector<1x16xi32> to vector<16xi32>
      %swap3A_241 = vector.shape_cast %select_n3A_235 : vector<16xi32> to vector<1x16xi32>
      tpu.vector_store %arg13[%swap3A_237, %swap3A_238], %swap3A_241 {strides = array<i32>} : memref<4x4096xi32, #tpu.memory_space<vmem>>, vector<1x16xi32>,
      %jit3A = arith.constant 1 : i32
      %jit3A_242 = arith.constant 0 : i32
      %broadcast_in_dim3A_243 = vector.broadcast %jit3A : i32 to vector<16xi32>
      %broadcast_in_dim3A_244 = vector.broadcast %jit3A_242 : i32 to vector<16xi32>
      %select_n3A_245 = arith.select %and3A, %broadcast_in_dim3A_243, %broadcast_in_dim3A_244 : vector<16xi1>, vector<16xi32>
      %or3A_246 = arith.ori %scan3A_208, %select_n3A_245 : vector<16xi32>
      %scan3A_247 = arith.constant 1 : i32
      %scan3A_248 = arith.addi %scan3A_207, %scan3A_247 : i32
      %mul3A_249 = arith.constant 16 : i32
      %mul3A_250 = arith.muli %scan3A_248, %mul3A_249 : i32
      %get3A_251 = arith.constant 1 : i32
      %get3A_252 = arith.index_cast %get3A_251 : i32 to index
      %get3A_253 = arith.index_cast %mul3A_250 : i32 to index
      %get3A_254 = tpu.vector_load %arg9[%get3A_252, %get3A_253] {strides = array<i32>} : memref<4x4096xi32, #tpu.memory_space<vmem>>, vector<1x16xi32>,
      %get3A_255 = vector.shape_cast %get3A_254 : vector<1x16xi32> to vector<16xi32>
      %get3A_256 = arith.constant 1 : i32
      %get3A_257 = arith.index_cast %get3A_256 : i32 to index
      %get3A_258 = arith.index_cast %mul3A_250 : i32 to index
      %get3A_259 = tpu.vector_load %arg8[%get3A_257, %get3A_258] {strides = array<i32>} : memref<4x4096xi32, #tpu.memory_space<vmem>>, vector<1x16xi32>,
      %get3A_260 = vector.shape_cast %get3A_259 : vector<1x16xi32> to vector<16xi32>
      %ne3A_261 = arith.constant -1 : i32
      %ne3A_262 = vector.broadcast %ne3A_261 : i32 to vector<16xi32>
      %ne3A_263 = arith.cmpi ne, %get3A_255, %ne3A_262 : vector<16xi32>
      %ne3A_264 = arith.constant 0 : i32
      %ne3A_265 = vector.broadcast %ne3A_264 : i32 to vector<16xi32>
      %ne3A_266 = arith.cmpi ne, %get3A_260, %ne3A_265 : vector<16xi32>
      %and3A_267 = arith.andi %ne3A_263, %ne3A_266 : vector<16xi1>
      %ge3A_268 = arith.constant 0 : i32
      %ge3A_269 = vector.broadcast %ge3A_268 : i32 to vector<16xi32>
      %ge3A_270 = arith.cmpi sge, %get3A_255, %ge3A_269 : vector<16xi32>
      %and3A_271 = arith.andi %ge3A_270, %and3A_267 : vector<16xi1>
      %select_n3A_272 = arith.select %and3A_271, %get3A_255, %get3A_260 : vector<16xi1>, vector<16xi32>
      %swap3A_273 = arith.constant 1 : i32
      %swap3A_274 = arith.index_cast %swap3A_273 : i32 to index
      %swap3A_275 = arith.index_cast %mul3A_250 : i32 to index
      %swap3A_276 = tpu.vector_load %arg12[%swap3A_274, %swap3A_275] {strides = array<i32>} : memref<4x4096xi32, #tpu.memory_space<vmem>>, vector<1x16xi32>,
      %swap3A_277 = vector.shape_cast %swap3A_276 : vector<1x16xi32> to vector<16xi32>
      %swap3A_278 = vector.shape_cast %select_n3A_272 : vector<16xi32> to vector<1x16xi32>
      tpu.vector_store %arg12[%swap3A_274, %swap3A_275], %swap3A_278 {strides = array<i32>} : memref<4x4096xi32, #tpu.memory_space<vmem>>, vector<1x16xi32>,
      %select_n3A_279 = arith.select %and3A_267, %get3A_260, %broadcast_in_dim3A_3 : vector<16xi1>, vector<16xi32>
      %swap3A_280 = arith.constant 1 : i32
      %swap3A_281 = arith.index_cast %swap3A_280 : i32 to index
      %swap3A_282 = arith.index_cast %mul3A_250 : i32 to index
      %swap3A_283 = tpu.vector_load %arg13[%swap3A_281, %swap3A_282] {strides = array<i32>} : memref<4x4096xi32, #tpu.memory_space<vmem>>, vector<1x16xi32>,
      %swap3A_284 = vector.shape_cast %swap3A_283 : vector<1x16xi32> to vector<16xi32>
      %swap3A_285 = vector.shape_cast %select_n3A_279 : vector<16xi32> to vector<1x16xi32>
      tpu.vector_store %arg13[%swap3A_281, %swap3A_282], %swap3A_285 {strides = array<i32>} : memref<4x4096xi32, #tpu.memory_space<vmem>>, vector<1x16xi32>,
      %jit3A_286 = arith.constant 1 : i32
      %jit3A_287 = arith.constant 0 : i32
      %broadcast_in_dim3A_288 = vector.broadcast %jit3A_286 : i32 to vector<16xi32>
      %broadcast_in_dim3A_289 = vector.broadcast %jit3A_287 : i32 to vector<16xi32>
      %select_n3A_290 = arith.select %and3A_267, %broadcast_in_dim3A_288, %broadcast_in_dim3A_289 : vector<16xi1>, vector<16xi32>
      %or3A_291 = arith.ori %or3A_246, %select_n3A_290 : vector<16xi32>
      %scan3A_292 = arith.constant 2 : i32
      %scan3A_293 = arith.addi %scan3A_207, %scan3A_292 : i32
      %mul3A_294 = arith.constant 16 : i32
      %mul3A_295 = arith.muli %scan3A_293, %mul3A_294 : i32
      %get3A_296 = arith.constant 1 : i32
      %get3A_297 = arith.index_cast %get3A_296 : i32 to index
      %get3A_298 = arith.index_cast %mul3A_295 : i32 to index
      %get3A_299 = tpu.vector_load %arg9[%get3A_297, %get3A_298] {strides = array<i32>} : memref<4x4096xi32, #tpu.memory_space<vmem>>, vector<1x16xi32>,
      %get3A_300 = vector.shape_cast %get3A_299 : vector<1x16xi32> to vector<16xi32>
      %get3A_301 = arith.constant 1 : i32
      %get3A_302 = arith.index_cast %get3A_301 : i32 to index
      %get3A_303 = arith.index_cast %mul3A_295 : i32 to index
      %get3A_304 = tpu.vector_load %arg8[%get3A_302, %get3A_303] {strides = array<i32>} : memref<4x4096xi32, #tpu.memory_space<vmem>>, vector<1x16xi32>,
      %get3A_305 = vector.shape_cast %get3A_304 : vector<1x16xi32> to vector<16xi32>
      %ne3A_306 = arith.constant -1 : i32
      %ne3A_307 = vector.broadcast %ne3A_306 : i32 to vector<16xi32>
      %ne3A_308 = arith.cmpi ne, %get3A_300, %ne3A_307 : vector<16xi32>
      %ne3A_309 = arith.constant 0 : i32
      %ne3A_310 = vector.broadcast %ne3A_309 : i32 to vector<16xi32>
      %ne3A_311 = arith.cmpi ne, %get3A_305, %ne3A_310 : vector<16xi32>
      %and3A_312 = arith.andi %ne3A_308, %ne3A_311 : vector<16xi1>
      %ge3A_313 = arith.constant 0 : i32
      %ge3A_314 = vector.broadcast %ge3A_313 : i32 to vector<16xi32>
      %ge3A_315 = arith.cmpi sge, %get3A_300, %ge3A_314 : vector<16xi32>
      %and3A_316 = arith.andi %ge3A_315, %and3A_312 : vector<16xi1>
      %select_n3A_317 = arith.select %and3A_316, %get3A_300, %get3A_305 : vector<16xi1>, vector<16xi32>
      %swap3A_318 = arith.constant 1 : i32
      %swap3A_319 = arith.index_cast %swap3A_318 : i32 to index
      %swap3A_320 = arith.index_cast %mul3A_295 : i32 to index
      %swap3A_321 = tpu.vector_load %arg12[%swap3A_319, %swap3A_320] {strides = array<i32>} : memref<4x4096xi32, #tpu.memory_space<vmem>>, vector<1x16xi32>,
      %swap3A_322 = vector.shape_cast %swap3A_321 : vector<1x16xi32> to vector<16xi32>
      %swap3A_323 = vector.shape_cast %select_n3A_317 : vector<16xi32> to vector<1x16xi32>
      tpu.vector_store %arg12[%swap3A_319, %swap3A_320], %swap3A_323 {strides = array<i32>} : memref<4x4096xi32, #tpu.memory_space<vmem>>, vector<1x16xi32>,
      %select_n3A_324 = arith.select %and3A_312, %get3A_305, %broadcast_in_dim3A_3 : vector<16xi1>, vector<16xi32>
      %swap3A_325 = arith.constant 1 : i32
      %swap3A_326 = arith.index_cast %swap3A_325 : i32 to index
      %swap3A_327 = arith.index_cast %mul3A_295 : i32 to index
      %swap3A_328 = tpu.vector_load %arg13[%swap3A_326, %swap3A_327] {strides = array<i32>} : memref<4x4096xi32, #tpu.memory_space<vmem>>, vector<1x16xi32>,
      %swap3A_329 = vector.shape_cast %swap3A_328 : vector<1x16xi32> to vector<16xi32>
      %swap3A_330 = vector.shape_cast %select_n3A_324 : vector<16xi32> to vector<1x16xi32>
      tpu.vector_store %arg13[%swap3A_326, %swap3A_327], %swap3A_330 {strides = array<i32>} : memref<4x4096xi32, #tpu.memory_space<vmem>>, vector<1x16xi32>,
      %jit3A_331 = arith.constant 1 : i32
      %jit3A_332 = arith.constant 0 : i32
      %broadcast_in_dim3A_333 = vector.broadcast %jit3A_331 : i32 to vector<16xi32>
      %broadcast_in_dim3A_334 = vector.broadcast %jit3A_332 : i32 to vector<16xi32>
      %select_n3A_335 = arith.select %and3A_312, %broadcast_in_dim3A_333, %broadcast_in_dim3A_334 : vector<16xi1>, vector<16xi32>
      %or3A_336 = arith.ori %or3A_291, %select_n3A_335 : vector<16xi32>
      %scan3A_337 = arith.constant 3 : i32
      %scan3A_338 = arith.addi %scan3A_207, %scan3A_337 : i32
      %mul3A_339 = arith.constant 16 : i32
      %mul3A_340 = arith.muli %scan3A_338, %mul3A_339 : i32
      %get3A_341 = arith.constant 1 : i32
      %get3A_342 = arith.index_cast %get3A_341 : i32 to index
      %get3A_343 = arith.index_cast %mul3A_340 : i32 to index
      %get3A_344 = tpu.vector_load %arg9[%get3A_342, %get3A_343] {strides = array<i32>} : memref<4x4096xi32, #tpu.memory_space<vmem>>, vector<1x16xi32>,
      %get3A_345 = vector.shape_cast %get3A_344 : vector<1x16xi32> to vector<16xi32>
      %get3A_346 = arith.constant 1 : i32
      %get3A_347 = arith.index_cast %get3A_346 : i32 to index
      %get3A_348 = arith.index_cast %mul3A_340 : i32 to index
      %get3A_349 = tpu.vector_load %arg8[%get3A_347, %get3A_348] {strides = array<i32>} : memref<4x4096xi32, #tpu.memory_space<vmem>>, vector<1x16xi32>,
      %get3A_350 = vector.shape_cast %get3A_349 : vector<1x16xi32> to vector<16xi32>
      %ne3A_351 = arith.constant -1 : i32
      %ne3A_352 = vector.broadcast %ne3A_351 : i32 to vector<16xi32>
      %ne3A_353 = arith.cmpi ne, %get3A_345, %ne3A_352 : vector<16xi32>
      %ne3A_354 = arith.constant 0 : i32
      %ne3A_355 = vector.broadcast %ne3A_354 : i32 to vector<16xi32>
      %ne3A_356 = arith.cmpi ne, %get3A_350, %ne3A_355 : vector<16xi32>
      %and3A_357 = arith.andi %ne3A_353, %ne3A_356 : vector<16xi1>
      %ge3A_358 = arith.constant 0 : i32
      %ge3A_359 = vector.broadcast %ge3A_358 : i32 to vector<16xi32>
      %ge3A_360 = arith.cmpi sge, %get3A_345, %ge3A_359 : vector<16xi32>
      %and3A_361 = arith.andi %ge3A_360, %and3A_357 : vector<16xi1>
      %select_n3A_362 = arith.select %and3A_361, %get3A_345, %get3A_350 : vector<16xi1>, vector<16xi32>
      %swap3A_363 = arith.constant 1 : i32
      %swap3A_364 = arith.index_cast %swap3A_363 : i32 to index
      %swap3A_365 = arith.index_cast %mul3A_340 : i32 to index
      %swap3A_366 = tpu.vector_load %arg12[%swap3A_364, %swap3A_365] {strides = array<i32>} : memref<4x4096xi32, #tpu.memory_space<vmem>>, vector<1x16xi32>,
      %swap3A_367 = vector.shape_cast %swap3A_366 : vector<1x16xi32> to vector<16xi32>
      %swap3A_368 = vector.shape_cast %select_n3A_362 : vector<16xi32> to vector<1x16xi32>
      tpu.vector_store %arg12[%swap3A_364, %swap3A_365], %swap3A_368 {strides = array<i32>} : memref<4x4096xi32, #tpu.memory_space<vmem>>, vector<1x16xi32>,
      %select_n3A_369 = arith.select %and3A_357, %get3A_350, %broadcast_in_dim3A_3 : vector<16xi1>, vector<16xi32>
      %swap3A_370 = arith.constant 1 : i32
      %swap3A_371 = arith.index_cast %swap3A_370 : i32 to index
      %swap3A_372 = arith.index_cast %mul3A_340 : i32 to index
      %swap3A_373 = tpu.vector_load %arg13[%swap3A_371, %swap3A_372] {strides = array<i32>} : memref<4x4096xi32, #tpu.memory_space<vmem>>, vector<1x16xi32>,
      %swap3A_374 = vector.shape_cast %swap3A_373 : vector<1x16xi32> to vector<16xi32>
      %swap3A_375 = vector.shape_cast %select_n3A_369 : vector<16xi32> to vector<1x16xi32>
      tpu.vector_store %arg13[%swap3A_371, %swap3A_372], %swap3A_375 {strides = array<i32>} : memref<4x4096xi32, #tpu.memory_space<vmem>>, vector<1x16xi32>,
      %jit3A_376 = arith.constant 1 : i32
      %jit3A_377 = arith.constant 0 : i32
      %broadcast_in_dim3A_378 = vector.broadcast %jit3A_376 : i32 to vector<16xi32>
      %broadcast_in_dim3A_379 = vector.broadcast %jit3A_377 : i32 to vector<16xi32>
      %select_n3A_380 = arith.select %and3A_357, %broadcast_in_dim3A_378, %broadcast_in_dim3A_379 : vector<16xi1>, vector<16xi32>
      %or3A_381 = arith.ori %or3A_336, %select_n3A_380 : vector<16xi32>
      %scan3A_382 = arith.constant 4 : i32
      %scan3A_383 = arith.addi %scan3A_207, %scan3A_382 : i32
      %mul3A_384 = arith.constant 16 : i32
      %mul3A_385 = arith.muli %scan3A_383, %mul3A_384 : i32
      %get3A_386 = arith.constant 1 : i32
      %get3A_387 = arith.index_cast %get3A_386 : i32 to index
      %get3A_388 = arith.index_cast %mul3A_385 : i32 to index
      %get3A_389 = tpu.vector_load %arg9[%get3A_387, %get3A_388] {strides = array<i32>} : memref<4x4096xi32, #tpu.memory_space<vmem>>, vector<1x16xi32>,
      %get3A_390 = vector.shape_cast %get3A_389 : vector<1x16xi32> to vector<16xi32>
      %get3A_391 = arith.constant 1 : i32
      %get3A_392 = arith.index_cast %get3A_391 : i32 to index
      %get3A_393 = arith.index_cast %mul3A_385 : i32 to index
      %get3A_394 = tpu.vector_load %arg8[%get3A_392, %get3A_393] {strides = array<i32>} : memref<4x4096xi32, #tpu.memory_space<vmem>>, vector<1x16xi32>,
      %get3A_395 = vector.shape_cast %get3A_394 : vector<1x16xi32> to vector<16xi32>
      %ne3A_396 = arith.constant -1 : i32
      %ne3A_397 = vector.broadcast %ne3A_396 : i32 to vector<16xi32>
      %ne3A_398 = arith.cmpi ne, %get3A_390, %ne3A_397 : vector<16xi32>
      %ne3A_399 = arith.constant 0 : i32
      %ne3A_400 = vector.broadcast %ne3A_399 : i32 to vector<16xi32>
      %ne3A_401 = arith.cmpi ne, %get3A_395, %ne3A_400 : vector<16xi32>
      %and3A_402 = arith.andi %ne3A_398, %ne3A_401 : vector<16xi1>
      %ge3A_403 = arith.constant 0 : i32
      %ge3A_404 = vector.broadcast %ge3A_403 : i32 to vector<16xi32>
      %ge3A_405 = arith.cmpi sge, %get3A_390, %ge3A_404 : vector<16xi32>
      %and3A_406 = arith.andi %ge3A_405, %and3A_402 : vector<16xi1>
      %select_n3A_407 = arith.select %and3A_406, %get3A_390, %get3A_395 : vector<16xi1>, vector<16xi32>
      %swap3A_408 = arith.constant 1 : i32
      %swap3A_409 = arith.index_cast %swap3A_408 : i32 to index
      %swap3A_410 = arith.index_cast %mul3A_385 : i32 to index
      %swap3A_411 = tpu.vector_load %arg12[%swap3A_409, %swap3A_410] {strides = array<i32>} : memref<4x4096xi32, #tpu.memory_space<vmem>>, vector<1x16xi32>,
      %swap3A_412 = vector.shape_cast %swap3A_411 : vector<1x16xi32> to vector<16xi32>
      %swap3A_413 = vector.shape_cast %select_n3A_407 : vector<16xi32> to vector<1x16xi32>
      tpu.vector_store %arg12[%swap3A_409, %swap3A_410], %swap3A_413 {strides = array<i32>} : memref<4x4096xi32, #tpu.memory_space<vmem>>, vector<1x16xi32>,
      %select_n3A_414 = arith.select %and3A_402, %get3A_395, %broadcast_in_dim3A_3 : vector<16xi1>, vector<16xi32>
      %swap3A_415 = arith.constant 1 : i32
      %swap3A_416 = arith.index_cast %swap3A_415 : i32 to index
      %swap3A_417 = arith.index_cast %mul3A_385 : i32 to index
      %swap3A_418 = tpu.vector_load %arg13[%swap3A_416, %swap3A_417] {strides = array<i32>} : memref<4x4096xi32, #tpu.memory_space<vmem>>, vector<1x16xi32>,
      %swap3A_419 = vector.shape_cast %swap3A_418 : vector<1x16xi32> to vector<16xi32>
      %swap3A_420 = vector.shape_cast %select_n3A_414 : vector<16xi32> to vector<1x16xi32>
      tpu.vector_store %arg13[%swap3A_416, %swap3A_417], %swap3A_420 {strides = array<i32>} : memref<4x4096xi32, #tpu.memory_space<vmem>>, vector<1x16xi32>,
      %jit3A_421 = arith.constant 1 : i32
      %jit3A_422 = arith.constant 0 : i32
      %broadcast_in_dim3A_423 = vector.broadcast %jit3A_421 : i32 to vector<16xi32>
      %broadcast_in_dim3A_424 = vector.broadcast %jit3A_422 : i32 to vector<16xi32>
      %select_n3A_425 = arith.select %and3A_402, %broadcast_in_dim3A_423, %broadcast_in_dim3A_424 : vector<16xi1>, vector<16xi32>
      %or3A_426 = arith.ori %or3A_381, %select_n3A_425 : vector<16xi32>
      %scan3A_427 = arith.constant 5 : i32
      %scan3A_428 = arith.addi %scan3A_207, %scan3A_427 : i32
      %mul3A_429 = arith.constant 16 : i32
      %mul3A_430 = arith.muli %scan3A_428, %mul3A_429 : i32
      %get3A_431 = arith.constant 1 : i32
      %get3A_432 = arith.index_cast %get3A_431 : i32 to index
      %get3A_433 = arith.index_cast %mul3A_430 : i32 to index
      %get3A_434 = tpu.vector_load %arg9[%get3A_432, %get3A_433] {strides = array<i32>} : memref<4x4096xi32, #tpu.memory_space<vmem>>, vector<1x16xi32>,
      %get3A_435 = vector.shape_cast %get3A_434 : vector<1x16xi32> to vector<16xi32>
      %get3A_436 = arith.constant 1 : i32
      %get3A_437 = arith.index_cast %get3A_436 : i32 to index
      %get3A_438 = arith.index_cast %mul3A_430 : i32 to index
      %get3A_439 = tpu.vector_load %arg8[%get3A_437, %get3A_438] {strides = array<i32>} : memref<4x4096xi32, #tpu.memory_space<vmem>>, vector<1x16xi32>,
      %get3A_440 = vector.shape_cast %get3A_439 : vector<1x16xi32> to vector<16xi32>
      %ne3A_441 = arith.constant -1 : i32
      %ne3A_442 = vector.broadcast %ne3A_441 : i32 to vector<16xi32>
      %ne3A_443 = arith.cmpi ne, %get3A_435, %ne3A_442 : vector<16xi32>
      %ne3A_444 = arith.constant 0 : i32
      %ne3A_445 = vector.broadcast %ne3A_444 : i32 to vector<16xi32>
      %ne3A_446 = arith.cmpi ne, %get3A_440, %ne3A_445 : vector<16xi32>
      %and3A_447 = arith.andi %ne3A_443, %ne3A_446 : vector<16xi1>
      %ge3A_448 = arith.constant 0 : i32
      %ge3A_449 = vector.broadcast %ge3A_448 : i32 to vector<16xi32>
      %ge3A_450 = arith.cmpi sge, %get3A_435, %ge3A_449 : vector<16xi32>
      %and3A_451 = arith.andi %ge3A_450, %and3A_447 : vector<16xi1>
      %select_n3A_452 = arith.select %and3A_451, %get3A_435, %get3A_440 : vector<16xi1>, vector<16xi32>
      %swap3A_453 = arith.constant 1 : i32
      %swap3A_454 = arith.index_cast %swap3A_453 : i32 to index
      %swap3A_455 = arith.index_cast %mul3A_430 : i32 to index
      %swap3A_456 = tpu.vector_load %arg12[%swap3A_454, %swap3A_455] {strides = array<i32>} : memref<4x4096xi32, #tpu.memory_space<vmem>>, vector<1x16xi32>,
      %swap3A_457 = vector.shape_cast %swap3A_456 : vector<1x16xi32> to vector<16xi32>
      %swap3A_458 = vector.shape_cast %select_n3A_452 : vector<16xi32> to vector<1x16xi32>
      tpu.vector_store %arg12[%swap3A_454, %swap3A_455], %swap3A_458 {strides = array<i32>} : memref<4x4096xi32, #tpu.memory_space<vmem>>, vector<1x16xi32>,
      %select_n3A_459 = arith.select %and3A_447, %get3A_440, %broadcast_in_dim3A_3 : vector<16xi1>, vector<16xi32>
      %swap3A_460 = arith.constant 1 : i32
      %swap3A_461 = arith.index_cast %swap3A_460 : i32 to index
      %swap3A_462 = arith.index_cast %mul3A_430 : i32 to index
      %swap3A_463 = tpu.vector_load %arg13[%swap3A_461, %swap3A_462] {strides = array<i32>} : memref<4x4096xi32, #tpu.memory_space<vmem>>, vector<1x16xi32>,
      %swap3A_464 = vector.shape_cast %swap3A_463 : vector<1x16xi32> to vector<16xi32>
      %swap3A_465 = vector.shape_cast %select_n3A_459 : vector<16xi32> to vector<1x16xi32>
      tpu.vector_store %arg13[%swap3A_461, %swap3A_462], %swap3A_465 {strides = array<i32>} : memref<4x4096xi32, #tpu.memory_space<vmem>>, vector<1x16xi32>,
      %jit3A_466 = arith.constant 1 : i32
      %jit3A_467 = arith.constant 0 : i32
      %broadcast_in_dim3A_468 = vector.broadcast %jit3A_466 : i32 to vector<16xi32>
      %broadcast_in_dim3A_469 = vector.broadcast %jit3A_467 : i32 to vector<16xi32>
      %select_n3A_470 = arith.select %and3A_447, %broadcast_in_dim3A_468, %broadcast_in_dim3A_469 : vector<16xi1>, vector<16xi32>
      %or3A_471 = arith.ori %or3A_426, %select_n3A_470 : vector<16xi32>
      %scan3A_472 = arith.constant 6 : i32
      %scan3A_473 = arith.addi %scan3A_207, %scan3A_472 : i32
      %mul3A_474 = arith.constant 16 : i32
      %mul3A_475 = arith.muli %scan3A_473, %mul3A_474 : i32
      %get3A_476 = arith.constant 1 : i32
      %get3A_477 = arith.index_cast %get3A_476 : i32 to index
      %get3A_478 = arith.index_cast %mul3A_475 : i32 to index
      %get3A_479 = tpu.vector_load %arg9[%get3A_477, %get3A_478] {strides = array<i32>} : memref<4x4096xi32, #tpu.memory_space<vmem>>, vector<1x16xi32>,
      %get3A_480 = vector.shape_cast %get3A_479 : vector<1x16xi32> to vector<16xi32>
      %get3A_481 = arith.constant 1 : i32
      %get3A_482 = arith.index_cast %get3A_481 : i32 to index
      %get3A_483 = arith.index_cast %mul3A_475 : i32 to index
      %get3A_484 = tpu.vector_load %arg8[%get3A_482, %get3A_483] {strides = array<i32>} : memref<4x4096xi32, #tpu.memory_space<vmem>>, vector<1x16xi32>,
      %get3A_485 = vector.shape_cast %get3A_484 : vector<1x16xi32> to vector<16xi32>
      %ne3A_486 = arith.constant -1 : i32
      %ne3A_487 = vector.broadcast %ne3A_486 : i32 to vector<16xi32>
      %ne3A_488 = arith.cmpi ne, %get3A_480, %ne3A_487 : vector<16xi32>
      %ne3A_489 = arith.constant 0 : i32
      %ne3A_490 = vector.broadcast %ne3A_489 : i32 to vector<16xi32>
      %ne3A_491 = arith.cmpi ne, %get3A_485, %ne3A_490 : vector<16xi32>
      %and3A_492 = arith.andi %ne3A_488, %ne3A_491 : vector<16xi1>
      %ge3A_493 = arith.constant 0 : i32
      %ge3A_494 = vector.broadcast %ge3A_493 : i32 to vector<16xi32>
      %ge3A_495 = arith.cmpi sge, %get3A_480, %ge3A_494 : vector<16xi32>
      %and3A_496 = arith.andi %ge3A_495, %and3A_492 : vector<16xi1>
      %select_n3A_497 = arith.select %and3A_496, %get3A_480, %get3A_485 : vector<16xi1>, vector<16xi32>
      %swap3A_498 = arith.constant 1 : i32
      %swap3A_499 = arith.index_cast %swap3A_498 : i32 to index
      %swap3A_500 = arith.index_cast %mul3A_475 : i32 to index
      %swap3A_501 = tpu.vector_load %arg12[%swap3A_499, %swap3A_500] {strides = array<i32>} : memref<4x4096xi32, #tpu.memory_space<vmem>>, vector<1x16xi32>,
      %swap3A_502 = vector.shape_cast %swap3A_501 : vector<1x16xi32> to vector<16xi32>
      %swap3A_503 = vector.shape_cast %select_n3A_497 : vector<16xi32> to vector<1x16xi32>
      tpu.vector_store %arg12[%swap3A_499, %swap3A_500], %swap3A_503 {strides = array<i32>} : memref<4x4096xi32, #tpu.memory_space<vmem>>, vector<1x16xi32>,
      %select_n3A_504 = arith.select %and3A_492, %get3A_485, %broadcast_in_dim3A_3 : vector<16xi1>, vector<16xi32>
      %swap3A_505 = arith.constant 1 : i32
      %swap3A_506 = arith.index_cast %swap3A_505 : i32 to index
      %swap3A_507 = arith.index_cast %mul3A_475 : i32 to index
      %swap3A_508 = tpu.vector_load %arg13[%swap3A_506, %swap3A_507] {strides = array<i32>} : memref<4x4096xi32, #tpu.memory_space<vmem>>, vector<1x16xi32>,
      %swap3A_509 = vector.shape_cast %swap3A_508 : vector<1x16xi32> to vector<16xi32>
      %swap3A_510 = vector.shape_cast %select_n3A_504 : vector<16xi32> to vector<1x16xi32>
      tpu.vector_store %arg13[%swap3A_506, %swap3A_507], %swap3A_510 {strides = array<i32>} : memref<4x4096xi32, #tpu.memory_space<vmem>>, vector<1x16xi32>,
      %jit3A_511 = arith.constant 1 : i32
      %jit3A_512 = arith.constant 0 : i32
      %broadcast_in_dim3A_513 = vector.broadcast %jit3A_511 : i32 to vector<16xi32>
      %broadcast_in_dim3A_514 = vector.broadcast %jit3A_512 : i32 to vector<16xi32>
      %select_n3A_515 = arith.select %and3A_492, %broadcast_in_dim3A_513, %broadcast_in_dim3A_514 : vector<16xi1>, vector<16xi32>
      %or3A_516 = arith.ori %or3A_471, %select_n3A_515 : vector<16xi32>
      %scan3A_517 = arith.constant 7 : i32
      %scan3A_518 = arith.addi %scan3A_207, %scan3A_517 : i32
      %mul3A_519 = arith.constant 16 : i32
      %mul3A_520 = arith.muli %scan3A_518, %mul3A_519 : i32
      %get3A_521 = arith.constant 1 : i32
      %get3A_522 = arith.index_cast %get3A_521 : i32 to index
      %get3A_523 = arith.index_cast %mul3A_520 : i32 to index
      %get3A_524 = tpu.vector_load %arg9[%get3A_522, %get3A_523] {strides = array<i32>} : memref<4x4096xi32, #tpu.memory_space<vmem>>, vector<1x16xi32>,
      %get3A_525 = vector.shape_cast %get3A_524 : vector<1x16xi32> to vector<16xi32>
      %get3A_526 = arith.constant 1 : i32
      %get3A_527 = arith.index_cast %get3A_526 : i32 to index
      %get3A_528 = arith.index_cast %mul3A_520 : i32 to index
      %get3A_529 = tpu.vector_load %arg8[%get3A_527, %get3A_528] {strides = array<i32>} : memref<4x4096xi32, #tpu.memory_space<vmem>>, vector<1x16xi32>,
      %get3A_530 = vector.shape_cast %get3A_529 : vector<1x16xi32> to vector<16xi32>
      %ne3A_531 = arith.constant -1 : i32
      %ne3A_532 = vector.broadcast %ne3A_531 : i32 to vector<16xi32>
      %ne3A_533 = arith.cmpi ne, %get3A_525, %ne3A_532 : vector<16xi32>
      %ne3A_534 = arith.constant 0 : i32
      %ne3A_535 = vector.broadcast %ne3A_534 : i32 to vector<16xi32>
      %ne3A_536 = arith.cmpi ne, %get3A_530, %ne3A_535 : vector<16xi32>
      %and3A_537 = arith.andi %ne3A_533, %ne3A_536 : vector<16xi1>
      %ge3A_538 = arith.constant 0 : i32
      %ge3A_539 = vector.broadcast %ge3A_538 : i32 to vector<16xi32>
      %ge3A_540 = arith.cmpi sge, %get3A_525, %ge3A_539 : vector<16xi32>
      %and3A_541 = arith.andi %ge3A_540, %and3A_537 : vector<16xi1>
      %select_n3A_542 = arith.select %and3A_541, %get3A_525, %get3A_530 : vector<16xi1>, vector<16xi32>
      %swap3A_543 = arith.constant 1 : i32
      %swap3A_544 = arith.index_cast %swap3A_543 : i32 to index
      %swap3A_545 = arith.index_cast %mul3A_520 : i32 to index
      %swap3A_546 = tpu.vector_load %arg12[%swap3A_544, %swap3A_545] {strides = array<i32>} : memref<4x4096xi32, #tpu.memory_space<vmem>>, vector<1x16xi32>,
      %swap3A_547 = vector.shape_cast %swap3A_546 : vector<1x16xi32> to vector<16xi32>
      %swap3A_548 = vector.shape_cast %select_n3A_542 : vector<16xi32> to vector<1x16xi32>
      tpu.vector_store %arg12[%swap3A_544, %swap3A_545], %swap3A_548 {strides = array<i32>} : memref<4x4096xi32, #tpu.memory_space<vmem>>, vector<1x16xi32>,
      %select_n3A_549 = arith.select %and3A_537, %get3A_530, %broadcast_in_dim3A_3 : vector<16xi1>, vector<16xi32>
      %swap3A_550 = arith.constant 1 : i32
      %swap3A_551 = arith.index_cast %swap3A_550 : i32 to index
      %swap3A_552 = arith.index_cast %mul3A_520 : i32 to index
      %swap3A_553 = tpu.vector_load %arg13[%swap3A_551, %swap3A_552] {strides = array<i32>} : memref<4x4096xi32, #tpu.memory_space<vmem>>, vector<1x16xi32>,
      %swap3A_554 = vector.shape_cast %swap3A_553 : vector<1x16xi32> to vector<16xi32>
      %swap3A_555 = vector.shape_cast %select_n3A_549 : vector<16xi32> to vector<1x16xi32>
      tpu.vector_store %arg13[%swap3A_551, %swap3A_552], %swap3A_555 {strides = array<i32>} : memref<4x4096xi32, #tpu.memory_space<vmem>>, vector<1x16xi32>,
      %jit3A_556 = arith.constant 1 : i32
      %jit3A_557 = arith.constant 0 : i32
      %broadcast_in_dim3A_558 = vector.broadcast %jit3A_556 : i32 to vector<16xi32>
      %broadcast_in_dim3A_559 = vector.broadcast %jit3A_557 : i32 to vector<16xi32>
      %select_n3A_560 = arith.select %and3A_537, %broadcast_in_dim3A_558, %broadcast_in_dim3A_559 : vector<16xi1>, vector<16xi32>
      %or3A_561 = arith.ori %or3A_516, %select_n3A_560 : vector<16xi32>
      %scan3A_562 = arith.constant 8 : i32
      %scan3A_563 = arith.addi %scan3A_207, %scan3A_562 : i32
      %mul3A_564 = arith.constant 16 : i32
      %mul3A_565 = arith.muli %scan3A_563, %mul3A_564 : i32
      %get3A_566 = arith.constant 1 : i32
      %get3A_567 = arith.index_cast %get3A_566 : i32 to index
      %get3A_568 = arith.index_cast %mul3A_565 : i32 to index
      %get3A_569 = tpu.vector_load %arg9[%get3A_567, %get3A_568] {strides = array<i32>} : memref<4x4096xi32, #tpu.memory_space<vmem>>, vector<1x16xi32>,
      %get3A_570 = vector.shape_cast %get3A_569 : vector<1x16xi32> to vector<16xi32>
      %get3A_571 = arith.constant 1 : i32
      %get3A_572 = arith.index_cast %get3A_571 : i32 to index
      %get3A_573 = arith.index_cast %mul3A_565 : i32 to index
      %get3A_574 = tpu.vector_load %arg8[%get3A_572, %get3A_573] {strides = array<i32>} : memref<4x4096xi32, #tpu.memory_space<vmem>>, vector<1x16xi32>,
      %get3A_575 = vector.shape_cast %get3A_574 : vector<1x16xi32> to vector<16xi32>
      %ne3A_576 = arith.constant -1 : i32
      %ne3A_577 = vector.broadcast %ne3A_576 : i32 to vector<16xi32>
      %ne3A_578 = arith.cmpi ne, %get3A_570, %ne3A_577 : vector<16xi32>
      %ne3A_579 = arith.constant 0 : i32
      %ne3A_580 = vector.broadcast %ne3A_579 : i32 to vector<16xi32>
      %ne3A_581 = arith.cmpi ne, %get3A_575, %ne3A_580 : vector<16xi32>
      %and3A_582 = arith.andi %ne3A_578, %ne3A_581 : vector<16xi1>
      %ge3A_583 = arith.constant 0 : i32
      %ge3A_584 = vector.broadcast %ge3A_583 : i32 to vector<16xi32>
      %ge3A_585 = arith.cmpi sge, %get3A_570, %ge3A_584 : vector<16xi32>
      %and3A_586 = arith.andi %ge3A_585, %and3A_582 : vector<16xi1>
      %select_n3A_587 = arith.select %and3A_586, %get3A_570, %get3A_575 : vector<16xi1>, vector<16xi32>
      %swap3A_588 = arith.constant 1 : i32
      %swap3A_589 = arith.index_cast %swap3A_588 : i32 to index
      %swap3A_590 = arith.index_cast %mul3A_565 : i32 to index
      %swap3A_591 = tpu.vector_load %arg12[%swap3A_589, %swap3A_590] {strides = array<i32>} : memref<4x4096xi32, #tpu.memory_space<vmem>>, vector<1x16xi32>,
      %swap3A_592 = vector.shape_cast %swap3A_591 : vector<1x16xi32> to vector<16xi32>
      %swap3A_593 = vector.shape_cast %select_n3A_587 : vector<16xi32> to vector<1x16xi32>
      tpu.vector_store %arg12[%swap3A_589, %swap3A_590], %swap3A_593 {strides = array<i32>} : memref<4x4096xi32, #tpu.memory_space<vmem>>, vector<1x16xi32>,
      %select_n3A_594 = arith.select %and3A_582, %get3A_575, %broadcast_in_dim3A_3 : vector<16xi1>, vector<16xi32>
      %swap3A_595 = arith.constant 1 : i32
      %swap3A_596 = arith.index_cast %swap3A_595 : i32 to index
      %swap3A_597 = arith.index_cast %mul3A_565 : i32 to index
      %swap3A_598 = tpu.vector_load %arg13[%swap3A_596, %swap3A_597] {strides = array<i32>} : memref<4x4096xi32, #tpu.memory_space<vmem>>, vector<1x16xi32>,
      %swap3A_599 = vector.shape_cast %swap3A_598 : vector<1x16xi32> to vector<16xi32>
      %swap3A_600 = vector.shape_cast %select_n3A_594 : vector<16xi32> to vector<1x16xi32>
      tpu.vector_store %arg13[%swap3A_596, %swap3A_597], %swap3A_600 {strides = array<i32>} : memref<4x4096xi32, #tpu.memory_space<vmem>>, vector<1x16xi32>,
      %jit3A_601 = arith.constant 1 : i32
      %jit3A_602 = arith.constant 0 : i32
      %broadcast_in_dim3A_603 = vector.broadcast %jit3A_601 : i32 to vector<16xi32>
      %broadcast_in_dim3A_604 = vector.broadcast %jit3A_602 : i32 to vector<16xi32>
      %select_n3A_605 = arith.select %and3A_582, %broadcast_in_dim3A_603, %broadcast_in_dim3A_604 : vector<16xi1>, vector<16xi32>
      %or3A_606 = arith.ori %or3A_561, %select_n3A_605 : vector<16xi32>
      %scan3A_607 = arith.constant 9 : i32
      %scan3A_608 = arith.addi %scan3A_207, %scan3A_607 : i32
      %mul3A_609 = arith.constant 16 : i32
      %mul3A_610 = arith.muli %scan3A_608, %mul3A_609 : i32
      %get3A_611 = arith.constant 1 : i32
      %get3A_612 = arith.index_cast %get3A_611 : i32 to index
      %get3A_613 = arith.index_cast %mul3A_610 : i32 to index
      %get3A_614 = tpu.vector_load %arg9[%get3A_612, %get3A_613] {strides = array<i32>} : memref<4x4096xi32, #tpu.memory_space<vmem>>, vector<1x16xi32>,
      %get3A_615 = vector.shape_cast %get3A_614 : vector<1x16xi32> to vector<16xi32>
      %get3A_616 = arith.constant 1 : i32
      %get3A_617 = arith.index_cast %get3A_616 : i32 to index
      %get3A_618 = arith.index_cast %mul3A_610 : i32 to index
      %get3A_619 = tpu.vector_load %arg8[%get3A_617, %get3A_618] {strides = array<i32>} : memref<4x4096xi32, #tpu.memory_space<vmem>>, vector<1x16xi32>,
      %get3A_620 = vector.shape_cast %get3A_619 : vector<1x16xi32> to vector<16xi32>
      %ne3A_621 = arith.constant -1 : i32
      %ne3A_622 = vector.broadcast %ne3A_621 : i32 to vector<16xi32>
      %ne3A_623 = arith.cmpi ne, %get3A_615, %ne3A_622 : vector<16xi32>
      %ne3A_624 = arith.constant 0 : i32
      %ne3A_625 = vector.broadcast %ne3A_624 : i32 to vector<16xi32>
      %ne3A_626 = arith.cmpi ne, %get3A_620, %ne3A_625 : vector<16xi32>
      %and3A_627 = arith.andi %ne3A_623, %ne3A_626 : vector<16xi1>
      %ge3A_628 = arith.constant 0 : i32
      %ge3A_629 = vector.broadcast %ge3A_628 : i32 to vector<16xi32>
      %ge3A_630 = arith.cmpi sge, %get3A_615, %ge3A_629 : vector<16xi32>
      %and3A_631 = arith.andi %ge3A_630, %and3A_627 : vector<16xi1>
      %select_n3A_632 = arith.select %and3A_631, %get3A_615, %get3A_620 : vector<16xi1>, vector<16xi32>
      %swap3A_633 = arith.constant 1 : i32
      %swap3A_634 = arith.index_cast %swap3A_633 : i32 to index
      %swap3A_635 = arith.index_cast %mul3A_610 : i32 to index
      %swap3A_636 = tpu.vector_load %arg12[%swap3A_634, %swap3A_635] {strides = array<i32>} : memref<4x4096xi32, #tpu.memory_space<vmem>>, vector<1x16xi32>,
      %swap3A_637 = vector.shape_cast %swap3A_636 : vector<1x16xi32> to vector<16xi32>
      %swap3A_638 = vector.shape_cast %select_n3A_632 : vector<16xi32> to vector<1x16xi32>
      tpu.vector_store %arg12[%swap3A_634, %swap3A_635], %swap3A_638 {strides = array<i32>} : memref<4x4096xi32, #tpu.memory_space<vmem>>, vector<1x16xi32>,
      %select_n3A_639 = arith.select %and3A_627, %get3A_620, %broadcast_in_dim3A_3 : vector<16xi1>, vector<16xi32>
      %swap3A_640 = arith.constant 1 : i32
      %swap3A_641 = arith.index_cast %swap3A_640 : i32 to index
      %swap3A_642 = arith.index_cast %mul3A_610 : i32 to index
      %swap3A_643 = tpu.vector_load %arg13[%swap3A_641, %swap3A_642] {strides = array<i32>} : memref<4x4096xi32, #tpu.memory_space<vmem>>, vector<1x16xi32>,
      %swap3A_644 = vector.shape_cast %swap3A_643 : vector<1x16xi32> to vector<16xi32>
      %swap3A_645 = vector.shape_cast %select_n3A_639 : vector<16xi32> to vector<1x16xi32>
      tpu.vector_store %arg13[%swap3A_641, %swap3A_642], %swap3A_645 {strides = array<i32>} : memref<4x4096xi32, #tpu.memory_space<vmem>>, vector<1x16xi32>,
      %jit3A_646 = arith.constant 1 : i32
      %jit3A_647 = arith.constant 0 : i32
      %broadcast_in_dim3A_648 = vector.broadcast %jit3A_646 : i32 to vector<16xi32>
      %broadcast_in_dim3A_649 = vector.broadcast %jit3A_647 : i32 to vector<16xi32>
      %select_n3A_650 = arith.select %and3A_627, %broadcast_in_dim3A_648, %broadcast_in_dim3A_649 : vector<16xi1>, vector<16xi32>
      %or3A_651 = arith.ori %or3A_606, %select_n3A_650 : vector<16xi32>
      %scan3A_652 = arith.constant 10 : i32
      %scan3A_653 = arith.addi %scan3A_207, %scan3A_652 : i32
      %mul3A_654 = arith.constant 16 : i32
      %mul3A_655 = arith.muli %scan3A_653, %mul3A_654 : i32
      %get3A_656 = arith.constant 1 : i32
      %get3A_657 = arith.index_cast %get3A_656 : i32 to index
      %get3A_658 = arith.index_cast %mul3A_655 : i32 to index
      %get3A_659 = tpu.vector_load %arg9[%get3A_657, %get3A_658] {strides = array<i32>} : memref<4x4096xi32, #tpu.memory_space<vmem>>, vector<1x16xi32>,
      %get3A_660 = vector.shape_cast %get3A_659 : vector<1x16xi32> to vector<16xi32>
      %get3A_661 = arith.constant 1 : i32
      %get3A_662 = arith.index_cast %get3A_661 : i32 to index
      %get3A_663 = arith.index_cast %mul3A_655 : i32 to index
      %get3A_664 = tpu.vector_load %arg8[%get3A_662, %get3A_663] {strides = array<i32>} : memref<4x4096xi32, #tpu.memory_space<vmem>>, vector<1x16xi32>,
      %get3A_665 = vector.shape_cast %get3A_664 : vector<1x16xi32> to vector<16xi32>
      %ne3A_666 = arith.constant -1 : i32
      %ne3A_667 = vector.broadcast %ne3A_666 : i32 to vector<16xi32>
      %ne3A_668 = arith.cmpi ne, %get3A_660, %ne3A_667 : vector<16xi32>
      %ne3A_669 = arith.constant 0 : i32
      %ne3A_670 = vector.broadcast %ne3A_669 : i32 to vector<16xi32>
      %ne3A_671 = arith.cmpi ne, %get3A_665, %ne3A_670 : vector<16xi32>
      %and3A_672 = arith.andi %ne3A_668, %ne3A_671 : vector<16xi1>
      %ge3A_673 = arith.constant 0 : i32
      %ge3A_674 = vector.broadcast %ge3A_673 : i32 to vector<16xi32>
      %ge3A_675 = arith.cmpi sge, %get3A_660, %ge3A_674 : vector<16xi32>
      %and3A_676 = arith.andi %ge3A_675, %and3A_672 : vector<16xi1>
      %select_n3A_677 = arith.select %and3A_676, %get3A_660, %get3A_665 : vector<16xi1>, vector<16xi32>
      %swap3A_678 = arith.constant 1 : i32
      %swap3A_679 = arith.index_cast %swap3A_678 : i32 to index
      %swap3A_680 = arith.index_cast %mul3A_655 : i32 to index
      %swap3A_681 = tpu.vector_load %arg12[%swap3A_679, %swap3A_680] {strides = array<i32>} : memref<4x4096xi32, #tpu.memory_space<vmem>>, vector<1x16xi32>,
      %swap3A_682 = vector.shape_cast %swap3A_681 : vector<1x16xi32> to vector<16xi32>
      %swap3A_683 = vector.shape_cast %select_n3A_677 : vector<16xi32> to vector<1x16xi32>
      tpu.vector_store %arg12[%swap3A_679, %swap3A_680], %swap3A_683 {strides = array<i32>} : memref<4x4096xi32, #tpu.memory_space<vmem>>, vector<1x16xi32>,
      %select_n3A_684 = arith.select %and3A_672, %get3A_665, %broadcast_in_dim3A_3 : vector<16xi1>, vector<16xi32>
      %swap3A_685 = arith.constant 1 : i32
      %swap3A_686 = arith.index_cast %swap3A_685 : i32 to index
      %swap3A_687 = arith.index_cast %mul3A_655 : i32 to index
      %swap3A_688 = tpu.vector_load %arg13[%swap3A_686, %swap3A_687] {strides = array<i32>} : memref<4x4096xi32, #tpu.memory_space<vmem>>, vector<1x16xi32>,
      %swap3A_689 = vector.shape_cast %swap3A_688 : vector<1x16xi32> to vector<16xi32>
      %swap3A_690 = vector.shape_cast %select_n3A_684 : vector<16xi32> to vector<1x16xi32>
      tpu.vector_store %arg13[%swap3A_686, %swap3A_687], %swap3A_690 {strides = array<i32>} : memref<4x4096xi32, #tpu.memory_space<vmem>>, vector<1x16xi32>,
      %jit3A_691 = arith.constant 1 : i32
      %jit3A_692 = arith.constant 0 : i32
      %broadcast_in_dim3A_693 = vector.broadcast %jit3A_691 : i32 to vector<16xi32>
      %broadcast_in_dim3A_694 = vector.broadcast %jit3A_692 : i32 to vector<16xi32>
      %select_n3A_695 = arith.select %and3A_672, %broadcast_in_dim3A_693, %broadcast_in_dim3A_694 : vector<16xi1>, vector<16xi32>
      %or3A_696 = arith.ori %or3A_651, %select_n3A_695 : vector<16xi32>
      %scan3A_697 = arith.constant 11 : i32
      %scan3A_698 = arith.addi %scan3A_207, %scan3A_697 : i32
      %mul3A_699 = arith.constant 16 : i32
      %mul3A_700 = arith.muli %scan3A_698, %mul3A_699 : i32
      %get3A_701 = arith.constant 1 : i32
      %get3A_702 = arith.index_cast %get3A_701 : i32 to index
      %get3A_703 = arith.index_cast %mul3A_700 : i32 to index
      %get3A_704 = tpu.vector_load %arg9[%get3A_702, %get3A_703] {strides = array<i32>} : memref<4x4096xi32, #tpu.memory_space<vmem>>, vector<1x16xi32>,
      %get3A_705 = vector.shape_cast %get3A_704 : vector<1x16xi32> to vector<16xi32>
      %get3A_706 = arith.constant 1 : i32
      %get3A_707 = arith.index_cast %get3A_706 : i32 to index
      %get3A_708 = arith.index_cast %mul3A_700 : i32 to index
      %get3A_709 = tpu.vector_load %arg8[%get3A_707, %get3A_708] {strides = array<i32>} : memref<4x4096xi32, #tpu.memory_space<vmem>>, vector<1x16xi32>,
      %get3A_710 = vector.shape_cast %get3A_709 : vector<1x16xi32> to vector<16xi32>
      %ne3A_711 = arith.constant -1 : i32
      %ne3A_712 = vector.broadcast %ne3A_711 : i32 to vector<16xi32>
      %ne3A_713 = arith.cmpi ne, %get3A_705, %ne3A_712 : vector<16xi32>
      %ne3A_714 = arith.constant 0 : i32
      %ne3A_715 = vector.broadcast %ne3A_714 : i32 to vector<16xi32>
      %ne3A_716 = arith.cmpi ne, %get3A_710, %ne3A_715 : vector<16xi32>
      %and3A_717 = arith.andi %ne3A_713, %ne3A_716 : vector<16xi1>
      %ge3A_718 = arith.constant 0 : i32
      %ge3A_719 = vector.broadcast %ge3A_718 : i32 to vector<16xi32>
      %ge3A_720 = arith.cmpi sge, %get3A_705, %ge3A_719 : vector<16xi32>
      %and3A_721 = arith.andi %ge3A_720, %and3A_717 : vector<16xi1>
      %select_n3A_722 = arith.select %and3A_721, %get3A_705, %get3A_710 : vector<16xi1>, vector<16xi32>
      %swap3A_723 = arith.constant 1 : i32
      %swap3A_724 = arith.index_cast %swap3A_723 : i32 to index
      %swap3A_725 = arith.index_cast %mul3A_700 : i32 to index
      %swap3A_726 = tpu.vector_load %arg12[%swap3A_724, %swap3A_725] {strides = array<i32>} : memref<4x4096xi32, #tpu.memory_space<vmem>>, vector<1x16xi32>,
      %swap3A_727 = vector.shape_cast %swap3A_726 : vector<1x16xi32> to vector<16xi32>
      %swap3A_728 = vector.shape_cast %select_n3A_722 : vector<16xi32> to vector<1x16xi32>
      tpu.vector_store %arg12[%swap3A_724, %swap3A_725], %swap3A_728 {strides = array<i32>} : memref<4x4096xi32, #tpu.memory_space<vmem>>, vector<1x16xi32>,
      %select_n3A_729 = arith.select %and3A_717, %get3A_710, %broadcast_in_dim3A_3 : vector<16xi1>, vector<16xi32>
      %swap3A_730 = arith.constant 1 : i32
      %swap3A_731 = arith.index_cast %swap3A_730 : i32 to index
      %swap3A_732 = arith.index_cast %mul3A_700 : i32 to index
      %swap3A_733 = tpu.vector_load %arg13[%swap3A_731, %swap3A_732] {strides = array<i32>} : memref<4x4096xi32, #tpu.memory_space<vmem>>, vector<1x16xi32>,
      %swap3A_734 = vector.shape_cast %swap3A_733 : vector<1x16xi32> to vector<16xi32>
      %swap3A_735 = vector.shape_cast %select_n3A_729 : vector<16xi32> to vector<1x16xi32>
      tpu.vector_store %arg13[%swap3A_731, %swap3A_732], %swap3A_735 {strides = array<i32>} : memref<4x4096xi32, #tpu.memory_space<vmem>>, vector<1x16xi32>,
      %jit3A_736 = arith.constant 1 : i32
      %jit3A_737 = arith.constant 0 : i32
      %broadcast_in_dim3A_738 = vector.broadcast %jit3A_736 : i32 to vector<16xi32>
      %broadcast_in_dim3A_739 = vector.broadcast %jit3A_737 : i32 to vector<16xi32>
      %select_n3A_740 = arith.select %and3A_717, %broadcast_in_dim3A_738, %broadcast_in_dim3A_739 : vector<16xi1>, vector<16xi32>
      %or3A_741 = arith.ori %or3A_696, %select_n3A_740 : vector<16xi32>
      %scan3A_742 = arith.constant 12 : i32
      %scan3A_743 = arith.addi %scan3A_207, %scan3A_742 : i32
      %mul3A_744 = arith.constant 16 : i32
      %mul3A_745 = arith.muli %scan3A_743, %mul3A_744 : i32
      %get3A_746 = arith.constant 1 : i32
      %get3A_747 = arith.index_cast %get3A_746 : i32 to index
      %get3A_748 = arith.index_cast %mul3A_745 : i32 to index
      %get3A_749 = tpu.vector_load %arg9[%get3A_747, %get3A_748] {strides = array<i32>} : memref<4x4096xi32, #tpu.memory_space<vmem>>, vector<1x16xi32>,
      %get3A_750 = vector.shape_cast %get3A_749 : vector<1x16xi32> to vector<16xi32>
      %get3A_751 = arith.constant 1 : i32
      %get3A_752 = arith.index_cast %get3A_751 : i32 to index
      %get3A_753 = arith.index_cast %mul3A_745 : i32 to index
      %get3A_754 = tpu.vector_load %arg8[%get3A_752, %get3A_753] {strides = array<i32>} : memref<4x4096xi32, #tpu.memory_space<vmem>>, vector<1x16xi32>,
      %get3A_755 = vector.shape_cast %get3A_754 : vector<1x16xi32> to vector<16xi32>
      %ne3A_756 = arith.constant -1 : i32
      %ne3A_757 = vector.broadcast %ne3A_756 : i32 to vector<16xi32>
      %ne3A_758 = arith.cmpi ne, %get3A_750, %ne3A_757 : vector<16xi32>
      %ne3A_759 = arith.constant 0 : i32
      %ne3A_760 = vector.broadcast %ne3A_759 : i32 to vector<16xi32>
      %ne3A_761 = arith.cmpi ne, %get3A_755, %ne3A_760 : vector<16xi32>
      %and3A_762 = arith.andi %ne3A_758, %ne3A_761 : vector<16xi1>
      %ge3A_763 = arith.constant 0 : i32
      %ge3A_764 = vector.broadcast %ge3A_763 : i32 to vector<16xi32>
      %ge3A_765 = arith.cmpi sge, %get3A_750, %ge3A_764 : vector<16xi32>
      %and3A_766 = arith.andi %ge3A_765, %and3A_762 : vector<16xi1>
      %select_n3A_767 = arith.select %and3A_766, %get3A_750, %get3A_755 : vector<16xi1>, vector<16xi32>
      %swap3A_768 = arith.constant 1 : i32
      %swap3A_769 = arith.index_cast %swap3A_768 : i32 to index
      %swap3A_770 = arith.index_cast %mul3A_745 : i32 to index
      %swap3A_771 = tpu.vector_load %arg12[%swap3A_769, %swap3A_770] {strides = array<i32>} : memref<4x4096xi32, #tpu.memory_space<vmem>>, vector<1x16xi32>,
      %swap3A_772 = vector.shape_cast %swap3A_771 : vector<1x16xi32> to vector<16xi32>
      %swap3A_773 = vector.shape_cast %select_n3A_767 : vector<16xi32> to vector<1x16xi32>
      tpu.vector_store %arg12[%swap3A_769, %swap3A_770], %swap3A_773 {strides = array<i32>} : memref<4x4096xi32, #tpu.memory_space<vmem>>, vector<1x16xi32>,
      %select_n3A_774 = arith.select %and3A_762, %get3A_755, %broadcast_in_dim3A_3 : vector<16xi1>, vector<16xi32>
      %swap3A_775 = arith.constant 1 : i32
      %swap3A_776 = arith.index_cast %swap3A_775 : i32 to index
      %swap3A_777 = arith.index_cast %mul3A_745 : i32 to index
      %swap3A_778 = tpu.vector_load %arg13[%swap3A_776, %swap3A_777] {strides = array<i32>} : memref<4x4096xi32, #tpu.memory_space<vmem>>, vector<1x16xi32>,
      %swap3A_779 = vector.shape_cast %swap3A_778 : vector<1x16xi32> to vector<16xi32>
      %swap3A_780 = vector.shape_cast %select_n3A_774 : vector<16xi32> to vector<1x16xi32>
      tpu.vector_store %arg13[%swap3A_776, %swap3A_777], %swap3A_780 {strides = array<i32>} : memref<4x4096xi32, #tpu.memory_space<vmem>>, vector<1x16xi32>,
      %jit3A_781 = arith.constant 1 : i32
      %jit3A_782 = arith.constant 0 : i32
      %broadcast_in_dim3A_783 = vector.broadcast %jit3A_781 : i32 to vector<16xi32>
      %broadcast_in_dim3A_784 = vector.broadcast %jit3A_782 : i32 to vector<16xi32>
      %select_n3A_785 = arith.select %and3A_762, %broadcast_in_dim3A_783, %broadcast_in_dim3A_784 : vector<16xi1>, vector<16xi32>
      %or3A_786 = arith.ori %or3A_741, %select_n3A_785 : vector<16xi32>
      %scan3A_787 = arith.constant 13 : i32
      %scan3A_788 = arith.addi %scan3A_207, %scan3A_787 : i32
      %mul3A_789 = arith.constant 16 : i32
      %mul3A_790 = arith.muli %scan3A_788, %mul3A_789 : i32
      %get3A_791 = arith.constant 1 : i32
      %get3A_792 = arith.index_cast %get3A_791 : i32 to index
      %get3A_793 = arith.index_cast %mul3A_790 : i32 to index
      %get3A_794 = tpu.vector_load %arg9[%get3A_792, %get3A_793] {strides = array<i32>} : memref<4x4096xi32, #tpu.memory_space<vmem>>, vector<1x16xi32>,
      %get3A_795 = vector.shape_cast %get3A_794 : vector<1x16xi32> to vector<16xi32>
      %get3A_796 = arith.constant 1 : i32
      %get3A_797 = arith.index_cast %get3A_796 : i32 to index
      %get3A_798 = arith.index_cast %mul3A_790 : i32 to index
      %get3A_799 = tpu.vector_load %arg8[%get3A_797, %get3A_798] {strides = array<i32>} : memref<4x4096xi32, #tpu.memory_space<vmem>>, vector<1x16xi32>,
      %get3A_800 = vector.shape_cast %get3A_799 : vector<1x16xi32> to vector<16xi32>
      %ne3A_801 = arith.constant -1 : i32
      %ne3A_802 = vector.broadcast %ne3A_801 : i32 to vector<16xi32>
      %ne3A_803 = arith.cmpi ne, %get3A_795, %ne3A_802 : vector<16xi32>
      %ne3A_804 = arith.constant 0 : i32
      %ne3A_805 = vector.broadcast %ne3A_804 : i32 to vector<16xi32>
      %ne3A_806 = arith.cmpi ne, %get3A_800, %ne3A_805 : vector<16xi32>
      %and3A_807 = arith.andi %ne3A_803, %ne3A_806 : vector<16xi1>
      %ge3A_808 = arith.constant 0 : i32
      %ge3A_809 = vector.broadcast %ge3A_808 : i32 to vector<16xi32>
      %ge3A_810 = arith.cmpi sge, %get3A_795, %ge3A_809 : vector<16xi32>
      %and3A_811 = arith.andi %ge3A_810, %and3A_807 : vector<16xi1>
      %select_n3A_812 = arith.select %and3A_811, %get3A_795, %get3A_800 : vector<16xi1>, vector<16xi32>
      %swap3A_813 = arith.constant 1 : i32
      %swap3A_814 = arith.index_cast %swap3A_813 : i32 to index
      %swap3A_815 = arith.index_cast %mul3A_790 : i32 to index
      %swap3A_816 = tpu.vector_load %arg12[%swap3A_814, %swap3A_815] {strides = array<i32>} : memref<4x4096xi32, #tpu.memory_space<vmem>>, vector<1x16xi32>,
      %swap3A_817 = vector.shape_cast %swap3A_816 : vector<1x16xi32> to vector<16xi32>
      %swap3A_818 = vector.shape_cast %select_n3A_812 : vector<16xi32> to vector<1x16xi32>
      tpu.vector_store %arg12[%swap3A_814, %swap3A_815], %swap3A_818 {strides = array<i32>} : memref<4x4096xi32, #tpu.memory_space<vmem>>, vector<1x16xi32>,
      %select_n3A_819 = arith.select %and3A_807, %get3A_800, %broadcast_in_dim3A_3 : vector<16xi1>, vector<16xi32>
      %swap3A_820 = arith.constant 1 : i32
      %swap3A_821 = arith.index_cast %swap3A_820 : i32 to index
      %swap3A_822 = arith.index_cast %mul3A_790 : i32 to index
      %swap3A_823 = tpu.vector_load %arg13[%swap3A_821, %swap3A_822] {strides = array<i32>} : memref<4x4096xi32, #tpu.memory_space<vmem>>, vector<1x16xi32>,
      %swap3A_824 = vector.shape_cast %swap3A_823 : vector<1x16xi32> to vector<16xi32>
      %swap3A_825 = vector.shape_cast %select_n3A_819 : vector<16xi32> to vector<1x16xi32>
      tpu.vector_store %arg13[%swap3A_821, %swap3A_822], %swap3A_825 {strides = array<i32>} : memref<4x4096xi32, #tpu.memory_space<vmem>>, vector<1x16xi32>,
      %jit3A_826 = arith.constant 1 : i32
      %jit3A_827 = arith.constant 0 : i32
      %broadcast_in_dim3A_828 = vector.broadcast %jit3A_826 : i32 to vector<16xi32>
      %broadcast_in_dim3A_829 = vector.broadcast %jit3A_827 : i32 to vector<16xi32>
      %select_n3A_830 = arith.select %and3A_807, %broadcast_in_dim3A_828, %broadcast_in_dim3A_829 : vector<16xi1>, vector<16xi32>
      %or3A_831 = arith.ori %or3A_786, %select_n3A_830 : vector<16xi32>
      %scan3A_832 = arith.constant 14 : i32
      %scan3A_833 = arith.addi %scan3A_207, %scan3A_832 : i32
      %mul3A_834 = arith.constant 16 : i32
      %mul3A_835 = arith.muli %scan3A_833, %mul3A_834 : i32
      %get3A_836 = arith.constant 1 : i32
      %get3A_837 = arith.index_cast %get3A_836 : i32 to index
      %get3A_838 = arith.index_cast %mul3A_835 : i32 to index
      %get3A_839 = tpu.vector_load %arg9[%get3A_837, %get3A_838] {strides = array<i32>} : memref<4x4096xi32, #tpu.memory_space<vmem>>, vector<1x16xi32>,
      %get3A_840 = vector.shape_cast %get3A_839 : vector<1x16xi32> to vector<16xi32>
      %get3A_841 = arith.constant 1 : i32
      %get3A_842 = arith.index_cast %get3A_841 : i32 to index
      %get3A_843 = arith.index_cast %mul3A_835 : i32 to index
      %get3A_844 = tpu.vector_load %arg8[%get3A_842, %get3A_843] {strides = array<i32>} : memref<4x4096xi32, #tpu.memory_space<vmem>>, vector<1x16xi32>,
      %get3A_845 = vector.shape_cast %get3A_844 : vector<1x16xi32> to vector<16xi32>
      %ne3A_846 = arith.constant -1 : i32
      %ne3A_847 = vector.broadcast %ne3A_846 : i32 to vector<16xi32>
      %ne3A_848 = arith.cmpi ne, %get3A_840, %ne3A_847 : vector<16xi32>
      %ne3A_849 = arith.constant 0 : i32
      %ne3A_850 = vector.broadcast %ne3A_849 : i32 to vector<16xi32>
      %ne3A_851 = arith.cmpi ne, %get3A_845, %ne3A_850 : vector<16xi32>
      %and3A_852 = arith.andi %ne3A_848, %ne3A_851 : vector<16xi1>
      %ge3A_853 = arith.constant 0 : i32
      %ge3A_854 = vector.broadcast %ge3A_853 : i32 to vector<16xi32>
      %ge3A_855 = arith.cmpi sge, %get3A_840, %ge3A_854 : vector<16xi32>
      %and3A_856 = arith.andi %ge3A_855, %and3A_852 : vector<16xi1>
      %select_n3A_857 = arith.select %and3A_856, %get3A_840, %get3A_845 : vector<16xi1>, vector<16xi32>
      %swap3A_858 = arith.constant 1 : i32
      %swap3A_859 = arith.index_cast %swap3A_858 : i32 to index
      %swap3A_860 = arith.index_cast %mul3A_835 : i32 to index
      %swap3A_861 = tpu.vector_load %arg12[%swap3A_859, %swap3A_860] {strides = array<i32>} : memref<4x4096xi32, #tpu.memory_space<vmem>>, vector<1x16xi32>,
      %swap3A_862 = vector.shape_cast %swap3A_861 : vector<1x16xi32> to vector<16xi32>
      %swap3A_863 = vector.shape_cast %select_n3A_857 : vector<16xi32> to vector<1x16xi32>
      tpu.vector_store %arg12[%swap3A_859, %swap3A_860], %swap3A_863 {strides = array<i32>} : memref<4x4096xi32, #tpu.memory_space<vmem>>, vector<1x16xi32>,
      %select_n3A_864 = arith.select %and3A_852, %get3A_845, %broadcast_in_dim3A_3 : vector<16xi1>, vector<16xi32>
      %swap3A_865 = arith.constant 1 : i32
      %swap3A_866 = arith.index_cast %swap3A_865 : i32 to index
      %swap3A_867 = arith.index_cast %mul3A_835 : i32 to index
      %swap3A_868 = tpu.vector_load %arg13[%swap3A_866, %swap3A_867] {strides = array<i32>} : memref<4x4096xi32, #tpu.memory_space<vmem>>, vector<1x16xi32>,
      %swap3A_869 = vector.shape_cast %swap3A_868 : vector<1x16xi32> to vector<16xi32>
      %swap3A_870 = vector.shape_cast %select_n3A_864 : vector<16xi32> to vector<1x16xi32>
      tpu.vector_store %arg13[%swap3A_866, %swap3A_867], %swap3A_870 {strides = array<i32>} : memref<4x4096xi32, #tpu.memory_space<vmem>>, vector<1x16xi32>,
      %jit3A_871 = arith.constant 1 : i32
      %jit3A_872 = arith.constant 0 : i32
      %broadcast_in_dim3A_873 = vector.broadcast %jit3A_871 : i32 to vector<16xi32>
      %broadcast_in_dim3A_874 = vector.broadcast %jit3A_872 : i32 to vector<16xi32>
      %select_n3A_875 = arith.select %and3A_852, %broadcast_in_dim3A_873, %broadcast_in_dim3A_874 : vector<16xi1>, vector<16xi32>
      %or3A_876 = arith.ori %or3A_831, %select_n3A_875 : vector<16xi32>
      %scan3A_877 = arith.constant 15 : i32
      %scan3A_878 = arith.addi %scan3A_207, %scan3A_877 : i32
      %mul3A_879 = arith.constant 16 : i32
      %mul3A_880 = arith.muli %scan3A_878, %mul3A_879 : i32
      %get3A_881 = arith.constant 1 : i32
      %get3A_882 = arith.index_cast %get3A_881 : i32 to index
      %get3A_883 = arith.index_cast %mul3A_880 : i32 to index
      %get3A_884 = tpu.vector_load %arg9[%get3A_882, %get3A_883] {strides = array<i32>} : memref<4x4096xi32, #tpu.memory_space<vmem>>, vector<1x16xi32>,
      %get3A_885 = vector.shape_cast %get3A_884 : vector<1x16xi32> to vector<16xi32>
      %get3A_886 = arith.constant 1 : i32
      %get3A_887 = arith.index_cast %get3A_886 : i32 to index
      %get3A_888 = arith.index_cast %mul3A_880 : i32 to index
      %get3A_889 = tpu.vector_load %arg8[%get3A_887, %get3A_888] {strides = array<i32>} : memref<4x4096xi32, #tpu.memory_space<vmem>>, vector<1x16xi32>,
      %get3A_890 = vector.shape_cast %get3A_889 : vector<1x16xi32> to vector<16xi32>
      %ne3A_891 = arith.constant -1 : i32
      %ne3A_892 = vector.broadcast %ne3A_891 : i32 to vector<16xi32>
      %ne3A_893 = arith.cmpi ne, %get3A_885, %ne3A_892 : vector<16xi32>
      %ne3A_894 = arith.constant 0 : i32
      %ne3A_895 = vector.broadcast %ne3A_894 : i32 to vector<16xi32>
      %ne3A_896 = arith.cmpi ne, %get3A_890, %ne3A_895 : vector<16xi32>
      %and3A_897 = arith.andi %ne3A_893, %ne3A_896 : vector<16xi1>
      %ge3A_898 = arith.constant 0 : i32
      %ge3A_899 = vector.broadcast %ge3A_898 : i32 to vector<16xi32>
      %ge3A_900 = arith.cmpi sge, %get3A_885, %ge3A_899 : vector<16xi32>
      %and3A_901 = arith.andi %ge3A_900, %and3A_897 : vector<16xi1>
      %select_n3A_902 = arith.select %and3A_901, %get3A_885, %get3A_890 : vector<16xi1>, vector<16xi32>
      %swap3A_903 = arith.constant 1 : i32
      %swap3A_904 = arith.index_cast %swap3A_903 : i32 to index
      %swap3A_905 = arith.index_cast %mul3A_880 : i32 to index
      %swap3A_906 = tpu.vector_load %arg12[%swap3A_904, %swap3A_905] {strides = array<i32>} : memref<4x4096xi32, #tpu.memory_space<vmem>>, vector<1x16xi32>,
      %swap3A_907 = vector.shape_cast %swap3A_906 : vector<1x16xi32> to vector<16xi32>
      %swap3A_908 = vector.shape_cast %select_n3A_902 : vector<16xi32> to vector<1x16xi32>
      tpu.vector_store %arg12[%swap3A_904, %swap3A_905], %swap3A_908 {strides = array<i32>} : memref<4x4096xi32, #tpu.memory_space<vmem>>, vector<1x16xi32>,
      %select_n3A_909 = arith.select %and3A_897, %get3A_890, %broadcast_in_dim3A_3 : vector<16xi1>, vector<16xi32>
      %swap3A_910 = arith.constant 1 : i32
      %swap3A_911 = arith.index_cast %swap3A_910 : i32 to index
      %swap3A_912 = arith.index_cast %mul3A_880 : i32 to index
      %swap3A_913 = tpu.vector_load %arg13[%swap3A_911, %swap3A_912] {strides = array<i32>} : memref<4x4096xi32, #tpu.memory_space<vmem>>, vector<1x16xi32>,
      %swap3A_914 = vector.shape_cast %swap3A_913 : vector<1x16xi32> to vector<16xi32>
      %swap3A_915 = vector.shape_cast %select_n3A_909 : vector<16xi32> to vector<1x16xi32>
      tpu.vector_store %arg13[%swap3A_911, %swap3A_912], %swap3A_915 {strides = array<i32>} : memref<4x4096xi32, #tpu.memory_space<vmem>>, vector<1x16xi32>,
      %jit3A_916 = arith.constant 1 : i32
      %jit3A_917 = arith.constant 0 : i32
      %broadcast_in_dim3A_918 = vector.broadcast %jit3A_916 : i32 to vector<16xi32>
      %broadcast_in_dim3A_919 = vector.broadcast %jit3A_917 : i32 to vector<16xi32>
      %select_n3A_920 = arith.select %and3A_897, %broadcast_in_dim3A_918, %broadcast_in_dim3A_919 : vector<16xi1>, vector<16xi32>
      %or3A_921 = arith.ori %or3A_876, %select_n3A_920 : vector<16xi32>
      scf.yield %or3A_921 : vector<16xi32>
    }
    %scan3A_55 = arith.constant 256 : i32
    %broadcast_in_dim3A_56 = arith.constant 0 : i32
    %broadcast_in_dim3A_57 = vector.broadcast %broadcast_in_dim3A_56 : i32 to vector<16xi32>
    %swap3A_58 = arith.constant 16 : index
    %swap3A_59 = tpu.vector_load %arg14[%swap3A_58] {strides = array<i32>} : memref<32xi32, #tpu.memory_space<vmem>>, vector<16xi32>,
    %swap3A_60 = vector.shape_cast %swap3A_59 : vector<16xi32> to vector<16xi32>
    %swap3A_61 = vector.shape_cast %broadcast_in_dim3A_57 : vector<16xi32> to vector<16xi32>
    tpu.vector_store %arg14[%swap3A_58], %swap3A_61 {strides = array<i32>} : memref<32xi32, #tpu.memory_space<vmem>>, vector<16xi32>,
    %swap3A_62 = arith.constant 0 : index
    %swap3A_63 = tpu.vector_load %arg14[%swap3A_62] {strides = array<i32>} : memref<32xi32, #tpu.memory_space<vmem>>, vector<16xi32>,
    %swap3A_64 = vector.shape_cast %swap3A_63 : vector<16xi32> to vector<16xi32>
    %swap3A_65 = vector.shape_cast %scan3A_54 : vector<16xi32> to vector<16xi32>
    tpu.vector_store %arg14[%swap3A_62], %swap3A_65 {strides = array<i32>} : memref<32xi32, #tpu.memory_space<vmem>>, vector<16xi32>,
    %get3A_66 = arith.constant 8 : index
    %get3A_67 = tpu.vector_load %arg14[%get3A_66] {strides = array<i32>} : memref<32xi32, #tpu.memory_space<vmem>>, vector<16xi32>,
    %get3A_68 = vector.shape_cast %get3A_67 : vector<16xi32> to vector<16xi32>
    %or3A_69 = arith.ori %scan3A_54, %get3A_68 : vector<16xi32>
    %swap3A_70 = arith.constant 0 : index
    %swap3A_71 = tpu.vector_load %arg14[%swap3A_70] {strides = array<i32>} : memref<32xi32, #tpu.memory_space<vmem>>, vector<16xi32>,
    %swap3A_72 = vector.shape_cast %swap3A_71 : vector<16xi32> to vector<16xi32>
    %swap3A_73 = vector.shape_cast %or3A_69 : vector<16xi32> to vector<16xi32>
    tpu.vector_store %arg14[%swap3A_70], %swap3A_73 {strides = array<i32>} : memref<32xi32, #tpu.memory_space<vmem>>, vector<16xi32>,
    %get3A_74 = arith.constant 4 : index
    %get3A_75 = tpu.vector_load %arg14[%get3A_74] {strides = array<i32>} : memref<32xi32, #tpu.memory_space<vmem>>, vector<16xi32>,
    %get3A_76 = vector.shape_cast %get3A_75 : vector<16xi32> to vector<16xi32>
    %or3A_77 = arith.ori %or3A_69, %get3A_76 : vector<16xi32>
    %swap3A_78 = arith.constant 0 : index
    %swap3A_79 = tpu.vector_load %arg14[%swap3A_78] {strides = array<i32>} : memref<32xi32, #tpu.memory_space<vmem>>, vector<16xi32>,
    %swap3A_80 = vector.shape_cast %swap3A_79 : vector<16xi32> to vector<16xi32>
    %swap3A_81 = vector.shape_cast %or3A_77 : vector<16xi32> to vector<16xi32>
    tpu.vector_store %arg14[%swap3A_78], %swap3A_81 {strides = array<i32>} : memref<32xi32, #tpu.memory_space<vmem>>, vector<16xi32>,
    %get3A_82 = arith.constant 2 : index
    %get3A_83 = tpu.vector_load %arg14[%get3A_82] {strides = array<i32>} : memref<32xi32, #tpu.memory_space<vmem>>, vector<16xi32>,
    %get3A_84 = vector.shape_cast %get3A_83 : vector<16xi32> to vector<16xi32>
    %or3A_85 = arith.ori %or3A_77, %get3A_84 : vector<16xi32>
    %swap3A_86 = arith.constant 0 : index
    %swap3A_87 = tpu.vector_load %arg14[%swap3A_86] {strides = array<i32>} : memref<32xi32, #tpu.memory_space<vmem>>, vector<16xi32>,
    %swap3A_88 = vector.shape_cast %swap3A_87 : vector<16xi32> to vector<16xi32>
    %swap3A_89 = vector.shape_cast %or3A_85 : vector<16xi32> to vector<16xi32>
    tpu.vector_store %arg14[%swap3A_86], %swap3A_89 {strides = array<i32>} : memref<32xi32, #tpu.memory_space<vmem>>, vector<16xi32>,
    %get3A_90 = arith.constant 1 : index
    %get3A_91 = tpu.vector_load %arg14[%get3A_90] {strides = array<i32>} : memref<32xi32, #tpu.memory_space<vmem>>, vector<16xi32>,
    %get3A_92 = vector.shape_cast %get3A_91 : vector<16xi32> to vector<16xi32>
    %or3A_93 = arith.ori %or3A_85, %get3A_92 : vector<16xi32>
    %slice3A_94 = vector.extract_strided_slice %or3A_93 {offsets = [0], sizes = [1], strides = [1]} : vector<16xi32> to vector<1xi32>
    %squeeze3A_95 = vector.extract %slice3A_94[0] : i32 from vector<1xi32>
    %eq3A_96 = arith.constant 0 : i32
    %eq3A_97 = arith.cmpi eq, %squeeze3A_95, %eq3A_96 : i32
    %convert_element_type3A_98 = arith.extui %eq3A_97 : i1 to i32
    %cond3A_99 = arith.constant 0 : i32
    %cond3A_100 = arith.cmpi ne, %convert_element_type3A_98, %cond3A_99 : i32
    scf.if %cond3A_100 {
      %get3A_207 = arith.constant 1 : i32
      %get3A_208 = arith.index_cast %get3A_207 : i32 to index
      %get3A_209 = arith.constant 0 : index
      %get3A_210 = tpu.vector_load %arg10[%get3A_208, %get3A_209] {strides = array<i32>} : memref<4x16xi32, #tpu.memory_space<vmem>>, vector<1x16xi32>,
      %get3A_211 = vector.shape_cast %get3A_210 : vector<1x16xi32> to vector<16xi32>
      %slice3A_212 = vector.extract_strided_slice %get3A_211 {offsets = [0], sizes = [1], strides = [1]} : vector<16xi32> to vector<1xi32>
      %squeeze3A_213 = vector.extract %slice3A_212[0] : i32 from vector<1xi32>
      %get3A_214 = arith.constant 1 : i32
      %get3A_215 = arith.index_cast %get3A_214 : i32 to index
      %get3A_216 = arith.constant 0 : index
      %get3A_217 = tpu.vector_load %arg11[%get3A_215, %get3A_216] {strides = array<i32>} : memref<4x16xi32, #tpu.memory_space<vmem>>, vector<1x16xi32>,
      %get3A_218 = vector.shape_cast %get3A_217 : vector<1x16xi32> to vector<16xi32>
      %shift_right_arithmetic3A = arith.constant 4 : i32
      %shift_right_arithmetic3A_219 = arith.shrsi %squeeze3A_213, %shift_right_arithmetic3A : i32
      %shift_left3A = arith.constant 4 : i32
      %shift_left3A_220 = arith.shli %shift_right_arithmetic3A_219, %shift_left3A : i32
      %multiple_of3A = tpu.assume_multiple %shift_left3A_220, 16 : i32
      %and3A = arith.constant 15 : i32
      %and3A_221 = arith.andi %squeeze3A_213, %and3A : i32
      %get3A_222 = arith.constant 1 : i32
      %get3A_223 = arith.index_cast %get3A_222 : i32 to index
      %get3A_224 = arith.index_cast %multiple_of3A : i32 to index
      %get3A_225 = tpu.vector_load %arg8[%get3A_223, %get3A_224] {strides = array<i32>} : memref<4x4096xi32, #tpu.memory_space<vmem>>, vector<1x16xi32>,
      %get3A_226 = vector.shape_cast %get3A_225 : vector<1x16xi32> to vector<16xi32>
      %get3A_227 = arith.constant 1 : i32
      %get3A_228 = arith.index_cast %get3A_227 : i32 to index
      %get3A_229 = arith.index_cast %multiple_of3A : i32 to index
      %get3A_230 = tpu.vector_load %arg9[%get3A_228, %get3A_229] {strides = array<i32>} : memref<4x4096xi32, #tpu.memory_space<vmem>>, vector<1x16xi32>,
      %get3A_231 = vector.shape_cast %get3A_230 : vector<1x16xi32> to vector<16xi32>
      %eq3A_232 = vector.broadcast %and3A_221 : i32 to vector<16xi32>
      %eq3A_233 = arith.cmpi eq, %iota3A, %eq3A_232 : vector<16xi32>
      %ne3A = arith.constant -1 : i32
      %ne3A_234 = vector.broadcast %ne3A : i32 to vector<16xi32>
      %ne3A_235 = arith.cmpi ne, %get3A_231, %ne3A_234 : vector<16xi32>
      %ne3A_236 = arith.constant 0 : i32
      %ne3A_237 = vector.broadcast %ne3A_236 : i32 to vector<16xi32>
      %ne3A_238 = arith.cmpi ne, %get3A_226, %ne3A_237 : vector<16xi32>
      %and3A_239 = arith.andi %ne3A_235, %ne3A_238 : vector<16xi1>
      %or3A_240 = arith.ori %and3A_239, %eq3A_233 : vector<16xi1>
      %select_n3A = arith.select %eq3A_233, %get3A_218, %get3A_231 : vector<16xi1>, vector<16xi32>
      %ge3A = arith.constant 0 : i32
      %ge3A_241 = vector.broadcast %ge3A : i32 to vector<16xi32>
      %ge3A_242 = arith.cmpi sge, %select_n3A, %ge3A_241 : vector<16xi32>
      %and3A_243 = arith.andi %ge3A_242, %or3A_240 : vector<16xi1>
      %select_n3A_244 = arith.select %and3A_243, %select_n3A, %get3A_226 : vector<16xi1>, vector<16xi32>
      %swap3A_245 = arith.constant 1 : i32
      %swap3A_246 = arith.index_cast %swap3A_245 : i32 to index
      %swap3A_247 = arith.index_cast %multiple_of3A : i32 to index
      %swap3A_248 = tpu.vector_load %arg12[%swap3A_246, %swap3A_247] {strides = array<i32>} : memref<4x4096xi32, #tpu.memory_space<vmem>>, vector<1x16xi32>,
      %swap3A_249 = vector.shape_cast %swap3A_248 : vector<1x16xi32> to vector<16xi32>
      %swap3A_250 = vector.shape_cast %select_n3A_244 : vector<16xi32> to vector<1x16xi32>
      tpu.vector_store %arg12[%swap3A_246, %swap3A_247], %swap3A_250 {strides = array<i32>} : memref<4x4096xi32, #tpu.memory_space<vmem>>, vector<1x16xi32>,
      %select_n3A_251 = arith.select %or3A_240, %get3A_226, %broadcast_in_dim3A_3 : vector<16xi1>, vector<16xi32>
      %swap3A_252 = arith.constant 1 : i32
      %swap3A_253 = arith.index_cast %swap3A_252 : i32 to index
      %swap3A_254 = arith.index_cast %multiple_of3A : i32 to index
      %swap3A_255 = tpu.vector_load %arg13[%swap3A_253, %swap3A_254] {strides = array<i32>} : memref<4x4096xi32, #tpu.memory_space<vmem>>, vector<1x16xi32>,
      %swap3A_256 = vector.shape_cast %swap3A_255 : vector<1x16xi32> to vector<16xi32>
      %swap3A_257 = vector.shape_cast %select_n3A_251 : vector<16xi32> to vector<1x16xi32>
      tpu.vector_store %arg13[%swap3A_253, %swap3A_254], %swap3A_257 {strides = array<i32>} : memref<4x4096xi32, #tpu.memory_space<vmem>>, vector<1x16xi32>,
    } else {
    }
    %broadcast_in_dim3A_101 = arith.constant 0 : i32
    %broadcast_in_dim3A_102 = vector.broadcast %broadcast_in_dim3A_101 : i32 to vector<16xi32>
    %scan3A_103 = arith.constant 0 : i32
    %scan3A_104 = arith.constant 256 : i32
    %scan3A_105 = arith.addi %scan3A_103, %scan3A_104 : i32
    %scan3A_106 = arith.constant 16 : i32
    %scan3A_107 = scf.for %scan3A_207 = %scan3A_103 to %scan3A_105 step %scan3A_106 iter_args(%scan3A_208 = %broadcast_in_dim3A_102) -> (vector<16xi32>)  : i32 {
      %mul3A_209 = arith.constant 16 : i32
      %mul3A_210 = arith.muli %scan3A_207, %mul3A_209 : i32
      %get3A_211 = arith.constant 2 : i32
      %get3A_212 = arith.index_cast %get3A_211 : i32 to index
      %get3A_213 = arith.index_cast %mul3A_210 : i32 to index
      %get3A_214 = tpu.vector_load %arg9[%get3A_212, %get3A_213] {strides = array<i32>} : memref<4x4096xi32, #tpu.memory_space<vmem>>, vector<1x16xi32>,
      %get3A_215 = vector.shape_cast %get3A_214 : vector<1x16xi32> to vector<16xi32>
      %get3A_216 = arith.constant 2 : i32
      %get3A_217 = arith.index_cast %get3A_216 : i32 to index
      %get3A_218 = arith.index_cast %mul3A_210 : i32 to index
      %get3A_219 = tpu.vector_load %arg8[%get3A_217, %get3A_218] {strides = array<i32>} : memref<4x4096xi32, #tpu.memory_space<vmem>>, vector<1x16xi32>,
      %get3A_220 = vector.shape_cast %get3A_219 : vector<1x16xi32> to vector<16xi32>
      %ne3A = arith.constant -1 : i32
      %ne3A_221 = vector.broadcast %ne3A : i32 to vector<16xi32>
      %ne3A_222 = arith.cmpi ne, %get3A_215, %ne3A_221 : vector<16xi32>
      %ne3A_223 = arith.constant 0 : i32
      %ne3A_224 = vector.broadcast %ne3A_223 : i32 to vector<16xi32>
      %ne3A_225 = arith.cmpi ne, %get3A_220, %ne3A_224 : vector<16xi32>
      %and3A = arith.andi %ne3A_222, %ne3A_225 : vector<16xi1>
      %ge3A = arith.constant 0 : i32
      %ge3A_226 = vector.broadcast %ge3A : i32 to vector<16xi32>
      %ge3A_227 = arith.cmpi sge, %get3A_215, %ge3A_226 : vector<16xi32>
      %and3A_228 = arith.andi %ge3A_227, %and3A : vector<16xi1>
      %select_n3A = arith.select %and3A_228, %get3A_215, %get3A_220 : vector<16xi1>, vector<16xi32>
      %swap3A_229 = arith.constant 2 : i32
      %swap3A_230 = arith.index_cast %swap3A_229 : i32 to index
      %swap3A_231 = arith.index_cast %mul3A_210 : i32 to index
      %swap3A_232 = tpu.vector_load %arg12[%swap3A_230, %swap3A_231] {strides = array<i32>} : memref<4x4096xi32, #tpu.memory_space<vmem>>, vector<1x16xi32>,
      %swap3A_233 = vector.shape_cast %swap3A_232 : vector<1x16xi32> to vector<16xi32>
      %swap3A_234 = vector.shape_cast %select_n3A : vector<16xi32> to vector<1x16xi32>
      tpu.vector_store %arg12[%swap3A_230, %swap3A_231], %swap3A_234 {strides = array<i32>} : memref<4x4096xi32, #tpu.memory_space<vmem>>, vector<1x16xi32>,
      %select_n3A_235 = arith.select %and3A, %get3A_220, %broadcast_in_dim3A_3 : vector<16xi1>, vector<16xi32>
      %swap3A_236 = arith.constant 2 : i32
      %swap3A_237 = arith.index_cast %swap3A_236 : i32 to index
      %swap3A_238 = arith.index_cast %mul3A_210 : i32 to index
      %swap3A_239 = tpu.vector_load %arg13[%swap3A_237, %swap3A_238] {strides = array<i32>} : memref<4x4096xi32, #tpu.memory_space<vmem>>, vector<1x16xi32>,
      %swap3A_240 = vector.shape_cast %swap3A_239 : vector<1x16xi32> to vector<16xi32>
      %swap3A_241 = vector.shape_cast %select_n3A_235 : vector<16xi32> to vector<1x16xi32>
      tpu.vector_store %arg13[%swap3A_237, %swap3A_238], %swap3A_241 {strides = array<i32>} : memref<4x4096xi32, #tpu.memory_space<vmem>>, vector<1x16xi32>,
      %jit3A = arith.constant 1 : i32
      %jit3A_242 = arith.constant 0 : i32
      %broadcast_in_dim3A_243 = vector.broadcast %jit3A : i32 to vector<16xi32>
      %broadcast_in_dim3A_244 = vector.broadcast %jit3A_242 : i32 to vector<16xi32>
      %select_n3A_245 = arith.select %and3A, %broadcast_in_dim3A_243, %broadcast_in_dim3A_244 : vector<16xi1>, vector<16xi32>
      %or3A_246 = arith.ori %scan3A_208, %select_n3A_245 : vector<16xi32>
      %scan3A_247 = arith.constant 1 : i32
      %scan3A_248 = arith.addi %scan3A_207, %scan3A_247 : i32
      %mul3A_249 = arith.constant 16 : i32
      %mul3A_250 = arith.muli %scan3A_248, %mul3A_249 : i32
      %get3A_251 = arith.constant 2 : i32
      %get3A_252 = arith.index_cast %get3A_251 : i32 to index
      %get3A_253 = arith.index_cast %mul3A_250 : i32 to index
      %get3A_254 = tpu.vector_load %arg9[%get3A_252, %get3A_253] {strides = array<i32>} : memref<4x4096xi32, #tpu.memory_space<vmem>>, vector<1x16xi32>,
      %get3A_255 = vector.shape_cast %get3A_254 : vector<1x16xi32> to vector<16xi32>
      %get3A_256 = arith.constant 2 : i32
      %get3A_257 = arith.index_cast %get3A_256 : i32 to index
      %get3A_258 = arith.index_cast %mul3A_250 : i32 to index
      %get3A_259 = tpu.vector_load %arg8[%get3A_257, %get3A_258] {strides = array<i32>} : memref<4x4096xi32, #tpu.memory_space<vmem>>, vector<1x16xi32>,
      %get3A_260 = vector.shape_cast %get3A_259 : vector<1x16xi32> to vector<16xi32>
      %ne3A_261 = arith.constant -1 : i32
      %ne3A_262 = vector.broadcast %ne3A_261 : i32 to vector<16xi32>
      %ne3A_263 = arith.cmpi ne, %get3A_255, %ne3A_262 : vector<16xi32>
      %ne3A_264 = arith.constant 0 : i32
      %ne3A_265 = vector.broadcast %ne3A_264 : i32 to vector<16xi32>
      %ne3A_266 = arith.cmpi ne, %get3A_260, %ne3A_265 : vector<16xi32>
      %and3A_267 = arith.andi %ne3A_263, %ne3A_266 : vector<16xi1>
      %ge3A_268 = arith.constant 0 : i32
      %ge3A_269 = vector.broadcast %ge3A_268 : i32 to vector<16xi32>
      %ge3A_270 = arith.cmpi sge, %get3A_255, %ge3A_269 : vector<16xi32>
      %and3A_271 = arith.andi %ge3A_270, %and3A_267 : vector<16xi1>
      %select_n3A_272 = arith.select %and3A_271, %get3A_255, %get3A_260 : vector<16xi1>, vector<16xi32>
      %swap3A_273 = arith.constant 2 : i32
      %swap3A_274 = arith.index_cast %swap3A_273 : i32 to index
      %swap3A_275 = arith.index_cast %mul3A_250 : i32 to index
      %swap3A_276 = tpu.vector_load %arg12[%swap3A_274, %swap3A_275] {strides = array<i32>} : memref<4x4096xi32, #tpu.memory_space<vmem>>, vector<1x16xi32>,
      %swap3A_277 = vector.shape_cast %swap3A_276 : vector<1x16xi32> to vector<16xi32>
      %swap3A_278 = vector.shape_cast %select_n3A_272 : vector<16xi32> to vector<1x16xi32>
      tpu.vector_store %arg12[%swap3A_274, %swap3A_275], %swap3A_278 {strides = array<i32>} : memref<4x4096xi32, #tpu.memory_space<vmem>>, vector<1x16xi32>,
      %select_n3A_279 = arith.select %and3A_267, %get3A_260, %broadcast_in_dim3A_3 : vector<16xi1>, vector<16xi32>
      %swap3A_280 = arith.constant 2 : i32
      %swap3A_281 = arith.index_cast %swap3A_280 : i32 to index
      %swap3A_282 = arith.index_cast %mul3A_250 : i32 to index
      %swap3A_283 = tpu.vector_load %arg13[%swap3A_281, %swap3A_282] {strides = array<i32>} : memref<4x4096xi32, #tpu.memory_space<vmem>>, vector<1x16xi32>,
      %swap3A_284 = vector.shape_cast %swap3A_283 : vector<1x16xi32> to vector<16xi32>
      %swap3A_285 = vector.shape_cast %select_n3A_279 : vector<16xi32> to vector<1x16xi32>
      tpu.vector_store %arg13[%swap3A_281, %swap3A_282], %swap3A_285 {strides = array<i32>} : memref<4x4096xi32, #tpu.memory_space<vmem>>, vector<1x16xi32>,
      %jit3A_286 = arith.constant 1 : i32
      %jit3A_287 = arith.constant 0 : i32
      %broadcast_in_dim3A_288 = vector.broadcast %jit3A_286 : i32 to vector<16xi32>
      %broadcast_in_dim3A_289 = vector.broadcast %jit3A_287 : i32 to vector<16xi32>
      %select_n3A_290 = arith.select %and3A_267, %broadcast_in_dim3A_288, %broadcast_in_dim3A_289 : vector<16xi1>, vector<16xi32>
      %or3A_291 = arith.ori %or3A_246, %select_n3A_290 : vector<16xi32>
      %scan3A_292 = arith.constant 2 : i32
      %scan3A_293 = arith.addi %scan3A_207, %scan3A_292 : i32
      %mul3A_294 = arith.constant 16 : i32
      %mul3A_295 = arith.muli %scan3A_293, %mul3A_294 : i32
      %get3A_296 = arith.constant 2 : i32
      %get3A_297 = arith.index_cast %get3A_296 : i32 to index
      %get3A_298 = arith.index_cast %mul3A_295 : i32 to index
      %get3A_299 = tpu.vector_load %arg9[%get3A_297, %get3A_298] {strides = array<i32>} : memref<4x4096xi32, #tpu.memory_space<vmem>>, vector<1x16xi32>,
      %get3A_300 = vector.shape_cast %get3A_299 : vector<1x16xi32> to vector<16xi32>
      %get3A_301 = arith.constant 2 : i32
      %get3A_302 = arith.index_cast %get3A_301 : i32 to index
      %get3A_303 = arith.index_cast %mul3A_295 : i32 to index
      %get3A_304 = tpu.vector_load %arg8[%get3A_302, %get3A_303] {strides = array<i32>} : memref<4x4096xi32, #tpu.memory_space<vmem>>, vector<1x16xi32>,
      %get3A_305 = vector.shape_cast %get3A_304 : vector<1x16xi32> to vector<16xi32>
      %ne3A_306 = arith.constant -1 : i32
      %ne3A_307 = vector.broadcast %ne3A_306 : i32 to vector<16xi32>
      %ne3A_308 = arith.cmpi ne, %get3A_300, %ne3A_307 : vector<16xi32>
      %ne3A_309 = arith.constant 0 : i32
      %ne3A_310 = vector.broadcast %ne3A_309 : i32 to vector<16xi32>
      %ne3A_311 = arith.cmpi ne, %get3A_305, %ne3A_310 : vector<16xi32>
      %and3A_312 = arith.andi %ne3A_308, %ne3A_311 : vector<16xi1>
      %ge3A_313 = arith.constant 0 : i32
      %ge3A_314 = vector.broadcast %ge3A_313 : i32 to vector<16xi32>
      %ge3A_315 = arith.cmpi sge, %get3A_300, %ge3A_314 : vector<16xi32>
      %and3A_316 = arith.andi %ge3A_315, %and3A_312 : vector<16xi1>
      %select_n3A_317 = arith.select %and3A_316, %get3A_300, %get3A_305 : vector<16xi1>, vector<16xi32>
      %swap3A_318 = arith.constant 2 : i32
      %swap3A_319 = arith.index_cast %swap3A_318 : i32 to index
      %swap3A_320 = arith.index_cast %mul3A_295 : i32 to index
      %swap3A_321 = tpu.vector_load %arg12[%swap3A_319, %swap3A_320] {strides = array<i32>} : memref<4x4096xi32, #tpu.memory_space<vmem>>, vector<1x16xi32>,
      %swap3A_322 = vector.shape_cast %swap3A_321 : vector<1x16xi32> to vector<16xi32>
      %swap3A_323 = vector.shape_cast %select_n3A_317 : vector<16xi32> to vector<1x16xi32>
      tpu.vector_store %arg12[%swap3A_319, %swap3A_320], %swap3A_323 {strides = array<i32>} : memref<4x4096xi32, #tpu.memory_space<vmem>>, vector<1x16xi32>,
      %select_n3A_324 = arith.select %and3A_312, %get3A_305, %broadcast_in_dim3A_3 : vector<16xi1>, vector<16xi32>
      %swap3A_325 = arith.constant 2 : i32
      %swap3A_326 = arith.index_cast %swap3A_325 : i32 to index
      %swap3A_327 = arith.index_cast %mul3A_295 : i32 to index
      %swap3A_328 = tpu.vector_load %arg13[%swap3A_326, %swap3A_327] {strides = array<i32>} : memref<4x4096xi32, #tpu.memory_space<vmem>>, vector<1x16xi32>,
      %swap3A_329 = vector.shape_cast %swap3A_328 : vector<1x16xi32> to vector<16xi32>
      %swap3A_330 = vector.shape_cast %select_n3A_324 : vector<16xi32> to vector<1x16xi32>
      tpu.vector_store %arg13[%swap3A_326, %swap3A_327], %swap3A_330 {strides = array<i32>} : memref<4x4096xi32, #tpu.memory_space<vmem>>, vector<1x16xi32>,
      %jit3A_331 = arith.constant 1 : i32
      %jit3A_332 = arith.constant 0 : i32
      %broadcast_in_dim3A_333 = vector.broadcast %jit3A_331 : i32 to vector<16xi32>
      %broadcast_in_dim3A_334 = vector.broadcast %jit3A_332 : i32 to vector<16xi32>
      %select_n3A_335 = arith.select %and3A_312, %broadcast_in_dim3A_333, %broadcast_in_dim3A_334 : vector<16xi1>, vector<16xi32>
      %or3A_336 = arith.ori %or3A_291, %select_n3A_335 : vector<16xi32>
      %scan3A_337 = arith.constant 3 : i32
      %scan3A_338 = arith.addi %scan3A_207, %scan3A_337 : i32
      %mul3A_339 = arith.constant 16 : i32
      %mul3A_340 = arith.muli %scan3A_338, %mul3A_339 : i32
      %get3A_341 = arith.constant 2 : i32
      %get3A_342 = arith.index_cast %get3A_341 : i32 to index
      %get3A_343 = arith.index_cast %mul3A_340 : i32 to index
      %get3A_344 = tpu.vector_load %arg9[%get3A_342, %get3A_343] {strides = array<i32>} : memref<4x4096xi32, #tpu.memory_space<vmem>>, vector<1x16xi32>,
      %get3A_345 = vector.shape_cast %get3A_344 : vector<1x16xi32> to vector<16xi32>
      %get3A_346 = arith.constant 2 : i32
      %get3A_347 = arith.index_cast %get3A_346 : i32 to index
      %get3A_348 = arith.index_cast %mul3A_340 : i32 to index
      %get3A_349 = tpu.vector_load %arg8[%get3A_347, %get3A_348] {strides = array<i32>} : memref<4x4096xi32, #tpu.memory_space<vmem>>, vector<1x16xi32>,
      %get3A_350 = vector.shape_cast %get3A_349 : vector<1x16xi32> to vector<16xi32>
      %ne3A_351 = arith.constant -1 : i32
      %ne3A_352 = vector.broadcast %ne3A_351 : i32 to vector<16xi32>
      %ne3A_353 = arith.cmpi ne, %get3A_345, %ne3A_352 : vector<16xi32>
      %ne3A_354 = arith.constant 0 : i32
      %ne3A_355 = vector.broadcast %ne3A_354 : i32 to vector<16xi32>
      %ne3A_356 = arith.cmpi ne, %get3A_350, %ne3A_355 : vector<16xi32>
      %and3A_357 = arith.andi %ne3A_353, %ne3A_356 : vector<16xi1>
      %ge3A_358 = arith.constant 0 : i32
      %ge3A_359 = vector.broadcast %ge3A_358 : i32 to vector<16xi32>
      %ge3A_360 = arith.cmpi sge, %get3A_345, %ge3A_359 : vector<16xi32>
      %and3A_361 = arith.andi %ge3A_360, %and3A_357 : vector<16xi1>
      %select_n3A_362 = arith.select %and3A_361, %get3A_345, %get3A_350 : vector<16xi1>, vector<16xi32>
      %swap3A_363 = arith.constant 2 : i32
      %swap3A_364 = arith.index_cast %swap3A_363 : i32 to index
      %swap3A_365 = arith.index_cast %mul3A_340 : i32 to index
      %swap3A_366 = tpu.vector_load %arg12[%swap3A_364, %swap3A_365] {strides = array<i32>} : memref<4x4096xi32, #tpu.memory_space<vmem>>, vector<1x16xi32>,
      %swap3A_367 = vector.shape_cast %swap3A_366 : vector<1x16xi32> to vector<16xi32>
      %swap3A_368 = vector.shape_cast %select_n3A_362 : vector<16xi32> to vector<1x16xi32>
      tpu.vector_store %arg12[%swap3A_364, %swap3A_365], %swap3A_368 {strides = array<i32>} : memref<4x4096xi32, #tpu.memory_space<vmem>>, vector<1x16xi32>,
      %select_n3A_369 = arith.select %and3A_357, %get3A_350, %broadcast_in_dim3A_3 : vector<16xi1>, vector<16xi32>
      %swap3A_370 = arith.constant 2 : i32
      %swap3A_371 = arith.index_cast %swap3A_370 : i32 to index
      %swap3A_372 = arith.index_cast %mul3A_340 : i32 to index
      %swap3A_373 = tpu.vector_load %arg13[%swap3A_371, %swap3A_372] {strides = array<i32>} : memref<4x4096xi32, #tpu.memory_space<vmem>>, vector<1x16xi32>,
      %swap3A_374 = vector.shape_cast %swap3A_373 : vector<1x16xi32> to vector<16xi32>
      %swap3A_375 = vector.shape_cast %select_n3A_369 : vector<16xi32> to vector<1x16xi32>
      tpu.vector_store %arg13[%swap3A_371, %swap3A_372], %swap3A_375 {strides = array<i32>} : memref<4x4096xi32, #tpu.memory_space<vmem>>, vector<1x16xi32>,
      %jit3A_376 = arith.constant 1 : i32
      %jit3A_377 = arith.constant 0 : i32
      %broadcast_in_dim3A_378 = vector.broadcast %jit3A_376 : i32 to vector<16xi32>
      %broadcast_in_dim3A_379 = vector.broadcast %jit3A_377 : i32 to vector<16xi32>
      %select_n3A_380 = arith.select %and3A_357, %broadcast_in_dim3A_378, %broadcast_in_dim3A_379 : vector<16xi1>, vector<16xi32>
      %or3A_381 = arith.ori %or3A_336, %select_n3A_380 : vector<16xi32>
      %scan3A_382 = arith.constant 4 : i32
      %scan3A_383 = arith.addi %scan3A_207, %scan3A_382 : i32
      %mul3A_384 = arith.constant 16 : i32
      %mul3A_385 = arith.muli %scan3A_383, %mul3A_384 : i32
      %get3A_386 = arith.constant 2 : i32
      %get3A_387 = arith.index_cast %get3A_386 : i32 to index
      %get3A_388 = arith.index_cast %mul3A_385 : i32 to index
      %get3A_389 = tpu.vector_load %arg9[%get3A_387, %get3A_388] {strides = array<i32>} : memref<4x4096xi32, #tpu.memory_space<vmem>>, vector<1x16xi32>,
      %get3A_390 = vector.shape_cast %get3A_389 : vector<1x16xi32> to vector<16xi32>
      %get3A_391 = arith.constant 2 : i32
      %get3A_392 = arith.index_cast %get3A_391 : i32 to index
      %get3A_393 = arith.index_cast %mul3A_385 : i32 to index
      %get3A_394 = tpu.vector_load %arg8[%get3A_392, %get3A_393] {strides = array<i32>} : memref<4x4096xi32, #tpu.memory_space<vmem>>, vector<1x16xi32>,
      %get3A_395 = vector.shape_cast %get3A_394 : vector<1x16xi32> to vector<16xi32>
      %ne3A_396 = arith.constant -1 : i32
      %ne3A_397 = vector.broadcast %ne3A_396 : i32 to vector<16xi32>
      %ne3A_398 = arith.cmpi ne, %get3A_390, %ne3A_397 : vector<16xi32>
      %ne3A_399 = arith.constant 0 : i32
      %ne3A_400 = vector.broadcast %ne3A_399 : i32 to vector<16xi32>
      %ne3A_401 = arith.cmpi ne, %get3A_395, %ne3A_400 : vector<16xi32>
      %and3A_402 = arith.andi %ne3A_398, %ne3A_401 : vector<16xi1>
      %ge3A_403 = arith.constant 0 : i32
      %ge3A_404 = vector.broadcast %ge3A_403 : i32 to vector<16xi32>
      %ge3A_405 = arith.cmpi sge, %get3A_390, %ge3A_404 : vector<16xi32>
      %and3A_406 = arith.andi %ge3A_405, %and3A_402 : vector<16xi1>
      %select_n3A_407 = arith.select %and3A_406, %get3A_390, %get3A_395 : vector<16xi1>, vector<16xi32>
      %swap3A_408 = arith.constant 2 : i32
      %swap3A_409 = arith.index_cast %swap3A_408 : i32 to index
      %swap3A_410 = arith.index_cast %mul3A_385 : i32 to index
      %swap3A_411 = tpu.vector_load %arg12[%swap3A_409, %swap3A_410] {strides = array<i32>} : memref<4x4096xi32, #tpu.memory_space<vmem>>, vector<1x16xi32>,
      %swap3A_412 = vector.shape_cast %swap3A_411 : vector<1x16xi32> to vector<16xi32>
      %swap3A_413 = vector.shape_cast %select_n3A_407 : vector<16xi32> to vector<1x16xi32>
      tpu.vector_store %arg12[%swap3A_409, %swap3A_410], %swap3A_413 {strides = array<i32>} : memref<4x4096xi32, #tpu.memory_space<vmem>>, vector<1x16xi32>,
      %select_n3A_414 = arith.select %and3A_402, %get3A_395, %broadcast_in_dim3A_3 : vector<16xi1>, vector<16xi32>
      %swap3A_415 = arith.constant 2 : i32
      %swap3A_416 = arith.index_cast %swap3A_415 : i32 to index
      %swap3A_417 = arith.index_cast %mul3A_385 : i32 to index
      %swap3A_418 = tpu.vector_load %arg13[%swap3A_416, %swap3A_417] {strides = array<i32>} : memref<4x4096xi32, #tpu.memory_space<vmem>>, vector<1x16xi32>,
      %swap3A_419 = vector.shape_cast %swap3A_418 : vector<1x16xi32> to vector<16xi32>
      %swap3A_420 = vector.shape_cast %select_n3A_414 : vector<16xi32> to vector<1x16xi32>
      tpu.vector_store %arg13[%swap3A_416, %swap3A_417], %swap3A_420 {strides = array<i32>} : memref<4x4096xi32, #tpu.memory_space<vmem>>, vector<1x16xi32>,
      %jit3A_421 = arith.constant 1 : i32
      %jit3A_422 = arith.constant 0 : i32
      %broadcast_in_dim3A_423 = vector.broadcast %jit3A_421 : i32 to vector<16xi32>
      %broadcast_in_dim3A_424 = vector.broadcast %jit3A_422 : i32 to vector<16xi32>
      %select_n3A_425 = arith.select %and3A_402, %broadcast_in_dim3A_423, %broadcast_in_dim3A_424 : vector<16xi1>, vector<16xi32>
      %or3A_426 = arith.ori %or3A_381, %select_n3A_425 : vector<16xi32>
      %scan3A_427 = arith.constant 5 : i32
      %scan3A_428 = arith.addi %scan3A_207, %scan3A_427 : i32
      %mul3A_429 = arith.constant 16 : i32
      %mul3A_430 = arith.muli %scan3A_428, %mul3A_429 : i32
      %get3A_431 = arith.constant 2 : i32
      %get3A_432 = arith.index_cast %get3A_431 : i32 to index
      %get3A_433 = arith.index_cast %mul3A_430 : i32 to index
      %get3A_434 = tpu.vector_load %arg9[%get3A_432, %get3A_433] {strides = array<i32>} : memref<4x4096xi32, #tpu.memory_space<vmem>>, vector<1x16xi32>,
      %get3A_435 = vector.shape_cast %get3A_434 : vector<1x16xi32> to vector<16xi32>
      %get3A_436 = arith.constant 2 : i32
      %get3A_437 = arith.index_cast %get3A_436 : i32 to index
      %get3A_438 = arith.index_cast %mul3A_430 : i32 to index
      %get3A_439 = tpu.vector_load %arg8[%get3A_437, %get3A_438] {strides = array<i32>} : memref<4x4096xi32, #tpu.memory_space<vmem>>, vector<1x16xi32>,
      %get3A_440 = vector.shape_cast %get3A_439 : vector<1x16xi32> to vector<16xi32>
      %ne3A_441 = arith.constant -1 : i32
      %ne3A_442 = vector.broadcast %ne3A_441 : i32 to vector<16xi32>
      %ne3A_443 = arith.cmpi ne, %get3A_435, %ne3A_442 : vector<16xi32>
      %ne3A_444 = arith.constant 0 : i32
      %ne3A_445 = vector.broadcast %ne3A_444 : i32 to vector<16xi32>
      %ne3A_446 = arith.cmpi ne, %get3A_440, %ne3A_445 : vector<16xi32>
      %and3A_447 = arith.andi %ne3A_443, %ne3A_446 : vector<16xi1>
      %ge3A_448 = arith.constant 0 : i32
      %ge3A_449 = vector.broadcast %ge3A_448 : i32 to vector<16xi32>
      %ge3A_450 = arith.cmpi sge, %get3A_435, %ge3A_449 : vector<16xi32>
      %and3A_451 = arith.andi %ge3A_450, %and3A_447 : vector<16xi1>
      %select_n3A_452 = arith.select %and3A_451, %get3A_435, %get3A_440 : vector<16xi1>, vector<16xi32>
      %swap3A_453 = arith.constant 2 : i32
      %swap3A_454 = arith.index_cast %swap3A_453 : i32 to index
      %swap3A_455 = arith.index_cast %mul3A_430 : i32 to index
      %swap3A_456 = tpu.vector_load %arg12[%swap3A_454, %swap3A_455] {strides = array<i32>} : memref<4x4096xi32, #tpu.memory_space<vmem>>, vector<1x16xi32>,
      %swap3A_457 = vector.shape_cast %swap3A_456 : vector<1x16xi32> to vector<16xi32>
      %swap3A_458 = vector.shape_cast %select_n3A_452 : vector<16xi32> to vector<1x16xi32>
      tpu.vector_store %arg12[%swap3A_454, %swap3A_455], %swap3A_458 {strides = array<i32>} : memref<4x4096xi32, #tpu.memory_space<vmem>>, vector<1x16xi32>,
      %select_n3A_459 = arith.select %and3A_447, %get3A_440, %broadcast_in_dim3A_3 : vector<16xi1>, vector<16xi32>
      %swap3A_460 = arith.constant 2 : i32
      %swap3A_461 = arith.index_cast %swap3A_460 : i32 to index
      %swap3A_462 = arith.index_cast %mul3A_430 : i32 to index
      %swap3A_463 = tpu.vector_load %arg13[%swap3A_461, %swap3A_462] {strides = array<i32>} : memref<4x4096xi32, #tpu.memory_space<vmem>>, vector<1x16xi32>,
      %swap3A_464 = vector.shape_cast %swap3A_463 : vector<1x16xi32> to vector<16xi32>
      %swap3A_465 = vector.shape_cast %select_n3A_459 : vector<16xi32> to vector<1x16xi32>
      tpu.vector_store %arg13[%swap3A_461, %swap3A_462], %swap3A_465 {strides = array<i32>} : memref<4x4096xi32, #tpu.memory_space<vmem>>, vector<1x16xi32>,
      %jit3A_466 = arith.constant 1 : i32
      %jit3A_467 = arith.constant 0 : i32
      %broadcast_in_dim3A_468 = vector.broadcast %jit3A_466 : i32 to vector<16xi32>
      %broadcast_in_dim3A_469 = vector.broadcast %jit3A_467 : i32 to vector<16xi32>
      %select_n3A_470 = arith.select %and3A_447, %broadcast_in_dim3A_468, %broadcast_in_dim3A_469 : vector<16xi1>, vector<16xi32>
      %or3A_471 = arith.ori %or3A_426, %select_n3A_470 : vector<16xi32>
      %scan3A_472 = arith.constant 6 : i32
      %scan3A_473 = arith.addi %scan3A_207, %scan3A_472 : i32
      %mul3A_474 = arith.constant 16 : i32
      %mul3A_475 = arith.muli %scan3A_473, %mul3A_474 : i32
      %get3A_476 = arith.constant 2 : i32
      %get3A_477 = arith.index_cast %get3A_476 : i32 to index
      %get3A_478 = arith.index_cast %mul3A_475 : i32 to index
      %get3A_479 = tpu.vector_load %arg9[%get3A_477, %get3A_478] {strides = array<i32>} : memref<4x4096xi32, #tpu.memory_space<vmem>>, vector<1x16xi32>,
      %get3A_480 = vector.shape_cast %get3A_479 : vector<1x16xi32> to vector<16xi32>
      %get3A_481 = arith.constant 2 : i32
      %get3A_482 = arith.index_cast %get3A_481 : i32 to index
      %get3A_483 = arith.index_cast %mul3A_475 : i32 to index
      %get3A_484 = tpu.vector_load %arg8[%get3A_482, %get3A_483] {strides = array<i32>} : memref<4x4096xi32, #tpu.memory_space<vmem>>, vector<1x16xi32>,
      %get3A_485 = vector.shape_cast %get3A_484 : vector<1x16xi32> to vector<16xi32>
      %ne3A_486 = arith.constant -1 : i32
      %ne3A_487 = vector.broadcast %ne3A_486 : i32 to vector<16xi32>
      %ne3A_488 = arith.cmpi ne, %get3A_480, %ne3A_487 : vector<16xi32>
      %ne3A_489 = arith.constant 0 : i32
      %ne3A_490 = vector.broadcast %ne3A_489 : i32 to vector<16xi32>
      %ne3A_491 = arith.cmpi ne, %get3A_485, %ne3A_490 : vector<16xi32>
      %and3A_492 = arith.andi %ne3A_488, %ne3A_491 : vector<16xi1>
      %ge3A_493 = arith.constant 0 : i32
      %ge3A_494 = vector.broadcast %ge3A_493 : i32 to vector<16xi32>
      %ge3A_495 = arith.cmpi sge, %get3A_480, %ge3A_494 : vector<16xi32>
      %and3A_496 = arith.andi %ge3A_495, %and3A_492 : vector<16xi1>
      %select_n3A_497 = arith.select %and3A_496, %get3A_480, %get3A_485 : vector<16xi1>, vector<16xi32>
      %swap3A_498 = arith.constant 2 : i32
      %swap3A_499 = arith.index_cast %swap3A_498 : i32 to index
      %swap3A_500 = arith.index_cast %mul3A_475 : i32 to index
      %swap3A_501 = tpu.vector_load %arg12[%swap3A_499, %swap3A_500] {strides = array<i32>} : memref<4x4096xi32, #tpu.memory_space<vmem>>, vector<1x16xi32>,
      %swap3A_502 = vector.shape_cast %swap3A_501 : vector<1x16xi32> to vector<16xi32>
      %swap3A_503 = vector.shape_cast %select_n3A_497 : vector<16xi32> to vector<1x16xi32>
      tpu.vector_store %arg12[%swap3A_499, %swap3A_500], %swap3A_503 {strides = array<i32>} : memref<4x4096xi32, #tpu.memory_space<vmem>>, vector<1x16xi32>,
      %select_n3A_504 = arith.select %and3A_492, %get3A_485, %broadcast_in_dim3A_3 : vector<16xi1>, vector<16xi32>
      %swap3A_505 = arith.constant 2 : i32
      %swap3A_506 = arith.index_cast %swap3A_505 : i32 to index
      %swap3A_507 = arith.index_cast %mul3A_475 : i32 to index
      %swap3A_508 = tpu.vector_load %arg13[%swap3A_506, %swap3A_507] {strides = array<i32>} : memref<4x4096xi32, #tpu.memory_space<vmem>>, vector<1x16xi32>,
      %swap3A_509 = vector.shape_cast %swap3A_508 : vector<1x16xi32> to vector<16xi32>
      %swap3A_510 = vector.shape_cast %select_n3A_504 : vector<16xi32> to vector<1x16xi32>
      tpu.vector_store %arg13[%swap3A_506, %swap3A_507], %swap3A_510 {strides = array<i32>} : memref<4x4096xi32, #tpu.memory_space<vmem>>, vector<1x16xi32>,
      %jit3A_511 = arith.constant 1 : i32
      %jit3A_512 = arith.constant 0 : i32
      %broadcast_in_dim3A_513 = vector.broadcast %jit3A_511 : i32 to vector<16xi32>
      %broadcast_in_dim3A_514 = vector.broadcast %jit3A_512 : i32 to vector<16xi32>
      %select_n3A_515 = arith.select %and3A_492, %broadcast_in_dim3A_513, %broadcast_in_dim3A_514 : vector<16xi1>, vector<16xi32>
      %or3A_516 = arith.ori %or3A_471, %select_n3A_515 : vector<16xi32>
      %scan3A_517 = arith.constant 7 : i32
      %scan3A_518 = arith.addi %scan3A_207, %scan3A_517 : i32
      %mul3A_519 = arith.constant 16 : i32
      %mul3A_520 = arith.muli %scan3A_518, %mul3A_519 : i32
      %get3A_521 = arith.constant 2 : i32
      %get3A_522 = arith.index_cast %get3A_521 : i32 to index
      %get3A_523 = arith.index_cast %mul3A_520 : i32 to index
      %get3A_524 = tpu.vector_load %arg9[%get3A_522, %get3A_523] {strides = array<i32>} : memref<4x4096xi32, #tpu.memory_space<vmem>>, vector<1x16xi32>,
      %get3A_525 = vector.shape_cast %get3A_524 : vector<1x16xi32> to vector<16xi32>
      %get3A_526 = arith.constant 2 : i32
      %get3A_527 = arith.index_cast %get3A_526 : i32 to index
      %get3A_528 = arith.index_cast %mul3A_520 : i32 to index
      %get3A_529 = tpu.vector_load %arg8[%get3A_527, %get3A_528] {strides = array<i32>} : memref<4x4096xi32, #tpu.memory_space<vmem>>, vector<1x16xi32>,
      %get3A_530 = vector.shape_cast %get3A_529 : vector<1x16xi32> to vector<16xi32>
      %ne3A_531 = arith.constant -1 : i32
      %ne3A_532 = vector.broadcast %ne3A_531 : i32 to vector<16xi32>
      %ne3A_533 = arith.cmpi ne, %get3A_525, %ne3A_532 : vector<16xi32>
      %ne3A_534 = arith.constant 0 : i32
      %ne3A_535 = vector.broadcast %ne3A_534 : i32 to vector<16xi32>
      %ne3A_536 = arith.cmpi ne, %get3A_530, %ne3A_535 : vector<16xi32>
      %and3A_537 = arith.andi %ne3A_533, %ne3A_536 : vector<16xi1>
      %ge3A_538 = arith.constant 0 : i32
      %ge3A_539 = vector.broadcast %ge3A_538 : i32 to vector<16xi32>
      %ge3A_540 = arith.cmpi sge, %get3A_525, %ge3A_539 : vector<16xi32>
      %and3A_541 = arith.andi %ge3A_540, %and3A_537 : vector<16xi1>
      %select_n3A_542 = arith.select %and3A_541, %get3A_525, %get3A_530 : vector<16xi1>, vector<16xi32>
      %swap3A_543 = arith.constant 2 : i32
      %swap3A_544 = arith.index_cast %swap3A_543 : i32 to index
      %swap3A_545 = arith.index_cast %mul3A_520 : i32 to index
      %swap3A_546 = tpu.vector_load %arg12[%swap3A_544, %swap3A_545] {strides = array<i32>} : memref<4x4096xi32, #tpu.memory_space<vmem>>, vector<1x16xi32>,
      %swap3A_547 = vector.shape_cast %swap3A_546 : vector<1x16xi32> to vector<16xi32>
      %swap3A_548 = vector.shape_cast %select_n3A_542 : vector<16xi32> to vector<1x16xi32>
      tpu.vector_store %arg12[%swap3A_544, %swap3A_545], %swap3A_548 {strides = array<i32>} : memref<4x4096xi32, #tpu.memory_space<vmem>>, vector<1x16xi32>,
      %select_n3A_549 = arith.select %and3A_537, %get3A_530, %broadcast_in_dim3A_3 : vector<16xi1>, vector<16xi32>
      %swap3A_550 = arith.constant 2 : i32
      %swap3A_551 = arith.index_cast %swap3A_550 : i32 to index
      %swap3A_552 = arith.index_cast %mul3A_520 : i32 to index
      %swap3A_553 = tpu.vector_load %arg13[%swap3A_551, %swap3A_552] {strides = array<i32>} : memref<4x4096xi32, #tpu.memory_space<vmem>>, vector<1x16xi32>,
      %swap3A_554 = vector.shape_cast %swap3A_553 : vector<1x16xi32> to vector<16xi32>
      %swap3A_555 = vector.shape_cast %select_n3A_549 : vector<16xi32> to vector<1x16xi32>
      tpu.vector_store %arg13[%swap3A_551, %swap3A_552], %swap3A_555 {strides = array<i32>} : memref<4x4096xi32, #tpu.memory_space<vmem>>, vector<1x16xi32>,
      %jit3A_556 = arith.constant 1 : i32
      %jit3A_557 = arith.constant 0 : i32
      %broadcast_in_dim3A_558 = vector.broadcast %jit3A_556 : i32 to vector<16xi32>
      %broadcast_in_dim3A_559 = vector.broadcast %jit3A_557 : i32 to vector<16xi32>
      %select_n3A_560 = arith.select %and3A_537, %broadcast_in_dim3A_558, %broadcast_in_dim3A_559 : vector<16xi1>, vector<16xi32>
      %or3A_561 = arith.ori %or3A_516, %select_n3A_560 : vector<16xi32>
      %scan3A_562 = arith.constant 8 : i32
      %scan3A_563 = arith.addi %scan3A_207, %scan3A_562 : i32
      %mul3A_564 = arith.constant 16 : i32
      %mul3A_565 = arith.muli %scan3A_563, %mul3A_564 : i32
      %get3A_566 = arith.constant 2 : i32
      %get3A_567 = arith.index_cast %get3A_566 : i32 to index
      %get3A_568 = arith.index_cast %mul3A_565 : i32 to index
      %get3A_569 = tpu.vector_load %arg9[%get3A_567, %get3A_568] {strides = array<i32>} : memref<4x4096xi32, #tpu.memory_space<vmem>>, vector<1x16xi32>,
      %get3A_570 = vector.shape_cast %get3A_569 : vector<1x16xi32> to vector<16xi32>
      %get3A_571 = arith.constant 2 : i32
      %get3A_572 = arith.index_cast %get3A_571 : i32 to index
      %get3A_573 = arith.index_cast %mul3A_565 : i32 to index
      %get3A_574 = tpu.vector_load %arg8[%get3A_572, %get3A_573] {strides = array<i32>} : memref<4x4096xi32, #tpu.memory_space<vmem>>, vector<1x16xi32>,
      %get3A_575 = vector.shape_cast %get3A_574 : vector<1x16xi32> to vector<16xi32>
      %ne3A_576 = arith.constant -1 : i32
      %ne3A_577 = vector.broadcast %ne3A_576 : i32 to vector<16xi32>
      %ne3A_578 = arith.cmpi ne, %get3A_570, %ne3A_577 : vector<16xi32>
      %ne3A_579 = arith.constant 0 : i32
      %ne3A_580 = vector.broadcast %ne3A_579 : i32 to vector<16xi32>
      %ne3A_581 = arith.cmpi ne, %get3A_575, %ne3A_580 : vector<16xi32>
      %and3A_582 = arith.andi %ne3A_578, %ne3A_581 : vector<16xi1>
      %ge3A_583 = arith.constant 0 : i32
      %ge3A_584 = vector.broadcast %ge3A_583 : i32 to vector<16xi32>
      %ge3A_585 = arith.cmpi sge, %get3A_570, %ge3A_584 : vector<16xi32>
      %and3A_586 = arith.andi %ge3A_585, %and3A_582 : vector<16xi1>
      %select_n3A_587 = arith.select %and3A_586, %get3A_570, %get3A_575 : vector<16xi1>, vector<16xi32>
      %swap3A_588 = arith.constant 2 : i32
      %swap3A_589 = arith.index_cast %swap3A_588 : i32 to index
      %swap3A_590 = arith.index_cast %mul3A_565 : i32 to index
      %swap3A_591 = tpu.vector_load %arg12[%swap3A_589, %swap3A_590] {strides = array<i32>} : memref<4x4096xi32, #tpu.memory_space<vmem>>, vector<1x16xi32>,
      %swap3A_592 = vector.shape_cast %swap3A_591 : vector<1x16xi32> to vector<16xi32>
      %swap3A_593 = vector.shape_cast %select_n3A_587 : vector<16xi32> to vector<1x16xi32>
      tpu.vector_store %arg12[%swap3A_589, %swap3A_590], %swap3A_593 {strides = array<i32>} : memref<4x4096xi32, #tpu.memory_space<vmem>>, vector<1x16xi32>,
      %select_n3A_594 = arith.select %and3A_582, %get3A_575, %broadcast_in_dim3A_3 : vector<16xi1>, vector<16xi32>
      %swap3A_595 = arith.constant 2 : i32
      %swap3A_596 = arith.index_cast %swap3A_595 : i32 to index
      %swap3A_597 = arith.index_cast %mul3A_565 : i32 to index
      %swap3A_598 = tpu.vector_load %arg13[%swap3A_596, %swap3A_597] {strides = array<i32>} : memref<4x4096xi32, #tpu.memory_space<vmem>>, vector<1x16xi32>,
      %swap3A_599 = vector.shape_cast %swap3A_598 : vector<1x16xi32> to vector<16xi32>
      %swap3A_600 = vector.shape_cast %select_n3A_594 : vector<16xi32> to vector<1x16xi32>
      tpu.vector_store %arg13[%swap3A_596, %swap3A_597], %swap3A_600 {strides = array<i32>} : memref<4x4096xi32, #tpu.memory_space<vmem>>, vector<1x16xi32>,
      %jit3A_601 = arith.constant 1 : i32
      %jit3A_602 = arith.constant 0 : i32
      %broadcast_in_dim3A_603 = vector.broadcast %jit3A_601 : i32 to vector<16xi32>
      %broadcast_in_dim3A_604 = vector.broadcast %jit3A_602 : i32 to vector<16xi32>
      %select_n3A_605 = arith.select %and3A_582, %broadcast_in_dim3A_603, %broadcast_in_dim3A_604 : vector<16xi1>, vector<16xi32>
      %or3A_606 = arith.ori %or3A_561, %select_n3A_605 : vector<16xi32>
      %scan3A_607 = arith.constant 9 : i32
      %scan3A_608 = arith.addi %scan3A_207, %scan3A_607 : i32
      %mul3A_609 = arith.constant 16 : i32
      %mul3A_610 = arith.muli %scan3A_608, %mul3A_609 : i32
      %get3A_611 = arith.constant 2 : i32
      %get3A_612 = arith.index_cast %get3A_611 : i32 to index
      %get3A_613 = arith.index_cast %mul3A_610 : i32 to index
      %get3A_614 = tpu.vector_load %arg9[%get3A_612, %get3A_613] {strides = array<i32>} : memref<4x4096xi32, #tpu.memory_space<vmem>>, vector<1x16xi32>,
      %get3A_615 = vector.shape_cast %get3A_614 : vector<1x16xi32> to vector<16xi32>
      %get3A_616 = arith.constant 2 : i32
      %get3A_617 = arith.index_cast %get3A_616 : i32 to index
      %get3A_618 = arith.index_cast %mul3A_610 : i32 to index
      %get3A_619 = tpu.vector_load %arg8[%get3A_617, %get3A_618] {strides = array<i32>} : memref<4x4096xi32, #tpu.memory_space<vmem>>, vector<1x16xi32>,
      %get3A_620 = vector.shape_cast %get3A_619 : vector<1x16xi32> to vector<16xi32>
      %ne3A_621 = arith.constant -1 : i32
      %ne3A_622 = vector.broadcast %ne3A_621 : i32 to vector<16xi32>
      %ne3A_623 = arith.cmpi ne, %get3A_615, %ne3A_622 : vector<16xi32>
      %ne3A_624 = arith.constant 0 : i32
      %ne3A_625 = vector.broadcast %ne3A_624 : i32 to vector<16xi32>
      %ne3A_626 = arith.cmpi ne, %get3A_620, %ne3A_625 : vector<16xi32>
      %and3A_627 = arith.andi %ne3A_623, %ne3A_626 : vector<16xi1>
      %ge3A_628 = arith.constant 0 : i32
      %ge3A_629 = vector.broadcast %ge3A_628 : i32 to vector<16xi32>
      %ge3A_630 = arith.cmpi sge, %get3A_615, %ge3A_629 : vector<16xi32>
      %and3A_631 = arith.andi %ge3A_630, %and3A_627 : vector<16xi1>
      %select_n3A_632 = arith.select %and3A_631, %get3A_615, %get3A_620 : vector<16xi1>, vector<16xi32>
      %swap3A_633 = arith.constant 2 : i32
      %swap3A_634 = arith.index_cast %swap3A_633 : i32 to index
      %swap3A_635 = arith.index_cast %mul3A_610 : i32 to index
      %swap3A_636 = tpu.vector_load %arg12[%swap3A_634, %swap3A_635] {strides = array<i32>} : memref<4x4096xi32, #tpu.memory_space<vmem>>, vector<1x16xi32>,
      %swap3A_637 = vector.shape_cast %swap3A_636 : vector<1x16xi32> to vector<16xi32>
      %swap3A_638 = vector.shape_cast %select_n3A_632 : vector<16xi32> to vector<1x16xi32>
      tpu.vector_store %arg12[%swap3A_634, %swap3A_635], %swap3A_638 {strides = array<i32>} : memref<4x4096xi32, #tpu.memory_space<vmem>>, vector<1x16xi32>,
      %select_n3A_639 = arith.select %and3A_627, %get3A_620, %broadcast_in_dim3A_3 : vector<16xi1>, vector<16xi32>
      %swap3A_640 = arith.constant 2 : i32
      %swap3A_641 = arith.index_cast %swap3A_640 : i32 to index
      %swap3A_642 = arith.index_cast %mul3A_610 : i32 to index
      %swap3A_643 = tpu.vector_load %arg13[%swap3A_641, %swap3A_642] {strides = array<i32>} : memref<4x4096xi32, #tpu.memory_space<vmem>>, vector<1x16xi32>,
      %swap3A_644 = vector.shape_cast %swap3A_643 : vector<1x16xi32> to vector<16xi32>
      %swap3A_645 = vector.shape_cast %select_n3A_639 : vector<16xi32> to vector<1x16xi32>
      tpu.vector_store %arg13[%swap3A_641, %swap3A_642], %swap3A_645 {strides = array<i32>} : memref<4x4096xi32, #tpu.memory_space<vmem>>, vector<1x16xi32>,
      %jit3A_646 = arith.constant 1 : i32
      %jit3A_647 = arith.constant 0 : i32
      %broadcast_in_dim3A_648 = vector.broadcast %jit3A_646 : i32 to vector<16xi32>
      %broadcast_in_dim3A_649 = vector.broadcast %jit3A_647 : i32 to vector<16xi32>
      %select_n3A_650 = arith.select %and3A_627, %broadcast_in_dim3A_648, %broadcast_in_dim3A_649 : vector<16xi1>, vector<16xi32>
      %or3A_651 = arith.ori %or3A_606, %select_n3A_650 : vector<16xi32>
      %scan3A_652 = arith.constant 10 : i32
      %scan3A_653 = arith.addi %scan3A_207, %scan3A_652 : i32
      %mul3A_654 = arith.constant 16 : i32
      %mul3A_655 = arith.muli %scan3A_653, %mul3A_654 : i32
      %get3A_656 = arith.constant 2 : i32
      %get3A_657 = arith.index_cast %get3A_656 : i32 to index
      %get3A_658 = arith.index_cast %mul3A_655 : i32 to index
      %get3A_659 = tpu.vector_load %arg9[%get3A_657, %get3A_658] {strides = array<i32>} : memref<4x4096xi32, #tpu.memory_space<vmem>>, vector<1x16xi32>,
      %get3A_660 = vector.shape_cast %get3A_659 : vector<1x16xi32> to vector<16xi32>
      %get3A_661 = arith.constant 2 : i32
      %get3A_662 = arith.index_cast %get3A_661 : i32 to index
      %get3A_663 = arith.index_cast %mul3A_655 : i32 to index
      %get3A_664 = tpu.vector_load %arg8[%get3A_662, %get3A_663] {strides = array<i32>} : memref<4x4096xi32, #tpu.memory_space<vmem>>, vector<1x16xi32>,
      %get3A_665 = vector.shape_cast %get3A_664 : vector<1x16xi32> to vector<16xi32>
      %ne3A_666 = arith.constant -1 : i32
      %ne3A_667 = vector.broadcast %ne3A_666 : i32 to vector<16xi32>
      %ne3A_668 = arith.cmpi ne, %get3A_660, %ne3A_667 : vector<16xi32>
      %ne3A_669 = arith.constant 0 : i32
      %ne3A_670 = vector.broadcast %ne3A_669 : i32 to vector<16xi32>
      %ne3A_671 = arith.cmpi ne, %get3A_665, %ne3A_670 : vector<16xi32>
      %and3A_672 = arith.andi %ne3A_668, %ne3A_671 : vector<16xi1>
      %ge3A_673 = arith.constant 0 : i32
      %ge3A_674 = vector.broadcast %ge3A_673 : i32 to vector<16xi32>
      %ge3A_675 = arith.cmpi sge, %get3A_660, %ge3A_674 : vector<16xi32>
      %and3A_676 = arith.andi %ge3A_675, %and3A_672 : vector<16xi1>
      %select_n3A_677 = arith.select %and3A_676, %get3A_660, %get3A_665 : vector<16xi1>, vector<16xi32>
      %swap3A_678 = arith.constant 2 : i32
      %swap3A_679 = arith.index_cast %swap3A_678 : i32 to index
      %swap3A_680 = arith.index_cast %mul3A_655 : i32 to index
      %swap3A_681 = tpu.vector_load %arg12[%swap3A_679, %swap3A_680] {strides = array<i32>} : memref<4x4096xi32, #tpu.memory_space<vmem>>, vector<1x16xi32>,
      %swap3A_682 = vector.shape_cast %swap3A_681 : vector<1x16xi32> to vector<16xi32>
      %swap3A_683 = vector.shape_cast %select_n3A_677 : vector<16xi32> to vector<1x16xi32>
      tpu.vector_store %arg12[%swap3A_679, %swap3A_680], %swap3A_683 {strides = array<i32>} : memref<4x4096xi32, #tpu.memory_space<vmem>>, vector<1x16xi32>,
      %select_n3A_684 = arith.select %and3A_672, %get3A_665, %broadcast_in_dim3A_3 : vector<16xi1>, vector<16xi32>
      %swap3A_685 = arith.constant 2 : i32
      %swap3A_686 = arith.index_cast %swap3A_685 : i32 to index
      %swap3A_687 = arith.index_cast %mul3A_655 : i32 to index
      %swap3A_688 = tpu.vector_load %arg13[%swap3A_686, %swap3A_687] {strides = array<i32>} : memref<4x4096xi32, #tpu.memory_space<vmem>>, vector<1x16xi32>,
      %swap3A_689 = vector.shape_cast %swap3A_688 : vector<1x16xi32> to vector<16xi32>
      %swap3A_690 = vector.shape_cast %select_n3A_684 : vector<16xi32> to vector<1x16xi32>
      tpu.vector_store %arg13[%swap3A_686, %swap3A_687], %swap3A_690 {strides = array<i32>} : memref<4x4096xi32, #tpu.memory_space<vmem>>, vector<1x16xi32>,
      %jit3A_691 = arith.constant 1 : i32
      %jit3A_692 = arith.constant 0 : i32
      %broadcast_in_dim3A_693 = vector.broadcast %jit3A_691 : i32 to vector<16xi32>
      %broadcast_in_dim3A_694 = vector.broadcast %jit3A_692 : i32 to vector<16xi32>
      %select_n3A_695 = arith.select %and3A_672, %broadcast_in_dim3A_693, %broadcast_in_dim3A_694 : vector<16xi1>, vector<16xi32>
      %or3A_696 = arith.ori %or3A_651, %select_n3A_695 : vector<16xi32>
      %scan3A_697 = arith.constant 11 : i32
      %scan3A_698 = arith.addi %scan3A_207, %scan3A_697 : i32
      %mul3A_699 = arith.constant 16 : i32
      %mul3A_700 = arith.muli %scan3A_698, %mul3A_699 : i32
      %get3A_701 = arith.constant 2 : i32
      %get3A_702 = arith.index_cast %get3A_701 : i32 to index
      %get3A_703 = arith.index_cast %mul3A_700 : i32 to index
      %get3A_704 = tpu.vector_load %arg9[%get3A_702, %get3A_703] {strides = array<i32>} : memref<4x4096xi32, #tpu.memory_space<vmem>>, vector<1x16xi32>,
      %get3A_705 = vector.shape_cast %get3A_704 : vector<1x16xi32> to vector<16xi32>
      %get3A_706 = arith.constant 2 : i32
      %get3A_707 = arith.index_cast %get3A_706 : i32 to index
      %get3A_708 = arith.index_cast %mul3A_700 : i32 to index
      %get3A_709 = tpu.vector_load %arg8[%get3A_707, %get3A_708] {strides = array<i32>} : memref<4x4096xi32, #tpu.memory_space<vmem>>, vector<1x16xi32>,
      %get3A_710 = vector.shape_cast %get3A_709 : vector<1x16xi32> to vector<16xi32>
      %ne3A_711 = arith.constant -1 : i32
      %ne3A_712 = vector.broadcast %ne3A_711 : i32 to vector<16xi32>
      %ne3A_713 = arith.cmpi ne, %get3A_705, %ne3A_712 : vector<16xi32>
      %ne3A_714 = arith.constant 0 : i32
      %ne3A_715 = vector.broadcast %ne3A_714 : i32 to vector<16xi32>
      %ne3A_716 = arith.cmpi ne, %get3A_710, %ne3A_715 : vector<16xi32>
      %and3A_717 = arith.andi %ne3A_713, %ne3A_716 : vector<16xi1>
      %ge3A_718 = arith.constant 0 : i32
      %ge3A_719 = vector.broadcast %ge3A_718 : i32 to vector<16xi32>
      %ge3A_720 = arith.cmpi sge, %get3A_705, %ge3A_719 : vector<16xi32>
      %and3A_721 = arith.andi %ge3A_720, %and3A_717 : vector<16xi1>
      %select_n3A_722 = arith.select %and3A_721, %get3A_705, %get3A_710 : vector<16xi1>, vector<16xi32>
      %swap3A_723 = arith.constant 2 : i32
      %swap3A_724 = arith.index_cast %swap3A_723 : i32 to index
      %swap3A_725 = arith.index_cast %mul3A_700 : i32 to index
      %swap3A_726 = tpu.vector_load %arg12[%swap3A_724, %swap3A_725] {strides = array<i32>} : memref<4x4096xi32, #tpu.memory_space<vmem>>, vector<1x16xi32>,
      %swap3A_727 = vector.shape_cast %swap3A_726 : vector<1x16xi32> to vector<16xi32>
      %swap3A_728 = vector.shape_cast %select_n3A_722 : vector<16xi32> to vector<1x16xi32>
      tpu.vector_store %arg12[%swap3A_724, %swap3A_725], %swap3A_728 {strides = array<i32>} : memref<4x4096xi32, #tpu.memory_space<vmem>>, vector<1x16xi32>,
      %select_n3A_729 = arith.select %and3A_717, %get3A_710, %broadcast_in_dim3A_3 : vector<16xi1>, vector<16xi32>
      %swap3A_730 = arith.constant 2 : i32
      %swap3A_731 = arith.index_cast %swap3A_730 : i32 to index
      %swap3A_732 = arith.index_cast %mul3A_700 : i32 to index
      %swap3A_733 = tpu.vector_load %arg13[%swap3A_731, %swap3A_732] {strides = array<i32>} : memref<4x4096xi32, #tpu.memory_space<vmem>>, vector<1x16xi32>,
      %swap3A_734 = vector.shape_cast %swap3A_733 : vector<1x16xi32> to vector<16xi32>
      %swap3A_735 = vector.shape_cast %select_n3A_729 : vector<16xi32> to vector<1x16xi32>
      tpu.vector_store %arg13[%swap3A_731, %swap3A_732], %swap3A_735 {strides = array<i32>} : memref<4x4096xi32, #tpu.memory_space<vmem>>, vector<1x16xi32>,
      %jit3A_736 = arith.constant 1 : i32
      %jit3A_737 = arith.constant 0 : i32
      %broadcast_in_dim3A_738 = vector.broadcast %jit3A_736 : i32 to vector<16xi32>
      %broadcast_in_dim3A_739 = vector.broadcast %jit3A_737 : i32 to vector<16xi32>
      %select_n3A_740 = arith.select %and3A_717, %broadcast_in_dim3A_738, %broadcast_in_dim3A_739 : vector<16xi1>, vector<16xi32>
      %or3A_741 = arith.ori %or3A_696, %select_n3A_740 : vector<16xi32>
      %scan3A_742 = arith.constant 12 : i32
      %scan3A_743 = arith.addi %scan3A_207, %scan3A_742 : i32
      %mul3A_744 = arith.constant 16 : i32
      %mul3A_745 = arith.muli %scan3A_743, %mul3A_744 : i32
      %get3A_746 = arith.constant 2 : i32
      %get3A_747 = arith.index_cast %get3A_746 : i32 to index
      %get3A_748 = arith.index_cast %mul3A_745 : i32 to index
      %get3A_749 = tpu.vector_load %arg9[%get3A_747, %get3A_748] {strides = array<i32>} : memref<4x4096xi32, #tpu.memory_space<vmem>>, vector<1x16xi32>,
      %get3A_750 = vector.shape_cast %get3A_749 : vector<1x16xi32> to vector<16xi32>
      %get3A_751 = arith.constant 2 : i32
      %get3A_752 = arith.index_cast %get3A_751 : i32 to index
      %get3A_753 = arith.index_cast %mul3A_745 : i32 to index
      %get3A_754 = tpu.vector_load %arg8[%get3A_752, %get3A_753] {strides = array<i32>} : memref<4x4096xi32, #tpu.memory_space<vmem>>, vector<1x16xi32>,
      %get3A_755 = vector.shape_cast %get3A_754 : vector<1x16xi32> to vector<16xi32>
      %ne3A_756 = arith.constant -1 : i32
      %ne3A_757 = vector.broadcast %ne3A_756 : i32 to vector<16xi32>
      %ne3A_758 = arith.cmpi ne, %get3A_750, %ne3A_757 : vector<16xi32>
      %ne3A_759 = arith.constant 0 : i32
      %ne3A_760 = vector.broadcast %ne3A_759 : i32 to vector<16xi32>
      %ne3A_761 = arith.cmpi ne, %get3A_755, %ne3A_760 : vector<16xi32>
      %and3A_762 = arith.andi %ne3A_758, %ne3A_761 : vector<16xi1>
      %ge3A_763 = arith.constant 0 : i32
      %ge3A_764 = vector.broadcast %ge3A_763 : i32 to vector<16xi32>
      %ge3A_765 = arith.cmpi sge, %get3A_750, %ge3A_764 : vector<16xi32>
      %and3A_766 = arith.andi %ge3A_765, %and3A_762 : vector<16xi1>
      %select_n3A_767 = arith.select %and3A_766, %get3A_750, %get3A_755 : vector<16xi1>, vector<16xi32>
      %swap3A_768 = arith.constant 2 : i32
      %swap3A_769 = arith.index_cast %swap3A_768 : i32 to index
      %swap3A_770 = arith.index_cast %mul3A_745 : i32 to index
      %swap3A_771 = tpu.vector_load %arg12[%swap3A_769, %swap3A_770] {strides = array<i32>} : memref<4x4096xi32, #tpu.memory_space<vmem>>, vector<1x16xi32>,
      %swap3A_772 = vector.shape_cast %swap3A_771 : vector<1x16xi32> to vector<16xi32>
      %swap3A_773 = vector.shape_cast %select_n3A_767 : vector<16xi32> to vector<1x16xi32>
      tpu.vector_store %arg12[%swap3A_769, %swap3A_770], %swap3A_773 {strides = array<i32>} : memref<4x4096xi32, #tpu.memory_space<vmem>>, vector<1x16xi32>,
      %select_n3A_774 = arith.select %and3A_762, %get3A_755, %broadcast_in_dim3A_3 : vector<16xi1>, vector<16xi32>
      %swap3A_775 = arith.constant 2 : i32
      %swap3A_776 = arith.index_cast %swap3A_775 : i32 to index
      %swap3A_777 = arith.index_cast %mul3A_745 : i32 to index
      %swap3A_778 = tpu.vector_load %arg13[%swap3A_776, %swap3A_777] {strides = array<i32>} : memref<4x4096xi32, #tpu.memory_space<vmem>>, vector<1x16xi32>,
      %swap3A_779 = vector.shape_cast %swap3A_778 : vector<1x16xi32> to vector<16xi32>
      %swap3A_780 = vector.shape_cast %select_n3A_774 : vector<16xi32> to vector<1x16xi32>
      tpu.vector_store %arg13[%swap3A_776, %swap3A_777], %swap3A_780 {strides = array<i32>} : memref<4x4096xi32, #tpu.memory_space<vmem>>, vector<1x16xi32>,
      %jit3A_781 = arith.constant 1 : i32
      %jit3A_782 = arith.constant 0 : i32
      %broadcast_in_dim3A_783 = vector.broadcast %jit3A_781 : i32 to vector<16xi32>
      %broadcast_in_dim3A_784 = vector.broadcast %jit3A_782 : i32 to vector<16xi32>
      %select_n3A_785 = arith.select %and3A_762, %broadcast_in_dim3A_783, %broadcast_in_dim3A_784 : vector<16xi1>, vector<16xi32>
      %or3A_786 = arith.ori %or3A_741, %select_n3A_785 : vector<16xi32>
      %scan3A_787 = arith.constant 13 : i32
      %scan3A_788 = arith.addi %scan3A_207, %scan3A_787 : i32
      %mul3A_789 = arith.constant 16 : i32
      %mul3A_790 = arith.muli %scan3A_788, %mul3A_789 : i32
      %get3A_791 = arith.constant 2 : i32
      %get3A_792 = arith.index_cast %get3A_791 : i32 to index
      %get3A_793 = arith.index_cast %mul3A_790 : i32 to index
      %get3A_794 = tpu.vector_load %arg9[%get3A_792, %get3A_793] {strides = array<i32>} : memref<4x4096xi32, #tpu.memory_space<vmem>>, vector<1x16xi32>,
      %get3A_795 = vector.shape_cast %get3A_794 : vector<1x16xi32> to vector<16xi32>
      %get3A_796 = arith.constant 2 : i32
      %get3A_797 = arith.index_cast %get3A_796 : i32 to index
      %get3A_798 = arith.index_cast %mul3A_790 : i32 to index
      %get3A_799 = tpu.vector_load %arg8[%get3A_797, %get3A_798] {strides = array<i32>} : memref<4x4096xi32, #tpu.memory_space<vmem>>, vector<1x16xi32>,
      %get3A_800 = vector.shape_cast %get3A_799 : vector<1x16xi32> to vector<16xi32>
      %ne3A_801 = arith.constant -1 : i32
      %ne3A_802 = vector.broadcast %ne3A_801 : i32 to vector<16xi32>
      %ne3A_803 = arith.cmpi ne, %get3A_795, %ne3A_802 : vector<16xi32>
      %ne3A_804 = arith.constant 0 : i32
      %ne3A_805 = vector.broadcast %ne3A_804 : i32 to vector<16xi32>
      %ne3A_806 = arith.cmpi ne, %get3A_800, %ne3A_805 : vector<16xi32>
      %and3A_807 = arith.andi %ne3A_803, %ne3A_806 : vector<16xi1>
      %ge3A_808 = arith.constant 0 : i32
      %ge3A_809 = vector.broadcast %ge3A_808 : i32 to vector<16xi32>
      %ge3A_810 = arith.cmpi sge, %get3A_795, %ge3A_809 : vector<16xi32>
      %and3A_811 = arith.andi %ge3A_810, %and3A_807 : vector<16xi1>
      %select_n3A_812 = arith.select %and3A_811, %get3A_795, %get3A_800 : vector<16xi1>, vector<16xi32>
      %swap3A_813 = arith.constant 2 : i32
      %swap3A_814 = arith.index_cast %swap3A_813 : i32 to index
      %swap3A_815 = arith.index_cast %mul3A_790 : i32 to index
      %swap3A_816 = tpu.vector_load %arg12[%swap3A_814, %swap3A_815] {strides = array<i32>} : memref<4x4096xi32, #tpu.memory_space<vmem>>, vector<1x16xi32>,
      %swap3A_817 = vector.shape_cast %swap3A_816 : vector<1x16xi32> to vector<16xi32>
      %swap3A_818 = vector.shape_cast %select_n3A_812 : vector<16xi32> to vector<1x16xi32>
      tpu.vector_store %arg12[%swap3A_814, %swap3A_815], %swap3A_818 {strides = array<i32>} : memref<4x4096xi32, #tpu.memory_space<vmem>>, vector<1x16xi32>,
      %select_n3A_819 = arith.select %and3A_807, %get3A_800, %broadcast_in_dim3A_3 : vector<16xi1>, vector<16xi32>
      %swap3A_820 = arith.constant 2 : i32
      %swap3A_821 = arith.index_cast %swap3A_820 : i32 to index
      %swap3A_822 = arith.index_cast %mul3A_790 : i32 to index
      %swap3A_823 = tpu.vector_load %arg13[%swap3A_821, %swap3A_822] {strides = array<i32>} : memref<4x4096xi32, #tpu.memory_space<vmem>>, vector<1x16xi32>,
      %swap3A_824 = vector.shape_cast %swap3A_823 : vector<1x16xi32> to vector<16xi32>
      %swap3A_825 = vector.shape_cast %select_n3A_819 : vector<16xi32> to vector<1x16xi32>
      tpu.vector_store %arg13[%swap3A_821, %swap3A_822], %swap3A_825 {strides = array<i32>} : memref<4x4096xi32, #tpu.memory_space<vmem>>, vector<1x16xi32>,
      %jit3A_826 = arith.constant 1 : i32
      %jit3A_827 = arith.constant 0 : i32
      %broadcast_in_dim3A_828 = vector.broadcast %jit3A_826 : i32 to vector<16xi32>
      %broadcast_in_dim3A_829 = vector.broadcast %jit3A_827 : i32 to vector<16xi32>
      %select_n3A_830 = arith.select %and3A_807, %broadcast_in_dim3A_828, %broadcast_in_dim3A_829 : vector<16xi1>, vector<16xi32>
      %or3A_831 = arith.ori %or3A_786, %select_n3A_830 : vector<16xi32>
      %scan3A_832 = arith.constant 14 : i32
      %scan3A_833 = arith.addi %scan3A_207, %scan3A_832 : i32
      %mul3A_834 = arith.constant 16 : i32
      %mul3A_835 = arith.muli %scan3A_833, %mul3A_834 : i32
      %get3A_836 = arith.constant 2 : i32
      %get3A_837 = arith.index_cast %get3A_836 : i32 to index
      %get3A_838 = arith.index_cast %mul3A_835 : i32 to index
      %get3A_839 = tpu.vector_load %arg9[%get3A_837, %get3A_838] {strides = array<i32>} : memref<4x4096xi32, #tpu.memory_space<vmem>>, vector<1x16xi32>,
      %get3A_840 = vector.shape_cast %get3A_839 : vector<1x16xi32> to vector<16xi32>
      %get3A_841 = arith.constant 2 : i32
      %get3A_842 = arith.index_cast %get3A_841 : i32 to index
      %get3A_843 = arith.index_cast %mul3A_835 : i32 to index
      %get3A_844 = tpu.vector_load %arg8[%get3A_842, %get3A_843] {strides = array<i32>} : memref<4x4096xi32, #tpu.memory_space<vmem>>, vector<1x16xi32>,
      %get3A_845 = vector.shape_cast %get3A_844 : vector<1x16xi32> to vector<16xi32>
      %ne3A_846 = arith.constant -1 : i32
      %ne3A_847 = vector.broadcast %ne3A_846 : i32 to vector<16xi32>
      %ne3A_848 = arith.cmpi ne, %get3A_840, %ne3A_847 : vector<16xi32>
      %ne3A_849 = arith.constant 0 : i32
      %ne3A_850 = vector.broadcast %ne3A_849 : i32 to vector<16xi32>
      %ne3A_851 = arith.cmpi ne, %get3A_845, %ne3A_850 : vector<16xi32>
      %and3A_852 = arith.andi %ne3A_848, %ne3A_851 : vector<16xi1>
      %ge3A_853 = arith.constant 0 : i32
      %ge3A_854 = vector.broadcast %ge3A_853 : i32 to vector<16xi32>
      %ge3A_855 = arith.cmpi sge, %get3A_840, %ge3A_854 : vector<16xi32>
      %and3A_856 = arith.andi %ge3A_855, %and3A_852 : vector<16xi1>
      %select_n3A_857 = arith.select %and3A_856, %get3A_840, %get3A_845 : vector<16xi1>, vector<16xi32>
      %swap3A_858 = arith.constant 2 : i32
      %swap3A_859 = arith.index_cast %swap3A_858 : i32 to index
      %swap3A_860 = arith.index_cast %mul3A_835 : i32 to index
      %swap3A_861 = tpu.vector_load %arg12[%swap3A_859, %swap3A_860] {strides = array<i32>} : memref<4x4096xi32, #tpu.memory_space<vmem>>, vector<1x16xi32>,
      %swap3A_862 = vector.shape_cast %swap3A_861 : vector<1x16xi32> to vector<16xi32>
      %swap3A_863 = vector.shape_cast %select_n3A_857 : vector<16xi32> to vector<1x16xi32>
      tpu.vector_store %arg12[%swap3A_859, %swap3A_860], %swap3A_863 {strides = array<i32>} : memref<4x4096xi32, #tpu.memory_space<vmem>>, vector<1x16xi32>,
      %select_n3A_864 = arith.select %and3A_852, %get3A_845, %broadcast_in_dim3A_3 : vector<16xi1>, vector<16xi32>
      %swap3A_865 = arith.constant 2 : i32
      %swap3A_866 = arith.index_cast %swap3A_865 : i32 to index
      %swap3A_867 = arith.index_cast %mul3A_835 : i32 to index
      %swap3A_868 = tpu.vector_load %arg13[%swap3A_866, %swap3A_867] {strides = array<i32>} : memref<4x4096xi32, #tpu.memory_space<vmem>>, vector<1x16xi32>,
      %swap3A_869 = vector.shape_cast %swap3A_868 : vector<1x16xi32> to vector<16xi32>
      %swap3A_870 = vector.shape_cast %select_n3A_864 : vector<16xi32> to vector<1x16xi32>
      tpu.vector_store %arg13[%swap3A_866, %swap3A_867], %swap3A_870 {strides = array<i32>} : memref<4x4096xi32, #tpu.memory_space<vmem>>, vector<1x16xi32>,
      %jit3A_871 = arith.constant 1 : i32
      %jit3A_872 = arith.constant 0 : i32
      %broadcast_in_dim3A_873 = vector.broadcast %jit3A_871 : i32 to vector<16xi32>
      %broadcast_in_dim3A_874 = vector.broadcast %jit3A_872 : i32 to vector<16xi32>
      %select_n3A_875 = arith.select %and3A_852, %broadcast_in_dim3A_873, %broadcast_in_dim3A_874 : vector<16xi1>, vector<16xi32>
      %or3A_876 = arith.ori %or3A_831, %select_n3A_875 : vector<16xi32>
      %scan3A_877 = arith.constant 15 : i32
      %scan3A_878 = arith.addi %scan3A_207, %scan3A_877 : i32
      %mul3A_879 = arith.constant 16 : i32
      %mul3A_880 = arith.muli %scan3A_878, %mul3A_879 : i32
      %get3A_881 = arith.constant 2 : i32
      %get3A_882 = arith.index_cast %get3A_881 : i32 to index
      %get3A_883 = arith.index_cast %mul3A_880 : i32 to index
      %get3A_884 = tpu.vector_load %arg9[%get3A_882, %get3A_883] {strides = array<i32>} : memref<4x4096xi32, #tpu.memory_space<vmem>>, vector<1x16xi32>,
      %get3A_885 = vector.shape_cast %get3A_884 : vector<1x16xi32> to vector<16xi32>
      %get3A_886 = arith.constant 2 : i32
      %get3A_887 = arith.index_cast %get3A_886 : i32 to index
      %get3A_888 = arith.index_cast %mul3A_880 : i32 to index
      %get3A_889 = tpu.vector_load %arg8[%get3A_887, %get3A_888] {strides = array<i32>} : memref<4x4096xi32, #tpu.memory_space<vmem>>, vector<1x16xi32>,
      %get3A_890 = vector.shape_cast %get3A_889 : vector<1x16xi32> to vector<16xi32>
      %ne3A_891 = arith.constant -1 : i32
      %ne3A_892 = vector.broadcast %ne3A_891 : i32 to vector<16xi32>
      %ne3A_893 = arith.cmpi ne, %get3A_885, %ne3A_892 : vector<16xi32>
      %ne3A_894 = arith.constant 0 : i32
      %ne3A_895 = vector.broadcast %ne3A_894 : i32 to vector<16xi32>
      %ne3A_896 = arith.cmpi ne, %get3A_890, %ne3A_895 : vector<16xi32>
      %and3A_897 = arith.andi %ne3A_893, %ne3A_896 : vector<16xi1>
      %ge3A_898 = arith.constant 0 : i32
      %ge3A_899 = vector.broadcast %ge3A_898 : i32 to vector<16xi32>
      %ge3A_900 = arith.cmpi sge, %get3A_885, %ge3A_899 : vector<16xi32>
      %and3A_901 = arith.andi %ge3A_900, %and3A_897 : vector<16xi1>
      %select_n3A_902 = arith.select %and3A_901, %get3A_885, %get3A_890 : vector<16xi1>, vector<16xi32>
      %swap3A_903 = arith.constant 2 : i32
      %swap3A_904 = arith.index_cast %swap3A_903 : i32 to index
      %swap3A_905 = arith.index_cast %mul3A_880 : i32 to index
      %swap3A_906 = tpu.vector_load %arg12[%swap3A_904, %swap3A_905] {strides = array<i32>} : memref<4x4096xi32, #tpu.memory_space<vmem>>, vector<1x16xi32>,
      %swap3A_907 = vector.shape_cast %swap3A_906 : vector<1x16xi32> to vector<16xi32>
      %swap3A_908 = vector.shape_cast %select_n3A_902 : vector<16xi32> to vector<1x16xi32>
      tpu.vector_store %arg12[%swap3A_904, %swap3A_905], %swap3A_908 {strides = array<i32>} : memref<4x4096xi32, #tpu.memory_space<vmem>>, vector<1x16xi32>,
      %select_n3A_909 = arith.select %and3A_897, %get3A_890, %broadcast_in_dim3A_3 : vector<16xi1>, vector<16xi32>
      %swap3A_910 = arith.constant 2 : i32
      %swap3A_911 = arith.index_cast %swap3A_910 : i32 to index
      %swap3A_912 = arith.index_cast %mul3A_880 : i32 to index
      %swap3A_913 = tpu.vector_load %arg13[%swap3A_911, %swap3A_912] {strides = array<i32>} : memref<4x4096xi32, #tpu.memory_space<vmem>>, vector<1x16xi32>,
      %swap3A_914 = vector.shape_cast %swap3A_913 : vector<1x16xi32> to vector<16xi32>
      %swap3A_915 = vector.shape_cast %select_n3A_909 : vector<16xi32> to vector<1x16xi32>
      tpu.vector_store %arg13[%swap3A_911, %swap3A_912], %swap3A_915 {strides = array<i32>} : memref<4x4096xi32, #tpu.memory_space<vmem>>, vector<1x16xi32>,
      %jit3A_916 = arith.constant 1 : i32
      %jit3A_917 = arith.constant 0 : i32
      %broadcast_in_dim3A_918 = vector.broadcast %jit3A_916 : i32 to vector<16xi32>
      %broadcast_in_dim3A_919 = vector.broadcast %jit3A_917 : i32 to vector<16xi32>
      %select_n3A_920 = arith.select %and3A_897, %broadcast_in_dim3A_918, %broadcast_in_dim3A_919 : vector<16xi1>, vector<16xi32>
      %or3A_921 = arith.ori %or3A_876, %select_n3A_920 : vector<16xi32>
      scf.yield %or3A_921 : vector<16xi32>
    }
    %scan3A_108 = arith.constant 256 : i32
    %broadcast_in_dim3A_109 = arith.constant 0 : i32
    %broadcast_in_dim3A_110 = vector.broadcast %broadcast_in_dim3A_109 : i32 to vector<16xi32>
    %swap3A_111 = arith.constant 16 : index
    %swap3A_112 = tpu.vector_load %arg14[%swap3A_111] {strides = array<i32>} : memref<32xi32, #tpu.memory_space<vmem>>, vector<16xi32>,
    %swap3A_113 = vector.shape_cast %swap3A_112 : vector<16xi32> to vector<16xi32>
    %swap3A_114 = vector.shape_cast %broadcast_in_dim3A_110 : vector<16xi32> to vector<16xi32>
    tpu.vector_store %arg14[%swap3A_111], %swap3A_114 {strides = array<i32>} : memref<32xi32, #tpu.memory_space<vmem>>, vector<16xi32>,
    %swap3A_115 = arith.constant 0 : index
    %swap3A_116 = tpu.vector_load %arg14[%swap3A_115] {strides = array<i32>} : memref<32xi32, #tpu.memory_space<vmem>>, vector<16xi32>,
    %swap3A_117 = vector.shape_cast %swap3A_116 : vector<16xi32> to vector<16xi32>
    %swap3A_118 = vector.shape_cast %scan3A_107 : vector<16xi32> to vector<16xi32>
    tpu.vector_store %arg14[%swap3A_115], %swap3A_118 {strides = array<i32>} : memref<32xi32, #tpu.memory_space<vmem>>, vector<16xi32>,
    %get3A_119 = arith.constant 8 : index
    %get3A_120 = tpu.vector_load %arg14[%get3A_119] {strides = array<i32>} : memref<32xi32, #tpu.memory_space<vmem>>, vector<16xi32>,
    %get3A_121 = vector.shape_cast %get3A_120 : vector<16xi32> to vector<16xi32>
    %or3A_122 = arith.ori %scan3A_107, %get3A_121 : vector<16xi32>
    %swap3A_123 = arith.constant 0 : index
    %swap3A_124 = tpu.vector_load %arg14[%swap3A_123] {strides = array<i32>} : memref<32xi32, #tpu.memory_space<vmem>>, vector<16xi32>,
    %swap3A_125 = vector.shape_cast %swap3A_124 : vector<16xi32> to vector<16xi32>
    %swap3A_126 = vector.shape_cast %or3A_122 : vector<16xi32> to vector<16xi32>
    tpu.vector_store %arg14[%swap3A_123], %swap3A_126 {strides = array<i32>} : memref<32xi32, #tpu.memory_space<vmem>>, vector<16xi32>,
    %get3A_127 = arith.constant 4 : index
    %get3A_128 = tpu.vector_load %arg14[%get3A_127] {strides = array<i32>} : memref<32xi32, #tpu.memory_space<vmem>>, vector<16xi32>,
    %get3A_129 = vector.shape_cast %get3A_128 : vector<16xi32> to vector<16xi32>
    %or3A_130 = arith.ori %or3A_122, %get3A_129 : vector<16xi32>
    %swap3A_131 = arith.constant 0 : index
    %swap3A_132 = tpu.vector_load %arg14[%swap3A_131] {strides = array<i32>} : memref<32xi32, #tpu.memory_space<vmem>>, vector<16xi32>,
    %swap3A_133 = vector.shape_cast %swap3A_132 : vector<16xi32> to vector<16xi32>
    %swap3A_134 = vector.shape_cast %or3A_130 : vector<16xi32> to vector<16xi32>
    tpu.vector_store %arg14[%swap3A_131], %swap3A_134 {strides = array<i32>} : memref<32xi32, #tpu.memory_space<vmem>>, vector<16xi32>,
    %get3A_135 = arith.constant 2 : index
    %get3A_136 = tpu.vector_load %arg14[%get3A_135] {strides = array<i32>} : memref<32xi32, #tpu.memory_space<vmem>>, vector<16xi32>,
    %get3A_137 = vector.shape_cast %get3A_136 : vector<16xi32> to vector<16xi32>
    %or3A_138 = arith.ori %or3A_130, %get3A_137 : vector<16xi32>
    %swap3A_139 = arith.constant 0 : index
    %swap3A_140 = tpu.vector_load %arg14[%swap3A_139] {strides = array<i32>} : memref<32xi32, #tpu.memory_space<vmem>>, vector<16xi32>,
    %swap3A_141 = vector.shape_cast %swap3A_140 : vector<16xi32> to vector<16xi32>
    %swap3A_142 = vector.shape_cast %or3A_138 : vector<16xi32> to vector<16xi32>
    tpu.vector_store %arg14[%swap3A_139], %swap3A_142 {strides = array<i32>} : memref<32xi32, #tpu.memory_space<vmem>>, vector<16xi32>,
    %get3A_143 = arith.constant 1 : index
    %get3A_144 = tpu.vector_load %arg14[%get3A_143] {strides = array<i32>} : memref<32xi32, #tpu.memory_space<vmem>>, vector<16xi32>,
    %get3A_145 = vector.shape_cast %get3A_144 : vector<16xi32> to vector<16xi32>
    %or3A_146 = arith.ori %or3A_138, %get3A_145 : vector<16xi32>
    %slice3A_147 = vector.extract_strided_slice %or3A_146 {offsets = [0], sizes = [1], strides = [1]} : vector<16xi32> to vector<1xi32>
    %squeeze3A_148 = vector.extract %slice3A_147[0] : i32 from vector<1xi32>
    %eq3A_149 = arith.constant 0 : i32
    %eq3A_150 = arith.cmpi eq, %squeeze3A_148, %eq3A_149 : i32
    %convert_element_type3A_151 = arith.extui %eq3A_150 : i1 to i32
    %cond3A_152 = arith.constant 0 : i32
    %cond3A_153 = arith.cmpi ne, %convert_element_type3A_151, %cond3A_152 : i32
    scf.if %cond3A_153 {
      %get3A_207 = arith.constant 2 : i32
      %get3A_208 = arith.index_cast %get3A_207 : i32 to index
      %get3A_209 = arith.constant 0 : index
      %get3A_210 = tpu.vector_load %arg10[%get3A_208, %get3A_209] {strides = array<i32>} : memref<4x16xi32, #tpu.memory_space<vmem>>, vector<1x16xi32>,
      %get3A_211 = vector.shape_cast %get3A_210 : vector<1x16xi32> to vector<16xi32>
      %slice3A_212 = vector.extract_strided_slice %get3A_211 {offsets = [0], sizes = [1], strides = [1]} : vector<16xi32> to vector<1xi32>
      %squeeze3A_213 = vector.extract %slice3A_212[0] : i32 from vector<1xi32>
      %get3A_214 = arith.constant 2 : i32
      %get3A_215 = arith.index_cast %get3A_214 : i32 to index
      %get3A_216 = arith.constant 0 : index
      %get3A_217 = tpu.vector_load %arg11[%get3A_215, %get3A_216] {strides = array<i32>} : memref<4x16xi32, #tpu.memory_space<vmem>>, vector<1x16xi32>,
      %get3A_218 = vector.shape_cast %get3A_217 : vector<1x16xi32> to vector<16xi32>
      %shift_right_arithmetic3A = arith.constant 4 : i32
      %shift_right_arithmetic3A_219 = arith.shrsi %squeeze3A_213, %shift_right_arithmetic3A : i32
      %shift_left3A = arith.constant 4 : i32
      %shift_left3A_220 = arith.shli %shift_right_arithmetic3A_219, %shift_left3A : i32
      %multiple_of3A = tpu.assume_multiple %shift_left3A_220, 16 : i32
      %and3A = arith.constant 15 : i32
      %and3A_221 = arith.andi %squeeze3A_213, %and3A : i32
      %get3A_222 = arith.constant 2 : i32
      %get3A_223 = arith.index_cast %get3A_222 : i32 to index
      %get3A_224 = arith.index_cast %multiple_of3A : i32 to index
      %get3A_225 = tpu.vector_load %arg8[%get3A_223, %get3A_224] {strides = array<i32>} : memref<4x4096xi32, #tpu.memory_space<vmem>>, vector<1x16xi32>,
      %get3A_226 = vector.shape_cast %get3A_225 : vector<1x16xi32> to vector<16xi32>
      %get3A_227 = arith.constant 2 : i32
      %get3A_228 = arith.index_cast %get3A_227 : i32 to index
      %get3A_229 = arith.index_cast %multiple_of3A : i32 to index
      %get3A_230 = tpu.vector_load %arg9[%get3A_228, %get3A_229] {strides = array<i32>} : memref<4x4096xi32, #tpu.memory_space<vmem>>, vector<1x16xi32>,
      %get3A_231 = vector.shape_cast %get3A_230 : vector<1x16xi32> to vector<16xi32>
      %eq3A_232 = vector.broadcast %and3A_221 : i32 to vector<16xi32>
      %eq3A_233 = arith.cmpi eq, %iota3A, %eq3A_232 : vector<16xi32>
      %ne3A = arith.constant -1 : i32
      %ne3A_234 = vector.broadcast %ne3A : i32 to vector<16xi32>
      %ne3A_235 = arith.cmpi ne, %get3A_231, %ne3A_234 : vector<16xi32>
      %ne3A_236 = arith.constant 0 : i32
      %ne3A_237 = vector.broadcast %ne3A_236 : i32 to vector<16xi32>
      %ne3A_238 = arith.cmpi ne, %get3A_226, %ne3A_237 : vector<16xi32>
      %and3A_239 = arith.andi %ne3A_235, %ne3A_238 : vector<16xi1>
      %or3A_240 = arith.ori %and3A_239, %eq3A_233 : vector<16xi1>
      %select_n3A = arith.select %eq3A_233, %get3A_218, %get3A_231 : vector<16xi1>, vector<16xi32>
      %ge3A = arith.constant 0 : i32
      %ge3A_241 = vector.broadcast %ge3A : i32 to vector<16xi32>
      %ge3A_242 = arith.cmpi sge, %select_n3A, %ge3A_241 : vector<16xi32>
      %and3A_243 = arith.andi %ge3A_242, %or3A_240 : vector<16xi1>
      %select_n3A_244 = arith.select %and3A_243, %select_n3A, %get3A_226 : vector<16xi1>, vector<16xi32>
      %swap3A_245 = arith.constant 2 : i32
      %swap3A_246 = arith.index_cast %swap3A_245 : i32 to index
      %swap3A_247 = arith.index_cast %multiple_of3A : i32 to index
      %swap3A_248 = tpu.vector_load %arg12[%swap3A_246, %swap3A_247] {strides = array<i32>} : memref<4x4096xi32, #tpu.memory_space<vmem>>, vector<1x16xi32>,
      %swap3A_249 = vector.shape_cast %swap3A_248 : vector<1x16xi32> to vector<16xi32>
      %swap3A_250 = vector.shape_cast %select_n3A_244 : vector<16xi32> to vector<1x16xi32>
      tpu.vector_store %arg12[%swap3A_246, %swap3A_247], %swap3A_250 {strides = array<i32>} : memref<4x4096xi32, #tpu.memory_space<vmem>>, vector<1x16xi32>,
      %select_n3A_251 = arith.select %or3A_240, %get3A_226, %broadcast_in_dim3A_3 : vector<16xi1>, vector<16xi32>
      %swap3A_252 = arith.constant 2 : i32
      %swap3A_253 = arith.index_cast %swap3A_252 : i32 to index
      %swap3A_254 = arith.index_cast %multiple_of3A : i32 to index
      %swap3A_255 = tpu.vector_load %arg13[%swap3A_253, %swap3A_254] {strides = array<i32>} : memref<4x4096xi32, #tpu.memory_space<vmem>>, vector<1x16xi32>,
      %swap3A_256 = vector.shape_cast %swap3A_255 : vector<1x16xi32> to vector<16xi32>
      %swap3A_257 = vector.shape_cast %select_n3A_251 : vector<16xi32> to vector<1x16xi32>
      tpu.vector_store %arg13[%swap3A_253, %swap3A_254], %swap3A_257 {strides = array<i32>} : memref<4x4096xi32, #tpu.memory_space<vmem>>, vector<1x16xi32>,
    } else {
    }
    %broadcast_in_dim3A_154 = arith.constant 0 : i32
    %broadcast_in_dim3A_155 = vector.broadcast %broadcast_in_dim3A_154 : i32 to vector<16xi32>
    %scan3A_156 = arith.constant 0 : i32
    %scan3A_157 = arith.constant 256 : i32
    %scan3A_158 = arith.addi %scan3A_156, %scan3A_157 : i32
    %scan3A_159 = arith.constant 16 : i32
    %scan3A_160 = scf.for %scan3A_207 = %scan3A_156 to %scan3A_158 step %scan3A_159 iter_args(%scan3A_208 = %broadcast_in_dim3A_155) -> (vector<16xi32>)  : i32 {
      %mul3A_209 = arith.constant 16 : i32
      %mul3A_210 = arith.muli %scan3A_207, %mul3A_209 : i32
      %get3A_211 = arith.constant 3 : i32
      %get3A_212 = arith.index_cast %get3A_211 : i32 to index
      %get3A_213 = arith.index_cast %mul3A_210 : i32 to index
      %get3A_214 = tpu.vector_load %arg9[%get3A_212, %get3A_213] {strides = array<i32>} : memref<4x4096xi32, #tpu.memory_space<vmem>>, vector<1x16xi32>,
      %get3A_215 = vector.shape_cast %get3A_214 : vector<1x16xi32> to vector<16xi32>
      %get3A_216 = arith.constant 3 : i32
      %get3A_217 = arith.index_cast %get3A_216 : i32 to index
      %get3A_218 = arith.index_cast %mul3A_210 : i32 to index
      %get3A_219 = tpu.vector_load %arg8[%get3A_217, %get3A_218] {strides = array<i32>} : memref<4x4096xi32, #tpu.memory_space<vmem>>, vector<1x16xi32>,
      %get3A_220 = vector.shape_cast %get3A_219 : vector<1x16xi32> to vector<16xi32>
      %ne3A = arith.constant -1 : i32
      %ne3A_221 = vector.broadcast %ne3A : i32 to vector<16xi32>
      %ne3A_222 = arith.cmpi ne, %get3A_215, %ne3A_221 : vector<16xi32>
      %ne3A_223 = arith.constant 0 : i32
      %ne3A_224 = vector.broadcast %ne3A_223 : i32 to vector<16xi32>
      %ne3A_225 = arith.cmpi ne, %get3A_220, %ne3A_224 : vector<16xi32>
      %and3A = arith.andi %ne3A_222, %ne3A_225 : vector<16xi1>
      %ge3A = arith.constant 0 : i32
      %ge3A_226 = vector.broadcast %ge3A : i32 to vector<16xi32>
      %ge3A_227 = arith.cmpi sge, %get3A_215, %ge3A_226 : vector<16xi32>
      %and3A_228 = arith.andi %ge3A_227, %and3A : vector<16xi1>
      %select_n3A = arith.select %and3A_228, %get3A_215, %get3A_220 : vector<16xi1>, vector<16xi32>
      %swap3A_229 = arith.constant 3 : i32
      %swap3A_230 = arith.index_cast %swap3A_229 : i32 to index
      %swap3A_231 = arith.index_cast %mul3A_210 : i32 to index
      %swap3A_232 = tpu.vector_load %arg12[%swap3A_230, %swap3A_231] {strides = array<i32>} : memref<4x4096xi32, #tpu.memory_space<vmem>>, vector<1x16xi32>,
      %swap3A_233 = vector.shape_cast %swap3A_232 : vector<1x16xi32> to vector<16xi32>
      %swap3A_234 = vector.shape_cast %select_n3A : vector<16xi32> to vector<1x16xi32>
      tpu.vector_store %arg12[%swap3A_230, %swap3A_231], %swap3A_234 {strides = array<i32>} : memref<4x4096xi32, #tpu.memory_space<vmem>>, vector<1x16xi32>,
      %select_n3A_235 = arith.select %and3A, %get3A_220, %broadcast_in_dim3A_3 : vector<16xi1>, vector<16xi32>
      %swap3A_236 = arith.constant 3 : i32
      %swap3A_237 = arith.index_cast %swap3A_236 : i32 to index
      %swap3A_238 = arith.index_cast %mul3A_210 : i32 to index
      %swap3A_239 = tpu.vector_load %arg13[%swap3A_237, %swap3A_238] {strides = array<i32>} : memref<4x4096xi32, #tpu.memory_space<vmem>>, vector<1x16xi32>,
      %swap3A_240 = vector.shape_cast %swap3A_239 : vector<1x16xi32> to vector<16xi32>
      %swap3A_241 = vector.shape_cast %select_n3A_235 : vector<16xi32> to vector<1x16xi32>
      tpu.vector_store %arg13[%swap3A_237, %swap3A_238], %swap3A_241 {strides = array<i32>} : memref<4x4096xi32, #tpu.memory_space<vmem>>, vector<1x16xi32>,
      %jit3A = arith.constant 1 : i32
      %jit3A_242 = arith.constant 0 : i32
      %broadcast_in_dim3A_243 = vector.broadcast %jit3A : i32 to vector<16xi32>
      %broadcast_in_dim3A_244 = vector.broadcast %jit3A_242 : i32 to vector<16xi32>
      %select_n3A_245 = arith.select %and3A, %broadcast_in_dim3A_243, %broadcast_in_dim3A_244 : vector<16xi1>, vector<16xi32>
      %or3A_246 = arith.ori %scan3A_208, %select_n3A_245 : vector<16xi32>
      %scan3A_247 = arith.constant 1 : i32
      %scan3A_248 = arith.addi %scan3A_207, %scan3A_247 : i32
      %mul3A_249 = arith.constant 16 : i32
      %mul3A_250 = arith.muli %scan3A_248, %mul3A_249 : i32
      %get3A_251 = arith.constant 3 : i32
      %get3A_252 = arith.index_cast %get3A_251 : i32 to index
      %get3A_253 = arith.index_cast %mul3A_250 : i32 to index
      %get3A_254 = tpu.vector_load %arg9[%get3A_252, %get3A_253] {strides = array<i32>} : memref<4x4096xi32, #tpu.memory_space<vmem>>, vector<1x16xi32>,
      %get3A_255 = vector.shape_cast %get3A_254 : vector<1x16xi32> to vector<16xi32>
      %get3A_256 = arith.constant 3 : i32
      %get3A_257 = arith.index_cast %get3A_256 : i32 to index
      %get3A_258 = arith.index_cast %mul3A_250 : i32 to index
      %get3A_259 = tpu.vector_load %arg8[%get3A_257, %get3A_258] {strides = array<i32>} : memref<4x4096xi32, #tpu.memory_space<vmem>>, vector<1x16xi32>,
      %get3A_260 = vector.shape_cast %get3A_259 : vector<1x16xi32> to vector<16xi32>
      %ne3A_261 = arith.constant -1 : i32
      %ne3A_262 = vector.broadcast %ne3A_261 : i32 to vector<16xi32>
      %ne3A_263 = arith.cmpi ne, %get3A_255, %ne3A_262 : vector<16xi32>
      %ne3A_264 = arith.constant 0 : i32
      %ne3A_265 = vector.broadcast %ne3A_264 : i32 to vector<16xi32>
      %ne3A_266 = arith.cmpi ne, %get3A_260, %ne3A_265 : vector<16xi32>
      %and3A_267 = arith.andi %ne3A_263, %ne3A_266 : vector<16xi1>
      %ge3A_268 = arith.constant 0 : i32
      %ge3A_269 = vector.broadcast %ge3A_268 : i32 to vector<16xi32>
      %ge3A_270 = arith.cmpi sge, %get3A_255, %ge3A_269 : vector<16xi32>
      %and3A_271 = arith.andi %ge3A_270, %and3A_267 : vector<16xi1>
      %select_n3A_272 = arith.select %and3A_271, %get3A_255, %get3A_260 : vector<16xi1>, vector<16xi32>
      %swap3A_273 = arith.constant 3 : i32
      %swap3A_274 = arith.index_cast %swap3A_273 : i32 to index
      %swap3A_275 = arith.index_cast %mul3A_250 : i32 to index
      %swap3A_276 = tpu.vector_load %arg12[%swap3A_274, %swap3A_275] {strides = array<i32>} : memref<4x4096xi32, #tpu.memory_space<vmem>>, vector<1x16xi32>,
      %swap3A_277 = vector.shape_cast %swap3A_276 : vector<1x16xi32> to vector<16xi32>
      %swap3A_278 = vector.shape_cast %select_n3A_272 : vector<16xi32> to vector<1x16xi32>
      tpu.vector_store %arg12[%swap3A_274, %swap3A_275], %swap3A_278 {strides = array<i32>} : memref<4x4096xi32, #tpu.memory_space<vmem>>, vector<1x16xi32>,
      %select_n3A_279 = arith.select %and3A_267, %get3A_260, %broadcast_in_dim3A_3 : vector<16xi1>, vector<16xi32>
      %swap3A_280 = arith.constant 3 : i32
      %swap3A_281 = arith.index_cast %swap3A_280 : i32 to index
      %swap3A_282 = arith.index_cast %mul3A_250 : i32 to index
      %swap3A_283 = tpu.vector_load %arg13[%swap3A_281, %swap3A_282] {strides = array<i32>} : memref<4x4096xi32, #tpu.memory_space<vmem>>, vector<1x16xi32>,
      %swap3A_284 = vector.shape_cast %swap3A_283 : vector<1x16xi32> to vector<16xi32>
      %swap3A_285 = vector.shape_cast %select_n3A_279 : vector<16xi32> to vector<1x16xi32>
      tpu.vector_store %arg13[%swap3A_281, %swap3A_282], %swap3A_285 {strides = array<i32>} : memref<4x4096xi32, #tpu.memory_space<vmem>>, vector<1x16xi32>,
      %jit3A_286 = arith.constant 1 : i32
      %jit3A_287 = arith.constant 0 : i32
      %broadcast_in_dim3A_288 = vector.broadcast %jit3A_286 : i32 to vector<16xi32>
      %broadcast_in_dim3A_289 = vector.broadcast %jit3A_287 : i32 to vector<16xi32>
      %select_n3A_290 = arith.select %and3A_267, %broadcast_in_dim3A_288, %broadcast_in_dim3A_289 : vector<16xi1>, vector<16xi32>
      %or3A_291 = arith.ori %or3A_246, %select_n3A_290 : vector<16xi32>
      %scan3A_292 = arith.constant 2 : i32
      %scan3A_293 = arith.addi %scan3A_207, %scan3A_292 : i32
      %mul3A_294 = arith.constant 16 : i32
      %mul3A_295 = arith.muli %scan3A_293, %mul3A_294 : i32
      %get3A_296 = arith.constant 3 : i32
      %get3A_297 = arith.index_cast %get3A_296 : i32 to index
      %get3A_298 = arith.index_cast %mul3A_295 : i32 to index
      %get3A_299 = tpu.vector_load %arg9[%get3A_297, %get3A_298] {strides = array<i32>} : memref<4x4096xi32, #tpu.memory_space<vmem>>, vector<1x16xi32>,
      %get3A_300 = vector.shape_cast %get3A_299 : vector<1x16xi32> to vector<16xi32>
      %get3A_301 = arith.constant 3 : i32
      %get3A_302 = arith.index_cast %get3A_301 : i32 to index
      %get3A_303 = arith.index_cast %mul3A_295 : i32 to index
      %get3A_304 = tpu.vector_load %arg8[%get3A_302, %get3A_303] {strides = array<i32>} : memref<4x4096xi32, #tpu.memory_space<vmem>>, vector<1x16xi32>,
      %get3A_305 = vector.shape_cast %get3A_304 : vector<1x16xi32> to vector<16xi32>
      %ne3A_306 = arith.constant -1 : i32
      %ne3A_307 = vector.broadcast %ne3A_306 : i32 to vector<16xi32>
      %ne3A_308 = arith.cmpi ne, %get3A_300, %ne3A_307 : vector<16xi32>
      %ne3A_309 = arith.constant 0 : i32
      %ne3A_310 = vector.broadcast %ne3A_309 : i32 to vector<16xi32>
      %ne3A_311 = arith.cmpi ne, %get3A_305, %ne3A_310 : vector<16xi32>
      %and3A_312 = arith.andi %ne3A_308, %ne3A_311 : vector<16xi1>
      %ge3A_313 = arith.constant 0 : i32
      %ge3A_314 = vector.broadcast %ge3A_313 : i32 to vector<16xi32>
      %ge3A_315 = arith.cmpi sge, %get3A_300, %ge3A_314 : vector<16xi32>
      %and3A_316 = arith.andi %ge3A_315, %and3A_312 : vector<16xi1>
      %select_n3A_317 = arith.select %and3A_316, %get3A_300, %get3A_305 : vector<16xi1>, vector<16xi32>
      %swap3A_318 = arith.constant 3 : i32
      %swap3A_319 = arith.index_cast %swap3A_318 : i32 to index
      %swap3A_320 = arith.index_cast %mul3A_295 : i32 to index
      %swap3A_321 = tpu.vector_load %arg12[%swap3A_319, %swap3A_320] {strides = array<i32>} : memref<4x4096xi32, #tpu.memory_space<vmem>>, vector<1x16xi32>,
      %swap3A_322 = vector.shape_cast %swap3A_321 : vector<1x16xi32> to vector<16xi32>
      %swap3A_323 = vector.shape_cast %select_n3A_317 : vector<16xi32> to vector<1x16xi32>
      tpu.vector_store %arg12[%swap3A_319, %swap3A_320], %swap3A_323 {strides = array<i32>} : memref<4x4096xi32, #tpu.memory_space<vmem>>, vector<1x16xi32>,
      %select_n3A_324 = arith.select %and3A_312, %get3A_305, %broadcast_in_dim3A_3 : vector<16xi1>, vector<16xi32>
      %swap3A_325 = arith.constant 3 : i32
      %swap3A_326 = arith.index_cast %swap3A_325 : i32 to index
      %swap3A_327 = arith.index_cast %mul3A_295 : i32 to index
      %swap3A_328 = tpu.vector_load %arg13[%swap3A_326, %swap3A_327] {strides = array<i32>} : memref<4x4096xi32, #tpu.memory_space<vmem>>, vector<1x16xi32>,
      %swap3A_329 = vector.shape_cast %swap3A_328 : vector<1x16xi32> to vector<16xi32>
      %swap3A_330 = vector.shape_cast %select_n3A_324 : vector<16xi32> to vector<1x16xi32>
      tpu.vector_store %arg13[%swap3A_326, %swap3A_327], %swap3A_330 {strides = array<i32>} : memref<4x4096xi32, #tpu.memory_space<vmem>>, vector<1x16xi32>,
      %jit3A_331 = arith.constant 1 : i32
      %jit3A_332 = arith.constant 0 : i32
      %broadcast_in_dim3A_333 = vector.broadcast %jit3A_331 : i32 to vector<16xi32>
      %broadcast_in_dim3A_334 = vector.broadcast %jit3A_332 : i32 to vector<16xi32>
      %select_n3A_335 = arith.select %and3A_312, %broadcast_in_dim3A_333, %broadcast_in_dim3A_334 : vector<16xi1>, vector<16xi32>
      %or3A_336 = arith.ori %or3A_291, %select_n3A_335 : vector<16xi32>
      %scan3A_337 = arith.constant 3 : i32
      %scan3A_338 = arith.addi %scan3A_207, %scan3A_337 : i32
      %mul3A_339 = arith.constant 16 : i32
      %mul3A_340 = arith.muli %scan3A_338, %mul3A_339 : i32
      %get3A_341 = arith.constant 3 : i32
      %get3A_342 = arith.index_cast %get3A_341 : i32 to index
      %get3A_343 = arith.index_cast %mul3A_340 : i32 to index
      %get3A_344 = tpu.vector_load %arg9[%get3A_342, %get3A_343] {strides = array<i32>} : memref<4x4096xi32, #tpu.memory_space<vmem>>, vector<1x16xi32>,
      %get3A_345 = vector.shape_cast %get3A_344 : vector<1x16xi32> to vector<16xi32>
      %get3A_346 = arith.constant 3 : i32
      %get3A_347 = arith.index_cast %get3A_346 : i32 to index
      %get3A_348 = arith.index_cast %mul3A_340 : i32 to index
      %get3A_349 = tpu.vector_load %arg8[%get3A_347, %get3A_348] {strides = array<i32>} : memref<4x4096xi32, #tpu.memory_space<vmem>>, vector<1x16xi32>,
      %get3A_350 = vector.shape_cast %get3A_349 : vector<1x16xi32> to vector<16xi32>
      %ne3A_351 = arith.constant -1 : i32
      %ne3A_352 = vector.broadcast %ne3A_351 : i32 to vector<16xi32>
      %ne3A_353 = arith.cmpi ne, %get3A_345, %ne3A_352 : vector<16xi32>
      %ne3A_354 = arith.constant 0 : i32
      %ne3A_355 = vector.broadcast %ne3A_354 : i32 to vector<16xi32>
      %ne3A_356 = arith.cmpi ne, %get3A_350, %ne3A_355 : vector<16xi32>
      %and3A_357 = arith.andi %ne3A_353, %ne3A_356 : vector<16xi1>
      %ge3A_358 = arith.constant 0 : i32
      %ge3A_359 = vector.broadcast %ge3A_358 : i32 to vector<16xi32>
      %ge3A_360 = arith.cmpi sge, %get3A_345, %ge3A_359 : vector<16xi32>
      %and3A_361 = arith.andi %ge3A_360, %and3A_357 : vector<16xi1>
      %select_n3A_362 = arith.select %and3A_361, %get3A_345, %get3A_350 : vector<16xi1>, vector<16xi32>
      %swap3A_363 = arith.constant 3 : i32
      %swap3A_364 = arith.index_cast %swap3A_363 : i32 to index
      %swap3A_365 = arith.index_cast %mul3A_340 : i32 to index
      %swap3A_366 = tpu.vector_load %arg12[%swap3A_364, %swap3A_365] {strides = array<i32>} : memref<4x4096xi32, #tpu.memory_space<vmem>>, vector<1x16xi32>,
      %swap3A_367 = vector.shape_cast %swap3A_366 : vector<1x16xi32> to vector<16xi32>
      %swap3A_368 = vector.shape_cast %select_n3A_362 : vector<16xi32> to vector<1x16xi32>
      tpu.vector_store %arg12[%swap3A_364, %swap3A_365], %swap3A_368 {strides = array<i32>} : memref<4x4096xi32, #tpu.memory_space<vmem>>, vector<1x16xi32>,
      %select_n3A_369 = arith.select %and3A_357, %get3A_350, %broadcast_in_dim3A_3 : vector<16xi1>, vector<16xi32>
      %swap3A_370 = arith.constant 3 : i32
      %swap3A_371 = arith.index_cast %swap3A_370 : i32 to index
      %swap3A_372 = arith.index_cast %mul3A_340 : i32 to index
      %swap3A_373 = tpu.vector_load %arg13[%swap3A_371, %swap3A_372] {strides = array<i32>} : memref<4x4096xi32, #tpu.memory_space<vmem>>, vector<1x16xi32>,
      %swap3A_374 = vector.shape_cast %swap3A_373 : vector<1x16xi32> to vector<16xi32>
      %swap3A_375 = vector.shape_cast %select_n3A_369 : vector<16xi32> to vector<1x16xi32>
      tpu.vector_store %arg13[%swap3A_371, %swap3A_372], %swap3A_375 {strides = array<i32>} : memref<4x4096xi32, #tpu.memory_space<vmem>>, vector<1x16xi32>,
      %jit3A_376 = arith.constant 1 : i32
      %jit3A_377 = arith.constant 0 : i32
      %broadcast_in_dim3A_378 = vector.broadcast %jit3A_376 : i32 to vector<16xi32>
      %broadcast_in_dim3A_379 = vector.broadcast %jit3A_377 : i32 to vector<16xi32>
      %select_n3A_380 = arith.select %and3A_357, %broadcast_in_dim3A_378, %broadcast_in_dim3A_379 : vector<16xi1>, vector<16xi32>
      %or3A_381 = arith.ori %or3A_336, %select_n3A_380 : vector<16xi32>
      %scan3A_382 = arith.constant 4 : i32
      %scan3A_383 = arith.addi %scan3A_207, %scan3A_382 : i32
      %mul3A_384 = arith.constant 16 : i32
      %mul3A_385 = arith.muli %scan3A_383, %mul3A_384 : i32
      %get3A_386 = arith.constant 3 : i32
      %get3A_387 = arith.index_cast %get3A_386 : i32 to index
      %get3A_388 = arith.index_cast %mul3A_385 : i32 to index
      %get3A_389 = tpu.vector_load %arg9[%get3A_387, %get3A_388] {strides = array<i32>} : memref<4x4096xi32, #tpu.memory_space<vmem>>, vector<1x16xi32>,
      %get3A_390 = vector.shape_cast %get3A_389 : vector<1x16xi32> to vector<16xi32>
      %get3A_391 = arith.constant 3 : i32
      %get3A_392 = arith.index_cast %get3A_391 : i32 to index
      %get3A_393 = arith.index_cast %mul3A_385 : i32 to index
      %get3A_394 = tpu.vector_load %arg8[%get3A_392, %get3A_393] {strides = array<i32>} : memref<4x4096xi32, #tpu.memory_space<vmem>>, vector<1x16xi32>,
      %get3A_395 = vector.shape_cast %get3A_394 : vector<1x16xi32> to vector<16xi32>
      %ne3A_396 = arith.constant -1 : i32
      %ne3A_397 = vector.broadcast %ne3A_396 : i32 to vector<16xi32>
      %ne3A_398 = arith.cmpi ne, %get3A_390, %ne3A_397 : vector<16xi32>
      %ne3A_399 = arith.constant 0 : i32
      %ne3A_400 = vector.broadcast %ne3A_399 : i32 to vector<16xi32>
      %ne3A_401 = arith.cmpi ne, %get3A_395, %ne3A_400 : vector<16xi32>
      %and3A_402 = arith.andi %ne3A_398, %ne3A_401 : vector<16xi1>
      %ge3A_403 = arith.constant 0 : i32
      %ge3A_404 = vector.broadcast %ge3A_403 : i32 to vector<16xi32>
      %ge3A_405 = arith.cmpi sge, %get3A_390, %ge3A_404 : vector<16xi32>
      %and3A_406 = arith.andi %ge3A_405, %and3A_402 : vector<16xi1>
      %select_n3A_407 = arith.select %and3A_406, %get3A_390, %get3A_395 : vector<16xi1>, vector<16xi32>
      %swap3A_408 = arith.constant 3 : i32
      %swap3A_409 = arith.index_cast %swap3A_408 : i32 to index
      %swap3A_410 = arith.index_cast %mul3A_385 : i32 to index
      %swap3A_411 = tpu.vector_load %arg12[%swap3A_409, %swap3A_410] {strides = array<i32>} : memref<4x4096xi32, #tpu.memory_space<vmem>>, vector<1x16xi32>,
      %swap3A_412 = vector.shape_cast %swap3A_411 : vector<1x16xi32> to vector<16xi32>
      %swap3A_413 = vector.shape_cast %select_n3A_407 : vector<16xi32> to vector<1x16xi32>
      tpu.vector_store %arg12[%swap3A_409, %swap3A_410], %swap3A_413 {strides = array<i32>} : memref<4x4096xi32, #tpu.memory_space<vmem>>, vector<1x16xi32>,
      %select_n3A_414 = arith.select %and3A_402, %get3A_395, %broadcast_in_dim3A_3 : vector<16xi1>, vector<16xi32>
      %swap3A_415 = arith.constant 3 : i32
      %swap3A_416 = arith.index_cast %swap3A_415 : i32 to index
      %swap3A_417 = arith.index_cast %mul3A_385 : i32 to index
      %swap3A_418 = tpu.vector_load %arg13[%swap3A_416, %swap3A_417] {strides = array<i32>} : memref<4x4096xi32, #tpu.memory_space<vmem>>, vector<1x16xi32>,
      %swap3A_419 = vector.shape_cast %swap3A_418 : vector<1x16xi32> to vector<16xi32>
      %swap3A_420 = vector.shape_cast %select_n3A_414 : vector<16xi32> to vector<1x16xi32>
      tpu.vector_store %arg13[%swap3A_416, %swap3A_417], %swap3A_420 {strides = array<i32>} : memref<4x4096xi32, #tpu.memory_space<vmem>>, vector<1x16xi32>,
      %jit3A_421 = arith.constant 1 : i32
      %jit3A_422 = arith.constant 0 : i32
      %broadcast_in_dim3A_423 = vector.broadcast %jit3A_421 : i32 to vector<16xi32>
      %broadcast_in_dim3A_424 = vector.broadcast %jit3A_422 : i32 to vector<16xi32>
      %select_n3A_425 = arith.select %and3A_402, %broadcast_in_dim3A_423, %broadcast_in_dim3A_424 : vector<16xi1>, vector<16xi32>
      %or3A_426 = arith.ori %or3A_381, %select_n3A_425 : vector<16xi32>
      %scan3A_427 = arith.constant 5 : i32
      %scan3A_428 = arith.addi %scan3A_207, %scan3A_427 : i32
      %mul3A_429 = arith.constant 16 : i32
      %mul3A_430 = arith.muli %scan3A_428, %mul3A_429 : i32
      %get3A_431 = arith.constant 3 : i32
      %get3A_432 = arith.index_cast %get3A_431 : i32 to index
      %get3A_433 = arith.index_cast %mul3A_430 : i32 to index
      %get3A_434 = tpu.vector_load %arg9[%get3A_432, %get3A_433] {strides = array<i32>} : memref<4x4096xi32, #tpu.memory_space<vmem>>, vector<1x16xi32>,
      %get3A_435 = vector.shape_cast %get3A_434 : vector<1x16xi32> to vector<16xi32>
      %get3A_436 = arith.constant 3 : i32
      %get3A_437 = arith.index_cast %get3A_436 : i32 to index
      %get3A_438 = arith.index_cast %mul3A_430 : i32 to index
      %get3A_439 = tpu.vector_load %arg8[%get3A_437, %get3A_438] {strides = array<i32>} : memref<4x4096xi32, #tpu.memory_space<vmem>>, vector<1x16xi32>,
      %get3A_440 = vector.shape_cast %get3A_439 : vector<1x16xi32> to vector<16xi32>
      %ne3A_441 = arith.constant -1 : i32
      %ne3A_442 = vector.broadcast %ne3A_441 : i32 to vector<16xi32>
      %ne3A_443 = arith.cmpi ne, %get3A_435, %ne3A_442 : vector<16xi32>
      %ne3A_444 = arith.constant 0 : i32
      %ne3A_445 = vector.broadcast %ne3A_444 : i32 to vector<16xi32>
      %ne3A_446 = arith.cmpi ne, %get3A_440, %ne3A_445 : vector<16xi32>
      %and3A_447 = arith.andi %ne3A_443, %ne3A_446 : vector<16xi1>
      %ge3A_448 = arith.constant 0 : i32
      %ge3A_449 = vector.broadcast %ge3A_448 : i32 to vector<16xi32>
      %ge3A_450 = arith.cmpi sge, %get3A_435, %ge3A_449 : vector<16xi32>
      %and3A_451 = arith.andi %ge3A_450, %and3A_447 : vector<16xi1>
      %select_n3A_452 = arith.select %and3A_451, %get3A_435, %get3A_440 : vector<16xi1>, vector<16xi32>
      %swap3A_453 = arith.constant 3 : i32
      %swap3A_454 = arith.index_cast %swap3A_453 : i32 to index
      %swap3A_455 = arith.index_cast %mul3A_430 : i32 to index
      %swap3A_456 = tpu.vector_load %arg12[%swap3A_454, %swap3A_455] {strides = array<i32>} : memref<4x4096xi32, #tpu.memory_space<vmem>>, vector<1x16xi32>,
      %swap3A_457 = vector.shape_cast %swap3A_456 : vector<1x16xi32> to vector<16xi32>
      %swap3A_458 = vector.shape_cast %select_n3A_452 : vector<16xi32> to vector<1x16xi32>
      tpu.vector_store %arg12[%swap3A_454, %swap3A_455], %swap3A_458 {strides = array<i32>} : memref<4x4096xi32, #tpu.memory_space<vmem>>, vector<1x16xi32>,
      %select_n3A_459 = arith.select %and3A_447, %get3A_440, %broadcast_in_dim3A_3 : vector<16xi1>, vector<16xi32>
      %swap3A_460 = arith.constant 3 : i32
      %swap3A_461 = arith.index_cast %swap3A_460 : i32 to index
      %swap3A_462 = arith.index_cast %mul3A_430 : i32 to index
      %swap3A_463 = tpu.vector_load %arg13[%swap3A_461, %swap3A_462] {strides = array<i32>} : memref<4x4096xi32, #tpu.memory_space<vmem>>, vector<1x16xi32>,
      %swap3A_464 = vector.shape_cast %swap3A_463 : vector<1x16xi32> to vector<16xi32>
      %swap3A_465 = vector.shape_cast %select_n3A_459 : vector<16xi32> to vector<1x16xi32>
      tpu.vector_store %arg13[%swap3A_461, %swap3A_462], %swap3A_465 {strides = array<i32>} : memref<4x4096xi32, #tpu.memory_space<vmem>>, vector<1x16xi32>,
      %jit3A_466 = arith.constant 1 : i32
      %jit3A_467 = arith.constant 0 : i32
      %broadcast_in_dim3A_468 = vector.broadcast %jit3A_466 : i32 to vector<16xi32>
      %broadcast_in_dim3A_469 = vector.broadcast %jit3A_467 : i32 to vector<16xi32>
      %select_n3A_470 = arith.select %and3A_447, %broadcast_in_dim3A_468, %broadcast_in_dim3A_469 : vector<16xi1>, vector<16xi32>
      %or3A_471 = arith.ori %or3A_426, %select_n3A_470 : vector<16xi32>
      %scan3A_472 = arith.constant 6 : i32
      %scan3A_473 = arith.addi %scan3A_207, %scan3A_472 : i32
      %mul3A_474 = arith.constant 16 : i32
      %mul3A_475 = arith.muli %scan3A_473, %mul3A_474 : i32
      %get3A_476 = arith.constant 3 : i32
      %get3A_477 = arith.index_cast %get3A_476 : i32 to index
      %get3A_478 = arith.index_cast %mul3A_475 : i32 to index
      %get3A_479 = tpu.vector_load %arg9[%get3A_477, %get3A_478] {strides = array<i32>} : memref<4x4096xi32, #tpu.memory_space<vmem>>, vector<1x16xi32>,
      %get3A_480 = vector.shape_cast %get3A_479 : vector<1x16xi32> to vector<16xi32>
      %get3A_481 = arith.constant 3 : i32
      %get3A_482 = arith.index_cast %get3A_481 : i32 to index
      %get3A_483 = arith.index_cast %mul3A_475 : i32 to index
      %get3A_484 = tpu.vector_load %arg8[%get3A_482, %get3A_483] {strides = array<i32>} : memref<4x4096xi32, #tpu.memory_space<vmem>>, vector<1x16xi32>,
      %get3A_485 = vector.shape_cast %get3A_484 : vector<1x16xi32> to vector<16xi32>
      %ne3A_486 = arith.constant -1 : i32
      %ne3A_487 = vector.broadcast %ne3A_486 : i32 to vector<16xi32>
      %ne3A_488 = arith.cmpi ne, %get3A_480, %ne3A_487 : vector<16xi32>
      %ne3A_489 = arith.constant 0 : i32
      %ne3A_490 = vector.broadcast %ne3A_489 : i32 to vector<16xi32>
      %ne3A_491 = arith.cmpi ne, %get3A_485, %ne3A_490 : vector<16xi32>
      %and3A_492 = arith.andi %ne3A_488, %ne3A_491 : vector<16xi1>
      %ge3A_493 = arith.constant 0 : i32
      %ge3A_494 = vector.broadcast %ge3A_493 : i32 to vector<16xi32>
      %ge3A_495 = arith.cmpi sge, %get3A_480, %ge3A_494 : vector<16xi32>
      %and3A_496 = arith.andi %ge3A_495, %and3A_492 : vector<16xi1>
      %select_n3A_497 = arith.select %and3A_496, %get3A_480, %get3A_485 : vector<16xi1>, vector<16xi32>
      %swap3A_498 = arith.constant 3 : i32
      %swap3A_499 = arith.index_cast %swap3A_498 : i32 to index
      %swap3A_500 = arith.index_cast %mul3A_475 : i32 to index
      %swap3A_501 = tpu.vector_load %arg12[%swap3A_499, %swap3A_500] {strides = array<i32>} : memref<4x4096xi32, #tpu.memory_space<vmem>>, vector<1x16xi32>,
      %swap3A_502 = vector.shape_cast %swap3A_501 : vector<1x16xi32> to vector<16xi32>
      %swap3A_503 = vector.shape_cast %select_n3A_497 : vector<16xi32> to vector<1x16xi32>
      tpu.vector_store %arg12[%swap3A_499, %swap3A_500], %swap3A_503 {strides = array<i32>} : memref<4x4096xi32, #tpu.memory_space<vmem>>, vector<1x16xi32>,
      %select_n3A_504 = arith.select %and3A_492, %get3A_485, %broadcast_in_dim3A_3 : vector<16xi1>, vector<16xi32>
      %swap3A_505 = arith.constant 3 : i32
      %swap3A_506 = arith.index_cast %swap3A_505 : i32 to index
      %swap3A_507 = arith.index_cast %mul3A_475 : i32 to index
      %swap3A_508 = tpu.vector_load %arg13[%swap3A_506, %swap3A_507] {strides = array<i32>} : memref<4x4096xi32, #tpu.memory_space<vmem>>, vector<1x16xi32>,
      %swap3A_509 = vector.shape_cast %swap3A_508 : vector<1x16xi32> to vector<16xi32>
      %swap3A_510 = vector.shape_cast %select_n3A_504 : vector<16xi32> to vector<1x16xi32>
      tpu.vector_store %arg13[%swap3A_506, %swap3A_507], %swap3A_510 {strides = array<i32>} : memref<4x4096xi32, #tpu.memory_space<vmem>>, vector<1x16xi32>,
      %jit3A_511 = arith.constant 1 : i32
      %jit3A_512 = arith.constant 0 : i32
      %broadcast_in_dim3A_513 = vector.broadcast %jit3A_511 : i32 to vector<16xi32>
      %broadcast_in_dim3A_514 = vector.broadcast %jit3A_512 : i32 to vector<16xi32>
      %select_n3A_515 = arith.select %and3A_492, %broadcast_in_dim3A_513, %broadcast_in_dim3A_514 : vector<16xi1>, vector<16xi32>
      %or3A_516 = arith.ori %or3A_471, %select_n3A_515 : vector<16xi32>
      %scan3A_517 = arith.constant 7 : i32
      %scan3A_518 = arith.addi %scan3A_207, %scan3A_517 : i32
      %mul3A_519 = arith.constant 16 : i32
      %mul3A_520 = arith.muli %scan3A_518, %mul3A_519 : i32
      %get3A_521 = arith.constant 3 : i32
      %get3A_522 = arith.index_cast %get3A_521 : i32 to index
      %get3A_523 = arith.index_cast %mul3A_520 : i32 to index
      %get3A_524 = tpu.vector_load %arg9[%get3A_522, %get3A_523] {strides = array<i32>} : memref<4x4096xi32, #tpu.memory_space<vmem>>, vector<1x16xi32>,
      %get3A_525 = vector.shape_cast %get3A_524 : vector<1x16xi32> to vector<16xi32>
      %get3A_526 = arith.constant 3 : i32
      %get3A_527 = arith.index_cast %get3A_526 : i32 to index
      %get3A_528 = arith.index_cast %mul3A_520 : i32 to index
      %get3A_529 = tpu.vector_load %arg8[%get3A_527, %get3A_528] {strides = array<i32>} : memref<4x4096xi32, #tpu.memory_space<vmem>>, vector<1x16xi32>,
      %get3A_530 = vector.shape_cast %get3A_529 : vector<1x16xi32> to vector<16xi32>
      %ne3A_531 = arith.constant -1 : i32
      %ne3A_532 = vector.broadcast %ne3A_531 : i32 to vector<16xi32>
      %ne3A_533 = arith.cmpi ne, %get3A_525, %ne3A_532 : vector<16xi32>
      %ne3A_534 = arith.constant 0 : i32
      %ne3A_535 = vector.broadcast %ne3A_534 : i32 to vector<16xi32>
      %ne3A_536 = arith.cmpi ne, %get3A_530, %ne3A_535 : vector<16xi32>
      %and3A_537 = arith.andi %ne3A_533, %ne3A_536 : vector<16xi1>
      %ge3A_538 = arith.constant 0 : i32
      %ge3A_539 = vector.broadcast %ge3A_538 : i32 to vector<16xi32>
      %ge3A_540 = arith.cmpi sge, %get3A_525, %ge3A_539 : vector<16xi32>
      %and3A_541 = arith.andi %ge3A_540, %and3A_537 : vector<16xi1>
      %select_n3A_542 = arith.select %and3A_541, %get3A_525, %get3A_530 : vector<16xi1>, vector<16xi32>
      %swap3A_543 = arith.constant 3 : i32
      %swap3A_544 = arith.index_cast %swap3A_543 : i32 to index
      %swap3A_545 = arith.index_cast %mul3A_520 : i32 to index
      %swap3A_546 = tpu.vector_load %arg12[%swap3A_544, %swap3A_545] {strides = array<i32>} : memref<4x4096xi32, #tpu.memory_space<vmem>>, vector<1x16xi32>,
      %swap3A_547 = vector.shape_cast %swap3A_546 : vector<1x16xi32> to vector<16xi32>
      %swap3A_548 = vector.shape_cast %select_n3A_542 : vector<16xi32> to vector<1x16xi32>
      tpu.vector_store %arg12[%swap3A_544, %swap3A_545], %swap3A_548 {strides = array<i32>} : memref<4x4096xi32, #tpu.memory_space<vmem>>, vector<1x16xi32>,
      %select_n3A_549 = arith.select %and3A_537, %get3A_530, %broadcast_in_dim3A_3 : vector<16xi1>, vector<16xi32>
      %swap3A_550 = arith.constant 3 : i32
      %swap3A_551 = arith.index_cast %swap3A_550 : i32 to index
      %swap3A_552 = arith.index_cast %mul3A_520 : i32 to index
      %swap3A_553 = tpu.vector_load %arg13[%swap3A_551, %swap3A_552] {strides = array<i32>} : memref<4x4096xi32, #tpu.memory_space<vmem>>, vector<1x16xi32>,
      %swap3A_554 = vector.shape_cast %swap3A_553 : vector<1x16xi32> to vector<16xi32>
      %swap3A_555 = vector.shape_cast %select_n3A_549 : vector<16xi32> to vector<1x16xi32>
      tpu.vector_store %arg13[%swap3A_551, %swap3A_552], %swap3A_555 {strides = array<i32>} : memref<4x4096xi32, #tpu.memory_space<vmem>>, vector<1x16xi32>,
      %jit3A_556 = arith.constant 1 : i32
      %jit3A_557 = arith.constant 0 : i32
      %broadcast_in_dim3A_558 = vector.broadcast %jit3A_556 : i32 to vector<16xi32>
      %broadcast_in_dim3A_559 = vector.broadcast %jit3A_557 : i32 to vector<16xi32>
      %select_n3A_560 = arith.select %and3A_537, %broadcast_in_dim3A_558, %broadcast_in_dim3A_559 : vector<16xi1>, vector<16xi32>
      %or3A_561 = arith.ori %or3A_516, %select_n3A_560 : vector<16xi32>
      %scan3A_562 = arith.constant 8 : i32
      %scan3A_563 = arith.addi %scan3A_207, %scan3A_562 : i32
      %mul3A_564 = arith.constant 16 : i32
      %mul3A_565 = arith.muli %scan3A_563, %mul3A_564 : i32
      %get3A_566 = arith.constant 3 : i32
      %get3A_567 = arith.index_cast %get3A_566 : i32 to index
      %get3A_568 = arith.index_cast %mul3A_565 : i32 to index
      %get3A_569 = tpu.vector_load %arg9[%get3A_567, %get3A_568] {strides = array<i32>} : memref<4x4096xi32, #tpu.memory_space<vmem>>, vector<1x16xi32>,
      %get3A_570 = vector.shape_cast %get3A_569 : vector<1x16xi32> to vector<16xi32>
      %get3A_571 = arith.constant 3 : i32
      %get3A_572 = arith.index_cast %get3A_571 : i32 to index
      %get3A_573 = arith.index_cast %mul3A_565 : i32 to index
      %get3A_574 = tpu.vector_load %arg8[%get3A_572, %get3A_573] {strides = array<i32>} : memref<4x4096xi32, #tpu.memory_space<vmem>>, vector<1x16xi32>,
      %get3A_575 = vector.shape_cast %get3A_574 : vector<1x16xi32> to vector<16xi32>
      %ne3A_576 = arith.constant -1 : i32
      %ne3A_577 = vector.broadcast %ne3A_576 : i32 to vector<16xi32>
      %ne3A_578 = arith.cmpi ne, %get3A_570, %ne3A_577 : vector<16xi32>
      %ne3A_579 = arith.constant 0 : i32
      %ne3A_580 = vector.broadcast %ne3A_579 : i32 to vector<16xi32>
      %ne3A_581 = arith.cmpi ne, %get3A_575, %ne3A_580 : vector<16xi32>
      %and3A_582 = arith.andi %ne3A_578, %ne3A_581 : vector<16xi1>
      %ge3A_583 = arith.constant 0 : i32
      %ge3A_584 = vector.broadcast %ge3A_583 : i32 to vector<16xi32>
      %ge3A_585 = arith.cmpi sge, %get3A_570, %ge3A_584 : vector<16xi32>
      %and3A_586 = arith.andi %ge3A_585, %and3A_582 : vector<16xi1>
      %select_n3A_587 = arith.select %and3A_586, %get3A_570, %get3A_575 : vector<16xi1>, vector<16xi32>
      %swap3A_588 = arith.constant 3 : i32
      %swap3A_589 = arith.index_cast %swap3A_588 : i32 to index
      %swap3A_590 = arith.index_cast %mul3A_565 : i32 to index
      %swap3A_591 = tpu.vector_load %arg12[%swap3A_589, %swap3A_590] {strides = array<i32>} : memref<4x4096xi32, #tpu.memory_space<vmem>>, vector<1x16xi32>,
      %swap3A_592 = vector.shape_cast %swap3A_591 : vector<1x16xi32> to vector<16xi32>
      %swap3A_593 = vector.shape_cast %select_n3A_587 : vector<16xi32> to vector<1x16xi32>
      tpu.vector_store %arg12[%swap3A_589, %swap3A_590], %swap3A_593 {strides = array<i32>} : memref<4x4096xi32, #tpu.memory_space<vmem>>, vector<1x16xi32>,
      %select_n3A_594 = arith.select %and3A_582, %get3A_575, %broadcast_in_dim3A_3 : vector<16xi1>, vector<16xi32>
      %swap3A_595 = arith.constant 3 : i32
      %swap3A_596 = arith.index_cast %swap3A_595 : i32 to index
      %swap3A_597 = arith.index_cast %mul3A_565 : i32 to index
      %swap3A_598 = tpu.vector_load %arg13[%swap3A_596, %swap3A_597] {strides = array<i32>} : memref<4x4096xi32, #tpu.memory_space<vmem>>, vector<1x16xi32>,
      %swap3A_599 = vector.shape_cast %swap3A_598 : vector<1x16xi32> to vector<16xi32>
      %swap3A_600 = vector.shape_cast %select_n3A_594 : vector<16xi32> to vector<1x16xi32>
      tpu.vector_store %arg13[%swap3A_596, %swap3A_597], %swap3A_600 {strides = array<i32>} : memref<4x4096xi32, #tpu.memory_space<vmem>>, vector<1x16xi32>,
      %jit3A_601 = arith.constant 1 : i32
      %jit3A_602 = arith.constant 0 : i32
      %broadcast_in_dim3A_603 = vector.broadcast %jit3A_601 : i32 to vector<16xi32>
      %broadcast_in_dim3A_604 = vector.broadcast %jit3A_602 : i32 to vector<16xi32>
      %select_n3A_605 = arith.select %and3A_582, %broadcast_in_dim3A_603, %broadcast_in_dim3A_604 : vector<16xi1>, vector<16xi32>
      %or3A_606 = arith.ori %or3A_561, %select_n3A_605 : vector<16xi32>
      %scan3A_607 = arith.constant 9 : i32
      %scan3A_608 = arith.addi %scan3A_207, %scan3A_607 : i32
      %mul3A_609 = arith.constant 16 : i32
      %mul3A_610 = arith.muli %scan3A_608, %mul3A_609 : i32
      %get3A_611 = arith.constant 3 : i32
      %get3A_612 = arith.index_cast %get3A_611 : i32 to index
      %get3A_613 = arith.index_cast %mul3A_610 : i32 to index
      %get3A_614 = tpu.vector_load %arg9[%get3A_612, %get3A_613] {strides = array<i32>} : memref<4x4096xi32, #tpu.memory_space<vmem>>, vector<1x16xi32>,
      %get3A_615 = vector.shape_cast %get3A_614 : vector<1x16xi32> to vector<16xi32>
      %get3A_616 = arith.constant 3 : i32
      %get3A_617 = arith.index_cast %get3A_616 : i32 to index
      %get3A_618 = arith.index_cast %mul3A_610 : i32 to index
      %get3A_619 = tpu.vector_load %arg8[%get3A_617, %get3A_618] {strides = array<i32>} : memref<4x4096xi32, #tpu.memory_space<vmem>>, vector<1x16xi32>,
      %get3A_620 = vector.shape_cast %get3A_619 : vector<1x16xi32> to vector<16xi32>
      %ne3A_621 = arith.constant -1 : i32
      %ne3A_622 = vector.broadcast %ne3A_621 : i32 to vector<16xi32>
      %ne3A_623 = arith.cmpi ne, %get3A_615, %ne3A_622 : vector<16xi32>
      %ne3A_624 = arith.constant 0 : i32
      %ne3A_625 = vector.broadcast %ne3A_624 : i32 to vector<16xi32>
      %ne3A_626 = arith.cmpi ne, %get3A_620, %ne3A_625 : vector<16xi32>
      %and3A_627 = arith.andi %ne3A_623, %ne3A_626 : vector<16xi1>
      %ge3A_628 = arith.constant 0 : i32
      %ge3A_629 = vector.broadcast %ge3A_628 : i32 to vector<16xi32>
      %ge3A_630 = arith.cmpi sge, %get3A_615, %ge3A_629 : vector<16xi32>
      %and3A_631 = arith.andi %ge3A_630, %and3A_627 : vector<16xi1>
      %select_n3A_632 = arith.select %and3A_631, %get3A_615, %get3A_620 : vector<16xi1>, vector<16xi32>
      %swap3A_633 = arith.constant 3 : i32
      %swap3A_634 = arith.index_cast %swap3A_633 : i32 to index
      %swap3A_635 = arith.index_cast %mul3A_610 : i32 to index
      %swap3A_636 = tpu.vector_load %arg12[%swap3A_634, %swap3A_635] {strides = array<i32>} : memref<4x4096xi32, #tpu.memory_space<vmem>>, vector<1x16xi32>,
      %swap3A_637 = vector.shape_cast %swap3A_636 : vector<1x16xi32> to vector<16xi32>
      %swap3A_638 = vector.shape_cast %select_n3A_632 : vector<16xi32> to vector<1x16xi32>
      tpu.vector_store %arg12[%swap3A_634, %swap3A_635], %swap3A_638 {strides = array<i32>} : memref<4x4096xi32, #tpu.memory_space<vmem>>, vector<1x16xi32>,
      %select_n3A_639 = arith.select %and3A_627, %get3A_620, %broadcast_in_dim3A_3 : vector<16xi1>, vector<16xi32>
      %swap3A_640 = arith.constant 3 : i32
      %swap3A_641 = arith.index_cast %swap3A_640 : i32 to index
      %swap3A_642 = arith.index_cast %mul3A_610 : i32 to index
      %swap3A_643 = tpu.vector_load %arg13[%swap3A_641, %swap3A_642] {strides = array<i32>} : memref<4x4096xi32, #tpu.memory_space<vmem>>, vector<1x16xi32>,
      %swap3A_644 = vector.shape_cast %swap3A_643 : vector<1x16xi32> to vector<16xi32>
      %swap3A_645 = vector.shape_cast %select_n3A_639 : vector<16xi32> to vector<1x16xi32>
      tpu.vector_store %arg13[%swap3A_641, %swap3A_642], %swap3A_645 {strides = array<i32>} : memref<4x4096xi32, #tpu.memory_space<vmem>>, vector<1x16xi32>,
      %jit3A_646 = arith.constant 1 : i32
      %jit3A_647 = arith.constant 0 : i32
      %broadcast_in_dim3A_648 = vector.broadcast %jit3A_646 : i32 to vector<16xi32>
      %broadcast_in_dim3A_649 = vector.broadcast %jit3A_647 : i32 to vector<16xi32>
      %select_n3A_650 = arith.select %and3A_627, %broadcast_in_dim3A_648, %broadcast_in_dim3A_649 : vector<16xi1>, vector<16xi32>
      %or3A_651 = arith.ori %or3A_606, %select_n3A_650 : vector<16xi32>
      %scan3A_652 = arith.constant 10 : i32
      %scan3A_653 = arith.addi %scan3A_207, %scan3A_652 : i32
      %mul3A_654 = arith.constant 16 : i32
      %mul3A_655 = arith.muli %scan3A_653, %mul3A_654 : i32
      %get3A_656 = arith.constant 3 : i32
      %get3A_657 = arith.index_cast %get3A_656 : i32 to index
      %get3A_658 = arith.index_cast %mul3A_655 : i32 to index
      %get3A_659 = tpu.vector_load %arg9[%get3A_657, %get3A_658] {strides = array<i32>} : memref<4x4096xi32, #tpu.memory_space<vmem>>, vector<1x16xi32>,
      %get3A_660 = vector.shape_cast %get3A_659 : vector<1x16xi32> to vector<16xi32>
      %get3A_661 = arith.constant 3 : i32
      %get3A_662 = arith.index_cast %get3A_661 : i32 to index
      %get3A_663 = arith.index_cast %mul3A_655 : i32 to index
      %get3A_664 = tpu.vector_load %arg8[%get3A_662, %get3A_663] {strides = array<i32>} : memref<4x4096xi32, #tpu.memory_space<vmem>>, vector<1x16xi32>,
      %get3A_665 = vector.shape_cast %get3A_664 : vector<1x16xi32> to vector<16xi32>
      %ne3A_666 = arith.constant -1 : i32
      %ne3A_667 = vector.broadcast %ne3A_666 : i32 to vector<16xi32>
      %ne3A_668 = arith.cmpi ne, %get3A_660, %ne3A_667 : vector<16xi32>
      %ne3A_669 = arith.constant 0 : i32
      %ne3A_670 = vector.broadcast %ne3A_669 : i32 to vector<16xi32>
      %ne3A_671 = arith.cmpi ne, %get3A_665, %ne3A_670 : vector<16xi32>
      %and3A_672 = arith.andi %ne3A_668, %ne3A_671 : vector<16xi1>
      %ge3A_673 = arith.constant 0 : i32
      %ge3A_674 = vector.broadcast %ge3A_673 : i32 to vector<16xi32>
      %ge3A_675 = arith.cmpi sge, %get3A_660, %ge3A_674 : vector<16xi32>
      %and3A_676 = arith.andi %ge3A_675, %and3A_672 : vector<16xi1>
      %select_n3A_677 = arith.select %and3A_676, %get3A_660, %get3A_665 : vector<16xi1>, vector<16xi32>
      %swap3A_678 = arith.constant 3 : i32
      %swap3A_679 = arith.index_cast %swap3A_678 : i32 to index
      %swap3A_680 = arith.index_cast %mul3A_655 : i32 to index
      %swap3A_681 = tpu.vector_load %arg12[%swap3A_679, %swap3A_680] {strides = array<i32>} : memref<4x4096xi32, #tpu.memory_space<vmem>>, vector<1x16xi32>,
      %swap3A_682 = vector.shape_cast %swap3A_681 : vector<1x16xi32> to vector<16xi32>
      %swap3A_683 = vector.shape_cast %select_n3A_677 : vector<16xi32> to vector<1x16xi32>
      tpu.vector_store %arg12[%swap3A_679, %swap3A_680], %swap3A_683 {strides = array<i32>} : memref<4x4096xi32, #tpu.memory_space<vmem>>, vector<1x16xi32>,
      %select_n3A_684 = arith.select %and3A_672, %get3A_665, %broadcast_in_dim3A_3 : vector<16xi1>, vector<16xi32>
      %swap3A_685 = arith.constant 3 : i32
      %swap3A_686 = arith.index_cast %swap3A_685 : i32 to index
      %swap3A_687 = arith.index_cast %mul3A_655 : i32 to index
      %swap3A_688 = tpu.vector_load %arg13[%swap3A_686, %swap3A_687] {strides = array<i32>} : memref<4x4096xi32, #tpu.memory_space<vmem>>, vector<1x16xi32>,
      %swap3A_689 = vector.shape_cast %swap3A_688 : vector<1x16xi32> to vector<16xi32>
      %swap3A_690 = vector.shape_cast %select_n3A_684 : vector<16xi32> to vector<1x16xi32>
      tpu.vector_store %arg13[%swap3A_686, %swap3A_687], %swap3A_690 {strides = array<i32>} : memref<4x4096xi32, #tpu.memory_space<vmem>>, vector<1x16xi32>,
      %jit3A_691 = arith.constant 1 : i32
      %jit3A_692 = arith.constant 0 : i32
      %broadcast_in_dim3A_693 = vector.broadcast %jit3A_691 : i32 to vector<16xi32>
      %broadcast_in_dim3A_694 = vector.broadcast %jit3A_692 : i32 to vector<16xi32>
      %select_n3A_695 = arith.select %and3A_672, %broadcast_in_dim3A_693, %broadcast_in_dim3A_694 : vector<16xi1>, vector<16xi32>
      %or3A_696 = arith.ori %or3A_651, %select_n3A_695 : vector<16xi32>
      %scan3A_697 = arith.constant 11 : i32
      %scan3A_698 = arith.addi %scan3A_207, %scan3A_697 : i32
      %mul3A_699 = arith.constant 16 : i32
      %mul3A_700 = arith.muli %scan3A_698, %mul3A_699 : i32
      %get3A_701 = arith.constant 3 : i32
      %get3A_702 = arith.index_cast %get3A_701 : i32 to index
      %get3A_703 = arith.index_cast %mul3A_700 : i32 to index
      %get3A_704 = tpu.vector_load %arg9[%get3A_702, %get3A_703] {strides = array<i32>} : memref<4x4096xi32, #tpu.memory_space<vmem>>, vector<1x16xi32>,
      %get3A_705 = vector.shape_cast %get3A_704 : vector<1x16xi32> to vector<16xi32>
      %get3A_706 = arith.constant 3 : i32
      %get3A_707 = arith.index_cast %get3A_706 : i32 to index
      %get3A_708 = arith.index_cast %mul3A_700 : i32 to index
      %get3A_709 = tpu.vector_load %arg8[%get3A_707, %get3A_708] {strides = array<i32>} : memref<4x4096xi32, #tpu.memory_space<vmem>>, vector<1x16xi32>,
      %get3A_710 = vector.shape_cast %get3A_709 : vector<1x16xi32> to vector<16xi32>
      %ne3A_711 = arith.constant -1 : i32
      %ne3A_712 = vector.broadcast %ne3A_711 : i32 to vector<16xi32>
      %ne3A_713 = arith.cmpi ne, %get3A_705, %ne3A_712 : vector<16xi32>
      %ne3A_714 = arith.constant 0 : i32
      %ne3A_715 = vector.broadcast %ne3A_714 : i32 to vector<16xi32>
      %ne3A_716 = arith.cmpi ne, %get3A_710, %ne3A_715 : vector<16xi32>
      %and3A_717 = arith.andi %ne3A_713, %ne3A_716 : vector<16xi1>
      %ge3A_718 = arith.constant 0 : i32
      %ge3A_719 = vector.broadcast %ge3A_718 : i32 to vector<16xi32>
      %ge3A_720 = arith.cmpi sge, %get3A_705, %ge3A_719 : vector<16xi32>
      %and3A_721 = arith.andi %ge3A_720, %and3A_717 : vector<16xi1>
      %select_n3A_722 = arith.select %and3A_721, %get3A_705, %get3A_710 : vector<16xi1>, vector<16xi32>
      %swap3A_723 = arith.constant 3 : i32
      %swap3A_724 = arith.index_cast %swap3A_723 : i32 to index
      %swap3A_725 = arith.index_cast %mul3A_700 : i32 to index
      %swap3A_726 = tpu.vector_load %arg12[%swap3A_724, %swap3A_725] {strides = array<i32>} : memref<4x4096xi32, #tpu.memory_space<vmem>>, vector<1x16xi32>,
      %swap3A_727 = vector.shape_cast %swap3A_726 : vector<1x16xi32> to vector<16xi32>
      %swap3A_728 = vector.shape_cast %select_n3A_722 : vector<16xi32> to vector<1x16xi32>
      tpu.vector_store %arg12[%swap3A_724, %swap3A_725], %swap3A_728 {strides = array<i32>} : memref<4x4096xi32, #tpu.memory_space<vmem>>, vector<1x16xi32>,
      %select_n3A_729 = arith.select %and3A_717, %get3A_710, %broadcast_in_dim3A_3 : vector<16xi1>, vector<16xi32>
      %swap3A_730 = arith.constant 3 : i32
      %swap3A_731 = arith.index_cast %swap3A_730 : i32 to index
      %swap3A_732 = arith.index_cast %mul3A_700 : i32 to index
      %swap3A_733 = tpu.vector_load %arg13[%swap3A_731, %swap3A_732] {strides = array<i32>} : memref<4x4096xi32, #tpu.memory_space<vmem>>, vector<1x16xi32>,
      %swap3A_734 = vector.shape_cast %swap3A_733 : vector<1x16xi32> to vector<16xi32>
      %swap3A_735 = vector.shape_cast %select_n3A_729 : vector<16xi32> to vector<1x16xi32>
      tpu.vector_store %arg13[%swap3A_731, %swap3A_732], %swap3A_735 {strides = array<i32>} : memref<4x4096xi32, #tpu.memory_space<vmem>>, vector<1x16xi32>,
      %jit3A_736 = arith.constant 1 : i32
      %jit3A_737 = arith.constant 0 : i32
      %broadcast_in_dim3A_738 = vector.broadcast %jit3A_736 : i32 to vector<16xi32>
      %broadcast_in_dim3A_739 = vector.broadcast %jit3A_737 : i32 to vector<16xi32>
      %select_n3A_740 = arith.select %and3A_717, %broadcast_in_dim3A_738, %broadcast_in_dim3A_739 : vector<16xi1>, vector<16xi32>
      %or3A_741 = arith.ori %or3A_696, %select_n3A_740 : vector<16xi32>
      %scan3A_742 = arith.constant 12 : i32
      %scan3A_743 = arith.addi %scan3A_207, %scan3A_742 : i32
      %mul3A_744 = arith.constant 16 : i32
      %mul3A_745 = arith.muli %scan3A_743, %mul3A_744 : i32
      %get3A_746 = arith.constant 3 : i32
      %get3A_747 = arith.index_cast %get3A_746 : i32 to index
      %get3A_748 = arith.index_cast %mul3A_745 : i32 to index
      %get3A_749 = tpu.vector_load %arg9[%get3A_747, %get3A_748] {strides = array<i32>} : memref<4x4096xi32, #tpu.memory_space<vmem>>, vector<1x16xi32>,
      %get3A_750 = vector.shape_cast %get3A_749 : vector<1x16xi32> to vector<16xi32>
      %get3A_751 = arith.constant 3 : i32
      %get3A_752 = arith.index_cast %get3A_751 : i32 to index
      %get3A_753 = arith.index_cast %mul3A_745 : i32 to index
      %get3A_754 = tpu.vector_load %arg8[%get3A_752, %get3A_753] {strides = array<i32>} : memref<4x4096xi32, #tpu.memory_space<vmem>>, vector<1x16xi32>,
      %get3A_755 = vector.shape_cast %get3A_754 : vector<1x16xi32> to vector<16xi32>
      %ne3A_756 = arith.constant -1 : i32
      %ne3A_757 = vector.broadcast %ne3A_756 : i32 to vector<16xi32>
      %ne3A_758 = arith.cmpi ne, %get3A_750, %ne3A_757 : vector<16xi32>
      %ne3A_759 = arith.constant 0 : i32
      %ne3A_760 = vector.broadcast %ne3A_759 : i32 to vector<16xi32>
      %ne3A_761 = arith.cmpi ne, %get3A_755, %ne3A_760 : vector<16xi32>
      %and3A_762 = arith.andi %ne3A_758, %ne3A_761 : vector<16xi1>
      %ge3A_763 = arith.constant 0 : i32
      %ge3A_764 = vector.broadcast %ge3A_763 : i32 to vector<16xi32>
      %ge3A_765 = arith.cmpi sge, %get3A_750, %ge3A_764 : vector<16xi32>
      %and3A_766 = arith.andi %ge3A_765, %and3A_762 : vector<16xi1>
      %select_n3A_767 = arith.select %and3A_766, %get3A_750, %get3A_755 : vector<16xi1>, vector<16xi32>
      %swap3A_768 = arith.constant 3 : i32
      %swap3A_769 = arith.index_cast %swap3A_768 : i32 to index
      %swap3A_770 = arith.index_cast %mul3A_745 : i32 to index
      %swap3A_771 = tpu.vector_load %arg12[%swap3A_769, %swap3A_770] {strides = array<i32>} : memref<4x4096xi32, #tpu.memory_space<vmem>>, vector<1x16xi32>,
      %swap3A_772 = vector.shape_cast %swap3A_771 : vector<1x16xi32> to vector<16xi32>
      %swap3A_773 = vector.shape_cast %select_n3A_767 : vector<16xi32> to vector<1x16xi32>
      tpu.vector_store %arg12[%swap3A_769, %swap3A_770], %swap3A_773 {strides = array<i32>} : memref<4x4096xi32, #tpu.memory_space<vmem>>, vector<1x16xi32>,
      %select_n3A_774 = arith.select %and3A_762, %get3A_755, %broadcast_in_dim3A_3 : vector<16xi1>, vector<16xi32>
      %swap3A_775 = arith.constant 3 : i32
      %swap3A_776 = arith.index_cast %swap3A_775 : i32 to index
      %swap3A_777 = arith.index_cast %mul3A_745 : i32 to index
      %swap3A_778 = tpu.vector_load %arg13[%swap3A_776, %swap3A_777] {strides = array<i32>} : memref<4x4096xi32, #tpu.memory_space<vmem>>, vector<1x16xi32>,
      %swap3A_779 = vector.shape_cast %swap3A_778 : vector<1x16xi32> to vector<16xi32>
      %swap3A_780 = vector.shape_cast %select_n3A_774 : vector<16xi32> to vector<1x16xi32>
      tpu.vector_store %arg13[%swap3A_776, %swap3A_777], %swap3A_780 {strides = array<i32>} : memref<4x4096xi32, #tpu.memory_space<vmem>>, vector<1x16xi32>,
      %jit3A_781 = arith.constant 1 : i32
      %jit3A_782 = arith.constant 0 : i32
      %broadcast_in_dim3A_783 = vector.broadcast %jit3A_781 : i32 to vector<16xi32>
      %broadcast_in_dim3A_784 = vector.broadcast %jit3A_782 : i32 to vector<16xi32>
      %select_n3A_785 = arith.select %and3A_762, %broadcast_in_dim3A_783, %broadcast_in_dim3A_784 : vector<16xi1>, vector<16xi32>
      %or3A_786 = arith.ori %or3A_741, %select_n3A_785 : vector<16xi32>
      %scan3A_787 = arith.constant 13 : i32
      %scan3A_788 = arith.addi %scan3A_207, %scan3A_787 : i32
      %mul3A_789 = arith.constant 16 : i32
      %mul3A_790 = arith.muli %scan3A_788, %mul3A_789 : i32
      %get3A_791 = arith.constant 3 : i32
      %get3A_792 = arith.index_cast %get3A_791 : i32 to index
      %get3A_793 = arith.index_cast %mul3A_790 : i32 to index
      %get3A_794 = tpu.vector_load %arg9[%get3A_792, %get3A_793] {strides = array<i32>} : memref<4x4096xi32, #tpu.memory_space<vmem>>, vector<1x16xi32>,
      %get3A_795 = vector.shape_cast %get3A_794 : vector<1x16xi32> to vector<16xi32>
      %get3A_796 = arith.constant 3 : i32
      %get3A_797 = arith.index_cast %get3A_796 : i32 to index
      %get3A_798 = arith.index_cast %mul3A_790 : i32 to index
      %get3A_799 = tpu.vector_load %arg8[%get3A_797, %get3A_798] {strides = array<i32>} : memref<4x4096xi32, #tpu.memory_space<vmem>>, vector<1x16xi32>,
      %get3A_800 = vector.shape_cast %get3A_799 : vector<1x16xi32> to vector<16xi32>
      %ne3A_801 = arith.constant -1 : i32
      %ne3A_802 = vector.broadcast %ne3A_801 : i32 to vector<16xi32>
      %ne3A_803 = arith.cmpi ne, %get3A_795, %ne3A_802 : vector<16xi32>
      %ne3A_804 = arith.constant 0 : i32
      %ne3A_805 = vector.broadcast %ne3A_804 : i32 to vector<16xi32>
      %ne3A_806 = arith.cmpi ne, %get3A_800, %ne3A_805 : vector<16xi32>
      %and3A_807 = arith.andi %ne3A_803, %ne3A_806 : vector<16xi1>
      %ge3A_808 = arith.constant 0 : i32
      %ge3A_809 = vector.broadcast %ge3A_808 : i32 to vector<16xi32>
      %ge3A_810 = arith.cmpi sge, %get3A_795, %ge3A_809 : vector<16xi32>
      %and3A_811 = arith.andi %ge3A_810, %and3A_807 : vector<16xi1>
      %select_n3A_812 = arith.select %and3A_811, %get3A_795, %get3A_800 : vector<16xi1>, vector<16xi32>
      %swap3A_813 = arith.constant 3 : i32
      %swap3A_814 = arith.index_cast %swap3A_813 : i32 to index
      %swap3A_815 = arith.index_cast %mul3A_790 : i32 to index
      %swap3A_816 = tpu.vector_load %arg12[%swap3A_814, %swap3A_815] {strides = array<i32>} : memref<4x4096xi32, #tpu.memory_space<vmem>>, vector<1x16xi32>,
      %swap3A_817 = vector.shape_cast %swap3A_816 : vector<1x16xi32> to vector<16xi32>
      %swap3A_818 = vector.shape_cast %select_n3A_812 : vector<16xi32> to vector<1x16xi32>
      tpu.vector_store %arg12[%swap3A_814, %swap3A_815], %swap3A_818 {strides = array<i32>} : memref<4x4096xi32, #tpu.memory_space<vmem>>, vector<1x16xi32>,
      %select_n3A_819 = arith.select %and3A_807, %get3A_800, %broadcast_in_dim3A_3 : vector<16xi1>, vector<16xi32>
      %swap3A_820 = arith.constant 3 : i32
      %swap3A_821 = arith.index_cast %swap3A_820 : i32 to index
      %swap3A_822 = arith.index_cast %mul3A_790 : i32 to index
      %swap3A_823 = tpu.vector_load %arg13[%swap3A_821, %swap3A_822] {strides = array<i32>} : memref<4x4096xi32, #tpu.memory_space<vmem>>, vector<1x16xi32>,
      %swap3A_824 = vector.shape_cast %swap3A_823 : vector<1x16xi32> to vector<16xi32>
      %swap3A_825 = vector.shape_cast %select_n3A_819 : vector<16xi32> to vector<1x16xi32>
      tpu.vector_store %arg13[%swap3A_821, %swap3A_822], %swap3A_825 {strides = array<i32>} : memref<4x4096xi32, #tpu.memory_space<vmem>>, vector<1x16xi32>,
      %jit3A_826 = arith.constant 1 : i32
      %jit3A_827 = arith.constant 0 : i32
      %broadcast_in_dim3A_828 = vector.broadcast %jit3A_826 : i32 to vector<16xi32>
      %broadcast_in_dim3A_829 = vector.broadcast %jit3A_827 : i32 to vector<16xi32>
      %select_n3A_830 = arith.select %and3A_807, %broadcast_in_dim3A_828, %broadcast_in_dim3A_829 : vector<16xi1>, vector<16xi32>
      %or3A_831 = arith.ori %or3A_786, %select_n3A_830 : vector<16xi32>
      %scan3A_832 = arith.constant 14 : i32
      %scan3A_833 = arith.addi %scan3A_207, %scan3A_832 : i32
      %mul3A_834 = arith.constant 16 : i32
      %mul3A_835 = arith.muli %scan3A_833, %mul3A_834 : i32
      %get3A_836 = arith.constant 3 : i32
      %get3A_837 = arith.index_cast %get3A_836 : i32 to index
      %get3A_838 = arith.index_cast %mul3A_835 : i32 to index
      %get3A_839 = tpu.vector_load %arg9[%get3A_837, %get3A_838] {strides = array<i32>} : memref<4x4096xi32, #tpu.memory_space<vmem>>, vector<1x16xi32>,
      %get3A_840 = vector.shape_cast %get3A_839 : vector<1x16xi32> to vector<16xi32>
      %get3A_841 = arith.constant 3 : i32
      %get3A_842 = arith.index_cast %get3A_841 : i32 to index
      %get3A_843 = arith.index_cast %mul3A_835 : i32 to index
      %get3A_844 = tpu.vector_load %arg8[%get3A_842, %get3A_843] {strides = array<i32>} : memref<4x4096xi32, #tpu.memory_space<vmem>>, vector<1x16xi32>,
      %get3A_845 = vector.shape_cast %get3A_844 : vector<1x16xi32> to vector<16xi32>
      %ne3A_846 = arith.constant -1 : i32
      %ne3A_847 = vector.broadcast %ne3A_846 : i32 to vector<16xi32>
      %ne3A_848 = arith.cmpi ne, %get3A_840, %ne3A_847 : vector<16xi32>
      %ne3A_849 = arith.constant 0 : i32
      %ne3A_850 = vector.broadcast %ne3A_849 : i32 to vector<16xi32>
      %ne3A_851 = arith.cmpi ne, %get3A_845, %ne3A_850 : vector<16xi32>
      %and3A_852 = arith.andi %ne3A_848, %ne3A_851 : vector<16xi1>
      %ge3A_853 = arith.constant 0 : i32
      %ge3A_854 = vector.broadcast %ge3A_853 : i32 to vector<16xi32>
      %ge3A_855 = arith.cmpi sge, %get3A_840, %ge3A_854 : vector<16xi32>
      %and3A_856 = arith.andi %ge3A_855, %and3A_852 : vector<16xi1>
      %select_n3A_857 = arith.select %and3A_856, %get3A_840, %get3A_845 : vector<16xi1>, vector<16xi32>
      %swap3A_858 = arith.constant 3 : i32
      %swap3A_859 = arith.index_cast %swap3A_858 : i32 to index
      %swap3A_860 = arith.index_cast %mul3A_835 : i32 to index
      %swap3A_861 = tpu.vector_load %arg12[%swap3A_859, %swap3A_860] {strides = array<i32>} : memref<4x4096xi32, #tpu.memory_space<vmem>>, vector<1x16xi32>,
      %swap3A_862 = vector.shape_cast %swap3A_861 : vector<1x16xi32> to vector<16xi32>
      %swap3A_863 = vector.shape_cast %select_n3A_857 : vector<16xi32> to vector<1x16xi32>
      tpu.vector_store %arg12[%swap3A_859, %swap3A_860], %swap3A_863 {strides = array<i32>} : memref<4x4096xi32, #tpu.memory_space<vmem>>, vector<1x16xi32>,
      %select_n3A_864 = arith.select %and3A_852, %get3A_845, %broadcast_in_dim3A_3 : vector<16xi1>, vector<16xi32>
      %swap3A_865 = arith.constant 3 : i32
      %swap3A_866 = arith.index_cast %swap3A_865 : i32 to index
      %swap3A_867 = arith.index_cast %mul3A_835 : i32 to index
      %swap3A_868 = tpu.vector_load %arg13[%swap3A_866, %swap3A_867] {strides = array<i32>} : memref<4x4096xi32, #tpu.memory_space<vmem>>, vector<1x16xi32>,
      %swap3A_869 = vector.shape_cast %swap3A_868 : vector<1x16xi32> to vector<16xi32>
      %swap3A_870 = vector.shape_cast %select_n3A_864 : vector<16xi32> to vector<1x16xi32>
      tpu.vector_store %arg13[%swap3A_866, %swap3A_867], %swap3A_870 {strides = array<i32>} : memref<4x4096xi32, #tpu.memory_space<vmem>>, vector<1x16xi32>,
      %jit3A_871 = arith.constant 1 : i32
      %jit3A_872 = arith.constant 0 : i32
      %broadcast_in_dim3A_873 = vector.broadcast %jit3A_871 : i32 to vector<16xi32>
      %broadcast_in_dim3A_874 = vector.broadcast %jit3A_872 : i32 to vector<16xi32>
      %select_n3A_875 = arith.select %and3A_852, %broadcast_in_dim3A_873, %broadcast_in_dim3A_874 : vector<16xi1>, vector<16xi32>
      %or3A_876 = arith.ori %or3A_831, %select_n3A_875 : vector<16xi32>
      %scan3A_877 = arith.constant 15 : i32
      %scan3A_878 = arith.addi %scan3A_207, %scan3A_877 : i32
      %mul3A_879 = arith.constant 16 : i32
      %mul3A_880 = arith.muli %scan3A_878, %mul3A_879 : i32
      %get3A_881 = arith.constant 3 : i32
      %get3A_882 = arith.index_cast %get3A_881 : i32 to index
      %get3A_883 = arith.index_cast %mul3A_880 : i32 to index
      %get3A_884 = tpu.vector_load %arg9[%get3A_882, %get3A_883] {strides = array<i32>} : memref<4x4096xi32, #tpu.memory_space<vmem>>, vector<1x16xi32>,
      %get3A_885 = vector.shape_cast %get3A_884 : vector<1x16xi32> to vector<16xi32>
      %get3A_886 = arith.constant 3 : i32
      %get3A_887 = arith.index_cast %get3A_886 : i32 to index
      %get3A_888 = arith.index_cast %mul3A_880 : i32 to index
      %get3A_889 = tpu.vector_load %arg8[%get3A_887, %get3A_888] {strides = array<i32>} : memref<4x4096xi32, #tpu.memory_space<vmem>>, vector<1x16xi32>,
      %get3A_890 = vector.shape_cast %get3A_889 : vector<1x16xi32> to vector<16xi32>
      %ne3A_891 = arith.constant -1 : i32
      %ne3A_892 = vector.broadcast %ne3A_891 : i32 to vector<16xi32>
      %ne3A_893 = arith.cmpi ne, %get3A_885, %ne3A_892 : vector<16xi32>
      %ne3A_894 = arith.constant 0 : i32
      %ne3A_895 = vector.broadcast %ne3A_894 : i32 to vector<16xi32>
      %ne3A_896 = arith.cmpi ne, %get3A_890, %ne3A_895 : vector<16xi32>
      %and3A_897 = arith.andi %ne3A_893, %ne3A_896 : vector<16xi1>
      %ge3A_898 = arith.constant 0 : i32
      %ge3A_899 = vector.broadcast %ge3A_898 : i32 to vector<16xi32>
      %ge3A_900 = arith.cmpi sge, %get3A_885, %ge3A_899 : vector<16xi32>
      %and3A_901 = arith.andi %ge3A_900, %and3A_897 : vector<16xi1>
      %select_n3A_902 = arith.select %and3A_901, %get3A_885, %get3A_890 : vector<16xi1>, vector<16xi32>
      %swap3A_903 = arith.constant 3 : i32
      %swap3A_904 = arith.index_cast %swap3A_903 : i32 to index
      %swap3A_905 = arith.index_cast %mul3A_880 : i32 to index
      %swap3A_906 = tpu.vector_load %arg12[%swap3A_904, %swap3A_905] {strides = array<i32>} : memref<4x4096xi32, #tpu.memory_space<vmem>>, vector<1x16xi32>,
      %swap3A_907 = vector.shape_cast %swap3A_906 : vector<1x16xi32> to vector<16xi32>
      %swap3A_908 = vector.shape_cast %select_n3A_902 : vector<16xi32> to vector<1x16xi32>
      tpu.vector_store %arg12[%swap3A_904, %swap3A_905], %swap3A_908 {strides = array<i32>} : memref<4x4096xi32, #tpu.memory_space<vmem>>, vector<1x16xi32>,
      %select_n3A_909 = arith.select %and3A_897, %get3A_890, %broadcast_in_dim3A_3 : vector<16xi1>, vector<16xi32>
      %swap3A_910 = arith.constant 3 : i32
      %swap3A_911 = arith.index_cast %swap3A_910 : i32 to index
      %swap3A_912 = arith.index_cast %mul3A_880 : i32 to index
      %swap3A_913 = tpu.vector_load %arg13[%swap3A_911, %swap3A_912] {strides = array<i32>} : memref<4x4096xi32, #tpu.memory_space<vmem>>, vector<1x16xi32>,
      %swap3A_914 = vector.shape_cast %swap3A_913 : vector<1x16xi32> to vector<16xi32>
      %swap3A_915 = vector.shape_cast %select_n3A_909 : vector<16xi32> to vector<1x16xi32>
      tpu.vector_store %arg13[%swap3A_911, %swap3A_912], %swap3A_915 {strides = array<i32>} : memref<4x4096xi32, #tpu.memory_space<vmem>>, vector<1x16xi32>,
      %jit3A_916 = arith.constant 1 : i32
      %jit3A_917 = arith.constant 0 : i32
      %broadcast_in_dim3A_918 = vector.broadcast %jit3A_916 : i32 to vector<16xi32>
      %broadcast_in_dim3A_919 = vector.broadcast %jit3A_917 : i32 to vector<16xi32>
      %select_n3A_920 = arith.select %and3A_897, %broadcast_in_dim3A_918, %broadcast_in_dim3A_919 : vector<16xi1>, vector<16xi32>
      %or3A_921 = arith.ori %or3A_876, %select_n3A_920 : vector<16xi32>
      scf.yield %or3A_921 : vector<16xi32>
    }
    %scan3A_161 = arith.constant 256 : i32
    %broadcast_in_dim3A_162 = arith.constant 0 : i32
    %broadcast_in_dim3A_163 = vector.broadcast %broadcast_in_dim3A_162 : i32 to vector<16xi32>
    %swap3A_164 = arith.constant 16 : index
    %swap3A_165 = tpu.vector_load %arg14[%swap3A_164] {strides = array<i32>} : memref<32xi32, #tpu.memory_space<vmem>>, vector<16xi32>,
    %swap3A_166 = vector.shape_cast %swap3A_165 : vector<16xi32> to vector<16xi32>
    %swap3A_167 = vector.shape_cast %broadcast_in_dim3A_163 : vector<16xi32> to vector<16xi32>
    tpu.vector_store %arg14[%swap3A_164], %swap3A_167 {strides = array<i32>} : memref<32xi32, #tpu.memory_space<vmem>>, vector<16xi32>,
    %swap3A_168 = arith.constant 0 : index
    %swap3A_169 = tpu.vector_load %arg14[%swap3A_168] {strides = array<i32>} : memref<32xi32, #tpu.memory_space<vmem>>, vector<16xi32>,
    %swap3A_170 = vector.shape_cast %swap3A_169 : vector<16xi32> to vector<16xi32>
    %swap3A_171 = vector.shape_cast %scan3A_160 : vector<16xi32> to vector<16xi32>
    tpu.vector_store %arg14[%swap3A_168], %swap3A_171 {strides = array<i32>} : memref<32xi32, #tpu.memory_space<vmem>>, vector<16xi32>,
    %get3A_172 = arith.constant 8 : index
    %get3A_173 = tpu.vector_load %arg14[%get3A_172] {strides = array<i32>} : memref<32xi32, #tpu.memory_space<vmem>>, vector<16xi32>,
    %get3A_174 = vector.shape_cast %get3A_173 : vector<16xi32> to vector<16xi32>
    %or3A_175 = arith.ori %scan3A_160, %get3A_174 : vector<16xi32>
    %swap3A_176 = arith.constant 0 : index
    %swap3A_177 = tpu.vector_load %arg14[%swap3A_176] {strides = array<i32>} : memref<32xi32, #tpu.memory_space<vmem>>, vector<16xi32>,
    %swap3A_178 = vector.shape_cast %swap3A_177 : vector<16xi32> to vector<16xi32>
    %swap3A_179 = vector.shape_cast %or3A_175 : vector<16xi32> to vector<16xi32>
    tpu.vector_store %arg14[%swap3A_176], %swap3A_179 {strides = array<i32>} : memref<32xi32, #tpu.memory_space<vmem>>, vector<16xi32>,
    %get3A_180 = arith.constant 4 : index
    %get3A_181 = tpu.vector_load %arg14[%get3A_180] {strides = array<i32>} : memref<32xi32, #tpu.memory_space<vmem>>, vector<16xi32>,
    %get3A_182 = vector.shape_cast %get3A_181 : vector<16xi32> to vector<16xi32>
    %or3A_183 = arith.ori %or3A_175, %get3A_182 : vector<16xi32>
    %swap3A_184 = arith.constant 0 : index
    %swap3A_185 = tpu.vector_load %arg14[%swap3A_184] {strides = array<i32>} : memref<32xi32, #tpu.memory_space<vmem>>, vector<16xi32>,
    %swap3A_186 = vector.shape_cast %swap3A_185 : vector<16xi32> to vector<16xi32>
    %swap3A_187 = vector.shape_cast %or3A_183 : vector<16xi32> to vector<16xi32>
    tpu.vector_store %arg14[%swap3A_184], %swap3A_187 {strides = array<i32>} : memref<32xi32, #tpu.memory_space<vmem>>, vector<16xi32>,
    %get3A_188 = arith.constant 2 : index
    %get3A_189 = tpu.vector_load %arg14[%get3A_188] {strides = array<i32>} : memref<32xi32, #tpu.memory_space<vmem>>, vector<16xi32>,
    %get3A_190 = vector.shape_cast %get3A_189 : vector<16xi32> to vector<16xi32>
    %or3A_191 = arith.ori %or3A_183, %get3A_190 : vector<16xi32>
    %swap3A_192 = arith.constant 0 : index
    %swap3A_193 = tpu.vector_load %arg14[%swap3A_192] {strides = array<i32>} : memref<32xi32, #tpu.memory_space<vmem>>, vector<16xi32>,
    %swap3A_194 = vector.shape_cast %swap3A_193 : vector<16xi32> to vector<16xi32>
    %swap3A_195 = vector.shape_cast %or3A_191 : vector<16xi32> to vector<16xi32>
    tpu.vector_store %arg14[%swap3A_192], %swap3A_195 {strides = array<i32>} : memref<32xi32, #tpu.memory_space<vmem>>, vector<16xi32>,
    %get3A_196 = arith.constant 1 : index
    %get3A_197 = tpu.vector_load %arg14[%get3A_196] {strides = array<i32>} : memref<32xi32, #tpu.memory_space<vmem>>, vector<16xi32>,
    %get3A_198 = vector.shape_cast %get3A_197 : vector<16xi32> to vector<16xi32>
    %or3A_199 = arith.ori %or3A_191, %get3A_198 : vector<16xi32>
    %slice3A_200 = vector.extract_strided_slice %or3A_199 {offsets = [0], sizes = [1], strides = [1]} : vector<16xi32> to vector<1xi32>
    %squeeze3A_201 = vector.extract %slice3A_200[0] : i32 from vector<1xi32>
    %eq3A_202 = arith.constant 0 : i32
    %eq3A_203 = arith.cmpi eq, %squeeze3A_201, %eq3A_202 : i32
    %convert_element_type3A_204 = arith.extui %eq3A_203 : i1 to i32
    %cond3A_205 = arith.constant 0 : i32
    %cond3A_206 = arith.cmpi ne, %convert_element_type3A_204, %cond3A_205 : i32
    scf.if %cond3A_206 {
      %get3A_207 = arith.constant 3 : i32
      %get3A_208 = arith.index_cast %get3A_207 : i32 to index
      %get3A_209 = arith.constant 0 : index
      %get3A_210 = tpu.vector_load %arg10[%get3A_208, %get3A_209] {strides = array<i32>} : memref<4x16xi32, #tpu.memory_space<vmem>>, vector<1x16xi32>,
      %get3A_211 = vector.shape_cast %get3A_210 : vector<1x16xi32> to vector<16xi32>
      %slice3A_212 = vector.extract_strided_slice %get3A_211 {offsets = [0], sizes = [1], strides = [1]} : vector<16xi32> to vector<1xi32>
      %squeeze3A_213 = vector.extract %slice3A_212[0] : i32 from vector<1xi32>
      %get3A_214 = arith.constant 3 : i32
      %get3A_215 = arith.index_cast %get3A_214 : i32 to index
      %get3A_216 = arith.constant 0 : index
      %get3A_217 = tpu.vector_load %arg11[%get3A_215, %get3A_216] {strides = array<i32>} : memref<4x16xi32, #tpu.memory_space<vmem>>, vector<1x16xi32>,
      %get3A_218 = vector.shape_cast %get3A_217 : vector<1x16xi32> to vector<16xi32>
      %shift_right_arithmetic3A = arith.constant 4 : i32
      %shift_right_arithmetic3A_219 = arith.shrsi %squeeze3A_213, %shift_right_arithmetic3A : i32
      %shift_left3A = arith.constant 4 : i32
      %shift_left3A_220 = arith.shli %shift_right_arithmetic3A_219, %shift_left3A : i32
      %multiple_of3A = tpu.assume_multiple %shift_left3A_220, 16 : i32
      %and3A = arith.constant 15 : i32
      %and3A_221 = arith.andi %squeeze3A_213, %and3A : i32
      %get3A_222 = arith.constant 3 : i32
      %get3A_223 = arith.index_cast %get3A_222 : i32 to index
      %get3A_224 = arith.index_cast %multiple_of3A : i32 to index
      %get3A_225 = tpu.vector_load %arg8[%get3A_223, %get3A_224] {strides = array<i32>} : memref<4x4096xi32, #tpu.memory_space<vmem>>, vector<1x16xi32>,
      %get3A_226 = vector.shape_cast %get3A_225 : vector<1x16xi32> to vector<16xi32>
      %get3A_227 = arith.constant 3 : i32
      %get3A_228 = arith.index_cast %get3A_227 : i32 to index
      %get3A_229 = arith.index_cast %multiple_of3A : i32 to index
      %get3A_230 = tpu.vector_load %arg9[%get3A_228, %get3A_229] {strides = array<i32>} : memref<4x4096xi32, #tpu.memory_space<vmem>>, vector<1x16xi32>,
      %get3A_231 = vector.shape_cast %get3A_230 : vector<1x16xi32> to vector<16xi32>
      %eq3A_232 = vector.broadcast %and3A_221 : i32 to vector<16xi32>
      %eq3A_233 = arith.cmpi eq, %iota3A, %eq3A_232 : vector<16xi32>
      %ne3A = arith.constant -1 : i32
      %ne3A_234 = vector.broadcast %ne3A : i32 to vector<16xi32>
      %ne3A_235 = arith.cmpi ne, %get3A_231, %ne3A_234 : vector<16xi32>
      %ne3A_236 = arith.constant 0 : i32
      %ne3A_237 = vector.broadcast %ne3A_236 : i32 to vector<16xi32>
      %ne3A_238 = arith.cmpi ne, %get3A_226, %ne3A_237 : vector<16xi32>
      %and3A_239 = arith.andi %ne3A_235, %ne3A_238 : vector<16xi1>
      %or3A_240 = arith.ori %and3A_239, %eq3A_233 : vector<16xi1>
      %select_n3A = arith.select %eq3A_233, %get3A_218, %get3A_231 : vector<16xi1>, vector<16xi32>
      %ge3A = arith.constant 0 : i32
      %ge3A_241 = vector.broadcast %ge3A : i32 to vector<16xi32>
      %ge3A_242 = arith.cmpi sge, %select_n3A, %ge3A_241 : vector<16xi32>
      %and3A_243 = arith.andi %ge3A_242, %or3A_240 : vector<16xi1>
      %select_n3A_244 = arith.select %and3A_243, %select_n3A, %get3A_226 : vector<16xi1>, vector<16xi32>
      %swap3A_245 = arith.constant 3 : i32
      %swap3A_246 = arith.index_cast %swap3A_245 : i32 to index
      %swap3A_247 = arith.index_cast %multiple_of3A : i32 to index
      %swap3A_248 = tpu.vector_load %arg12[%swap3A_246, %swap3A_247] {strides = array<i32>} : memref<4x4096xi32, #tpu.memory_space<vmem>>, vector<1x16xi32>,
      %swap3A_249 = vector.shape_cast %swap3A_248 : vector<1x16xi32> to vector<16xi32>
      %swap3A_250 = vector.shape_cast %select_n3A_244 : vector<16xi32> to vector<1x16xi32>
      tpu.vector_store %arg12[%swap3A_246, %swap3A_247], %swap3A_250 {strides = array<i32>} : memref<4x4096xi32, #tpu.memory_space<vmem>>, vector<1x16xi32>,
      %select_n3A_251 = arith.select %or3A_240, %get3A_226, %broadcast_in_dim3A_3 : vector<16xi1>, vector<16xi32>
      %swap3A_252 = arith.constant 3 : i32
      %swap3A_253 = arith.index_cast %swap3A_252 : i32 to index
      %swap3A_254 = arith.index_cast %multiple_of3A : i32 to index
      %swap3A_255 = tpu.vector_load %arg13[%swap3A_253, %swap3A_254] {strides = array<i32>} : memref<4x4096xi32, #tpu.memory_space<vmem>>, vector<1x16xi32>,
      %swap3A_256 = vector.shape_cast %swap3A_255 : vector<1x16xi32> to vector<16xi32>
      %swap3A_257 = vector.shape_cast %select_n3A_251 : vector<16xi32> to vector<1x16xi32>
      tpu.vector_store %arg13[%swap3A_253, %swap3A_254], %swap3A_257 {strides = array<i32>} : memref<4x4096xi32, #tpu.memory_space<vmem>>, vector<1x16xi32>,
    } else {
    }
    "tpu.region"() ({
      %run_scoped3A = tpu.sem_alloc : memref<!tpu.dma_semaphore, #tpu.memory_space<semaphore_mem>>
      %dma_start3A = arith.constant 0 : i32
      %dma_start3A_207 = tpu.memref_slice %arg6[%mul3A_2, %dma_start3A] : memref<128x4096xi32, #tpu.memory_space<hbm>> -> memref<4x4096xi32, #tpu.memory_space<hbm>>
      %dma_start3A_208 = arith.constant 0 : i32
      %dma_start3A_209 = tpu.memref_slice %arg6[%mul3A_2, %dma_start3A_208] : memref<128x4096xi32, #tpu.memory_space<hbm>> -> memref<4x4096xi32, #tpu.memory_space<hbm>>
      tpu.enqueue_dma source(%arg12 : memref<4x4096xi32, #tpu.memory_space<vmem>>) target(%dma_start3A_209 : memref<4x4096xi32, #tpu.memory_space<hbm>>) target_semaphore(%run_scoped3A : memref<!tpu.dma_semaphore, #tpu.memory_space<semaphore_mem>>)
      %dma_wait3A = arith.constant 0 : i32
      %dma_wait3A_210 = tpu.memref_slice %arg6[%mul3A_2, %dma_wait3A] : memref<128x4096xi32, #tpu.memory_space<hbm>> -> memref<4x4096xi32, #tpu.memory_space<hbm>>
      %dma_wait3A_211 = arith.constant 0 : i32
      %dma_wait3A_212 = tpu.memref_slice %arg6[%mul3A_2, %dma_wait3A_211] : memref<128x4096xi32, #tpu.memory_space<hbm>> -> memref<4x4096xi32, #tpu.memory_space<hbm>>
      tpu.wait_dma2 semaphore(%run_scoped3A : memref<!tpu.dma_semaphore, #tpu.memory_space<semaphore_mem>>) src(%arg12 : memref<4x4096xi32, #tpu.memory_space<vmem>>) dst(%dma_wait3A_212 : memref<4x4096xi32, #tpu.memory_space<hbm>>)
      tpu.yield
    }) : () -> ()
    "tpu.region"() ({
      %run_scoped3A = tpu.sem_alloc : memref<!tpu.dma_semaphore, #tpu.memory_space<semaphore_mem>>
      %dma_start3A = arith.constant 0 : i32
      %dma_start3A_207 = tpu.memref_slice %arg7[%mul3A_2, %dma_start3A] : memref<128x4096xi32, #tpu.memory_space<hbm>> -> memref<4x4096xi32, #tpu.memory_space<hbm>>
      %dma_start3A_208 = arith.constant 0 : i32
      %dma_start3A_209 = tpu.memref_slice %arg7[%mul3A_2, %dma_start3A_208] : memref<128x4096xi32, #tpu.memory_space<hbm>> -> memref<4x4096xi32, #tpu.memory_space<hbm>>
      tpu.enqueue_dma source(%arg13 : memref<4x4096xi32, #tpu.memory_space<vmem>>) target(%dma_start3A_209 : memref<4x4096xi32, #tpu.memory_space<hbm>>) target_semaphore(%run_scoped3A : memref<!tpu.dma_semaphore, #tpu.memory_space<semaphore_mem>>)
      %dma_wait3A = arith.constant 0 : i32
      %dma_wait3A_210 = tpu.memref_slice %arg7[%mul3A_2, %dma_wait3A] : memref<128x4096xi32, #tpu.memory_space<hbm>> -> memref<4x4096xi32, #tpu.memory_space<hbm>>
      %dma_wait3A_211 = arith.constant 0 : i32
      %dma_wait3A_212 = tpu.memref_slice %arg7[%mul3A_2, %dma_wait3A_211] : memref<128x4096xi32, #tpu.memory_space<hbm>> -> memref<4x4096xi32, #tpu.memory_space<hbm>>
      tpu.wait_dma2 semaphore(%run_scoped3A : memref<!tpu.dma_semaphore, #tpu.memory_space<semaphore_mem>>) src(%arg13 : memref<4x4096xi32, #tpu.memory_space<vmem>>) dst(%dma_wait3A_212 : memref<4x4096xi32, #tpu.memory_space<hbm>>)
      tpu.yield
    }) : () -> ()
    return
  }
}

</mosaic_0001>

<sc_bundles>
// kernel: kernel.3.cloned.1.call-start
scs
__scs_entry_jumppad:
0x0: {  	(pc) =	sbr.rel $0x88, $3  }
0x1: {  	(tag) =	ssettag $0x0;
	lr =	simm.s32 $0x1  }
0x2: {  	[smem:$0x3FA0] =	sst lr;
	_ =	strace $0xD0000000  }
0x3: {  	_ = 	snop  }
0x4: {  	_ = 	snop  }
0x5: {  	_ = 	snop  }
0x6: {  	_ = 	snop  }
0x7: {  	_ = 	snop  }
__scs_overlays_trampoline_lowered:
0x8: {  	[smem:$0x3FAF] =	sst s0  }
0x9: {  	[smem:$0x3FB0] =	sst s1  }
0xa: {  	[smem:$0x3FB1] =	sst s2  }
0xb: {  	[smem:$0x3FB2] =	sst s3  }
0xc: {  	[smem:$0x3FB3] =	sst s4  }
0xd: {  	[smem:$0x3FB4] =	sst s5  }
0xe: {  	[smem:$0x3FB5] =	sst s6  }
0xf: {  	[smem:$0x3FB6] =	sst s7  }
0x10: {  	[smem:$0x3FB7] =	sst s8  }
0x11: {  	[smem:$0x3FB8] =	sst s9;
	s0 =	simm.s32 @!p0 $0x0  }
0x12: {  	s1 =	sld [smem:$0x3F9E];
	s0 =	simm.s32 @p0 $0x1  }
0x13: {  	[smem:$0x3FB9] =	sst s0;
	s0 =	simm.s32 @!p1 $0x0  }
0x14: {  	s2 =	sld [smem:$0x3F9D];
	s0 =	simm.s32 @p1 $0x1  }
0x15: {  	[smem:$0x3FBA] =	sst s0;
	s0 =	simm.s32 @!p2 $0x0  }
0x16: {  	s3 =	sld [smem:$0x3FDB];
	s0 =	simm.s32 @p2 $0x1  }
0x17: {  	s4 =	simm.s32 $0x1BF5;
	[smem:$0x3FBC] =	sst s0  }
0x18: {  	s0 =	sld [smem:$0x3F9F];
	_ =	swait.ge [sflag:s4], $0x0  }
0x19: {  	s7 =	sld [smem:$0x3FA0]  }
0x1a: {  	s8 =	sadd.s32 $0xFFFFE003, lr  }
0x1b: {  	s9 =	sadd.s32 $0xFFFFFEF7, lr;
	s5 =	simm.s32 $0xFFFFFFFF;
	p2 =	slt.u32 s8, $0xFFFFF086  }
0x1c: {  	p1 =	slt.u32 s9, $0xF7A;
	s5 =	simm.s32 @!p2 $0x0  }
0x1d: {  	s5 =	simm.s32 @p1 $0x1;
	p0 =	seq.s32 s7, s2  }
0x1e: {  	s7 =	smul.u32 @!p0 $0xF7A, s2;
	p2 =	seq.s32 @!p0 s5, $0x0  }
0x1f: {  	s9 =	smul.u32 $0xF7A, s1;
	s8 =	simm.s32 @!p0 $0x1BF5;
	p2 =	por !p2, p0  }
0x20: {  	[sflag:s8] =	ssyncset.s32 @!p0 $0xFFFFF086;
	s6 =	sadd.s32 @!p0 s3, s7;
	s7 =	simm.s32 @!p0 $0x108  }
0x21: {  	s3 =	sadd.s32 s3, s9;
	s6 =	sadd.s32 @!p0 $0x88, s6;
	s7 =	simm.s32 @p2 $0x1082  }
0x22: {  	[simem:s7], [sflag:s8] =	dma.local @!p0 [hbm:s6], $0xF7A  }
0x23: {  	s9 =	sor.u32 $0xD0000000, s2;
	s6 =	simm.s32 $0x108;
	_ =	swait.ge @!p0 [sflag:s8], $0x0  }
0x24: {  	s3 =	sadd.s32 $0x88, s3;
	s6 =	simm.s32 @!p1 $0x1082;
	[sflag:s4] =	ssyncset.s32 $0xFFFFF086  }
0x25: {  	[simem:s6], [sflag:s4] =	dma.local [hbm:s3], $0xF7A  }
0x26: {  	[smem:$0x3FA0] =	sst s1;
	(tag) =	ssettag s2;
	_ =	strace s9  }
0x27: {  	s1 =	sld [smem:$0x3FB0]  }
0x28: {  	s2 =	sld [smem:$0x3FB1]  }
0x29: {  	s4 =	sld [smem:$0x3FB3]  }
0x2a: {  	p0 =	seq.s32 s5, $0x0;
	s5 =	sld [smem:$0x3FB4]  }
0x2b: {  	s6 =	sld [smem:$0x3FB5]  }
0x2c: {  	s7 =	sld [smem:$0x3FB6]  }
0x2d: {  	s3 =	simm.s32 $0x108;
	s8 =	sld [smem:$0x3FB7]  }
0x2e: {  	s3 =	simm.s32 @!p0 $0x1082;
	s9 =	sld [smem:$0x3FB8]  }
0x2f: {  	lr =	sadd.s32 s0, s3;
	s0 =	sld [smem:$0x3FAF]  }
0x30: {  	s3 =	sld [smem:$0x3FB2]  }
0x31: {  	[smem:$0x3FBB] =	sst s10  }
0x32: {  	s10 =	sld [smem:$0x3FB9];
	_ =	sdelay $0x3  }
0x33: {  	p0 =	seq.s32 s10, $0x1;
	s10 =	sld [smem:$0x3FBB];
	_ =	sdelay $0x3  }
0x34: {  	[smem:$0x3FBB] =	sst s10  }
0x35: {  	s10 =	sld [smem:$0x3FBA];
	_ =	sdelay $0x3  }
0x36: {  	p1 =	seq.s32 s10, $0x1;
	s10 =	sld [smem:$0x3FBB];
	_ =	sdelay $0x3  }
0x37: {  	[smem:$0x3FBB] =	sst s10  }
0x38: {  	s10 =	sld [smem:$0x3FBC]  }
0x39: {  	_ = 	snop;
	(pc) =	sbr.ind lr, $3  }
0x3a: {  	_ = 	snop  }
0x3b: {  	_ = 	snop  }
0x3c: {  	p2 =	seq.s32 s10, $0x1;
	s10 =	sld [smem:$0x3FBB]  }
0x3d: {  	_ =	shalt  }
0x3e: {  	_ =	shalt  }
0x3f: {  	_ =	shalt  }
0x40: {  	_ =	shalt  }
0x41: {  	_ =	shalt  }
0x42: {  	_ =	shalt  }
0x43: {  	_ =	shalt  }
0x44: {  	_ =	shalt  }
0x45: {  	_ =	shalt  }
0x46: {  	_ =	shalt  }
0x47: {  	_ =	shalt  }
0x48: {  	_ =	shalt  }
0x49: {  	_ =	shalt  }
0x4a: {  	_ =	shalt  }
0x4b: {  	_ =	shalt  }
0x4c: {  	_ =	shalt  }
0x4d: {  	_ =	shalt  }
0x4e: {  	_ =	shalt  }
0x4f: {  	_ =	shalt  }
0x50: {  	_ =	shalt  }
0x51: {  	_ =	shalt  }
0x52: {  	_ =	shalt  }
0x53: {  	_ =	shalt  }
0x54: {  	_ =	shalt  }
0x55: {  	_ =	shalt  }
0x56: {  	_ =	shalt  }
0x57: {  	_ =	shalt  }
0x58: {  	_ =	shalt  }
0x59: {  	_ =	shalt  }
0x5a: {  	_ =	shalt  }
0x5b: {  	_ =	shalt  }
0x5c: {  	_ =	shalt  }
0x5d: {  	_ =	shalt  }
0x5e: {  	_ =	shalt  }
0x5f: {  	_ =	shalt  }
0x60: {  	_ =	shalt  }
0x61: {  	_ =	shalt  }
0x62: {  	_ =	shalt  }
0x63: {  	_ =	shalt  }
0x64: {  	_ =	shalt  }
0x65: {  	_ =	shalt  }
0x66: {  	_ =	shalt  }
0x67: {  	_ =	shalt  }
0x68: {  	_ =	shalt  }
0x69: {  	_ =	shalt  }
0x6a: {  	_ =	shalt  }
0x6b: {  	_ =	shalt  }
0x6c: {  	_ =	shalt  }
0x6d: {  	_ =	shalt  }
0x6e: {  	_ =	shalt  }
0x6f: {  	_ =	shalt  }
0x70: {  	_ =	shalt  }
0x71: {  	_ =	shalt  }
0x72: {  	_ =	shalt  }
0x73: {  	_ =	shalt  }
0x74: {  	_ =	shalt  }
0x75: {  	_ =	shalt  }
0x76: {  	_ =	shalt  }
0x77: {  	_ =	shalt  }
0x78: {  	_ =	shalt  }
0x79: {  	_ =	shalt  }
0x7a: {  	_ =	shalt  }
0x7b: {  	_ =	shalt  }
0x7c: {  	_ =	shalt  }
0x7d: {  	_ =	shalt  }
0x7e: {  	_ =	shalt  }
0x7f: {  	_ =	shalt  }
0x80: {  	_ =	shalt  }
0x81: {  	_ =	shalt  }
0x82: {  	_ =	shalt  }
0x83: {  	_ =	shalt  }
0x84: {  	_ =	shalt  }
0x85: {  	_ =	shalt  }
0x86: {  	_ =	shalt  }
0x87: {  	_ =	shalt  }
.Lfunc_end0:
.L_simem_size_0:
called_computation_lowered:
.L_overlay_start_0:
0x88: {  	s2 =	sld [smem:$0x3FD9]  }
0x89: {  	s3 =	sld [smem:$0x3FFE];
	_ =	sdelay $0x1  }
0x8a: {  	s1 =	srdreg.scid  }
0x8b: {  	s0 =	sand.u32 $0x1, s1  }
0x8c: {  	s14 =	sshll.u32 s0, $0xA;
	s2 =	sadd.s32 s3, s2  }
0x8d: {  	s2 =	sadd.s32 s2, s14  }
0x8e: {  	[smem:$0x3FC7] =	sst s2  }
0x8f: {  	_ = 	snop  }
0x90: {  	s2 =	sld [smem:$0x3FD0];
	_ =	sdelay $0x2  }
0x91: {  	s4 =	simm.s32 $0xA;
	s5 =	simm.s32 $0x10;
	s15 =	sld [smem:$0x3FC9]  }
0x92: {  	[smem:s5], [sflag:s4] =	dma.local [hbm:s2], $0x1  }
0x93: {  	_ =	swait.eq [sflag:s4], $0x1  }
0x94: {  	[sflag:s4] =	ssyncset.done $0x0  }
0x95: {  	s16 =	sld [smem:$0x10];
	[sflag:s4] =	ssyncadd.s32 $0xFFFFFFFF  }
0x96: {  	s17 =	sld [smem:$0x11];
	(tm) =	ssettm $0x1  }
0x97: {  	s18 =	sld [smem:$0x3FFB];
	_ =	sdelay $0x3  }
0x98: {  	_ =	strace s18  }
0x99: {  	s5 =	sld [smem:$0x3FFC];
	_ =	sdelay $0x3  }
0x9a: {  	_ =	strace s5  }
0x9b: {  	s5 =	sld [smem:$0x3FFD];
	_ =	sdelay $0x3  }
0x9c: {  	_ =	strace s5  }
0x9d: {  	_ =	strace $0x8FFFFFFF  }
0x9e: {  	s19 =	sld [smem:$0x3FDB];
	_ =	sdelay $0x1  }
0x9f: {  	s6 =	simm.s32 $_scs_section_size  }
0xa0: {  	s7 =	simm.s32 $_size__tile_overlayer_lowered;
	s8 =	simm.s32 $_tile_overlayer_lowered  }
0xa1: {  	s22 =	simm.s32 $0x1BFF;
	s21 =	sshll.u32 s8, $0x1;
	s5 =	sadd.s32 s6, s19  }
0xa2: {  	s9 =	simm.s32 $0x0;
	s20 =	sshll.u32 s7, $0x1;
	s7 =	sadd.s32 s21, s5  }
0xa3: {  	[timem:s9], [sflag:s22] =	dma.local [hbm:s7], s20  }
0xa4: {  	_ =	swait.ge [sflag:s22], s20  }
0xa5: {  	s6 =	ssub.s32 $0x0, s20;
	[sflag:s22] =	ssyncset.done $0x0  }
0xa6: {  	[sflag:s22] =	ssyncadd.s32 s6;
	_ =	sdelay $0x1  }
0xa7: {  	s23 =	simm.s32 $0x1B8B  }
0xa8: {  	_ =	swait.ge [sflag:s23], $0x1  }
0xa9: {  	[sflag:s23] =	ssyncset.done $0x0  }
0xaa: {  	s25 =	simm.s32 $0x1B8E;
	s24 =	sld [smem:$0x3FFE];
	[sflag:s23] =	ssyncadd.s32 $0xFFFFFFFF  }
0xab: {  	s26 =	simm.s32 $execute0_lowered;
	[smem:$0x3FD2] =	sst s25  }
0xac: {  	s7 =	sshll.u32 s26, $0x1;
	_ =	strace $0x80000046;
	[dreg:$0x1] =	wrdreg $0xFFFFFFFF  }
0xad: {  	s28 =	simm.s32 $_size_execute0_lowered;
	s5 =	sadd.s32 s5, s7;
	[dreg:$0x0] =	wrdreg $0x0  }
0xae: {  	s7 =	sshll.u32 s28, $0x1;
	[dreg:$0x2] =	wrdreg s5  }
0xaf: {  	[dreg:$0x3] =	wrdreg s7  }
0xb0: {  	[dreg:$0x4] =	wrdreg $0xC0  }
0xb1: {  	_ =	task [dreg:s9], $0x5FFFF  }
0xb2: {  	[dreg:$0x1] =	wrdreg $0xFFFFFFFF  }
0xb3: {  	[dreg:$0x0] =	wrdreg $0x60  }
0xb4: {  	[dreg:$0x2] =	wrdreg s15  }
0xb5: {  	[dreg:$0x3] =	wrdreg s24  }
0xb6: {  	[dreg:$0x4] =	wrdreg s16  }
0xb7: {  	[dreg:$0x5] =	wrdreg s17  }
0xb8: {  	[dreg:$0x6] =	wrdreg $0x9  }
0xb9: {  	_ =	task.clear_ibuf [dreg:s9], $0x7FFFF;
	_ =	strace $0x90000046  }
0xba: {  	s29 =	simm.s32 $0x9;
	_ =	strace $0x80000048  }
0xbb: {  	_ =	swait.ge [sflag:s29], $0x1  }
0xbc: {  	[sflag:s29] =	ssyncadd.s32 $0xFFFFFFFF  }
0xbd: {  	_ =	strace $0x90000048  }
0xbe: {  	_ =	sfence  }
0xbf: {  	s30 =	sld [smem:$0x0];
	_ =	sdelay $0x2  }
0xc0: {  	s31 =	sshll.u32 s1, $0xD;
	s1 =	sshrl.u32 s1, $0x2  }
0xc1: {  	s3 =	sand.u32 $0x4000, s31;
	s1 =	sadd.s32 s1, s30  }
0xc2: {  	s0 =	sor.u32 s3, s0;
	s1 =	sshll.u32 s1, $0x11  }
0xc3: {  	s0 =	sor.u32 s1, s0  }
0xc4: {  	s0 =	sadd.s32 $0x8F2B, s0  }
0xc5: {  	[sflag:s0] =	ssyncadd.remote.s32 $0x1  }
0xc6: {  	_ =	sfence.sel $0xFFFF  }
0xc7: {  	[dreg:$0x0] =	wrdreg $0xFFFFFFFF;
	(pc) =	sbr.abs _section_cstart, $3  }
0xc8: {  	[dreg:$0x1] =	wrdreg $0xFFFFFFFF  }
0xc9: {  	_ =	task.clear_ibuf [dreg:s9], $0x2FFFF;
	_ =	strace $0x9FFFFFFF  }
0xca: {  	(tm) =	ssettm $0x7FFFFFFF  }
0xcb: {  	_ =	shalt  }
tec
execute0_lowered:
.L_overlay_start_1:
0x0: {  	(tag) =	ssettag $0x1  }
0x1: {  	s3 =	rddreg [dreg:$0x0]  }
0x2: {  	s4 =	rddreg [dreg:$0x1]  }
0x3: {  	s7 =	rddreg [dreg:$0x2]  }
0x4: {  	s8 =	rddreg [dreg:$0x3]  }
0x5: {  	s0 =	rddreg [dreg:$0x4];
	s5 =	srdreg.scid  }
0x6: {  	s2 =	simm.s32 $0x0;
	s1 =	stileid.u32;
	s12 =	simm.s32 $0x4000  }
0x7: {  	s13 =	simm.s32 $0x8000;
	s14 =	simm.s32 $0x8200;
	s15 =	simm.s32 $0x200  }
0x8: {  	s16 =	simm.s32 $0x8400;
	s17 =	simm.s32 $0xC400;
	s18 =	simm.s32 $0x0  }
0x9: {  	s5 =	sand.u32 $0x1, s5;
	[smem:$0x7FF] =	sst s2;
	s9 =	sshll.u32 s1, $0xF  }
0xa: {  	s10 =	sshll.u32 s1, $0xA;
	s6 =	sshll.u32 s5, $0x9;
	_ =	strace $0x80000047  }
0xb: {  	s5 =	ssub.s32 $0x2, s5;
	s9 =	sor.u32 s6, s9;
	s6 =	sor.u32 s6, s10  }
0xc: {  	s11 =	sshrl.u32 s5, $0x1;
	s10 =	simm.s32 $0x400;
	s9 =	sshrl.u32 s9, $0x3  }
0xd: {  	s6 =	sshrl.u32 s6, $0x3;
	s11 =	ssub.s32 s5, s11;
	s31 =	sadd.s32 s9, s4  }
0xe: {  	s6 =	sadd.s32 s6, s4;
	s3 =	sadd.s32 s3, s9;
	s7 =	sadd.s32 s7, s9  }
0xf: {  	s8 =	sadd.s32 s8, s9;
	s9 =	smax.u32 s11, $0x1;
	s11 =	simm.s32 $0x1  }
0x10: {  	v0 =	vimm.s32 $0x0;
	s4 =	sadd.s32 $0x1600, s31;
	s5 =	sadd.s32 $0xE00, s6;
	s6 =	sadd.s32 $0x600, s6  }
.LBB2_1:
0x11: {  	[tilespmem:s2], [sflag:$0x1] =	stream.strided.gather [hbm4b:s3+s15], $0x4000, s10, s15, $0x38;
	[tilespmem:$0x10480] =	vst v63  }
0x12: {  	_ =	swait.ge [sflag:s11], $0x4000  }
0x13: {  	[sflag:s11] =	ssyncset.done $0x0  }
0x14: {  	[sflag:s11] =	ssyncadd.s32 $0xFFFFC000  }
0x15: {  	[tilespmem:s12], [sflag:$0x1] =	stream.strided.gather [hbm4b:s4+s15], $0x4000, s10, s15, $0x38;
	[tilespmem:$0x10480] =	vst v63  }
0x16: {  	_ =	swait.ge [sflag:s11], $0x4000  }
0x17: {  	[sflag:s11] =	ssyncset.done $0x0  }
0x18: {  	[sflag:s11] =	ssyncadd.s32 $0xFFFFC000  }
0x19: {  	[tilespmem:s13], [sflag:$0x1] =	stream.linear.gather [hbm4b:s5+s2], $0x200, $0x38;
	[tilespmem:$0x10480] =	vst v63  }
0x1a: {  	_ =	swait.ge [sflag:s11], $0x200  }
0x1b: {  	[sflag:s11] =	ssyncset.done $0x0  }
0x1c: {  	[sflag:s11] =	ssyncadd.s32 $0xFFFFFE00  }
0x1d: {  	[tilespmem:s14], [sflag:$0x1] =	stream.linear.gather [hbm4b:s6+s2], $0x200, $0x38;
	[tilespmem:$0x10480] =	vst v63  }
0x1e: {  	_ =	swait.ge [sflag:s11], $0x200  }
0x1f: {  	[sflag:s11] =	ssyncset.done $0x0  }
0x20: {  	s19 =	simm.s32 $0x4200;
	[sflag:s11] =	ssyncadd.s32 $0xFFFFFE00  }
0x21: {  	v1 =	vld [tilespmem:s19+$0xFFFFFE00]  }
0x22: {  	v2 =	vld [tilespmem:s15+$0xFFFFFE00];
	_ =	sdelay $0x4  }
0x23: {  	vm0 =	vne.s32 v2, $0x0;
	vm1 =	vgt.s32 v1, $0xFFFFFFFF  }
0x24: {  	vm2 =	vne.s32 v1, $0xFFFFFFFF;
	vm1 =	vmand vm1, vm0  }
0x25: {  	s20 =	simm.s32 $0x8600;
	vm0 =	vmand vm2, vm0;
	v1 =	vsel vm1, v1, v2  }
0x26: {  	s21 =	simm.s32 $0xC600;
	v2 =	vnsel vm0, $0xFFFFFFFF, v2;
	[tilespmem:s20+$0xFFFFFE00] =	vst v1  }
0x27: {  	[tilespmem:s21+$0xFFFFFE00] =	vst v2  }
0x28: {  	v1 =	vld [tilespmem:s19+$0xFFFFFE10]  }
0x29: {  	v2 =	vld [tilespmem:s15+$0xFFFFFE10];
	_ =	sdelay $0x4  }
0x2a: {  	vm1 =	vgt.s32 v1, $0xFFFFFFFF;
	vm2 =	vne.s32 v2, $0x0  }
0x2b: {  	vm3 =	vne.s32 v1, $0xFFFFFFFF;
	vm4 =	vmand vm1, vm2  }
0x2c: {  	vm1 =	vmand vm3, vm2;
	v1 =	vsel vm4, v1, v2  }
0x2d: {  	v2 =	vnsel vm1, $0xFFFFFFFF, v2;
	[tilespmem:s20+$0xFFFFFE10] =	vst v1  }
0x2e: {  	[tilespmem:s21+$0xFFFFFE10] =	vst v2  }
0x2f: {  	v1 =	vld [tilespmem:s19+$0xFFFFFE20]  }
0x30: {  	v2 =	vld [tilespmem:s15+$0xFFFFFE20];
	_ =	sdelay $0x4  }
0x31: {  	vm2 =	vgt.s32 v1, $0xFFFFFFFF;
	vm3 =	vne.s32 v2, $0x0  }
0x32: {  	vm12 =	vne.s32 v1, $0xFFFFFFFF;
	vm5 =	vmand vm2, vm3  }
0x33: {  	vm2 =	vmand vm12, vm3;
	v1 =	vsel vm5, v1, v2  }
0x34: {  	v2 =	vnsel vm2, $0xFFFFFFFF, v2;
	[tilespmem:s20+$0xFFFFFE20] =	vst v1  }
0x35: {  	[tilespmem:s21+$0xFFFFFE20] =	vst v2  }
0x36: {  	v1 =	vld [tilespmem:s19+$0xFFFFFE30]  }
0x37: {  	v2 =	vld [tilespmem:s15+$0xFFFFFE30];
	_ =	sdelay $0x4  }
0x38: {  	vm3 =	vgt.s32 v1, $0xFFFFFFFF;
	vm13 =	vne.s32 v2, $0x0  }
0x39: {  	vm14 =	vne.s32 v1, $0xFFFFFFFF;
	vm6 =	vmand vm3, vm13  }
0x3a: {  	vm3 =	vmand vm14, vm13;
	v1 =	vsel vm6, v1, v2  }
0x3b: {  	v2 =	vnsel vm3, $0xFFFFFFFF, v2;
	[tilespmem:s20+$0xFFFFFE30] =	vst v1  }
0x3c: {  	[tilespmem:s21+$0xFFFFFE30] =	vst v2  }
0x3d: {  	v1 =	vld [tilespmem:s19+$0xFFFFFE40]  }
0x3e: {  	v2 =	vld [tilespmem:s15+$0xFFFFFE40];
	_ =	sdelay $0x4  }
0x3f: {  	vm15 =	vgt.s32 v1, $0xFFFFFFFF;
	vm9 =	vne.s32 v2, $0x0  }
0x40: {  	vm10 =	vne.s32 v1, $0xFFFFFFFF;
	vm7 =	vmand vm15, vm9  }
0x41: {  	vm4 =	vmand vm10, vm9;
	v1 =	vsel vm7, v1, v2  }
0x42: {  	v2 =	vnsel vm4, $0xFFFFFFFF, v2;
	[tilespmem:s20+$0xFFFFFE40] =	vst v1  }
0x43: {  	[tilespmem:s21+$0xFFFFFE40] =	vst v2  }
0x44: {  	v1 =	vld [tilespmem:s19+$0xFFFFFE50]  }
0x45: {  	v2 =	vld [tilespmem:s15+$0xFFFFFE50];
	_ =	sdelay $0x4  }
0x46: {  	vm11 =	vgt.s32 v1, $0xFFFFFFFF;
	vm12 =	vne.s32 v2, $0x0  }
0x47: {  	vm13 =	vne.s32 v1, $0xFFFFFFFF;
	vm8 =	vmand vm11, vm12  }
0x48: {  	vm5 =	vmand vm13, vm12;
	v1 =	vsel vm8, v1, v2  }
0x49: {  	v2 =	vnsel vm5, $0xFFFFFFFF, v2;
	[tilespmem:s20+$0xFFFFFE50] =	vst v1  }
0x4a: {  	[tilespmem:s21+$0xFFFFFE50] =	vst v2  }
0x4b: {  	v1 =	vld [tilespmem:s19+$0xFFFFFE60]  }
0x4c: {  	v2 =	vld [tilespmem:s15+$0xFFFFFE60];
	_ =	sdelay $0x4  }
0x4d: {  	vm14 =	vgt.s32 v1, $0xFFFFFFFF;
	vm15 =	vne.s32 v2, $0x0  }
0x4e: {  	vm12 =	vne.s32 v1, $0xFFFFFFFF;
	vm9 =	vmand vm14, vm15  }
0x4f: {  	vm6 =	vmand vm12, vm15;
	v1 =	vsel vm9, v1, v2  }
0x50: {  	v2 =	vnsel vm6, $0xFFFFFFFF, v2;
	[tilespmem:s20+$0xFFFFFE60] =	vst v1  }
0x51: {  	[tilespmem:s21+$0xFFFFFE60] =	vst v2  }
0x52: {  	v1 =	vld [tilespmem:s19+$0xFFFFFE70]  }
0x53: {  	v2 =	vld [tilespmem:s15+$0xFFFFFE70];
	_ =	sdelay $0x4  }
0x54: {  	vm13 =	vgt.s32 v1, $0xFFFFFFFF;
	vm14 =	vne.s32 v2, $0x0  }
0x55: {  	vm15 =	vne.s32 v1, $0xFFFFFFFF;
	vm10 =	vmand vm13, vm14  }
0x56: {  	vm7 =	vmand vm15, vm14;
	v1 =	vsel vm10, v1, v2  }
0x57: {  	v2 =	vnsel vm7, $0xFFFFFFFF, v2;
	[tilespmem:s20+$0xFFFFFE70] =	vst v1  }
0x58: {  	[tilespmem:s21+$0xFFFFFE70] =	vst v2  }
0x59: {  	v1 =	vld [tilespmem:s19+$0x0]  }
0x5a: {  	v2 =	vld [tilespmem:s15+$0x0];
	_ =	sdelay $0x4  }
0x5b: {  	vm12 =	vgt.s32 v1, $0xFFFFFFFF;
	vm13 =	vne.s32 v2, $0x0  }
0x5c: {  	vm14 =	vne.s32 v1, $0xFFFFFFFF;
	vm11 =	vmand vm12, vm13  }
0x5d: {  	vm8 =	vmand vm14, vm13;
	v1 =	vsel vm11, v1, v2  }
0x5e: {  	v2 =	vnsel vm8, $0xFFFFFFFF, v2;
	[tilespmem:s20+$0x0] =	vst v1  }
0x5f: {  	[tilespmem:s21+$0x0] =	vst v2  }
0x60: {  	v1 =	vld [tilespmem:s19+$0x10]  }
0x61: {  	v2 =	vld [tilespmem:s15+$0x10];
	_ =	sdelay $0x4  }
0x62: {  	vm15 =	vgt.s32 v1, $0xFFFFFFFF;
	vm10 =	vne.s32 v2, $0x0  }
0x63: {  	vm11 =	vne.s32 v1, $0xFFFFFFFF;
	vm12 =	vmand vm15, vm10  }
0x64: {  	vm9 =	vmand vm11, vm10;
	v1 =	vsel vm12, v1, v2  }
0x65: {  	v2 =	vnsel vm9, $0xFFFFFFFF, v2;
	[tilespmem:s20+$0x10] =	vst v1  }
0x66: {  	[tilespmem:s21+$0x10] =	vst v2  }
0x67: {  	v1 =	vld [tilespmem:s19+$0x20]  }
0x68: {  	v2 =	vld [tilespmem:s15+$0x20];
	_ =	sdelay $0x4  }
0x69: {  	vm10 =	vgt.s32 v1, $0xFFFFFFFF;
	vm11 =	vne.s32 v2, $0x0  }
0x6a: {  	vm12 =	vne.s32 v1, $0xFFFFFFFF;
	vm13 =	vmand vm10, vm11  }
0x6b: {  	vm10 =	vmand vm12, vm11;
	v1 =	vsel vm13, v1, v2  }
0x6c: {  	v2 =	vnsel vm10, $0xFFFFFFFF, v2;
	[tilespmem:s20+$0x20] =	vst v1  }
0x6d: {  	[tilespmem:s21+$0x20] =	vst v2  }
0x6e: {  	v1 =	vld [tilespmem:s19+$0x30]  }
0x6f: {  	v2 =	vld [tilespmem:s15+$0x30];
	_ =	sdelay $0x4  }
0x70: {  	vm11 =	vgt.s32 v1, $0xFFFFFFFF;
	vm12 =	vne.s32 v2, $0x0  }
0x71: {  	vm13 =	vne.s32 v1, $0xFFFFFFFF;
	vm14 =	vmand vm11, vm12  }
0x72: {  	vm11 =	vmand vm13, vm12;
	v1 =	vsel vm14, v1, v2  }
0x73: {  	v2 =	vnsel vm11, $0xFFFFFFFF, v2;
	[tilespmem:s20+$0x30] =	vst v1  }
0x74: {  	[tilespmem:s21+$0x30] =	vst v2  }
0x75: {  	v1 =	vld [tilespmem:s19+$0x40]  }
0x76: {  	v2 =	vld [tilespmem:s15+$0x40];
	_ =	sdelay $0x4  }
0x77: {  	vm12 =	vgt.s32 v1, $0xFFFFFFFF;
	vm13 =	vne.s32 v2, $0x0  }
0x78: {  	vm14 =	vne.s32 v1, $0xFFFFFFFF;
	vm12 =	vmand vm12, vm13  }
0x79: {  	vm13 =	vmand vm14, vm13;
	v1 =	vsel vm12, v1, v2  }
0x7a: {  	v2 =	vnsel vm13, $0xFFFFFFFF, v2;
	[tilespmem:s20+$0x40] =	vst v1  }
0x7b: {  	[tilespmem:s21+$0x40] =	vst v2  }
0x7c: {  	v1 =	vld [tilespmem:s19+$0x50]  }
0x7d: {  	v2 =	vld [tilespmem:s15+$0x50];
	_ =	sdelay $0x1  }
0x7e: {  	vm0 =	vmor vm0, vm1  }
0x7f: {  	vm0 =	vmor vm0, vm2  }
0x80: {  	vm0 =	vmor vm0, vm3  }
0x81: {  	vm0 =	vmor vm0, vm4;
	vm1 =	vgt.s32 v1, $0xFFFFFFFF;
	vm2 =	vne.s32 v2, $0x0  }
0x82: {  	vm0 =	vmor vm0, vm5;
	vm3 =	vne.s32 v1, $0xFFFFFFFF;
	vm1 =	vmand vm1, vm2  }
0x83: {  	vm0 =	vmor vm0, vm6;
	vm2 =	vmand vm3, vm2;
	v1 =	vsel vm1, v1, v2  }
0x84: {  	vm0 =	vmor vm0, vm7;
	v2 =	vnsel vm2, $0xFFFFFFFF, v2;
	[tilespmem:s20+$0x50] =	vst v1  }
0x85: {  	vm0 =	vmor vm0, vm8;
	[tilespmem:s21+$0x50] =	vst v2  }
0x86: {  	vm0 =	vmor vm0, vm9;
	v2 =	vld [tilespmem:s19+$0x60]  }
0x87: {  	vm0 =	vmor vm0, vm10;
	v3 =	vld [tilespmem:s15+$0x60]  }
0x88: {  	vm0 =	vmor vm0, vm11  }
0x89: {  	vm0 =	vmor vm0, vm13  }
0x8a: {  	s24 =	simm.s32 $0x0;
	s26 =	simm.s32 $0x600;
	s28 =	simm.s32 $0x4600;
	vm0 =	vmor vm0, vm2  }
0x8b: {  	s23 =	simm.s32 $0x8600;
	s22 =	simm.s32 $0xC600;
	s25 =	simm.s32 $0x200;
	v1 =	vimm.s32 $0x0;
	vm1 =	vne.s32 v2, $0xFFFFFFFF;
	vm2 =	vgt.s32 v2, $0xFFFFFFFF  }
.LBB2_2:
0x8c: {  	s24 =	sadd.s32 $0x10, s24;
	vm3 =	vne.s32 v3, $0x0;
	s21 =	sadd.s32 $0x400, s21;
	s20 =	sadd.s32 $0x400, s20  }
0x8d: {  	p0 =	slt.u32 s24, $0xF0;
	vm1 =	vmand vm1, vm3;
	vm2 =	vmand vm2, vm3  }
0x8e: {  	v2 =	vsel vm2, v2, v3;
	v3 =	vnsel vm1, $0xFFFFFFFF, v3;
	vm0 =	vmor vm0, vm1  }
0x8f: {  	[tilespmem:s23+$0x60] =	vst v2  }
0x90: {  	[tilespmem:s22+$0x60] =	vst v3  }
0x91: {  	v2 =	vld [tilespmem:s19+$0x70];
	s19 =	smov.u32 s28  }
0x92: {  	v3 =	vld [tilespmem:s25+$0x70];
	s25 =	smov.u32 s26;
	_ =	sdelay $0x3  }
0x93: {  	vm1 =	vne.s32 v2, $0xFFFFFFFF;
	vm2 =	vgt.s32 v2, $0xFFFFFFFF  }
0x94: {  	vm3 =	vne.s32 v3, $0x0  }
0x95: {  	vm1 =	vmand vm1, vm3;
	vm2 =	vmand vm2, vm3  }
0x96: {  	v2 =	vsel vm2, v2, v3;
	v3 =	vnsel vm1, $0xFFFFFFFF, v3;
	vm0 =	vmor vm0, vm1  }
0x97: {  	[tilespmem:s23+$0x70] =	vst v2;
	v2 =	vsel vm0, $0x1, v0;
	s23 =	smov.u32 s20  }
0x98: {  	[tilespmem:s22+$0x70] =	vst v3;
	v1 =	vor.u32 v2, v1;
	s22 =	smov.u32 s21  }
0x99: {  	v2 =	vld [tilespmem:s28+$0xFFFFFE00]  }
0x9a: {  	v3 =	vld [tilespmem:s26+$0xFFFFFE00];
	_ =	sdelay $0x4  }
0x9b: {  	vm0 =	vne.s32 v2, $0xFFFFFFFF;
	vm2 =	vgt.s32 v2, $0xFFFFFFFF;
	vm1 =	vne.s32 v3, $0x0  }
0x9c: {  	vm0 =	vmand vm0, vm1;
	vm1 =	vmand vm2, vm1  }
0x9d: {  	v2 =	vsel vm1, v2, v3;
	v3 =	vnsel vm0, $0xFFFFFFFF, v3  }
0x9e: {  	[tilespmem:s20+$0xFFFFFE00] =	vst v2  }
0x9f: {  	[tilespmem:s21+$0xFFFFFE00] =	vst v3  }
0xa0: {  	v2 =	vld [tilespmem:s28+$0xFFFFFE10]  }
0xa1: {  	v3 =	vld [tilespmem:s26+$0xFFFFFE10];
	_ =	sdelay $0x3  }
0xa2: {  	vm1 =	vgt.s32 v2, $0xFFFFFFFF  }
0xa3: {  	vm2 =	vne.s32 v2, $0xFFFFFFFF;
	vm3 =	vne.s32 v3, $0x0  }
0xa4: {  	vm2 =	vmand vm2, vm3;
	vm1 =	vmand vm1, vm3  }
0xa5: {  	v2 =	vsel vm1, v2, v3;
	v3 =	vnsel vm2, $0xFFFFFFFF, v3;
	vm0 =	vmor vm0, vm2  }
0xa6: {  	[tilespmem:s20+$0xFFFFFE10] =	vst v2  }
0xa7: {  	[tilespmem:s21+$0xFFFFFE10] =	vst v3  }
0xa8: {  	v2 =	vld [tilespmem:s28+$0xFFFFFE20]  }
0xa9: {  	v3 =	vld [tilespmem:s26+$0xFFFFFE20];
	_ =	sdelay $0x3  }
0xaa: {  	vm1 =	vne.s32 v2, $0xFFFFFFFF;
	vm2 =	vgt.s32 v2, $0xFFFFFFFF  }
0xab: {  	vm3 =	vne.s32 v3, $0x0  }
0xac: {  	vm1 =	vmand vm1, vm3;
	vm2 =	vmand vm2, vm3  }
0xad: {  	v2 =	vsel vm2, v2, v3;
	v3 =	vnsel vm1, $0xFFFFFFFF, v3  }
0xae: {  	[tilespmem:s20+$0xFFFFFE20] =	vst v2  }
0xaf: {  	[tilespmem:s21+$0xFFFFFE20] =	vst v3  }
0xb0: {  	v2 =	vld [tilespmem:s28+$0xFFFFFE30]  }
0xb1: {  	v3 =	vld [tilespmem:s26+$0xFFFFFE30];
	_ =	sdelay $0x3  }
0xb2: {  	vm2 =	vne.s32 v2, $0xFFFFFFFF;
	vm3 =	vgt.s32 v2, $0xFFFFFFFF  }
0xb3: {  	vm4 =	vne.s32 v3, $0x0  }
0xb4: {  	vm2 =	vmand vm2, vm4;
	vm3 =	vmand vm3, vm4  }
0xb5: {  	v2 =	vsel vm3, v2, v3;
	v3 =	vnsel vm2, $0xFFFFFFFF, v3  }
0xb6: {  	[tilespmem:s20+$0xFFFFFE30] =	vst v2  }
0xb7: {  	[tilespmem:s21+$0xFFFFFE30] =	vst v3  }
0xb8: {  	v2 =	vld [tilespmem:s28+$0xFFFFFE40]  }
0xb9: {  	v3 =	vld [tilespmem:s26+$0xFFFFFE40];
	_ =	sdelay $0x3  }
0xba: {  	vm3 =	vne.s32 v2, $0xFFFFFFFF;
	vm4 =	vgt.s32 v2, $0xFFFFFFFF  }
0xbb: {  	vm5 =	vne.s32 v3, $0x0  }
0xbc: {  	vm3 =	vmand vm3, vm5;
	vm4 =	vmand vm4, vm5  }
0xbd: {  	v2 =	vsel vm4, v2, v3;
	v3 =	vnsel vm3, $0xFFFFFFFF, v3  }
0xbe: {  	[tilespmem:s20+$0xFFFFFE40] =	vst v2  }
0xbf: {  	[tilespmem:s21+$0xFFFFFE40] =	vst v3  }
0xc0: {  	v2 =	vld [tilespmem:s28+$0xFFFFFE50]  }
0xc1: {  	v3 =	vld [tilespmem:s26+$0xFFFFFE50];
	_ =	sdelay $0x3  }
0xc2: {  	vm4 =	vne.s32 v2, $0xFFFFFFFF;
	vm5 =	vgt.s32 v2, $0xFFFFFFFF  }
0xc3: {  	vm6 =	vne.s32 v3, $0x0  }
0xc4: {  	vm4 =	vmand vm4, vm6;
	vm5 =	vmand vm5, vm6  }
0xc5: {  	v2 =	vsel vm5, v2, v3;
	v3 =	vnsel vm4, $0xFFFFFFFF, v3  }
0xc6: {  	[tilespmem:s20+$0xFFFFFE50] =	vst v2  }
0xc7: {  	[tilespmem:s21+$0xFFFFFE50] =	vst v3  }
0xc8: {  	v2 =	vld [tilespmem:s28+$0xFFFFFE60]  }
0xc9: {  	v3 =	vld [tilespmem:s26+$0xFFFFFE60];
	_ =	sdelay $0x3  }
0xca: {  	vm5 =	vne.s32 v2, $0xFFFFFFFF;
	vm6 =	vgt.s32 v2, $0xFFFFFFFF  }
0xcb: {  	vm7 =	vne.s32 v3, $0x0  }
0xcc: {  	vm5 =	vmand vm5, vm7;
	vm6 =	vmand vm6, vm7  }
0xcd: {  	v2 =	vsel vm6, v2, v3;
	v3 =	vnsel vm5, $0xFFFFFFFF, v3  }
0xce: {  	[tilespmem:s20+$0xFFFFFE60] =	vst v2  }
0xcf: {  	[tilespmem:s21+$0xFFFFFE60] =	vst v3  }
0xd0: {  	v2 =	vld [tilespmem:s28+$0xFFFFFE70]  }
0xd1: {  	v3 =	vld [tilespmem:s26+$0xFFFFFE70];
	_ =	sdelay $0x3  }
0xd2: {  	vm6 =	vne.s32 v2, $0xFFFFFFFF;
	vm7 =	vgt.s32 v2, $0xFFFFFFFF  }
0xd3: {  	vm8 =	vne.s32 v3, $0x0  }
0xd4: {  	vm6 =	vmand vm6, vm8;
	vm7 =	vmand vm7, vm8  }
0xd5: {  	v2 =	vsel vm7, v2, v3;
	v3 =	vnsel vm6, $0xFFFFFFFF, v3  }
0xd6: {  	[tilespmem:s20+$0xFFFFFE70] =	vst v2  }
0xd7: {  	[tilespmem:s21+$0xFFFFFE70] =	vst v3  }
0xd8: {  	v2 =	vld [tilespmem:s28+$0x0]  }
0xd9: {  	v3 =	vld [tilespmem:s26+$0x0];
	_ =	sdelay $0x3  }
0xda: {  	vm7 =	vne.s32 v2, $0xFFFFFFFF;
	vm8 =	vgt.s32 v2, $0xFFFFFFFF  }
0xdb: {  	vm9 =	vne.s32 v3, $0x0  }
0xdc: {  	vm7 =	vmand vm7, vm9;
	vm8 =	vmand vm8, vm9  }
0xdd: {  	v2 =	vsel vm8, v2, v3;
	v3 =	vnsel vm7, $0xFFFFFFFF, v3  }
0xde: {  	[tilespmem:s20+$0x0] =	vst v2  }
0xdf: {  	[tilespmem:s21+$0x0] =	vst v3  }
0xe0: {  	v2 =	vld [tilespmem:s28+$0x10]  }
0xe1: {  	v3 =	vld [tilespmem:s26+$0x10];
	_ =	sdelay $0x3  }
0xe2: {  	vm8 =	vne.s32 v2, $0xFFFFFFFF;
	vm9 =	vgt.s32 v2, $0xFFFFFFFF  }
0xe3: {  	vm10 =	vne.s32 v3, $0x0  }
0xe4: {  	vm8 =	vmand vm8, vm10;
	vm9 =	vmand vm9, vm10  }
0xe5: {  	v2 =	vsel vm9, v2, v3;
	v3 =	vnsel vm8, $0xFFFFFFFF, v3  }
0xe6: {  	[tilespmem:s20+$0x10] =	vst v2  }
0xe7: {  	[tilespmem:s21+$0x10] =	vst v3  }
0xe8: {  	v2 =	vld [tilespmem:s28+$0x20]  }
0xe9: {  	v3 =	vld [tilespmem:s26+$0x20];
	_ =	sdelay $0x3  }
0xea: {  	vm9 =	vne.s32 v2, $0xFFFFFFFF;
	vm10 =	vgt.s32 v2, $0xFFFFFFFF  }
0xeb: {  	vm11 =	vne.s32 v3, $0x0  }
0xec: {  	vm9 =	vmand vm9, vm11;
	vm10 =	vmand vm10, vm11  }
0xed: {  	v2 =	vsel vm10, v2, v3;
	v3 =	vnsel vm9, $0xFFFFFFFF, v3  }
0xee: {  	[tilespmem:s20+$0x20] =	vst v2  }
0xef: {  	[tilespmem:s21+$0x20] =	vst v3  }
0xf0: {  	v2 =	vld [tilespmem:s28+$0x30]  }
0xf1: {  	v3 =	vld [tilespmem:s26+$0x30];
	_ =	sdelay $0x3  }
0xf2: {  	vm10 =	vne.s32 v2, $0xFFFFFFFF;
	vm11 =	vgt.s32 v2, $0xFFFFFFFF  }
0xf3: {  	vm12 =	vne.s32 v3, $0x0  }
0xf4: {  	vm10 =	vmand vm10, vm12;
	vm11 =	vmand vm11, vm12  }
0xf5: {  	v2 =	vsel vm11, v2, v3;
	v3 =	vnsel vm10, $0xFFFFFFFF, v3  }
0xf6: {  	[tilespmem:s20+$0x30] =	vst v2  }
0xf7: {  	[tilespmem:s21+$0x30] =	vst v3  }
0xf8: {  	v2 =	vld [tilespmem:s28+$0x40]  }
0xf9: {  	v3 =	vld [tilespmem:s26+$0x40];
	_ =	sdelay $0x3  }
0xfa: {  	vm11 =	vne.s32 v2, $0xFFFFFFFF;
	vm12 =	vgt.s32 v2, $0xFFFFFFFF  }
0xfb: {  	vm13 =	vne.s32 v3, $0x0  }
0xfc: {  	vm11 =	vmand vm11, vm13;
	vm12 =	vmand vm12, vm13  }
0xfd: {  	v2 =	vsel vm12, v2, v3;
	v3 =	vnsel vm11, $0xFFFFFFFF, v3  }
0xfe: {  	[tilespmem:s20+$0x40] =	vst v2  }
0xff: {  	[tilespmem:s21+$0x40] =	vst v3  }
0x100: {  	v2 =	vld [tilespmem:s28+$0x50]  }
0x101: {  	v3 =	vld [tilespmem:s26+$0x50]  }
0x102: {  	vm0 =	vmor vm0, vm1  }
0x103: {  	vm0 =	vmor vm0, vm2  }
0x104: {  	vm0 =	vmor vm0, vm3  }
0x105: {  	vm0 =	vmor vm0, vm4;
	vm1 =	vne.s32 v2, $0xFFFFFFFF;
	vm2 =	vgt.s32 v2, $0xFFFFFFFF  }
0x106: {  	vm0 =	vmor vm0, vm5;
	vm3 =	vne.s32 v3, $0x0  }
0x107: {  	vm0 =	vmor vm0, vm6;
	vm1 =	vmand vm1, vm3;
	vm2 =	vmand vm2, vm3  }
0x108: {  	vm0 =	vmor vm0, vm7;
	v2 =	vsel vm2, v2, v3;
	v3 =	vnsel vm1, $0xFFFFFFFF, v3  }
0x109: {  	vm0 =	vmor vm0, vm8;
	[tilespmem:s20+$0x50] =	vst v2  }
0x10a: {  	vm0 =	vmor vm0, vm9;
	[tilespmem:s21+$0x50] =	vst v3  }
0x10b: {  	vm0 =	vmor vm0, vm10;
	v2 =	vld [tilespmem:s28+$0x60]  }
.Ltmp0:
0x10c: {  	vm0 =	vmor vm0, vm11;
	v3 =	vld [tilespmem:s26+$0x60];
	(pc) =	sbr.rel @p0 .LBB2_2-.Ltmp0, $2  }
0x10d: {  	vm0 =	vmor vm0, vm1;
	_ =	sdelay $0x2  }
0x10e: {  	s28 =	sadd.s32 $0x400, s28;
	s26 =	sadd.s32 $0x400, s26;
	vm1 =	vne.s32 v2, $0xFFFFFFFF;
	vm2 =	vgt.s32 v2, $0xFFFFFFFF  }
0x10f: {  	vm3 =	vne.s32 v3, $0x0  }
0x110: {  	vm2 =	vmand vm2, vm3  }
0x111: {  	vm1 =	vmand vm1, vm3;
	v2 =	vsel vm2, v2, v3  }
0x112: {  	v3 =	vnsel vm1, $0xFFFFFFFF, v3;
	[tilespmem:s23+$0x60] =	vst v2  }
0x113: {  	[tilespmem:s22+$0x60] =	vst v3  }
0x114: {  	v2 =	vld [tilespmem:s19+$0x70]  }
0x115: {  	v3 =	vld [tilespmem:s25+$0x70];
	_ =	sdelay $0x4  }
0x116: {  	vm2 =	vgt.s32 v2, $0xFFFFFFFF;
	vm3 =	vne.s32 v3, $0x0  }
0x117: {  	vm4 =	vne.s32 v2, $0xFFFFFFFF;
	vm2 =	vmand vm2, vm3  }
0x118: {  	vm0 =	vmor vm0, vm1;
	vm1 =	vmand vm4, vm3;
	v2 =	vsel vm2, v2, v3  }
0x119: {  	v3 =	vnsel vm1, $0xFFFFFFFF, v3;
	vm0 =	vmor vm0, vm1;
	[tilespmem:s23+$0x70] =	vst v2  }
0x11a: {  	v2 =	vsel vm0, $0x1, v0;
	[tilespmem:s22+$0x70] =	vst v3  }
0x11b: {  	v1 =	vor.u32 v2, v1;
	[tilespmem:$0x10410] =	vst v0  }
0x11c: {  	[tilespmem:$0x10400] =	vst v1  }
0x11d: {  	v2 =	vld [tilespmem:$0x10408];
	_ =	sdelay $0x4  }
0x11e: {  	v1 =	vor.u32 v1, v2  }
0x11f: {  	[tilespmem:$0x10400] =	vst v1  }
0x120: {  	v2 =	vld [tilespmem:$0x10404];
	_ =	sdelay $0x4  }
0x121: {  	v1 =	vor.u32 v1, v2  }
0x122: {  	[tilespmem:$0x10400] =	vst v1  }
0x123: {  	v2 =	vld [tilespmem:$0x10402];
	_ =	sdelay $0x4  }
0x124: {  	v1 =	vor.u32 v1, v2  }
0x125: {  	[tilespmem:$0x10400] =	vst v1  }
0x126: {  	v2 =	vld [tilespmem:$0x10401];
	_ =	sdelay $0x3  }
0x127: {  	(v2sf) =	vpush v1, $0x0  }
0x128: {  	(v2sf) =	vpush v2, $0x0;
	_ =	sdelay $0xd  }
0x129: {  	s31 =	spop (v2sf)  }
0x12a: {  	s20 =	spop (v2sf)  }
0x12b: {  	s19 =	sor.u32 s31, s20  }
0x12c: {  	p0 =	sne.s32 s19, $0x0  }
0x12d: {  	v1 =	vld @!p0 [tilespmem:$0x8000];
	_ =	sdelay $0x4  }
0x12e: {  	(v2sf) =	vpush @!p0 v1, $0x0;
	_ =	sdelay $0xe  }
0x12f: {  	s19 =	spop @!p0 (v2sf)  }
0x130: {  	s20 =	sshll.u32 @!p0 s19, $0x2  }
0x131: {  	s21 =	sand.u32 @!p0 $0x70, s19;
	s20 =	sand.u32 @!p0 $0xFFFFFE00, s20  }
0x132: {  	s20 =	sor.u32 @!p0 s21, s20  }
0x133: {  	v1 =	vld @!p0 [tilespmem:s20+$0x0]  }
0x134: {  	v2 =	vld @!p0 [tilespmem:s20+$0x4000]  }
0x135: {  	v3 =	vld @!p0 [tilespmem:$0x8200];
	_ =	sdelay $0x1  }
0x136: {  	s19 =	sand.u32 @!p0 $0xF, s19  }
0x137: {  	v5 =	vlaneseq.u32 @!p0;
	v4 =	vmov @!p0 s19  }
0x138: {  	vm0 =	veq.s32 @!p0 v4, v5;
	vm1 =	vne.s32 @!p0 v2, $0xFFFFFFFF;
	vm2 =	vne.s32 @!p0 v1, $0x0  }
0x139: {  	v2 =	vsel @!p0 vm0, v3, v2;
	vm1 =	vmand @!p0 vm2, vm1  }
0x13a: {  	vm0 =	vmor @!p0 vm1, vm0;
	vm1 =	vgt.s32 @!p0 v2, $0xFFFFFFFF  }
0x13b: {  	vm1 =	vmand @!p0 vm0, vm1  }
0x13c: {  	v2 =	vsel @!p0 vm1, v2, v1  }
0x13d: {  	v1 =	vnsel @!p0 vm0, $0xFFFFFFFF, v1;
	[tilespmem:s20+$0x8400] =	vst @!p0 v2  }
0x13e: {  	s19 =	simm.s32 $0x4280;
	[tilespmem:s20+$0xC400] =	vst @!p0 v1  }
0x13f: {  	s20 =	simm.s32 $0x280;
	v1 =	vld [tilespmem:s19+$0xFFFFFE00]  }
0x140: {  	v2 =	vld [tilespmem:s20+$0xFFFFFE00];
	_ =	sdelay $0x4  }
0x141: {  	vm0 =	vne.s32 v2, $0x0;
	vm1 =	vgt.s32 v1, $0xFFFFFFFF  }
0x142: {  	vm2 =	vne.s32 v1, $0xFFFFFFFF;
	vm1 =	vmand vm1, vm0  }
0x143: {  	s21 =	simm.s32 $0x8680;
	vm0 =	vmand vm2, vm0;
	v1 =	vsel vm1, v1, v2  }
0x144: {  	s22 =	simm.s32 $0xC680;
	v2 =	vnsel vm0, $0xFFFFFFFF, v2;
	[tilespmem:s21+$0xFFFFFE00] =	vst v1  }
0x145: {  	[tilespmem:s22+$0xFFFFFE00] =	vst v2  }
0x146: {  	v1 =	vld [tilespmem:s19+$0xFFFFFE10]  }
0x147: {  	v2 =	vld [tilespmem:s20+$0xFFFFFE10];
	_ =	sdelay $0x4  }
0x148: {  	vm1 =	vgt.s32 v1, $0xFFFFFFFF;
	vm2 =	vne.s32 v2, $0x0  }
0x149: {  	vm3 =	vne.s32 v1, $0xFFFFFFFF;
	vm11 =	vmand vm1, vm2  }
0x14a: {  	vm1 =	vmand vm3, vm2;
	v1 =	vsel vm11, v1, v2  }
0x14b: {  	v2 =	vnsel vm1, $0xFFFFFFFF, v2;
	[tilespmem:s21+$0xFFFFFE10] =	vst v1  }
0x14c: {  	[tilespmem:s22+$0xFFFFFE10] =	vst v2  }
0x14d: {  	v1 =	vld [tilespmem:s19+$0xFFFFFE20]  }
0x14e: {  	v2 =	vld [tilespmem:s20+$0xFFFFFE20];
	_ =	sdelay $0x4  }
0x14f: {  	vm2 =	vgt.s32 v1, $0xFFFFFFFF;
	vm3 =	vne.s32 v2, $0x0  }
0x150: {  	vm12 =	vne.s32 v1, $0xFFFFFFFF;
	vm5 =	vmand vm2, vm3  }
0x151: {  	vm2 =	vmand vm12, vm3;
	v1 =	vsel vm5, v1, v2  }
0x152: {  	v2 =	vnsel vm2, $0xFFFFFFFF, v2;
	[tilespmem:s21+$0xFFFFFE20] =	vst v1  }
0x153: {  	[tilespmem:s22+$0xFFFFFE20] =	vst v2  }
0x154: {  	v1 =	vld [tilespmem:s19+$0xFFFFFE30]  }
0x155: {  	v2 =	vld [tilespmem:s20+$0xFFFFFE30];
	_ =	sdelay $0x4  }
0x156: {  	vm3 =	vgt.s32 v1, $0xFFFFFFFF;
	vm13 =	vne.s32 v2, $0x0  }
0x157: {  	vm14 =	vne.s32 v1, $0xFFFFFFFF;
	vm6 =	vmand vm3, vm13  }
0x158: {  	vm3 =	vmand vm14, vm13;
	v1 =	vsel vm6, v1, v2  }
0x159: {  	v2 =	vnsel vm3, $0xFFFFFFFF, v2;
	[tilespmem:s21+$0xFFFFFE30] =	vst v1  }
0x15a: {  	[tilespmem:s22+$0xFFFFFE30] =	vst v2  }
0x15b: {  	v1 =	vld [tilespmem:s19+$0xFFFFFE40]  }
0x15c: {  	v2 =	vld [tilespmem:s20+$0xFFFFFE40];
	_ =	sdelay $0x4  }
0x15d: {  	vm15 =	vgt.s32 v1, $0xFFFFFFFF;
	vm9 =	vne.s32 v2, $0x0  }
0x15e: {  	vm10 =	vne.s32 v1, $0xFFFFFFFF;
	vm7 =	vmand vm15, vm9  }
0x15f: {  	vm4 =	vmand vm10, vm9;
	v1 =	vsel vm7, v1, v2  }
0x160: {  	v2 =	vnsel vm4, $0xFFFFFFFF, v2;
	[tilespmem:s21+$0xFFFFFE40] =	vst v1  }
0x161: {  	[tilespmem:s22+$0xFFFFFE40] =	vst v2  }
0x162: {  	v1 =	vld [tilespmem:s19+$0xFFFFFE50]  }
0x163: {  	v2 =	vld [tilespmem:s20+$0xFFFFFE50];
	_ =	sdelay $0x4  }
0x164: {  	vm11 =	vgt.s32 v1, $0xFFFFFFFF;
	vm12 =	vne.s32 v2, $0x0  }
0x165: {  	vm13 =	vne.s32 v1, $0xFFFFFFFF;
	vm8 =	vmand vm11, vm12  }
0x166: {  	vm5 =	vmand vm13, vm12;
	v1 =	vsel vm8, v1, v2  }
0x167: {  	v2 =	vnsel vm5, $0xFFFFFFFF, v2;
	[tilespmem:s21+$0xFFFFFE50] =	vst v1  }
0x168: {  	[tilespmem:s22+$0xFFFFFE50] =	vst v2  }
0x169: {  	v1 =	vld [tilespmem:s19+$0xFFFFFE60]  }
0x16a: {  	v2 =	vld [tilespmem:s20+$0xFFFFFE60];
	_ =	sdelay $0x4  }
0x16b: {  	vm14 =	vgt.s32 v1, $0xFFFFFFFF;
	vm15 =	vne.s32 v2, $0x0  }
0x16c: {  	vm12 =	vne.s32 v1, $0xFFFFFFFF;
	vm9 =	vmand vm14, vm15  }
0x16d: {  	vm6 =	vmand vm12, vm15;
	v1 =	vsel vm9, v1, v2  }
0x16e: {  	v2 =	vnsel vm6, $0xFFFFFFFF, v2;
	[tilespmem:s21+$0xFFFFFE60] =	vst v1  }
0x16f: {  	[tilespmem:s22+$0xFFFFFE60] =	vst v2  }
0x170: {  	v1 =	vld [tilespmem:s19+$0xFFFFFE70]  }
0x171: {  	v2 =	vld [tilespmem:s20+$0xFFFFFE70];
	_ =	sdelay $0x4  }
0x172: {  	vm13 =	vgt.s32 v1, $0xFFFFFFFF;
	vm14 =	vne.s32 v2, $0x0  }
0x173: {  	vm15 =	vne.s32 v1, $0xFFFFFFFF;
	vm10 =	vmand vm13, vm14  }
0x174: {  	vm7 =	vmand vm15, vm14;
	v1 =	vsel vm10, v1, v2  }
0x175: {  	v2 =	vnsel vm7, $0xFFFFFFFF, v2;
	[tilespmem:s21+$0xFFFFFE70] =	vst v1  }
0x176: {  	[tilespmem:s22+$0xFFFFFE70] =	vst v2  }
0x177: {  	v1 =	vld [tilespmem:s19+$0x0]  }
0x178: {  	v2 =	vld [tilespmem:s20+$0x0];
	_ =	sdelay $0x4  }
0x179: {  	vm12 =	vgt.s32 v1, $0xFFFFFFFF;
	vm13 =	vne.s32 v2, $0x0  }
0x17a: {  	vm14 =	vne.s32 v1, $0xFFFFFFFF;
	vm11 =	vmand vm12, vm13  }
0x17b: {  	vm8 =	vmand vm14, vm13;
	v1 =	vsel vm11, v1, v2  }
0x17c: {  	v2 =	vnsel vm8, $0xFFFFFFFF, v2;
	[tilespmem:s21+$0x0] =	vst v1  }
0x17d: {  	[tilespmem:s22+$0x0] =	vst v2  }
0x17e: {  	v1 =	vld [tilespmem:s19+$0x10]  }
0x17f: {  	v2 =	vld [tilespmem:s20+$0x10];
	_ =	sdelay $0x4  }
0x180: {  	vm15 =	vgt.s32 v1, $0xFFFFFFFF;
	vm10 =	vne.s32 v2, $0x0  }
0x181: {  	vm11 =	vne.s32 v1, $0xFFFFFFFF;
	vm12 =	vmand vm15, vm10  }
0x182: {  	vm9 =	vmand vm11, vm10;
	v1 =	vsel vm12, v1, v2  }
0x183: {  	v2 =	vnsel vm9, $0xFFFFFFFF, v2;
	[tilespmem:s21+$0x10] =	vst v1  }
0x184: {  	[tilespmem:s22+$0x10] =	vst v2  }
0x185: {  	v1 =	vld [tilespmem:s19+$0x20]  }
0x186: {  	v2 =	vld [tilespmem:s20+$0x20];
	_ =	sdelay $0x4  }
0x187: {  	vm10 =	vgt.s32 v1, $0xFFFFFFFF;
	vm11 =	vne.s32 v2, $0x0  }
0x188: {  	vm12 =	vne.s32 v1, $0xFFFFFFFF;
	vm13 =	vmand vm10, vm11  }
0x189: {  	vm10 =	vmand vm12, vm11;
	v1 =	vsel vm13, v1, v2  }
0x18a: {  	v2 =	vnsel vm10, $0xFFFFFFFF, v2;
	[tilespmem:s21+$0x20] =	vst v1  }
0x18b: {  	[tilespmem:s22+$0x20] =	vst v2  }
0x18c: {  	v1 =	vld [tilespmem:s19+$0x30]  }
0x18d: {  	v2 =	vld [tilespmem:s20+$0x30];
	_ =	sdelay $0x4  }
0x18e: {  	vm11 =	vgt.s32 v1, $0xFFFFFFFF;
	vm12 =	vne.s32 v2, $0x0  }
0x18f: {  	vm13 =	vne.s32 v1, $0xFFFFFFFF;
	vm14 =	vmand vm11, vm12  }
0x190: {  	vm11 =	vmand vm13, vm12;
	v1 =	vsel vm14, v1, v2  }
0x191: {  	v2 =	vnsel vm11, $0xFFFFFFFF, v2;
	[tilespmem:s21+$0x30] =	vst v1  }
0x192: {  	[tilespmem:s22+$0x30] =	vst v2  }
0x193: {  	v1 =	vld [tilespmem:s19+$0x40]  }
0x194: {  	v2 =	vld [tilespmem:s20+$0x40];
	_ =	sdelay $0x4  }
0x195: {  	vm12 =	vgt.s32 v1, $0xFFFFFFFF;
	vm13 =	vne.s32 v2, $0x0  }
0x196: {  	vm14 =	vne.s32 v1, $0xFFFFFFFF;
	vm12 =	vmand vm12, vm13  }
0x197: {  	vm13 =	vmand vm14, vm13;
	v1 =	vsel vm12, v1, v2  }
0x198: {  	v2 =	vnsel vm13, $0xFFFFFFFF, v2;
	[tilespmem:s21+$0x40] =	vst v1  }
0x199: {  	[tilespmem:s22+$0x40] =	vst v2  }
0x19a: {  	v1 =	vld [tilespmem:s19+$0x50]  }
0x19b: {  	v2 =	vld [tilespmem:s20+$0x50];
	_ =	sdelay $0x1  }
0x19c: {  	vm0 =	vmor vm0, vm1  }
0x19d: {  	vm0 =	vmor vm0, vm2  }
0x19e: {  	vm0 =	vmor vm0, vm3  }
0x19f: {  	vm0 =	vmor vm0, vm4;
	vm1 =	vgt.s32 v1, $0xFFFFFFFF;
	vm2 =	vne.s32 v2, $0x0  }
0x1a0: {  	vm0 =	vmor vm0, vm5;
	vm3 =	vne.s32 v1, $0xFFFFFFFF;
	vm1 =	vmand vm1, vm2  }
0x1a1: {  	vm0 =	vmor vm0, vm6;
	vm2 =	vmand vm3, vm2;
	v1 =	vsel vm1, v1, v2  }
0x1a2: {  	vm0 =	vmor vm0, vm7;
	v2 =	vnsel vm2, $0xFFFFFFFF, v2;
	[tilespmem:s21+$0x50] =	vst v1  }
0x1a3: {  	vm0 =	vmor vm0, vm8;
	[tilespmem:s22+$0x50] =	vst v2  }
0x1a4: {  	vm0 =	vmor vm0, vm9;
	v2 =	vld [tilespmem:s19+$0x60]  }
0x1a5: {  	vm0 =	vmor vm0, vm10;
	v3 =	vld [tilespmem:s20+$0x60]  }
0x1a6: {  	vm0 =	vmor vm0, vm11  }
0x1a7: {  	vm0 =	vmor vm0, vm13  }
0x1a8: {  	s26 =	simm.s32 $0x680;
	s28 =	simm.s32 $0x4680;
	vm0 =	vmor vm0, vm2  }
0x1a9: {  	s24 =	simm.s32 $0x8680;
	s25 =	simm.s32 $0x0;
	s23 =	simm.s32 $0xC680;
	v1 =	vimm.s32 $0x0;
	vm1 =	vne.s32 v2, $0xFFFFFFFF;
	vm2 =	vgt.s32 v2, $0xFFFFFFFF  }
.LBB2_4:
0x1aa: {  	s25 =	sadd.s32 $0x10, s25;
	vm3 =	vne.s32 v3, $0x0;
	s22 =	sadd.s32 $0x400, s22;
	s21 =	sadd.s32 $0x400, s21  }
0x1ab: {  	p0 =	slt.u32 s25, $0xF0;
	vm1 =	vmand vm1, vm3;
	vm2 =	vmand vm2, vm3  }
0x1ac: {  	v2 =	vsel vm2, v2, v3;
	v3 =	vnsel vm1, $0xFFFFFFFF, v3;
	vm0 =	vmor vm0, vm1  }
0x1ad: {  	[tilespmem:s24+$0x60] =	vst v2  }
0x1ae: {  	[tilespmem:s23+$0x60] =	vst v3  }
0x1af: {  	v2 =	vld [tilespmem:s19+$0x70];
	s19 =	smov.u32 s28  }
0x1b0: {  	v3 =	vld [tilespmem:s20+$0x70];
	s20 =	smov.u32 s26;
	_ =	sdelay $0x3  }
0x1b1: {  	vm1 =	vne.s32 v2, $0xFFFFFFFF;
	vm2 =	vgt.s32 v2, $0xFFFFFFFF  }
0x1b2: {  	vm3 =	vne.s32 v3, $0x0  }
0x1b3: {  	vm1 =	vmand vm1, vm3;
	vm2 =	vmand vm2, vm3  }
0x1b4: {  	v2 =	vsel vm2, v2, v3;
	v3 =	vnsel vm1, $0xFFFFFFFF, v3;
	vm0 =	vmor vm0, vm1  }
0x1b5: {  	[tilespmem:s24+$0x70] =	vst v2;
	v2 =	vsel vm0, $0x1, v0;
	s24 =	smov.u32 s21  }
0x1b6: {  	[tilespmem:s23+$0x70] =	vst v3;
	v1 =	vor.u32 v2, v1;
	s23 =	smov.u32 s22  }
0x1b7: {  	v2 =	vld [tilespmem:s28+$0xFFFFFE00]  }
0x1b8: {  	v3 =	vld [tilespmem:s26+$0xFFFFFE00];
	_ =	sdelay $0x4  }
0x1b9: {  	vm0 =	vne.s32 v2, $0xFFFFFFFF;
	vm2 =	vgt.s32 v2, $0xFFFFFFFF;
	vm1 =	vne.s32 v3, $0x0  }
0x1ba: {  	vm0 =	vmand vm0, vm1;
	vm1 =	vmand vm2, vm1  }
0x1bb: {  	v2 =	vsel vm1, v2, v3;
	v3 =	vnsel vm0, $0xFFFFFFFF, v3  }
0x1bc: {  	[tilespmem:s21+$0xFFFFFE00] =	vst v2  }
0x1bd: {  	[tilespmem:s22+$0xFFFFFE00] =	vst v3  }
0x1be: {  	v2 =	vld [tilespmem:s28+$0xFFFFFE10]  }
0x1bf: {  	v3 =	vld [tilespmem:s26+$0xFFFFFE10];
	_ =	sdelay $0x3  }
0x1c0: {  	vm1 =	vgt.s32 v2, $0xFFFFFFFF  }
0x1c1: {  	vm2 =	vne.s32 v2, $0xFFFFFFFF;
	vm3 =	vne.s32 v3, $0x0  }
0x1c2: {  	vm2 =	vmand vm2, vm3;
	vm1 =	vmand vm1, vm3  }
0x1c3: {  	v2 =	vsel vm1, v2, v3;
	v3 =	vnsel vm2, $0xFFFFFFFF, v3;
	vm0 =	vmor vm0, vm2  }
0x1c4: {  	[tilespmem:s21+$0xFFFFFE10] =	vst v2  }
0x1c5: {  	[tilespmem:s22+$0xFFFFFE10] =	vst v3  }
0x1c6: {  	v2 =	vld [tilespmem:s28+$0xFFFFFE20]  }
0x1c7: {  	v3 =	vld [tilespmem:s26+$0xFFFFFE20];
	_ =	sdelay $0x3  }
0x1c8: {  	vm1 =	vne.s32 v2, $0xFFFFFFFF;
	vm2 =	vgt.s32 v2, $0xFFFFFFFF  }
0x1c9: {  	vm3 =	vne.s32 v3, $0x0  }
0x1ca: {  	vm1 =	vmand vm1, vm3;
	vm2 =	vmand vm2, vm3  }
0x1cb: {  	v2 =	vsel vm2, v2, v3;
	v3 =	vnsel vm1, $0xFFFFFFFF, v3  }
0x1cc: {  	[tilespmem:s21+$0xFFFFFE20] =	vst v2  }
0x1cd: {  	[tilespmem:s22+$0xFFFFFE20] =	vst v3  }
0x1ce: {  	v2 =	vld [tilespmem:s28+$0xFFFFFE30]  }
0x1cf: {  	v3 =	vld [tilespmem:s26+$0xFFFFFE30];
	_ =	sdelay $0x3  }
0x1d0: {  	vm2 =	vne.s32 v2, $0xFFFFFFFF;
	vm3 =	vgt.s32 v2, $0xFFFFFFFF  }
0x1d1: {  	vm4 =	vne.s32 v3, $0x0  }
0x1d2: {  	vm2 =	vmand vm2, vm4;
	vm3 =	vmand vm3, vm4  }
0x1d3: {  	v2 =	vsel vm3, v2, v3;
	v3 =	vnsel vm2, $0xFFFFFFFF, v3  }
0x1d4: {  	[tilespmem:s21+$0xFFFFFE30] =	vst v2  }
0x1d5: {  	[tilespmem:s22+$0xFFFFFE30] =	vst v3  }
0x1d6: {  	v2 =	vld [tilespmem:s28+$0xFFFFFE40]  }
0x1d7: {  	v3 =	vld [tilespmem:s26+$0xFFFFFE40];
	_ =	sdelay $0x3  }
0x1d8: {  	vm3 =	vne.s32 v2, $0xFFFFFFFF;
	vm4 =	vgt.s32 v2, $0xFFFFFFFF  }
0x1d9: {  	vm5 =	vne.s32 v3, $0x0  }
0x1da: {  	vm3 =	vmand vm3, vm5;
	vm4 =	vmand vm4, vm5  }
0x1db: {  	v2 =	vsel vm4, v2, v3;
	v3 =	vnsel vm3, $0xFFFFFFFF, v3  }
0x1dc: {  	[tilespmem:s21+$0xFFFFFE40] =	vst v2  }
0x1dd: {  	[tilespmem:s22+$0xFFFFFE40] =	vst v3  }
0x1de: {  	v2 =	vld [tilespmem:s28+$0xFFFFFE50]  }
0x1df: {  	v3 =	vld [tilespmem:s26+$0xFFFFFE50];
	_ =	sdelay $0x3  }
0x1e0: {  	vm4 =	vne.s32 v2, $0xFFFFFFFF;
	vm5 =	vgt.s32 v2, $0xFFFFFFFF  }
0x1e1: {  	vm6 =	vne.s32 v3, $0x0  }
0x1e2: {  	vm4 =	vmand vm4, vm6;
	vm5 =	vmand vm5, vm6  }
0x1e3: {  	v2 =	vsel vm5, v2, v3;
	v3 =	vnsel vm4, $0xFFFFFFFF, v3  }
0x1e4: {  	[tilespmem:s21+$0xFFFFFE50] =	vst v2  }
0x1e5: {  	[tilespmem:s22+$0xFFFFFE50] =	vst v3  }
0x1e6: {  	v2 =	vld [tilespmem:s28+$0xFFFFFE60]  }
0x1e7: {  	v3 =	vld [tilespmem:s26+$0xFFFFFE60];
	_ =	sdelay $0x3  }
0x1e8: {  	vm5 =	vne.s32 v2, $0xFFFFFFFF;
	vm6 =	vgt.s32 v2, $0xFFFFFFFF  }
0x1e9: {  	vm7 =	vne.s32 v3, $0x0  }
0x1ea: {  	vm5 =	vmand vm5, vm7;
	vm6 =	vmand vm6, vm7  }
0x1eb: {  	v2 =	vsel vm6, v2, v3;
	v3 =	vnsel vm5, $0xFFFFFFFF, v3  }
0x1ec: {  	[tilespmem:s21+$0xFFFFFE60] =	vst v2  }
0x1ed: {  	[tilespmem:s22+$0xFFFFFE60] =	vst v3  }
0x1ee: {  	v2 =	vld [tilespmem:s28+$0xFFFFFE70]  }
0x1ef: {  	v3 =	vld [tilespmem:s26+$0xFFFFFE70];
	_ =	sdelay $0x3  }
0x1f0: {  	vm6 =	vne.s32 v2, $0xFFFFFFFF;
	vm7 =	vgt.s32 v2, $0xFFFFFFFF  }
0x1f1: {  	vm8 =	vne.s32 v3, $0x0  }
0x1f2: {  	vm6 =	vmand vm6, vm8;
	vm7 =	vmand vm7, vm8  }
0x1f3: {  	v2 =	vsel vm7, v2, v3;
	v3 =	vnsel vm6, $0xFFFFFFFF, v3  }
0x1f4: {  	[tilespmem:s21+$0xFFFFFE70] =	vst v2  }
0x1f5: {  	[tilespmem:s22+$0xFFFFFE70] =	vst v3  }
0x1f6: {  	v2 =	vld [tilespmem:s28+$0x0]  }
0x1f7: {  	v3 =	vld [tilespmem:s26+$0x0];
	_ =	sdelay $0x3  }
0x1f8: {  	vm7 =	vne.s32 v2, $0xFFFFFFFF;
	vm8 =	vgt.s32 v2, $0xFFFFFFFF  }
0x1f9: {  	vm9 =	vne.s32 v3, $0x0  }
0x1fa: {  	vm7 =	vmand vm7, vm9;
	vm8 =	vmand vm8, vm9  }
0x1fb: {  	v2 =	vsel vm8, v2, v3;
	v3 =	vnsel vm7, $0xFFFFFFFF, v3  }
0x1fc: {  	[tilespmem:s21+$0x0] =	vst v2  }
0x1fd: {  	[tilespmem:s22+$0x0] =	vst v3  }
0x1fe: {  	v2 =	vld [tilespmem:s28+$0x10]  }
0x1ff: {  	v3 =	vld [tilespmem:s26+$0x10];
	_ =	sdelay $0x3  }
0x200: {  	vm8 =	vne.s32 v2, $0xFFFFFFFF;
	vm9 =	vgt.s32 v2, $0xFFFFFFFF  }
0x201: {  	vm10 =	vne.s32 v3, $0x0  }
0x202: {  	vm8 =	vmand vm8, vm10;
	vm9 =	vmand vm9, vm10  }
0x203: {  	v2 =	vsel vm9, v2, v3;
	v3 =	vnsel vm8, $0xFFFFFFFF, v3  }
0x204: {  	[tilespmem:s21+$0x10] =	vst v2  }
0x205: {  	[tilespmem:s22+$0x10] =	vst v3  }
0x206: {  	v2 =	vld [tilespmem:s28+$0x20]  }
0x207: {  	v3 =	vld [tilespmem:s26+$0x20];
	_ =	sdelay $0x3  }
0x208: {  	vm9 =	vne.s32 v2, $0xFFFFFFFF;
	vm10 =	vgt.s32 v2, $0xFFFFFFFF  }
0x209: {  	vm11 =	vne.s32 v3, $0x0  }
0x20a: {  	vm9 =	vmand vm9, vm11;
	vm10 =	vmand vm10, vm11  }
0x20b: {  	v2 =	vsel vm10, v2, v3;
	v3 =	vnsel vm9, $0xFFFFFFFF, v3  }
0x20c: {  	[tilespmem:s21+$0x20] =	vst v2  }
0x20d: {  	[tilespmem:s22+$0x20] =	vst v3  }
0x20e: {  	v2 =	vld [tilespmem:s28+$0x30]  }
0x20f: {  	v3 =	vld [tilespmem:s26+$0x30];
	_ =	sdelay $0x3  }
0x210: {  	vm10 =	vne.s32 v2, $0xFFFFFFFF;
	vm11 =	vgt.s32 v2, $0xFFFFFFFF  }
0x211: {  	vm12 =	vne.s32 v3, $0x0  }
0x212: {  	vm10 =	vmand vm10, vm12;
	vm11 =	vmand vm11, vm12  }
0x213: {  	v2 =	vsel vm11, v2, v3;
	v3 =	vnsel vm10, $0xFFFFFFFF, v3  }
0x214: {  	[tilespmem:s21+$0x30] =	vst v2  }
0x215: {  	[tilespmem:s22+$0x30] =	vst v3  }
0x216: {  	v2 =	vld [tilespmem:s28+$0x40]  }
0x217: {  	v3 =	vld [tilespmem:s26+$0x40];
	_ =	sdelay $0x3  }
0x218: {  	vm11 =	vne.s32 v2, $0xFFFFFFFF;
	vm12 =	vgt.s32 v2, $0xFFFFFFFF  }
0x219: {  	vm13 =	vne.s32 v3, $0x0  }
0x21a: {  	vm11 =	vmand vm11, vm13;
	vm12 =	vmand vm12, vm13  }
0x21b: {  	v2 =	vsel vm12, v2, v3;
	v3 =	vnsel vm11, $0xFFFFFFFF, v3  }
0x21c: {  	[tilespmem:s21+$0x40] =	vst v2  }
0x21d: {  	[tilespmem:s22+$0x40] =	vst v3  }
0x21e: {  	v2 =	vld [tilespmem:s28+$0x50]  }
0x21f: {  	v3 =	vld [tilespmem:s26+$0x50]  }
0x220: {  	vm0 =	vmor vm0, vm1  }
0x221: {  	vm0 =	vmor vm0, vm2  }
0x222: {  	vm0 =	vmor vm0, vm3  }
0x223: {  	vm0 =	vmor vm0, vm4;
	vm1 =	vne.s32 v2, $0xFFFFFFFF;
	vm2 =	vgt.s32 v2, $0xFFFFFFFF  }
0x224: {  	vm0 =	vmor vm0, vm5;
	vm3 =	vne.s32 v3, $0x0  }
0x225: {  	vm0 =	vmor vm0, vm6;
	vm1 =	vmand vm1, vm3;
	vm2 =	vmand vm2, vm3  }
0x226: {  	vm0 =	vmor vm0, vm7;
	v2 =	vsel vm2, v2, v3;
	v3 =	vnsel vm1, $0xFFFFFFFF, v3  }
0x227: {  	vm0 =	vmor vm0, vm8;
	[tilespmem:s21+$0x50] =	vst v2  }
0x228: {  	vm0 =	vmor vm0, vm9;
	[tilespmem:s22+$0x50] =	vst v3  }
0x229: {  	vm0 =	vmor vm0, vm10;
	v2 =	vld [tilespmem:s28+$0x60]  }
.Ltmp1:
0x22a: {  	vm0 =	vmor vm0, vm11;
	v3 =	vld [tilespmem:s26+$0x60];
	(pc) =	sbr.rel @p0 .LBB2_4-.Ltmp1, $2  }
0x22b: {  	vm0 =	vmor vm0, vm1;
	_ =	sdelay $0x2  }
0x22c: {  	s28 =	sadd.s32 $0x400, s28;
	s26 =	sadd.s32 $0x400, s26;
	vm1 =	vne.s32 v2, $0xFFFFFFFF;
	vm2 =	vgt.s32 v2, $0xFFFFFFFF  }
0x22d: {  	vm3 =	vne.s32 v3, $0x0  }
0x22e: {  	vm2 =	vmand vm2, vm3  }
0x22f: {  	vm1 =	vmand vm1, vm3;
	v2 =	vsel vm2, v2, v3  }
0x230: {  	v3 =	vnsel vm1, $0xFFFFFFFF, v3;
	[tilespmem:s24+$0x60] =	vst v2  }
0x231: {  	[tilespmem:s23+$0x60] =	vst v3  }
0x232: {  	v2 =	vld [tilespmem:s19+$0x70]  }
0x233: {  	v3 =	vld [tilespmem:s20+$0x70];
	_ =	sdelay $0x4  }
0x234: {  	vm2 =	vgt.s32 v2, $0xFFFFFFFF;
	vm3 =	vne.s32 v3, $0x0  }
0x235: {  	vm4 =	vne.s32 v2, $0xFFFFFFFF;
	vm2 =	vmand vm2, vm3  }
0x236: {  	vm0 =	vmor vm0, vm1;
	vm1 =	vmand vm4, vm3;
	v2 =	vsel vm2, v2, v3  }
0x237: {  	v3 =	vnsel vm1, $0xFFFFFFFF, v3;
	vm0 =	vmor vm0, vm1;
	[tilespmem:s24+$0x70] =	vst v2  }
0x238: {  	v2 =	vsel vm0, $0x1, v0;
	[tilespmem:s23+$0x70] =	vst v3  }
0x239: {  	v1 =	vor.u32 v2, v1;
	[tilespmem:$0x10410] =	vst v0  }
0x23a: {  	[tilespmem:$0x10400] =	vst v1  }
0x23b: {  	v2 =	vld [tilespmem:$0x10408];
	_ =	sdelay $0x4  }
0x23c: {  	v1 =	vor.u32 v1, v2  }
0x23d: {  	[tilespmem:$0x10400] =	vst v1  }
0x23e: {  	v2 =	vld [tilespmem:$0x10404];
	_ =	sdelay $0x4  }
0x23f: {  	v1 =	vor.u32 v1, v2  }
0x240: {  	[tilespmem:$0x10400] =	vst v1  }
0x241: {  	v2 =	vld [tilespmem:$0x10402];
	_ =	sdelay $0x4  }
0x242: {  	v1 =	vor.u32 v1, v2  }
0x243: {  	[tilespmem:$0x10400] =	vst v1  }
0x244: {  	v2 =	vld [tilespmem:$0x10401];
	_ =	sdelay $0x3  }
0x245: {  	(v2sf) =	vpush v1, $0x0  }
0x246: {  	(v2sf) =	vpush v2, $0x0;
	_ =	sdelay $0xd  }
0x247: {  	s30 =	spop (v2sf)  }
0x248: {  	s31 =	spop (v2sf)  }
0x249: {  	s19 =	sor.u32 s30, s31  }
0x24a: {  	p0 =	sne.s32 s19, $0x0  }
0x24b: {  	v1 =	vld @!p0 [tilespmem:$0x8080];
	_ =	sdelay $0x4  }
0x24c: {  	(v2sf) =	vpush @!p0 v1, $0x0;
	_ =	sdelay $0xe  }
0x24d: {  	s19 =	spop @!p0 (v2sf)  }
0x24e: {  	s20 =	sshll.u32 @!p0 s19, $0x2  }
0x24f: {  	s21 =	sand.u32 @!p0 $0x70, s19;
	s20 =	sand.u32 @!p0 $0xFFFFFE00, s20  }
0x250: {  	s20 =	sor.u32 @!p0 s20, s21  }
0x251: {  	v1 =	vld @!p0 [tilespmem:s20+$0x80]  }
0x252: {  	v2 =	vld @!p0 [tilespmem:s20+$0x4080]  }
0x253: {  	v3 =	vld @!p0 [tilespmem:$0x8280];
	_ =	sdelay $0x1  }
0x254: {  	s19 =	sand.u32 @!p0 $0xF, s19  }
0x255: {  	v5 =	vlaneseq.u32 @!p0;
	v4 =	vmov @!p0 s19  }
0x256: {  	vm0 =	veq.s32 @!p0 v4, v5;
	vm1 =	vne.s32 @!p0 v2, $0xFFFFFFFF;
	vm2 =	vne.s32 @!p0 v1, $0x0  }
0x257: {  	v2 =	vsel @!p0 vm0, v3, v2;
	vm1 =	vmand @!p0 vm2, vm1  }
0x258: {  	vm0 =	vmor @!p0 vm1, vm0;
	vm1 =	vgt.s32 @!p0 v2, $0xFFFFFFFF  }
0x259: {  	vm1 =	vmand @!p0 vm0, vm1  }
0x25a: {  	v2 =	vsel @!p0 vm1, v2, v1  }
0x25b: {  	v1 =	vnsel @!p0 vm0, $0xFFFFFFFF, v1;
	[tilespmem:s20+$0x8480] =	vst @!p0 v2  }
0x25c: {  	s19 =	simm.s32 $0x4300;
	[tilespmem:s20+$0xC480] =	vst @!p0 v1  }
0x25d: {  	s20 =	simm.s32 $0x300;
	v1 =	vld [tilespmem:s19+$0xFFFFFE00]  }
0x25e: {  	v2 =	vld [tilespmem:s20+$0xFFFFFE00];
	_ =	sdelay $0x4  }
0x25f: {  	vm0 =	vne.s32 v2, $0x0;
	vm1 =	vgt.s32 v1, $0xFFFFFFFF  }
0x260: {  	vm2 =	vne.s32 v1, $0xFFFFFFFF;
	vm1 =	vmand vm1, vm0  }
0x261: {  	s21 =	simm.s32 $0x8700;
	vm0 =	vmand vm2, vm0;
	v1 =	vsel vm1, v1, v2  }
0x262: {  	s22 =	simm.s32 $0xC700;
	v2 =	vnsel vm0, $0xFFFFFFFF, v2;
	[tilespmem:s21+$0xFFFFFE00] =	vst v1  }
0x263: {  	[tilespmem:s22+$0xFFFFFE00] =	vst v2  }
0x264: {  	v1 =	vld [tilespmem:s19+$0xFFFFFE10]  }
0x265: {  	v2 =	vld [tilespmem:s20+$0xFFFFFE10];
	_ =	sdelay $0x4  }
0x266: {  	vm1 =	vgt.s32 v1, $0xFFFFFFFF;
	vm2 =	vne.s32 v2, $0x0  }
0x267: {  	vm3 =	vne.s32 v1, $0xFFFFFFFF;
	vm11 =	vmand vm1, vm2  }
0x268: {  	vm1 =	vmand vm3, vm2;
	v1 =	vsel vm11, v1, v2  }
0x269: {  	v2 =	vnsel vm1, $0xFFFFFFFF, v2;
	[tilespmem:s21+$0xFFFFFE10] =	vst v1  }
0x26a: {  	[tilespmem:s22+$0xFFFFFE10] =	vst v2  }
0x26b: {  	v1 =	vld [tilespmem:s19+$0xFFFFFE20]  }
0x26c: {  	v2 =	vld [tilespmem:s20+$0xFFFFFE20];
	_ =	sdelay $0x4  }
0x26d: {  	vm2 =	vgt.s32 v1, $0xFFFFFFFF;
	vm3 =	vne.s32 v2, $0x0  }
0x26e: {  	vm12 =	vne.s32 v1, $0xFFFFFFFF;
	vm5 =	vmand vm2, vm3  }
0x26f: {  	vm2 =	vmand vm12, vm3;
	v1 =	vsel vm5, v1, v2  }
0x270: {  	v2 =	vnsel vm2, $0xFFFFFFFF, v2;
	[tilespmem:s21+$0xFFFFFE20] =	vst v1  }
0x271: {  	[tilespmem:s22+$0xFFFFFE20] =	vst v2  }
0x272: {  	v1 =	vld [tilespmem:s19+$0xFFFFFE30]  }
0x273: {  	v2 =	vld [tilespmem:s20+$0xFFFFFE30];
	_ =	sdelay $0x4  }
0x274: {  	vm3 =	vgt.s32 v1, $0xFFFFFFFF;
	vm13 =	vne.s32 v2, $0x0  }
0x275: {  	vm14 =	vne.s32 v1, $0xFFFFFFFF;
	vm6 =	vmand vm3, vm13  }
0x276: {  	vm3 =	vmand vm14, vm13;
	v1 =	vsel vm6, v1, v2  }
0x277: {  	v2 =	vnsel vm3, $0xFFFFFFFF, v2;
	[tilespmem:s21+$0xFFFFFE30] =	vst v1  }
0x278: {  	[tilespmem:s22+$0xFFFFFE30] =	vst v2  }
0x279: {  	v1 =	vld [tilespmem:s19+$0xFFFFFE40]  }
0x27a: {  	v2 =	vld [tilespmem:s20+$0xFFFFFE40];
	_ =	sdelay $0x4  }
0x27b: {  	vm15 =	vgt.s32 v1, $0xFFFFFFFF;
	vm9 =	vne.s32 v2, $0x0  }
0x27c: {  	vm10 =	vne.s32 v1, $0xFFFFFFFF;
	vm7 =	vmand vm15, vm9  }
0x27d: {  	vm4 =	vmand vm10, vm9;
	v1 =	vsel vm7, v1, v2  }
0x27e: {  	v2 =	vnsel vm4, $0xFFFFFFFF, v2;
	[tilespmem:s21+$0xFFFFFE40] =	vst v1  }
0x27f: {  	[tilespmem:s22+$0xFFFFFE40] =	vst v2  }
0x280: {  	v1 =	vld [tilespmem:s19+$0xFFFFFE50]  }
0x281: {  	v2 =	vld [tilespmem:s20+$0xFFFFFE50];
	_ =	sdelay $0x4  }
0x282: {  	vm11 =	vgt.s32 v1, $0xFFFFFFFF;
	vm12 =	vne.s32 v2, $0x0  }
0x283: {  	vm13 =	vne.s32 v1, $0xFFFFFFFF;
	vm8 =	vmand vm11, vm12  }
0x284: {  	vm5 =	vmand vm13, vm12;
	v1 =	vsel vm8, v1, v2  }
0x285: {  	v2 =	vnsel vm5, $0xFFFFFFFF, v2;
	[tilespmem:s21+$0xFFFFFE50] =	vst v1  }
0x286: {  	[tilespmem:s22+$0xFFFFFE50] =	vst v2  }
0x287: {  	v1 =	vld [tilespmem:s19+$0xFFFFFE60]  }
0x288: {  	v2 =	vld [tilespmem:s20+$0xFFFFFE60];
	_ =	sdelay $0x4  }
0x289: {  	vm14 =	vgt.s32 v1, $0xFFFFFFFF;
	vm15 =	vne.s32 v2, $0x0  }
0x28a: {  	vm12 =	vne.s32 v1, $0xFFFFFFFF;
	vm9 =	vmand vm14, vm15  }
0x28b: {  	vm6 =	vmand vm12, vm15;
	v1 =	vsel vm9, v1, v2  }
0x28c: {  	v2 =	vnsel vm6, $0xFFFFFFFF, v2;
	[tilespmem:s21+$0xFFFFFE60] =	vst v1  }
0x28d: {  	[tilespmem:s22+$0xFFFFFE60] =	vst v2  }
0x28e: {  	v1 =	vld [tilespmem:s19+$0xFFFFFE70]  }
0x28f: {  	v2 =	vld [tilespmem:s20+$0xFFFFFE70];
	_ =	sdelay $0x4  }
0x290: {  	vm13 =	vgt.s32 v1, $0xFFFFFFFF;
	vm14 =	vne.s32 v2, $0x0  }
0x291: {  	vm15 =	vne.s32 v1, $0xFFFFFFFF;
	vm10 =	vmand vm13, vm14  }
0x292: {  	vm7 =	vmand vm15, vm14;
	v1 =	vsel vm10, v1, v2  }
0x293: {  	v2 =	vnsel vm7, $0xFFFFFFFF, v2;
	[tilespmem:s21+$0xFFFFFE70] =	vst v1  }
0x294: {  	[tilespmem:s22+$0xFFFFFE70] =	vst v2  }
0x295: {  	v1 =	vld [tilespmem:s19+$0x0]  }
0x296: {  	v2 =	vld [tilespmem:s20+$0x0];
	_ =	sdelay $0x4  }
0x297: {  	vm12 =	vgt.s32 v1, $0xFFFFFFFF;
	vm13 =	vne.s32 v2, $0x0  }
0x298: {  	vm14 =	vne.s32 v1, $0xFFFFFFFF;
	vm11 =	vmand vm12, vm13  }
0x299: {  	vm8 =	vmand vm14, vm13;
	v1 =	vsel vm11, v1, v2  }
0x29a: {  	v2 =	vnsel vm8, $0xFFFFFFFF, v2;
	[tilespmem:s21+$0x0] =	vst v1  }
0x29b: {  	[tilespmem:s22+$0x0] =	vst v2  }
0x29c: {  	v1 =	vld [tilespmem:s19+$0x10]  }
0x29d: {  	v2 =	vld [tilespmem:s20+$0x10];
	_ =	sdelay $0x4  }
0x29e: {  	vm15 =	vgt.s32 v1, $0xFFFFFFFF;
	vm10 =	vne.s32 v2, $0x0  }
0x29f: {  	vm11 =	vne.s32 v1, $0xFFFFFFFF;
	vm12 =	vmand vm15, vm10  }
0x2a0: {  	vm9 =	vmand vm11, vm10;
	v1 =	vsel vm12, v1, v2  }
0x2a1: {  	v2 =	vnsel vm9, $0xFFFFFFFF, v2;
	[tilespmem:s21+$0x10] =	vst v1  }
0x2a2: {  	[tilespmem:s22+$0x10] =	vst v2  }
0x2a3: {  	v1 =	vld [tilespmem:s19+$0x20]  }
0x2a4: {  	v2 =	vld [tilespmem:s20+$0x20];
	_ =	sdelay $0x4  }
0x2a5: {  	vm10 =	vgt.s32 v1, $0xFFFFFFFF;
	vm11 =	vne.s32 v2, $0x0  }
0x2a6: {  	vm12 =	vne.s32 v1, $0xFFFFFFFF;
	vm13 =	vmand vm10, vm11  }
0x2a7: {  	vm10 =	vmand vm12, vm11;
	v1 =	vsel vm13, v1, v2  }
0x2a8: {  	v2 =	vnsel vm10, $0xFFFFFFFF, v2;
	[tilespmem:s21+$0x20] =	vst v1  }
0x2a9: {  	[tilespmem:s22+$0x20] =	vst v2  }
0x2aa: {  	v1 =	vld [tilespmem:s19+$0x30]  }
0x2ab: {  	v2 =	vld [tilespmem:s20+$0x30];
	_ =	sdelay $0x4  }
0x2ac: {  	vm11 =	vgt.s32 v1, $0xFFFFFFFF;
	vm12 =	vne.s32 v2, $0x0  }
0x2ad: {  	vm13 =	vne.s32 v1, $0xFFFFFFFF;
	vm14 =	vmand vm11, vm12  }
0x2ae: {  	vm11 =	vmand vm13, vm12;
	v1 =	vsel vm14, v1, v2  }
0x2af: {  	v2 =	vnsel vm11, $0xFFFFFFFF, v2;
	[tilespmem:s21+$0x30] =	vst v1  }
0x2b0: {  	[tilespmem:s22+$0x30] =	vst v2  }
0x2b1: {  	v1 =	vld [tilespmem:s19+$0x40]  }
0x2b2: {  	v2 =	vld [tilespmem:s20+$0x40];
	_ =	sdelay $0x4  }
0x2b3: {  	vm12 =	vgt.s32 v1, $0xFFFFFFFF;
	vm13 =	vne.s32 v2, $0x0  }
0x2b4: {  	vm14 =	vne.s32 v1, $0xFFFFFFFF;
	vm12 =	vmand vm12, vm13  }
0x2b5: {  	vm13 =	vmand vm14, vm13;
	v1 =	vsel vm12, v1, v2  }
0x2b6: {  	v2 =	vnsel vm13, $0xFFFFFFFF, v2;
	[tilespmem:s21+$0x40] =	vst v1  }
0x2b7: {  	[tilespmem:s22+$0x40] =	vst v2  }
0x2b8: {  	v1 =	vld [tilespmem:s19+$0x50]  }
0x2b9: {  	v2 =	vld [tilespmem:s20+$0x50];
	_ =	sdelay $0x1  }
0x2ba: {  	vm0 =	vmor vm0, vm1  }
0x2bb: {  	vm0 =	vmor vm0, vm2  }
0x2bc: {  	vm0 =	vmor vm0, vm3  }
0x2bd: {  	vm0 =	vmor vm0, vm4;
	vm1 =	vgt.s32 v1, $0xFFFFFFFF;
	vm2 =	vne.s32 v2, $0x0  }
0x2be: {  	vm0 =	vmor vm0, vm5;
	vm3 =	vne.s32 v1, $0xFFFFFFFF;
	vm1 =	vmand vm1, vm2  }
0x2bf: {  	vm0 =	vmor vm0, vm6;
	vm2 =	vmand vm3, vm2;
	v1 =	vsel vm1, v1, v2  }
0x2c0: {  	vm0 =	vmor vm0, vm7;
	v2 =	vnsel vm2, $0xFFFFFFFF, v2;
	[tilespmem:s21+$0x50] =	vst v1  }
0x2c1: {  	vm0 =	vmor vm0, vm8;
	[tilespmem:s22+$0x50] =	vst v2  }
0x2c2: {  	vm0 =	vmor vm0, vm9;
	v2 =	vld [tilespmem:s19+$0x60]  }
0x2c3: {  	vm0 =	vmor vm0, vm10;
	v3 =	vld [tilespmem:s20+$0x60]  }
0x2c4: {  	vm0 =	vmor vm0, vm11  }
0x2c5: {  	vm0 =	vmor vm0, vm13  }
0x2c6: {  	s25 =	simm.s32 $0x0;
	s26 =	simm.s32 $0x700;
	vm0 =	vmor vm0, vm2  }
0x2c7: {  	s28 =	simm.s32 $0x4700;
	s24 =	simm.s32 $0x8700;
	s23 =	simm.s32 $0xC700;
	v1 =	vimm.s32 $0x0;
	vm1 =	vne.s32 v2, $0xFFFFFFFF;
	vm2 =	vgt.s32 v2, $0xFFFFFFFF  }
.LBB2_6:
0x2c8: {  	s25 =	sadd.s32 $0x10, s25;
	vm3 =	vne.s32 v3, $0x0;
	s22 =	sadd.s32 $0x400, s22;
	s21 =	sadd.s32 $0x400, s21  }
0x2c9: {  	p0 =	slt.u32 s25, $0xF0;
	vm1 =	vmand vm1, vm3;
	vm2 =	vmand vm2, vm3  }
0x2ca: {  	v2 =	vsel vm2, v2, v3;
	v3 =	vnsel vm1, $0xFFFFFFFF, v3;
	vm0 =	vmor vm0, vm1  }
0x2cb: {  	[tilespmem:s24+$0x60] =	vst v2  }
0x2cc: {  	[tilespmem:s23+$0x60] =	vst v3  }
0x2cd: {  	v2 =	vld [tilespmem:s19+$0x70];
	s19 =	smov.u32 s28  }
0x2ce: {  	v3 =	vld [tilespmem:s20+$0x70];
	s20 =	smov.u32 s26;
	_ =	sdelay $0x3  }
0x2cf: {  	vm1 =	vne.s32 v2, $0xFFFFFFFF;
	vm2 =	vgt.s32 v2, $0xFFFFFFFF  }
0x2d0: {  	vm3 =	vne.s32 v3, $0x0  }
0x2d1: {  	vm1 =	vmand vm1, vm3;
	vm2 =	vmand vm2, vm3  }
0x2d2: {  	v2 =	vsel vm2, v2, v3;
	v3 =	vnsel vm1, $0xFFFFFFFF, v3;
	vm0 =	vmor vm0, vm1  }
0x2d3: {  	[tilespmem:s24+$0x70] =	vst v2;
	v2 =	vsel vm0, $0x1, v0;
	s24 =	smov.u32 s21  }
0x2d4: {  	[tilespmem:s23+$0x70] =	vst v3;
	v1 =	vor.u32 v2, v1;
	s23 =	smov.u32 s22  }
0x2d5: {  	v2 =	vld [tilespmem:s28+$0xFFFFFE00]  }
0x2d6: {  	v3 =	vld [tilespmem:s26+$0xFFFFFE00];
	_ =	sdelay $0x4  }
0x2d7: {  	vm0 =	vne.s32 v2, $0xFFFFFFFF;
	vm2 =	vgt.s32 v2, $0xFFFFFFFF;
	vm1 =	vne.s32 v3, $0x0  }
0x2d8: {  	vm0 =	vmand vm0, vm1;
	vm1 =	vmand vm2, vm1  }
0x2d9: {  	v2 =	vsel vm1, v2, v3;
	v3 =	vnsel vm0, $0xFFFFFFFF, v3  }
0x2da: {  	[tilespmem:s21+$0xFFFFFE00] =	vst v2  }
0x2db: {  	[tilespmem:s22+$0xFFFFFE00] =	vst v3  }
0x2dc: {  	v2 =	vld [tilespmem:s28+$0xFFFFFE10]  }
0x2dd: {  	v3 =	vld [tilespmem:s26+$0xFFFFFE10];
	_ =	sdelay $0x3  }
0x2de: {  	vm1 =	vgt.s32 v2, $0xFFFFFFFF  }
0x2df: {  	vm2 =	vne.s32 v2, $0xFFFFFFFF;
	vm3 =	vne.s32 v3, $0x0  }
0x2e0: {  	vm2 =	vmand vm2, vm3;
	vm1 =	vmand vm1, vm3  }
0x2e1: {  	v2 =	vsel vm1, v2, v3;
	v3 =	vnsel vm2, $0xFFFFFFFF, v3;
	vm0 =	vmor vm0, vm2  }
0x2e2: {  	[tilespmem:s21+$0xFFFFFE10] =	vst v2  }
0x2e3: {  	[tilespmem:s22+$0xFFFFFE10] =	vst v3  }
0x2e4: {  	v2 =	vld [tilespmem:s28+$0xFFFFFE20]  }
0x2e5: {  	v3 =	vld [tilespmem:s26+$0xFFFFFE20];
	_ =	sdelay $0x3  }
0x2e6: {  	vm1 =	vne.s32 v2, $0xFFFFFFFF;
	vm2 =	vgt.s32 v2, $0xFFFFFFFF  }
0x2e7: {  	vm3 =	vne.s32 v3, $0x0  }
0x2e8: {  	vm1 =	vmand vm1, vm3;
	vm2 =	vmand vm2, vm3  }
0x2e9: {  	v2 =	vsel vm2, v2, v3;
	v3 =	vnsel vm1, $0xFFFFFFFF, v3  }
0x2ea: {  	[tilespmem:s21+$0xFFFFFE20] =	vst v2  }
0x2eb: {  	[tilespmem:s22+$0xFFFFFE20] =	vst v3  }
0x2ec: {  	v2 =	vld [tilespmem:s28+$0xFFFFFE30]  }
0x2ed: {  	v3 =	vld [tilespmem:s26+$0xFFFFFE30];
	_ =	sdelay $0x3  }
0x2ee: {  	vm2 =	vne.s32 v2, $0xFFFFFFFF;
	vm3 =	vgt.s32 v2, $0xFFFFFFFF  }
0x2ef: {  	vm4 =	vne.s32 v3, $0x0  }
0x2f0: {  	vm2 =	vmand vm2, vm4;
	vm3 =	vmand vm3, vm4  }
0x2f1: {  	v2 =	vsel vm3, v2, v3;
	v3 =	vnsel vm2, $0xFFFFFFFF, v3  }
0x2f2: {  	[tilespmem:s21+$0xFFFFFE30] =	vst v2  }
0x2f3: {  	[tilespmem:s22+$0xFFFFFE30] =	vst v3  }
0x2f4: {  	v2 =	vld [tilespmem:s28+$0xFFFFFE40]  }
0x2f5: {  	v3 =	vld [tilespmem:s26+$0xFFFFFE40];
	_ =	sdelay $0x3  }
0x2f6: {  	vm3 =	vne.s32 v2, $0xFFFFFFFF;
	vm4 =	vgt.s32 v2, $0xFFFFFFFF  }
0x2f7: {  	vm5 =	vne.s32 v3, $0x0  }
0x2f8: {  	vm3 =	vmand vm3, vm5;
	vm4 =	vmand vm4, vm5  }
0x2f9: {  	v2 =	vsel vm4, v2, v3;
	v3 =	vnsel vm3, $0xFFFFFFFF, v3  }
0x2fa: {  	[tilespmem:s21+$0xFFFFFE40] =	vst v2  }
0x2fb: {  	[tilespmem:s22+$0xFFFFFE40] =	vst v3  }
0x2fc: {  	v2 =	vld [tilespmem:s28+$0xFFFFFE50]  }
0x2fd: {  	v3 =	vld [tilespmem:s26+$0xFFFFFE50];
	_ =	sdelay $0x3  }
0x2fe: {  	vm4 =	vne.s32 v2, $0xFFFFFFFF;
	vm5 =	vgt.s32 v2, $0xFFFFFFFF  }
0x2ff: {  	vm6 =	vne.s32 v3, $0x0  }
0x300: {  	vm4 =	vmand vm4, vm6;
	vm5 =	vmand vm5, vm6  }
0x301: {  	v2 =	vsel vm5, v2, v3;
	v3 =	vnsel vm4, $0xFFFFFFFF, v3  }
0x302: {  	[tilespmem:s21+$0xFFFFFE50] =	vst v2  }
0x303: {  	[tilespmem:s22+$0xFFFFFE50] =	vst v3  }
0x304: {  	v2 =	vld [tilespmem:s28+$0xFFFFFE60]  }
0x305: {  	v3 =	vld [tilespmem:s26+$0xFFFFFE60];
	_ =	sdelay $0x3  }
0x306: {  	vm5 =	vne.s32 v2, $0xFFFFFFFF;
	vm6 =	vgt.s32 v2, $0xFFFFFFFF  }
0x307: {  	vm7 =	vne.s32 v3, $0x0  }
0x308: {  	vm5 =	vmand vm5, vm7;
	vm6 =	vmand vm6, vm7  }
0x309: {  	v2 =	vsel vm6, v2, v3;
	v3 =	vnsel vm5, $0xFFFFFFFF, v3  }
0x30a: {  	[tilespmem:s21+$0xFFFFFE60] =	vst v2  }
0x30b: {  	[tilespmem:s22+$0xFFFFFE60] =	vst v3  }
0x30c: {  	v2 =	vld [tilespmem:s28+$0xFFFFFE70]  }
0x30d: {  	v3 =	vld [tilespmem:s26+$0xFFFFFE70];
	_ =	sdelay $0x3  }
0x30e: {  	vm6 =	vne.s32 v2, $0xFFFFFFFF;
	vm7 =	vgt.s32 v2, $0xFFFFFFFF  }
0x30f: {  	vm8 =	vne.s32 v3, $0x0  }
0x310: {  	vm6 =	vmand vm6, vm8;
	vm7 =	vmand vm7, vm8  }
0x311: {  	v2 =	vsel vm7, v2, v3;
	v3 =	vnsel vm6, $0xFFFFFFFF, v3  }
0x312: {  	[tilespmem:s21+$0xFFFFFE70] =	vst v2  }
0x313: {  	[tilespmem:s22+$0xFFFFFE70] =	vst v3  }
0x314: {  	v2 =	vld [tilespmem:s28+$0x0]  }
0x315: {  	v3 =	vld [tilespmem:s26+$0x0];
	_ =	sdelay $0x3  }
0x316: {  	vm7 =	vne.s32 v2, $0xFFFFFFFF;
	vm8 =	vgt.s32 v2, $0xFFFFFFFF  }
0x317: {  	vm9 =	vne.s32 v3, $0x0  }
0x318: {  	vm7 =	vmand vm7, vm9;
	vm8 =	vmand vm8, vm9  }
0x319: {  	v2 =	vsel vm8, v2, v3;
	v3 =	vnsel vm7, $0xFFFFFFFF, v3  }
0x31a: {  	[tilespmem:s21+$0x0] =	vst v2  }
0x31b: {  	[tilespmem:s22+$0x0] =	vst v3  }
0x31c: {  	v2 =	vld [tilespmem:s28+$0x10]  }
0x31d: {  	v3 =	vld [tilespmem:s26+$0x10];
	_ =	sdelay $0x3  }
0x31e: {  	vm8 =	vne.s32 v2, $0xFFFFFFFF;
	vm9 =	vgt.s32 v2, $0xFFFFFFFF  }
0x31f: {  	vm10 =	vne.s32 v3, $0x0  }
0x320: {  	vm8 =	vmand vm8, vm10;
	vm9 =	vmand vm9, vm10  }
0x321: {  	v2 =	vsel vm9, v2, v3;
	v3 =	vnsel vm8, $0xFFFFFFFF, v3  }
0x322: {  	[tilespmem:s21+$0x10] =	vst v2  }
0x323: {  	[tilespmem:s22+$0x10] =	vst v3  }
0x324: {  	v2 =	vld [tilespmem:s28+$0x20]  }
0x325: {  	v3 =	vld [tilespmem:s26+$0x20];
	_ =	sdelay $0x3  }
0x326: {  	vm9 =	vne.s32 v2, $0xFFFFFFFF;
	vm10 =	vgt.s32 v2, $0xFFFFFFFF  }
0x327: {  	vm11 =	vne.s32 v3, $0x0  }
0x328: {  	vm9 =	vmand vm9, vm11;
	vm10 =	vmand vm10, vm11  }
0x329: {  	v2 =	vsel vm10, v2, v3;
	v3 =	vnsel vm9, $0xFFFFFFFF, v3  }
0x32a: {  	[tilespmem:s21+$0x20] =	vst v2  }
0x32b: {  	[tilespmem:s22+$0x20] =	vst v3  }
0x32c: {  	v2 =	vld [tilespmem:s28+$0x30]  }
0x32d: {  	v3 =	vld [tilespmem:s26+$0x30];
	_ =	sdelay $0x3  }
0x32e: {  	vm10 =	vne.s32 v2, $0xFFFFFFFF;
	vm11 =	vgt.s32 v2, $0xFFFFFFFF  }
0x32f: {  	vm12 =	vne.s32 v3, $0x0  }
0x330: {  	vm10 =	vmand vm10, vm12;
	vm11 =	vmand vm11, vm12  }
0x331: {  	v2 =	vsel vm11, v2, v3;
	v3 =	vnsel vm10, $0xFFFFFFFF, v3  }
0x332: {  	[tilespmem:s21+$0x30] =	vst v2  }
0x333: {  	[tilespmem:s22+$0x30] =	vst v3  }
0x334: {  	v2 =	vld [tilespmem:s28+$0x40]  }
0x335: {  	v3 =	vld [tilespmem:s26+$0x40];
	_ =	sdelay $0x3  }
0x336: {  	vm11 =	vne.s32 v2, $0xFFFFFFFF;
	vm12 =	vgt.s32 v2, $0xFFFFFFFF  }
0x337: {  	vm13 =	vne.s32 v3, $0x0  }
0x338: {  	vm11 =	vmand vm11, vm13;
	vm12 =	vmand vm12, vm13  }
0x339: {  	v2 =	vsel vm12, v2, v3;
	v3 =	vnsel vm11, $0xFFFFFFFF, v3  }
0x33a: {  	[tilespmem:s21+$0x40] =	vst v2  }
0x33b: {  	[tilespmem:s22+$0x40] =	vst v3  }
0x33c: {  	v2 =	vld [tilespmem:s28+$0x50]  }
0x33d: {  	v3 =	vld [tilespmem:s26+$0x50]  }
0x33e: {  	vm0 =	vmor vm0, vm1  }
0x33f: {  	vm0 =	vmor vm0, vm2  }
0x340: {  	vm0 =	vmor vm0, vm3  }
0x341: {  	vm0 =	vmor vm0, vm4;
	vm1 =	vne.s32 v2, $0xFFFFFFFF;
	vm2 =	vgt.s32 v2, $0xFFFFFFFF  }
0x342: {  	vm0 =	vmor vm0, vm5;
	vm3 =	vne.s32 v3, $0x0  }
0x343: {  	vm0 =	vmor vm0, vm6;
	vm1 =	vmand vm1, vm3;
	vm2 =	vmand vm2, vm3  }
0x344: {  	vm0 =	vmor vm0, vm7;
	v2 =	vsel vm2, v2, v3;
	v3 =	vnsel vm1, $0xFFFFFFFF, v3  }
0x345: {  	vm0 =	vmor vm0, vm8;
	[tilespmem:s21+$0x50] =	vst v2  }
0x346: {  	vm0 =	vmor vm0, vm9;
	[tilespmem:s22+$0x50] =	vst v3  }
0x347: {  	vm0 =	vmor vm0, vm10;
	v2 =	vld [tilespmem:s28+$0x60]  }
.Ltmp2:
0x348: {  	vm0 =	vmor vm0, vm11;
	v3 =	vld [tilespmem:s26+$0x60];
	(pc) =	sbr.rel @p0 .LBB2_6-.Ltmp2, $2  }
0x349: {  	vm0 =	vmor vm0, vm1;
	_ =	sdelay $0x2  }
0x34a: {  	s28 =	sadd.s32 $0x400, s28;
	s26 =	sadd.s32 $0x400, s26;
	vm1 =	vne.s32 v2, $0xFFFFFFFF;
	vm2 =	vgt.s32 v2, $0xFFFFFFFF  }
0x34b: {  	vm3 =	vne.s32 v3, $0x0  }
0x34c: {  	vm2 =	vmand vm2, vm3  }
0x34d: {  	vm1 =	vmand vm1, vm3;
	v2 =	vsel vm2, v2, v3  }
0x34e: {  	v3 =	vnsel vm1, $0xFFFFFFFF, v3;
	[tilespmem:s24+$0x60] =	vst v2  }
0x34f: {  	[tilespmem:s23+$0x60] =	vst v3  }
0x350: {  	v2 =	vld [tilespmem:s19+$0x70]  }
0x351: {  	v3 =	vld [tilespmem:s20+$0x70];
	_ =	sdelay $0x4  }
0x352: {  	vm2 =	vgt.s32 v2, $0xFFFFFFFF;
	vm3 =	vne.s32 v3, $0x0  }
0x353: {  	vm4 =	vne.s32 v2, $0xFFFFFFFF;
	vm2 =	vmand vm2, vm3  }
0x354: {  	vm0 =	vmor vm0, vm1;
	vm1 =	vmand vm4, vm3;
	v2 =	vsel vm2, v2, v3  }
0x355: {  	v3 =	vnsel vm1, $0xFFFFFFFF, v3;
	vm0 =	vmor vm0, vm1;
	[tilespmem:s24+$0x70] =	vst v2  }
0x356: {  	v2 =	vsel vm0, $0x1, v0;
	[tilespmem:s23+$0x70] =	vst v3  }
0x357: {  	v1 =	vor.u32 v2, v1;
	[tilespmem:$0x10410] =	vst v0  }
0x358: {  	[tilespmem:$0x10400] =	vst v1  }
0x359: {  	v2 =	vld [tilespmem:$0x10408];
	_ =	sdelay $0x4  }
0x35a: {  	v1 =	vor.u32 v1, v2  }
0x35b: {  	[tilespmem:$0x10400] =	vst v1  }
0x35c: {  	v2 =	vld [tilespmem:$0x10404];
	_ =	sdelay $0x4  }
0x35d: {  	v1 =	vor.u32 v1, v2  }
0x35e: {  	[tilespmem:$0x10400] =	vst v1  }
0x35f: {  	v2 =	vld [tilespmem:$0x10402];
	_ =	sdelay $0x4  }
0x360: {  	v1 =	vor.u32 v1, v2  }
0x361: {  	[tilespmem:$0x10400] =	vst v1  }
0x362: {  	v2 =	vld [tilespmem:$0x10401];
	_ =	sdelay $0x3  }
0x363: {  	(v2sf) =	vpush v1, $0x0  }
0x364: {  	(v2sf) =	vpush v2, $0x0;
	_ =	sdelay $0xd  }
0x365: {  	s30 =	spop (v2sf)  }
0x366: {  	s31 =	spop (v2sf)  }
0x367: {  	s19 =	sor.u32 s30, s31  }
0x368: {  	p0 =	sne.s32 s19, $0x0  }
0x369: {  	v1 =	vld @!p0 [tilespmem:$0x8100];
	_ =	sdelay $0x4  }
0x36a: {  	(v2sf) =	vpush @!p0 v1, $0x0;
	_ =	sdelay $0xe  }
0x36b: {  	s19 =	spop @!p0 (v2sf)  }
0x36c: {  	s20 =	sshll.u32 @!p0 s19, $0x2  }
0x36d: {  	s21 =	sand.u32 @!p0 $0x70, s19;
	s20 =	sand.u32 @!p0 $0xFFFFFE00, s20  }
0x36e: {  	s20 =	sor.u32 @!p0 s20, s21  }
0x36f: {  	v1 =	vld @!p0 [tilespmem:s20+$0x100]  }
0x370: {  	v2 =	vld @!p0 [tilespmem:s20+$0x4100]  }
0x371: {  	v3 =	vld @!p0 [tilespmem:$0x8300];
	_ =	sdelay $0x1  }
0x372: {  	s19 =	sand.u32 @!p0 $0xF, s19  }
0x373: {  	v5 =	vlaneseq.u32 @!p0;
	v4 =	vmov @!p0 s19  }
0x374: {  	vm0 =	veq.s32 @!p0 v4, v5;
	vm1 =	vne.s32 @!p0 v2, $0xFFFFFFFF;
	vm2 =	vne.s32 @!p0 v1, $0x0  }
0x375: {  	v2 =	vsel @!p0 vm0, v3, v2;
	vm1 =	vmand @!p0 vm2, vm1  }
0x376: {  	vm0 =	vmor @!p0 vm1, vm0;
	vm1 =	vgt.s32 @!p0 v2, $0xFFFFFFFF  }
0x377: {  	vm1 =	vmand @!p0 vm0, vm1  }
0x378: {  	v2 =	vsel @!p0 vm1, v2, v1  }
0x379: {  	v1 =	vnsel @!p0 vm0, $0xFFFFFFFF, v1;
	[tilespmem:s20+$0x8500] =	vst @!p0 v2  }
0x37a: {  	s19 =	simm.s32 $0x4380;
	[tilespmem:s20+$0xC500] =	vst @!p0 v1  }
0x37b: {  	s20 =	simm.s32 $0x380;
	v1 =	vld [tilespmem:s19+$0xFFFFFE00]  }
0x37c: {  	v2 =	vld [tilespmem:s20+$0xFFFFFE00];
	_ =	sdelay $0x4  }
0x37d: {  	vm0 =	vne.s32 v2, $0x0;
	vm1 =	vgt.s32 v1, $0xFFFFFFFF  }
0x37e: {  	vm2 =	vne.s32 v1, $0xFFFFFFFF;
	vm1 =	vmand vm1, vm0  }
0x37f: {  	s21 =	simm.s32 $0x8780;
	vm0 =	vmand vm2, vm0;
	v1 =	vsel vm1, v1, v2  }
0x380: {  	s22 =	simm.s32 $0xC780;
	v2 =	vnsel vm0, $0xFFFFFFFF, v2;
	[tilespmem:s21+$0xFFFFFE00] =	vst v1  }
0x381: {  	[tilespmem:s22+$0xFFFFFE00] =	vst v2  }
0x382: {  	v1 =	vld [tilespmem:s19+$0xFFFFFE10]  }
0x383: {  	v2 =	vld [tilespmem:s20+$0xFFFFFE10];
	_ =	sdelay $0x4  }
0x384: {  	vm1 =	vgt.s32 v1, $0xFFFFFFFF;
	vm2 =	vne.s32 v2, $0x0  }
0x385: {  	vm3 =	vne.s32 v1, $0xFFFFFFFF;
	vm11 =	vmand vm1, vm2  }
0x386: {  	vm1 =	vmand vm3, vm2;
	v1 =	vsel vm11, v1, v2  }
0x387: {  	v2 =	vnsel vm1, $0xFFFFFFFF, v2;
	[tilespmem:s21+$0xFFFFFE10] =	vst v1  }
0x388: {  	[tilespmem:s22+$0xFFFFFE10] =	vst v2  }
0x389: {  	v1 =	vld [tilespmem:s19+$0xFFFFFE20]  }
0x38a: {  	v2 =	vld [tilespmem:s20+$0xFFFFFE20];
	_ =	sdelay $0x4  }
0x38b: {  	vm2 =	vgt.s32 v1, $0xFFFFFFFF;
	vm3 =	vne.s32 v2, $0x0  }
0x38c: {  	vm12 =	vne.s32 v1, $0xFFFFFFFF;
	vm5 =	vmand vm2, vm3  }
0x38d: {  	vm2 =	vmand vm12, vm3;
	v1 =	vsel vm5, v1, v2  }
0x38e: {  	v2 =	vnsel vm2, $0xFFFFFFFF, v2;
	[tilespmem:s21+$0xFFFFFE20] =	vst v1  }
0x38f: {  	[tilespmem:s22+$0xFFFFFE20] =	vst v2  }
0x390: {  	v1 =	vld [tilespmem:s19+$0xFFFFFE30]  }
0x391: {  	v2 =	vld [tilespmem:s20+$0xFFFFFE30];
	_ =	sdelay $0x4  }
0x392: {  	vm3 =	vgt.s32 v1, $0xFFFFFFFF;
	vm13 =	vne.s32 v2, $0x0  }
0x393: {  	vm14 =	vne.s32 v1, $0xFFFFFFFF;
	vm6 =	vmand vm3, vm13  }
0x394: {  	vm3 =	vmand vm14, vm13;
	v1 =	vsel vm6, v1, v2  }
0x395: {  	v2 =	vnsel vm3, $0xFFFFFFFF, v2;
	[tilespmem:s21+$0xFFFFFE30] =	vst v1  }
0x396: {  	[tilespmem:s22+$0xFFFFFE30] =	vst v2  }
0x397: {  	v1 =	vld [tilespmem:s19+$0xFFFFFE40]  }
0x398: {  	v2 =	vld [tilespmem:s20+$0xFFFFFE40];
	_ =	sdelay $0x4  }
0x399: {  	vm15 =	vgt.s32 v1, $0xFFFFFFFF;
	vm9 =	vne.s32 v2, $0x0  }
0x39a: {  	vm10 =	vne.s32 v1, $0xFFFFFFFF;
	vm7 =	vmand vm15, vm9  }
0x39b: {  	vm4 =	vmand vm10, vm9;
	v1 =	vsel vm7, v1, v2  }
0x39c: {  	v2 =	vnsel vm4, $0xFFFFFFFF, v2;
	[tilespmem:s21+$0xFFFFFE40] =	vst v1  }
0x39d: {  	[tilespmem:s22+$0xFFFFFE40] =	vst v2  }
0x39e: {  	v1 =	vld [tilespmem:s19+$0xFFFFFE50]  }
0x39f: {  	v2 =	vld [tilespmem:s20+$0xFFFFFE50];
	_ =	sdelay $0x4  }
0x3a0: {  	vm11 =	vgt.s32 v1, $0xFFFFFFFF;
	vm12 =	vne.s32 v2, $0x0  }
0x3a1: {  	vm13 =	vne.s32 v1, $0xFFFFFFFF;
	vm8 =	vmand vm11, vm12  }
0x3a2: {  	vm5 =	vmand vm13, vm12;
	v1 =	vsel vm8, v1, v2  }
0x3a3: {  	v2 =	vnsel vm5, $0xFFFFFFFF, v2;
	[tilespmem:s21+$0xFFFFFE50] =	vst v1  }
0x3a4: {  	[tilespmem:s22+$0xFFFFFE50] =	vst v2  }
0x3a5: {  	v1 =	vld [tilespmem:s19+$0xFFFFFE60]  }
0x3a6: {  	v2 =	vld [tilespmem:s20+$0xFFFFFE60];
	_ =	sdelay $0x4  }
0x3a7: {  	vm14 =	vgt.s32 v1, $0xFFFFFFFF;
	vm15 =	vne.s32 v2, $0x0  }
0x3a8: {  	vm12 =	vne.s32 v1, $0xFFFFFFFF;
	vm9 =	vmand vm14, vm15  }
0x3a9: {  	vm6 =	vmand vm12, vm15;
	v1 =	vsel vm9, v1, v2  }
0x3aa: {  	v2 =	vnsel vm6, $0xFFFFFFFF, v2;
	[tilespmem:s21+$0xFFFFFE60] =	vst v1  }
0x3ab: {  	[tilespmem:s22+$0xFFFFFE60] =	vst v2  }
0x3ac: {  	v1 =	vld [tilespmem:s19+$0xFFFFFE70]  }
0x3ad: {  	v2 =	vld [tilespmem:s20+$0xFFFFFE70];
	_ =	sdelay $0x4  }
0x3ae: {  	vm13 =	vgt.s32 v1, $0xFFFFFFFF;
	vm14 =	vne.s32 v2, $0x0  }
0x3af: {  	vm15 =	vne.s32 v1, $0xFFFFFFFF;
	vm10 =	vmand vm13, vm14  }
0x3b0: {  	vm7 =	vmand vm15, vm14;
	v1 =	vsel vm10, v1, v2  }
0x3b1: {  	v2 =	vnsel vm7, $0xFFFFFFFF, v2;
	[tilespmem:s21+$0xFFFFFE70] =	vst v1  }
0x3b2: {  	[tilespmem:s22+$0xFFFFFE70] =	vst v2  }
0x3b3: {  	v1 =	vld [tilespmem:s19+$0x0]  }
0x3b4: {  	v2 =	vld [tilespmem:s20+$0x0];
	_ =	sdelay $0x4  }
0x3b5: {  	vm12 =	vgt.s32 v1, $0xFFFFFFFF;
	vm13 =	vne.s32 v2, $0x0  }
0x3b6: {  	vm14 =	vne.s32 v1, $0xFFFFFFFF;
	vm11 =	vmand vm12, vm13  }
0x3b7: {  	vm8 =	vmand vm14, vm13;
	v1 =	vsel vm11, v1, v2  }
0x3b8: {  	v2 =	vnsel vm8, $0xFFFFFFFF, v2;
	[tilespmem:s21+$0x0] =	vst v1  }
0x3b9: {  	[tilespmem:s22+$0x0] =	vst v2  }
0x3ba: {  	v1 =	vld [tilespmem:s19+$0x10]  }
0x3bb: {  	v2 =	vld [tilespmem:s20+$0x10];
	_ =	sdelay $0x4  }
0x3bc: {  	vm15 =	vgt.s32 v1, $0xFFFFFFFF;
	vm10 =	vne.s32 v2, $0x0  }
0x3bd: {  	vm11 =	vne.s32 v1, $0xFFFFFFFF;
	vm12 =	vmand vm15, vm10  }
0x3be: {  	vm9 =	vmand vm11, vm10;
	v1 =	vsel vm12, v1, v2  }
0x3bf: {  	v2 =	vnsel vm9, $0xFFFFFFFF, v2;
	[tilespmem:s21+$0x10] =	vst v1  }
0x3c0: {  	[tilespmem:s22+$0x10] =	vst v2  }
0x3c1: {  	v1 =	vld [tilespmem:s19+$0x20]  }
0x3c2: {  	v2 =	vld [tilespmem:s20+$0x20];
	_ =	sdelay $0x4  }
0x3c3: {  	vm10 =	vgt.s32 v1, $0xFFFFFFFF;
	vm11 =	vne.s32 v2, $0x0  }
0x3c4: {  	vm12 =	vne.s32 v1, $0xFFFFFFFF;
	vm13 =	vmand vm10, vm11  }
0x3c5: {  	vm10 =	vmand vm12, vm11;
	v1 =	vsel vm13, v1, v2  }
0x3c6: {  	v2 =	vnsel vm10, $0xFFFFFFFF, v2;
	[tilespmem:s21+$0x20] =	vst v1  }
0x3c7: {  	[tilespmem:s22+$0x20] =	vst v2  }
0x3c8: {  	v1 =	vld [tilespmem:s19+$0x30]  }
0x3c9: {  	v2 =	vld [tilespmem:s20+$0x30];
	_ =	sdelay $0x4  }
0x3ca: {  	vm11 =	vgt.s32 v1, $0xFFFFFFFF;
	vm12 =	vne.s32 v2, $0x0  }
0x3cb: {  	vm13 =	vne.s32 v1, $0xFFFFFFFF;
	vm14 =	vmand vm11, vm12  }
0x3cc: {  	vm11 =	vmand vm13, vm12;
	v1 =	vsel vm14, v1, v2  }
0x3cd: {  	v2 =	vnsel vm11, $0xFFFFFFFF, v2;
	[tilespmem:s21+$0x30] =	vst v1  }
0x3ce: {  	[tilespmem:s22+$0x30] =	vst v2  }
0x3cf: {  	v1 =	vld [tilespmem:s19+$0x40]  }
0x3d0: {  	v2 =	vld [tilespmem:s20+$0x40];
	_ =	sdelay $0x4  }
0x3d1: {  	vm12 =	vgt.s32 v1, $0xFFFFFFFF;
	vm13 =	vne.s32 v2, $0x0  }
0x3d2: {  	vm14 =	vne.s32 v1, $0xFFFFFFFF;
	vm12 =	vmand vm12, vm13  }
0x3d3: {  	vm13 =	vmand vm14, vm13;
	v1 =	vsel vm12, v1, v2  }
0x3d4: {  	v2 =	vnsel vm13, $0xFFFFFFFF, v2;
	[tilespmem:s21+$0x40] =	vst v1  }
0x3d5: {  	[tilespmem:s22+$0x40] =	vst v2  }
0x3d6: {  	v1 =	vld [tilespmem:s19+$0x50]  }
0x3d7: {  	v2 =	vld [tilespmem:s20+$0x50];
	_ =	sdelay $0x1  }
0x3d8: {  	vm0 =	vmor vm0, vm1  }
0x3d9: {  	vm0 =	vmor vm0, vm2  }
0x3da: {  	vm0 =	vmor vm0, vm3  }
0x3db: {  	vm0 =	vmor vm0, vm4;
	vm1 =	vgt.s32 v1, $0xFFFFFFFF;
	vm2 =	vne.s32 v2, $0x0  }
0x3dc: {  	vm0 =	vmor vm0, vm5;
	vm3 =	vne.s32 v1, $0xFFFFFFFF;
	vm1 =	vmand vm1, vm2  }
0x3dd: {  	vm0 =	vmor vm0, vm6;
	vm2 =	vmand vm3, vm2;
	v1 =	vsel vm1, v1, v2  }
0x3de: {  	vm0 =	vmor vm0, vm7;
	v2 =	vnsel vm2, $0xFFFFFFFF, v2;
	[tilespmem:s21+$0x50] =	vst v1  }
0x3df: {  	vm0 =	vmor vm0, vm8;
	[tilespmem:s22+$0x50] =	vst v2  }
0x3e0: {  	vm0 =	vmor vm0, vm9;
	v2 =	vld [tilespmem:s19+$0x60]  }
0x3e1: {  	vm0 =	vmor vm0, vm10;
	v3 =	vld [tilespmem:s20+$0x60]  }
0x3e2: {  	vm0 =	vmor vm0, vm11  }
0x3e3: {  	vm0 =	vmor vm0, vm13  }
0x3e4: {  	s25 =	simm.s32 $0x0;
	s26 =	simm.s32 $0x780;
	vm0 =	vmor vm0, vm2  }
0x3e5: {  	s28 =	simm.s32 $0x4780;
	s24 =	simm.s32 $0x8780;
	s23 =	simm.s32 $0xC780;
	v1 =	vimm.s32 $0x0;
	vm1 =	vne.s32 v2, $0xFFFFFFFF;
	vm2 =	vgt.s32 v2, $0xFFFFFFFF  }
.LBB2_8:
0x3e6: {  	s25 =	sadd.s32 $0x10, s25;
	vm3 =	vne.s32 v3, $0x0;
	s22 =	sadd.s32 $0x400, s22;
	s21 =	sadd.s32 $0x400, s21  }
0x3e7: {  	p0 =	slt.u32 s25, $0xF0;
	vm1 =	vmand vm1, vm3;
	vm2 =	vmand vm2, vm3  }
0x3e8: {  	v2 =	vsel vm2, v2, v3;
	v3 =	vnsel vm1, $0xFFFFFFFF, v3;
	vm0 =	vmor vm0, vm1  }
0x3e9: {  	[tilespmem:s24+$0x60] =	vst v2  }
0x3ea: {  	[tilespmem:s23+$0x60] =	vst v3  }
0x3eb: {  	v2 =	vld [tilespmem:s19+$0x70];
	s19 =	smov.u32 s28  }
0x3ec: {  	v3 =	vld [tilespmem:s20+$0x70];
	s20 =	smov.u32 s26;
	_ =	sdelay $0x3  }
0x3ed: {  	vm1 =	vne.s32 v2, $0xFFFFFFFF;
	vm2 =	vgt.s32 v2, $0xFFFFFFFF  }
0x3ee: {  	vm3 =	vne.s32 v3, $0x0  }
0x3ef: {  	vm1 =	vmand vm1, vm3;
	vm2 =	vmand vm2, vm3  }
0x3f0: {  	v2 =	vsel vm2, v2, v3;
	v3 =	vnsel vm1, $0xFFFFFFFF, v3;
	vm0 =	vmor vm0, vm1  }
0x3f1: {  	[tilespmem:s24+$0x70] =	vst v2;
	v2 =	vsel vm0, $0x1, v0;
	s24 =	smov.u32 s21  }
0x3f2: {  	[tilespmem:s23+$0x70] =	vst v3;
	v1 =	vor.u32 v2, v1;
	s23 =	smov.u32 s22  }
0x3f3: {  	v2 =	vld [tilespmem:s28+$0xFFFFFE00]  }
0x3f4: {  	v3 =	vld [tilespmem:s26+$0xFFFFFE00];
	_ =	sdelay $0x4  }
0x3f5: {  	vm0 =	vne.s32 v2, $0xFFFFFFFF;
	vm2 =	vgt.s32 v2, $0xFFFFFFFF;
	vm1 =	vne.s32 v3, $0x0  }
0x3f6: {  	vm0 =	vmand vm0, vm1;
	vm1 =	vmand vm2, vm1  }
0x3f7: {  	v2 =	vsel vm1, v2, v3;
	v3 =	vnsel vm0, $0xFFFFFFFF, v3  }
0x3f8: {  	[tilespmem:s21+$0xFFFFFE00] =	vst v2  }
0x3f9: {  	[tilespmem:s22+$0xFFFFFE00] =	vst v3  }
0x3fa: {  	v2 =	vld [tilespmem:s28+$0xFFFFFE10]  }
0x3fb: {  	v3 =	vld [tilespmem:s26+$0xFFFFFE10];
	_ =	sdelay $0x3  }
0x3fc: {  	vm1 =	vgt.s32 v2, $0xFFFFFFFF  }
0x3fd: {  	vm2 =	vne.s32 v2, $0xFFFFFFFF;
	vm3 =	vne.s32 v3, $0x0  }
0x3fe: {  	vm2 =	vmand vm2, vm3;
	vm1 =	vmand vm1, vm3  }
0x3ff: {  	v2 =	vsel vm1, v2, v3;
	v3 =	vnsel vm2, $0xFFFFFFFF, v3;
	vm0 =	vmor vm0, vm2  }
0x400: {  	[tilespmem:s21+$0xFFFFFE10] =	vst v2  }
0x401: {  	[tilespmem:s22+$0xFFFFFE10] =	vst v3  }
0x402: {  	v2 =	vld [tilespmem:s28+$0xFFFFFE20]  }
0x403: {  	v3 =	vld [tilespmem:s26+$0xFFFFFE20];
	_ =	sdelay $0x3  }
0x404: {  	vm1 =	vne.s32 v2, $0xFFFFFFFF;
	vm2 =	vgt.s32 v2, $0xFFFFFFFF  }
0x405: {  	vm3 =	vne.s32 v3, $0x0  }
0x406: {  	vm1 =	vmand vm1, vm3;
	vm2 =	vmand vm2, vm3  }
0x407: {  	v2 =	vsel vm2, v2, v3;
	v3 =	vnsel vm1, $0xFFFFFFFF, v3  }
0x408: {  	[tilespmem:s21+$0xFFFFFE20] =	vst v2  }
0x409: {  	[tilespmem:s22+$0xFFFFFE20] =	vst v3  }
0x40a: {  	v2 =	vld [tilespmem:s28+$0xFFFFFE30]  }
0x40b: {  	v3 =	vld [tilespmem:s26+$0xFFFFFE30];
	_ =	sdelay $0x3  }
0x40c: {  	vm2 =	vne.s32 v2, $0xFFFFFFFF;
	vm3 =	vgt.s32 v2, $0xFFFFFFFF  }
0x40d: {  	vm4 =	vne.s32 v3, $0x0  }
0x40e: {  	vm2 =	vmand vm2, vm4;
	vm3 =	vmand vm3, vm4  }
0x40f: {  	v2 =	vsel vm3, v2, v3;
	v3 =	vnsel vm2, $0xFFFFFFFF, v3  }
0x410: {  	[tilespmem:s21+$0xFFFFFE30] =	vst v2  }
0x411: {  	[tilespmem:s22+$0xFFFFFE30] =	vst v3  }
0x412: {  	v2 =	vld [tilespmem:s28+$0xFFFFFE40]  }
0x413: {  	v3 =	vld [tilespmem:s26+$0xFFFFFE40];
	_ =	sdelay $0x3  }
0x414: {  	vm3 =	vne.s32 v2, $0xFFFFFFFF;
	vm4 =	vgt.s32 v2, $0xFFFFFFFF  }
0x415: {  	vm5 =	vne.s32 v3, $0x0  }
0x416: {  	vm3 =	vmand vm3, vm5;
	vm4 =	vmand vm4, vm5  }
0x417: {  	v2 =	vsel vm4, v2, v3;
	v3 =	vnsel vm3, $0xFFFFFFFF, v3  }
0x418: {  	[tilespmem:s21+$0xFFFFFE40] =	vst v2  }
0x419: {  	[tilespmem:s22+$0xFFFFFE40] =	vst v3  }
0x41a: {  	v2 =	vld [tilespmem:s28+$0xFFFFFE50]  }
0x41b: {  	v3 =	vld [tilespmem:s26+$0xFFFFFE50];
	_ =	sdelay $0x3  }
0x41c: {  	vm4 =	vne.s32 v2, $0xFFFFFFFF;
	vm5 =	vgt.s32 v2, $0xFFFFFFFF  }
0x41d: {  	vm6 =	vne.s32 v3, $0x0  }
0x41e: {  	vm4 =	vmand vm4, vm6;
	vm5 =	vmand vm5, vm6  }
0x41f: {  	v2 =	vsel vm5, v2, v3;
	v3 =	vnsel vm4, $0xFFFFFFFF, v3  }
0x420: {  	[tilespmem:s21+$0xFFFFFE50] =	vst v2  }
0x421: {  	[tilespmem:s22+$0xFFFFFE50] =	vst v3  }
0x422: {  	v2 =	vld [tilespmem:s28+$0xFFFFFE60]  }
0x423: {  	v3 =	vld [tilespmem:s26+$0xFFFFFE60];
	_ =	sdelay $0x3  }
0x424: {  	vm5 =	vne.s32 v2, $0xFFFFFFFF;
	vm6 =	vgt.s32 v2, $0xFFFFFFFF  }
0x425: {  	vm7 =	vne.s32 v3, $0x0  }
0x426: {  	vm5 =	vmand vm5, vm7;
	vm6 =	vmand vm6, vm7  }
0x427: {  	v2 =	vsel vm6, v2, v3;
	v3 =	vnsel vm5, $0xFFFFFFFF, v3  }
0x428: {  	[tilespmem:s21+$0xFFFFFE60] =	vst v2  }
0x429: {  	[tilespmem:s22+$0xFFFFFE60] =	vst v3  }
0x42a: {  	v2 =	vld [tilespmem:s28+$0xFFFFFE70]  }
0x42b: {  	v3 =	vld [tilespmem:s26+$0xFFFFFE70];
	_ =	sdelay $0x3  }
0x42c: {  	vm6 =	vne.s32 v2, $0xFFFFFFFF;
	vm7 =	vgt.s32 v2, $0xFFFFFFFF  }
0x42d: {  	vm8 =	vne.s32 v3, $0x0  }
0x42e: {  	vm6 =	vmand vm6, vm8;
	vm7 =	vmand vm7, vm8  }
0x42f: {  	v2 =	vsel vm7, v2, v3;
	v3 =	vnsel vm6, $0xFFFFFFFF, v3  }
0x430: {  	[tilespmem:s21+$0xFFFFFE70] =	vst v2  }
0x431: {  	[tilespmem:s22+$0xFFFFFE70] =	vst v3  }
0x432: {  	v2 =	vld [tilespmem:s28+$0x0]  }
0x433: {  	v3 =	vld [tilespmem:s26+$0x0];
	_ =	sdelay $0x3  }
0x434: {  	vm7 =	vne.s32 v2, $0xFFFFFFFF;
	vm8 =	vgt.s32 v2, $0xFFFFFFFF  }
0x435: {  	vm9 =	vne.s32 v3, $0x0  }
0x436: {  	vm7 =	vmand vm7, vm9;
	vm8 =	vmand vm8, vm9  }
0x437: {  	v2 =	vsel vm8, v2, v3;
	v3 =	vnsel vm7, $0xFFFFFFFF, v3  }
0x438: {  	[tilespmem:s21+$0x0] =	vst v2  }
0x439: {  	[tilespmem:s22+$0x0] =	vst v3  }
0x43a: {  	v2 =	vld [tilespmem:s28+$0x10]  }
0x43b: {  	v3 =	vld [tilespmem:s26+$0x10];
	_ =	sdelay $0x3  }
0x43c: {  	vm8 =	vne.s32 v2, $0xFFFFFFFF;
	vm9 =	vgt.s32 v2, $0xFFFFFFFF  }
0x43d: {  	vm10 =	vne.s32 v3, $0x0  }
0x43e: {  	vm8 =	vmand vm8, vm10;
	vm9 =	vmand vm9, vm10  }
0x43f: {  	v2 =	vsel vm9, v2, v3;
	v3 =	vnsel vm8, $0xFFFFFFFF, v3  }
0x440: {  	[tilespmem:s21+$0x10] =	vst v2  }
0x441: {  	[tilespmem:s22+$0x10] =	vst v3  }
0x442: {  	v2 =	vld [tilespmem:s28+$0x20]  }
0x443: {  	v3 =	vld [tilespmem:s26+$0x20];
	_ =	sdelay $0x3  }
0x444: {  	vm9 =	vne.s32 v2, $0xFFFFFFFF;
	vm10 =	vgt.s32 v2, $0xFFFFFFFF  }
0x445: {  	vm11 =	vne.s32 v3, $0x0  }
0x446: {  	vm9 =	vmand vm9, vm11;
	vm10 =	vmand vm10, vm11  }
0x447: {  	v2 =	vsel vm10, v2, v3;
	v3 =	vnsel vm9, $0xFFFFFFFF, v3  }
0x448: {  	[tilespmem:s21+$0x20] =	vst v2  }
0x449: {  	[tilespmem:s22+$0x20] =	vst v3  }
0x44a: {  	v2 =	vld [tilespmem:s28+$0x30]  }
0x44b: {  	v3 =	vld [tilespmem:s26+$0x30];
	_ =	sdelay $0x3  }
0x44c: {  	vm10 =	vne.s32 v2, $0xFFFFFFFF;
	vm11 =	vgt.s32 v2, $0xFFFFFFFF  }
0x44d: {  	vm12 =	vne.s32 v3, $0x0  }
0x44e: {  	vm10 =	vmand vm10, vm12;
	vm11 =	vmand vm11, vm12  }
0x44f: {  	v2 =	vsel vm11, v2, v3;
	v3 =	vnsel vm10, $0xFFFFFFFF, v3  }
0x450: {  	[tilespmem:s21+$0x30] =	vst v2  }
0x451: {  	[tilespmem:s22+$0x30] =	vst v3  }
0x452: {  	v2 =	vld [tilespmem:s28+$0x40]  }
0x453: {  	v3 =	vld [tilespmem:s26+$0x40];
	_ =	sdelay $0x3  }
0x454: {  	vm11 =	vne.s32 v2, $0xFFFFFFFF;
	vm12 =	vgt.s32 v2, $0xFFFFFFFF  }
0x455: {  	vm13 =	vne.s32 v3, $0x0  }
0x456: {  	vm11 =	vmand vm11, vm13;
	vm12 =	vmand vm12, vm13  }
0x457: {  	v2 =	vsel vm12, v2, v3;
	v3 =	vnsel vm11, $0xFFFFFFFF, v3  }
0x458: {  	[tilespmem:s21+$0x40] =	vst v2  }
0x459: {  	[tilespmem:s22+$0x40] =	vst v3  }
0x45a: {  	v2 =	vld [tilespmem:s28+$0x50]  }
0x45b: {  	v3 =	vld [tilespmem:s26+$0x50]  }
0x45c: {  	vm0 =	vmor vm0, vm1  }
0x45d: {  	vm0 =	vmor vm0, vm2  }
0x45e: {  	vm0 =	vmor vm0, vm3  }
0x45f: {  	vm0 =	vmor vm0, vm4;
	vm1 =	vne.s32 v2, $0xFFFFFFFF;
	vm2 =	vgt.s32 v2, $0xFFFFFFFF  }
0x460: {  	vm0 =	vmor vm0, vm5;
	vm3 =	vne.s32 v3, $0x0  }
0x461: {  	vm0 =	vmor vm0, vm6;
	vm1 =	vmand vm1, vm3;
	vm2 =	vmand vm2, vm3  }
0x462: {  	vm0 =	vmor vm0, vm7;
	v2 =	vsel vm2, v2, v3;
	v3 =	vnsel vm1, $0xFFFFFFFF, v3  }
0x463: {  	vm0 =	vmor vm0, vm8;
	[tilespmem:s21+$0x50] =	vst v2  }
0x464: {  	vm0 =	vmor vm0, vm9;
	[tilespmem:s22+$0x50] =	vst v3  }
0x465: {  	vm0 =	vmor vm0, vm10;
	v2 =	vld [tilespmem:s28+$0x60]  }
.Ltmp3:
0x466: {  	vm0 =	vmor vm0, vm11;
	v3 =	vld [tilespmem:s26+$0x60];
	(pc) =	sbr.rel @p0 .LBB2_8-.Ltmp3, $2  }
0x467: {  	vm0 =	vmor vm0, vm1;
	_ =	sdelay $0x2  }
0x468: {  	s28 =	sadd.s32 $0x400, s28;
	s26 =	sadd.s32 $0x400, s26;
	vm1 =	vne.s32 v2, $0xFFFFFFFF;
	vm2 =	vgt.s32 v2, $0xFFFFFFFF  }
0x469: {  	vm3 =	vne.s32 v3, $0x0  }
0x46a: {  	vm2 =	vmand vm2, vm3  }
0x46b: {  	vm1 =	vmand vm1, vm3;
	v2 =	vsel vm2, v2, v3  }
0x46c: {  	v3 =	vnsel vm1, $0xFFFFFFFF, v3;
	[tilespmem:s24+$0x60] =	vst v2  }
0x46d: {  	[tilespmem:s23+$0x60] =	vst v3  }
0x46e: {  	v2 =	vld [tilespmem:s19+$0x70]  }
0x46f: {  	v3 =	vld [tilespmem:s20+$0x70];
	_ =	sdelay $0x4  }
0x470: {  	vm13 =	vgt.s32 v2, $0xFFFFFFFF;
	vm14 =	vne.s32 v3, $0x0  }
0x471: {  	vm4 =	vne.s32 v2, $0xFFFFFFFF;
	vm2 =	vmand vm13, vm14  }
0x472: {  	vm0 =	vmor vm0, vm1;
	vm15 =	vmand vm4, vm14;
	v2 =	vsel vm2, v2, v3  }
0x473: {  	v3 =	vnsel vm15, $0xFFFFFFFF, v3;
	vm0 =	vmor vm0, vm15;
	[tilespmem:s24+$0x70] =	vst v2  }
0x474: {  	v2 =	vsel vm0, $0x1, v0;
	[tilespmem:s23+$0x70] =	vst v3  }
0x475: {  	v1 =	vor.u32 v2, v1;
	[tilespmem:$0x10410] =	vst v0  }
0x476: {  	[tilespmem:$0x10400] =	vst v1  }
0x477: {  	v2 =	vld [tilespmem:$0x10408];
	_ =	sdelay $0x4  }
0x478: {  	v1 =	vor.u32 v1, v2  }
0x479: {  	[tilespmem:$0x10400] =	vst v1  }
0x47a: {  	v2 =	vld [tilespmem:$0x10404];
	_ =	sdelay $0x4  }
0x47b: {  	v1 =	vor.u32 v1, v2  }
0x47c: {  	[tilespmem:$0x10400] =	vst v1  }
0x47d: {  	v2 =	vld [tilespmem:$0x10402];
	_ =	sdelay $0x4  }
0x47e: {  	v1 =	vor.u32 v1, v2  }
0x47f: {  	[tilespmem:$0x10400] =	vst v1  }
0x480: {  	v2 =	vld [tilespmem:$0x10401];
	_ =	sdelay $0x3  }
0x481: {  	(v2sf) =	vpush v1, $0x0  }
0x482: {  	(v2sf) =	vpush v2, $0x0;
	_ =	sdelay $0xd  }
0x483: {  	s30 =	spop (v2sf)  }
0x484: {  	s31 =	spop (v2sf)  }
0x485: {  	s19 =	sor.u32 s30, s31  }
0x486: {  	p0 =	sne.s32 s19, $0x0  }
0x487: {  	v1 =	vld @!p0 [tilespmem:$0x8180];
	_ =	sdelay $0x4  }
0x488: {  	(v2sf) =	vpush @!p0 v1, $0x0;
	_ =	sdelay $0xe  }
0x489: {  	s19 =	spop @!p0 (v2sf)  }
0x48a: {  	s20 =	sshll.u32 @!p0 s19, $0x2  }
0x48b: {  	s21 =	sand.u32 @!p0 $0x70, s19;
	s20 =	sand.u32 @!p0 $0xFFFFFE00, s20  }
0x48c: {  	s20 =	sor.u32 @!p0 s20, s21  }
0x48d: {  	v1 =	vld @!p0 [tilespmem:s20+$0x180]  }
0x48e: {  	v2 =	vld @!p0 [tilespmem:s20+$0x4180]  }
0x48f: {  	v3 =	vld @!p0 [tilespmem:$0x8380];
	_ =	sdelay $0x1  }
0x490: {  	s19 =	sand.u32 @!p0 $0xF, s19  }
0x491: {  	v5 =	vlaneseq.u32 @!p0;
	v4 =	vmov @!p0 s19  }
0x492: {  	vm0 =	veq.s32 @!p0 v4, v5;
	vm1 =	vne.s32 @!p0 v2, $0xFFFFFFFF;
	vm2 =	vne.s32 @!p0 v1, $0x0  }
0x493: {  	v2 =	vsel @!p0 vm0, v3, v2;
	vm1 =	vmand @!p0 vm2, vm1  }
0x494: {  	vm0 =	vmor @!p0 vm1, vm0;
	vm1 =	vgt.s32 @!p0 v2, $0xFFFFFFFF  }
0x495: {  	vm1 =	vmand @!p0 vm0, vm1  }
0x496: {  	v2 =	vsel @!p0 vm1, v2, v1  }
0x497: {  	v1 =	vnsel @!p0 vm0, $0xFFFFFFFF, v1;
	[tilespmem:s20+$0x8580] =	vst @!p0 v2  }
0x498: {  	[tilespmem:s20+$0xC580] =	vst @!p0 v1  }
0x499: {  	[hbm4b:s7+s15] =	stream.strided.scatter [tilespmem:s16], [sflag:$0x1], $0x4000, s10, s15, $0x38;
	[tilespmem:$0x10480] =	vst v63  }
0x49a: {  	s18 =	sadd.s32 $0x1, s18;
	_ =	swait.ge [sflag:s11], $0x4000  }
0x49b: {  	p0 =	sne.s32 s18, s9;
	[sflag:s11] =	ssyncset.done $0x0  }
.Ltmp4:
0x49c: {  	[sflag:s11] =	ssyncadd.s32 $0xFFFFC000;
	(pc) =	sbr.rel @p0 .LBB2_1-.Ltmp4, $4  }
0x49d: {  	[hbm4b:s8+s15] =	stream.strided.scatter [tilespmem:s17], [sflag:$0x1], $0x4000, s10, s15, $0x38;
	[tilespmem:$0x10480] =	vst v63  }
0x49e: {  	_ =	swait.ge [sflag:s11], $0x4000  }
0x49f: {  	[sflag:s11] =	ssyncset.done $0x0  }
0x4a0: {  	[sflag:s11] =	ssyncadd.s32 $0xFFFFC000  }
0x4a1: {  	_ =	sfence.sel $0x180000  }
0x4a2: {  	[bflag:$0x0] =	sbarrier.arrive $0xFFFF  }
0x4a3: {  	p0 =	sne.s32 s1, $0x0;
	_ =	strace $0x90000047  }
0x4a4: {  	s0 =	sadd.s32 @!p0 $0x100000, s0;
	[bflag:$0x2] =	sbarrier.arrive $0xFFFF  }
0x4a5: {  	[sflag:s0] =	ssyncadd.tile.s32 @!p0 $0x1;
	_ =	shalt  }
.Lfunc_end2:
_tile_overlayer_lowered:
.L_overlay_start_2:
0x4a6: {  	(tag) =	ssettag $0x2  }
0x4a7: {  	s0 =	rddreg [dreg:$0x0];
	s2 =	stileid.u32  }
0x4a8: {  	s1 =	rddreg [dreg:$0x1];
	p0 =	sne.s32 s2, $0x0  }
0x4a9: {  	s3 =	rddreg [dreg:$0x2];
	[bflag:$0x3] =	sbarrier.arrive $0xFFFF;
	s2 =	simm.s32 @!p0 $0x1C01  }
0x4aa: {  	[timem:s3], [sflag:s2] =	dma.local @!p0 [hbm:s0], s1  }
0x4ab: {  	s0 =	simm.s32 @!p0 $0x1  }
0x4ac: {  	_ =	swait.ge @!p0 [sflag:s0], s1  }
0x4ad: {  	s1 =	ssub.s32 @!p0 $0x0, s1;
	[sflag:s0] =	ssyncset.done @!p0 $0x0  }
0x4ae: {  	[sflag:s0] =	ssyncadd.s32 @!p0 s1  }
0x4af: {  	[bflag:$0x3] =	sbarrier.arrive $0xFFFF  }
0x4b0: {  	_ =	shalt  }

</sc_bundles>
